<compile_context>
chip_gen: v7x
topology: tpu7x:2x2x1
jax: 0.10.2.dev20260603
libtpu: 0.0.44.dev20260713+nightly
codegen_flags: <defaults>
</compile_context>

<pallas_src>
import functools

import jax
import jax.numpy as jnp
from jax import lax
from jax.experimental import pallas as pl
from jax.experimental.pallas import tpu as pltpu
from jax.experimental.pallas import tpu_sc as plsc

N = 10000
NP = 10240
E = 320000
L = 200000
D = 128

NC = 2
NS = 16
NW = NC * NS


_CF = 176
_NF1 = 113
_RM1 = 112


def _segsum_deg_kernel(feats_hbm, src_hbm, dst_hbm, zrows_hbm, ones_hbm,
                       out_hbm, acc_sp,
                       srcv0, rows0, semg0, semi0, srcv1, rows1, semg1, semi1,
                       dstv0, dstv1, dstv2, dstv3, srce, dste):
    cid = lax.axis_index("c")
    sid = lax.axis_index("s")
    n0 = sid * (NP // NS)
    nn = NP // NS
    e0 = sid * (E // NS)

    pltpu.sync_copy(zrows_hbm, acc_sp.at[pl.ds(n0, nn)])
    plsc.subcore_barrier()

    gbufs = ((srcv0, rows0, semg0, semi0), (srcv1, rows1, semg1, semi1))
    dring = (dstv0, dstv1, dstv2, dstv3)

    @pl.when(cid == 0)
    def _seg():
        for c in range(2):
            srcv, rows, semg, _ = gbufs[c % 2]
            base = e0 + c * _CF
            pltpu.sync_copy(src_hbm.at[pl.ds(base, _CF)], srcv)
            pltpu.sync_copy(dst_hbm.at[pl.ds(base, _CF)], dring[c])
            pltpu.async_copy(feats_hbm.at[srcv], rows, semg)

        def body(jo, _):
            for q in range(4):
                c = 4 * jo + q
                b = q % 2
                srcv, rows, semg, semi = gbufs[b]
                pltpu.make_async_copy(feats_hbm.at[srcv], rows, semg).wait()

                @pl.when(c + 2 < _NF1)
                def _idx():
                    base2 = e0 + (c + 2) * _CF
                    pltpu.async_copy(src_hbm.at[pl.ds(base2, _CF)], srcv,
                                     semi)
                    pltpu.async_copy(dst_hbm.at[pl.ds(base2, _CF)],
                                     dring[(q + 2) % 4], semi)

                pltpu.sync_copy(rows, acc_sp.at[dring[q]], add=True)

                @pl.when(c + 2 < _NF1)
                def _fire():
                    base2 = e0 + (c + 2) * _CF
                    pltpu.make_async_copy(src_hbm.at[pl.ds(base2, _CF)],
                                          srcv, semi).wait()
                    pltpu.make_async_copy(dst_hbm.at[pl.ds(base2, _CF)],
                                          dring[(q + 2) % 4], semi).wait()
                    pltpu.async_copy(feats_hbm.at[srcv], rows, semg)

            return 0

        lax.fori_loop(0, (_NF1 - 1) // 4, body, 0)

        pltpu.make_async_copy(feats_hbm.at[srcv0], rows0, semg0).wait()
        pltpu.sync_copy(rows0, acc_sp.at[dring[0]], add=True)

        base = e0 + _NF1 * _CF
        pltpu.sync_copy(src_hbm.at[pl.ds(base, _RM1)], srce)
        pltpu.sync_copy(dst_hbm.at[pl.ds(base, _RM1)], dste)
        pltpu.async_copy(feats_hbm.at[srce], rows0.at[pl.ds(0, _RM1)],
                         semg0).wait()
        pltpu.sync_copy(rows0.at[pl.ds(0, _RM1)], acc_sp.at[dste], add=True)

    @pl.when(cid == 1)
    def _deg():
        pltpu.sync_copy(ones_hbm, rows0)
        pltpu.sync_copy(dst_hbm.at[pl.ds(e0, _CF)], dstv0)

        def body(jo, _):
            for p in range(2):
                c = 2 * jo + p

                @pl.when(c + 1 < _NF1)
                def _idx():
                    base2 = e0 + (c + 1) * _CF
                    pltpu.async_copy(dst_hbm.at[pl.ds(base2, _CF)],
                                     dring[(p + 1) % 2], semi0)

                pltpu.sync_copy(rows0, acc_sp.at[dring[p]], add=True)

                @pl.when(c + 1 < _NF1)
                def _w():
                    base2 = e0 + (c + 1) * _CF
                    pltpu.make_async_copy(dst_hbm.at[pl.ds(base2, _CF)],
                                          dring[(p + 1) % 2], semi0).wait()

            return 0

        lax.fori_loop(0, (_NF1 - 1) // 2, body, 0)

        pltpu.sync_copy(rows0, acc_sp.at[dring[0]], add=True)

        base = e0 + _NF1 * _CF
        pltpu.sync_copy(dst_hbm.at[pl.ds(base, _RM1)], dste)
        pltpu.sync_copy(rows0.at[pl.ds(0, _RM1)], acc_sp.at[dste], add=True)

    plsc.subcore_barrier()
    pltpu.sync_copy(acc_sp.at[pl.ds(n0, nn)], out_hbm.at[cid, pl.ds(n0, nn)])


def _segsum_deg(feats, src, dst):
    zrows = jnp.zeros((NP // NS, D), jnp.float32)
    ones = jnp.ones((_CF, D), jnp.float32)
    mesh = plsc.VectorSubcoreMesh(core_axis_name="c", subcore_axis_name="s")
    fn = functools.partial(
        pl.kernel,
        mesh=mesh,
        out_type=jax.ShapeDtypeStruct((NC, NP, D), jnp.float32),
        scratch_types=[
            pltpu.VMEM_SHARED((NP, D), jnp.float32),
            pltpu.VMEM((_CF,), jnp.int32),
            pltpu.VMEM((_CF, D), jnp.float32),
            pltpu.SemaphoreType.DMA,
            pltpu.SemaphoreType.DMA,
            pltpu.VMEM((_CF,), jnp.int32),
            pltpu.VMEM((_CF, D), jnp.float32),
            pltpu.SemaphoreType.DMA,
            pltpu.SemaphoreType.DMA,
            pltpu.VMEM((_CF,), jnp.int32),
            pltpu.VMEM((_CF,), jnp.int32),
            pltpu.VMEM((_CF,), jnp.int32),
            pltpu.VMEM((_CF,), jnp.int32),
            pltpu.VMEM((_RM1,), jnp.int32),
            pltpu.VMEM((_RM1,), jnp.int32),
        ],
    )(_segsum_deg_kernel)
    return fn(feats, src, dst, zrows, ones)



_CB = 176
_NFULL = 56
_CREM = 144


def _segsum_kernel(feats_hbm, src_hbm, dst_hbm, zrows_hbm, out_hbm, acc_sp,
                   srcv0, rows0, semg0, semi0, srcv1, rows1, semg1, semi1,
                   dstv0, dstv1, dstv2, dstv3, srce, dste):
    cid = lax.axis_index("c")
    sid = lax.axis_index("s")
    wid = cid * NS + sid
    n0 = sid * (NP // NS)
    nn = NP // NS
    e0 = wid * (E // NW)

    pltpu.sync_copy(zrows_hbm, acc_sp.at[pl.ds(n0, nn)])
    plsc.subcore_barrier()

    gbufs = ((srcv0, rows0, semg0, semi0), (srcv1, rows1, semg1, semi1))
    dring = (dstv0, dstv1, dstv2, dstv3)

    for c in range(2):
        srcv, rows, semg, _ = gbufs[c % 2]
        base = e0 + c * _CB
        pltpu.sync_copy(src_hbm.at[pl.ds(base, _CB)], srcv)
        pltpu.sync_copy(dst_hbm.at[pl.ds(base, _CB)], dring[c])
        pltpu.async_copy(feats_hbm.at[srcv], rows, semg)

    def body(jo, _):
        for q in range(4):
            c = 4 * jo + q
            b = q % 2
            srcv, rows, semg, semi = gbufs[b]
            pltpu.make_async_copy(feats_hbm.at[srcv], rows, semg).wait()

            @pl.when(c + 2 < _NFULL)
            def _idx():
                base2 = e0 + (c + 2) * _CB
                pltpu.async_copy(src_hbm.at[pl.ds(base2, _CB)], srcv, semi)
                pltpu.async_copy(dst_hbm.at[pl.ds(base2, _CB)],
                                 dring[(q + 2) % 4], semi)

            pltpu.sync_copy(rows, acc_sp.at[dring[q % 4]], add=True)

            @pl.when(c + 2 < _NFULL)
            def _fire():
                base2 = e0 + (c + 2) * _CB
                pltpu.make_async_copy(src_hbm.at[pl.ds(base2, _CB)], srcv,
                                      semi).wait()
                pltpu.make_async_copy(dst_hbm.at[pl.ds(base2, _CB)],
                                      dring[(q + 2) % 4], semi).wait()
                pltpu.async_copy(feats_hbm.at[srcv], rows, semg)

        return 0

    lax.fori_loop(0, _NFULL // 4, body, 0)

    base = e0 + _NFULL * _CB
    pltpu.sync_copy(src_hbm.at[pl.ds(base, _CREM)], srce)
    pltpu.sync_copy(dst_hbm.at[pl.ds(base, _CREM)], dste)
    pltpu.async_copy(feats_hbm.at[srce], rows0.at[pl.ds(0, _CREM)],
                     semg0).wait()
    pltpu.sync_copy(rows0.at[pl.ds(0, _CREM)], acc_sp.at[dste], add=True)

    plsc.subcore_barrier()
    pltpu.sync_copy(acc_sp.at[pl.ds(n0, nn)], out_hbm.at[cid, pl.ds(n0, nn)])


def _segsum(feats, src, dst):
    zrows = jnp.zeros((NP // NS, D), jnp.float32)
    mesh = plsc.VectorSubcoreMesh(core_axis_name="c", subcore_axis_name="s")
    fn = functools.partial(
        pl.kernel,
        mesh=mesh,
        out_type=jax.ShapeDtypeStruct((NC, NP, D), jnp.float32),
        scratch_types=[
            pltpu.VMEM_SHARED((NP, D), jnp.float32),
            pltpu.VMEM((_CB,), jnp.int32),
            pltpu.VMEM((_CB, D), jnp.float32),
            pltpu.SemaphoreType.DMA,
            pltpu.SemaphoreType.DMA,
            pltpu.VMEM((_CB,), jnp.int32),
            pltpu.VMEM((_CB, D), jnp.float32),
            pltpu.SemaphoreType.DMA,
            pltpu.SemaphoreType.DMA,
            pltpu.VMEM((_CB,), jnp.int32),
            pltpu.VMEM((_CB,), jnp.int32),
            pltpu.VMEM((_CB,), jnp.int32),
            pltpu.VMEM((_CB,), jnp.int32),
            pltpu.VMEM((_CREM,), jnp.int32),
            pltpu.VMEM((_CREM,), jnp.int32),
        ],
    )(_segsum_kernel)
    return fn(feats, src, dst, zrows)



_RB = 1280


def _layer1_body(pref, fref, wlref, wrref, bref, zref, invref):
    p = pref[...]
    inv = 1.0 / jnp.maximum(p[1, :, 0:1], 1.0)
    agg = p[0] * inv
    dn = (((1,), (1,)), ((), ()))
    h = (lax.dot_general(agg, wlref[...], dn,
                         preferred_element_type=jnp.float32)
         + lax.dot_general(fref[...], wrref[...], dn,
                           preferred_element_type=jnp.float32)
         + bref[...])
    zref[...] = jnp.maximum(h, 0.0)
    invref[...] = inv


def _tc_layer1(partials, feats, WlT, WrT, b2d):
    return pl.pallas_call(
        _layer1_body,
        grid=(NP // _RB,),
        in_specs=[
            pl.BlockSpec((NC, _RB, D), lambda i: (0, i, 0)),
            pl.BlockSpec((_RB, D), lambda i: (i, 0)),
            pl.BlockSpec((D, D), lambda i: (0, 0)),
            pl.BlockSpec((D, D), lambda i: (0, 0)),
            pl.BlockSpec((1, D), lambda i: (0, 0)),
        ],
        out_specs=[pl.BlockSpec((_RB, D), lambda i: (i, 0)),
                   pl.BlockSpec((_RB, 1), lambda i: (i, 0))],
        out_shape=[jax.ShapeDtypeStruct((NP, D), jnp.float32),
                   jax.ShapeDtypeStruct((NP, 1), jnp.float32)],
    )(partials, feats, WlT, WrT, b2d)


def _layer2_body(pref, invref, fref, wlref, wrref, bref, zref):
    p = pref[...]
    agg = (p[0] + p[1]) * invref[...]
    dn = (((1,), (1,)), ((), ()))
    h = (lax.dot_general(agg, wlref[...], dn,
                         preferred_element_type=jnp.float32)
         + lax.dot_general(fref[...], wrref[...], dn,
                           preferred_element_type=jnp.float32)
         + bref[...])
    zref[...] = h


def _tc_layer2(partials, inv_col, feats, WlT, WrT, b2d):
    return pl.pallas_call(
        _layer2_body,
        grid=(NP // _RB,),
        in_specs=[
            pl.BlockSpec((NC, _RB, D), lambda i: (0, i, 0)),
            pl.BlockSpec((_RB, 1), lambda i: (i, 0)),
            pl.BlockSpec((_RB, D), lambda i: (i, 0)),
            pl.BlockSpec((D, D), lambda i: (0, 0)),
            pl.BlockSpec((D, D), lambda i: (0, 0)),
            pl.BlockSpec((1, D), lambda i: (0, 0)),
        ],
        out_specs=pl.BlockSpec((_RB, D), lambda i: (i, 0)),
        out_shape=jax.ShapeDtypeStruct((NP, D), jnp.float32),
    )(partials, inv_col, feats, WlT, WrT, b2d)



_CE = 160
_NCH = L // _CE
LP = 200704


def _decode_kernel(z_hbm, ai_hbm, bi_hbm, out_hbm,
                   aidx0, bidx0, arows0, brows0, dots0, sema0, semb0, semd0,
                   aidx1, bidx1, arows1, brows1, dots1, sema1, semb1, semd1):
    cid = lax.axis_index("c")
    sid = lax.axis_index("s")
    wid = cid * NS + sid

    bufs = ((aidx0, bidx0, arows0, brows0, dots0, sema0, semb0, semd0),
            (aidx1, bidx1, arows1, brows1, dots1, sema1, semb1, semd1))

    def fire(j, b):
        ch = wid + j * NW

        @pl.when(ch < _NCH)
        def _f():
            aidx, bidx, arows, brows, dots, sema, semb, semd = bufs[b]
            base = ch * _CE
            pltpu.sync_copy(ai_hbm.at[pl.ds(base, _CE)], aidx)
            pltpu.sync_copy(bi_hbm.at[pl.ds(base, _CE)], bidx)
            pltpu.async_copy(z_hbm.at[aidx], arows, sema)
            pltpu.async_copy(z_hbm.at[bidx], brows, semb)

    fire(0, 0)
    fire(1, 1)

    def chunk_body(jo, _):
        for b in range(2):
            j = 2 * jo + b
            ch = wid + j * NW
            ch2 = wid + (j + 2) * NW

            @pl.when(ch < _NCH)
            def _do():
                aidx, bidx, arows, brows, dots, sema, semb, semd = bufs[b]
                base = ch * _CE
                pltpu.make_async_copy(z_hbm.at[aidx], arows, sema).wait()
                pltpu.make_async_copy(z_hbm.at[bidx], brows, semb).wait()

                @pl.when(j >= 2)
                def _wd():
                    pbase = (ch - 2 * NW) * _CE
                    pltpu.make_async_copy(
                        dots, out_hbm.at[pl.ds(pbase, _CE)], semd).wait()

                @pl.when(ch2 < _NCH)
                def _idx():
                    base2 = ch2 * _CE
                    pltpu.async_copy(ai_hbm.at[pl.ds(base2, _CE)], aidx, sema)
                    pltpu.async_copy(bi_hbm.at[pl.ds(base2, _CE)], bidx, semb)

                def pair_body(g, _):
                    i = g * 4
                    accs = [arows[i + u, pl.ds(0, 16)]
                            * brows[i + u, pl.ds(0, 16)] for u in range(4)]
                    for kk in range(1, D // 16):
                        for u in range(4):
                            accs[u] = accs[u] + (
                                arows[i + u, pl.ds(kk * 16, 16)]
                                * brows[i + u, pl.ds(kk * 16, 16)])
                    for u in range(4):
                        dots[i + u] = accs[u]
                    return 0

                lax.fori_loop(0, _CE // 4, pair_body, 0)
                pltpu.async_copy(dots, out_hbm.at[pl.ds(base, _CE)], semd)

                @pl.when(ch2 < _NCH)
                def _fire2():
                    base2 = ch2 * _CE
                    pltpu.make_async_copy(ai_hbm.at[pl.ds(base2, _CE)], aidx,
                                          sema).wait()
                    pltpu.make_async_copy(bi_hbm.at[pl.ds(base2, _CE)], bidx,
                                          semb).wait()
                    pltpu.async_copy(z_hbm.at[aidx], arows, sema)
                    pltpu.async_copy(z_hbm.at[bidx], brows, semb)

        return 0

    lax.fori_loop(0, (_NCH + NW - 1) // NW // 2, chunk_body, 0)

    nv = (_NCH - wid + NW - 1) // NW
    for b in range(2):
        jl = jnp.where((nv - 1) % 2 == b, nv - 1, nv - 2)
        lbase = (wid + jl * NW) * _CE
        dots = bufs[b][4]
        semd = bufs[b][7]
        pltpu.make_async_copy(dots, out_hbm.at[pl.ds(lbase, _CE)],
                              semd).wait()


def _decode_partial(z, ai, bi):
    mesh = plsc.VectorSubcoreMesh(core_axis_name="c", subcore_axis_name="s")
    buf_types = [
        pltpu.VMEM((_CE,), jnp.int32),
        pltpu.VMEM((_CE,), jnp.int32),
        pltpu.VMEM((_CE, D), jnp.float32),
        pltpu.VMEM((_CE, D), jnp.float32),
        pltpu.VMEM((_CE, 16), jnp.float32),
        pltpu.SemaphoreType.DMA,
        pltpu.SemaphoreType.DMA,
        pltpu.SemaphoreType.DMA,
    ]
    fn = functools.partial(
        pl.kernel,
        mesh=mesh,
        out_type=jax.ShapeDtypeStruct((LP, 16), jnp.float32),
        scratch_types=buf_types + buf_types,
    )(_decode_kernel)
    return fn(z, ai, bi)



_RF = 4096


def _fold_body(iref, oref):
    oref[...] = jnp.sum(iref[...], axis=1, keepdims=True)


def _fold16(dots16):
    return pl.pallas_call(
        _fold_body,
        grid=(LP // _RF,),
        in_specs=[pl.BlockSpec((_RF, 16), lambda i: (i, 0))],
        out_specs=pl.BlockSpec((_RF, 1), lambda i: (i, 0)),
        out_shape=jax.ShapeDtypeStruct((LP, 1), jnp.float32),
    )(dots16)



@jax.jit
def kernel(x, edge_index, edge_label_index, W1_l, b1, W1_r, W2_l, b2, W2_r):
    src = edge_index[0]
    dst = edge_index[1]
    xp = jnp.pad(x, ((0, NP - N), (0, 0)))

    p1 = _segsum_deg(xp, src, dst)
    z1, inv_col = _tc_layer1(p1, xp, W1_l, W1_r, b1.reshape(1, D))
    p2 = _segsum(z1, src, dst)
    z2 = _tc_layer2(p2, inv_col, z1, W2_l, W2_r, b2.reshape(1, D))

    dots16 = _decode_partial(z2, edge_label_index[0], edge_label_index[1])
    return _fold16(dots16).reshape(LP)[:L]

# --- scband reference (transcript-rebuilt; emitter-appended) ---
"""Pipeline reference for scband-gnnlink-predictor-10694468567086 (READ-ONLY COPY).

The authoritative reference and input builder live on the scoring server;
editing this copy changes nothing except your own understanding.
"""

import jax, jax.numpy as jnp
import numpy as np

N = 10000
E = 320000
L = 200000
D_IN = 128
D_H = 128
D_OUT = 128


def sage_conv(x, edge_index, W_l, b_l, W_r, num_nodes):
    # PyG SAGEConv (mean aggregation): out = lin_l(mean_j x_j) + lin_r(x_i)
    src = edge_index[0]
    dst = edge_index[1]
    msgs = x[src]  # gather: [E, d]
    agg = jax.ops.segment_sum(msgs, dst, num_segments=num_nodes)
    deg = jax.ops.segment_sum(jnp.ones((edge_index.shape[1],), x.dtype), dst, num_segments=num_nodes)
    agg = agg / jnp.clip(deg, 1.0)[:, None]
    return agg @ W_l.T + b_l + x @ W_r.T


def setup_inputs(seed: int = 0) -> dict:
    key = jax.random.key(seed)
    ks = jax.random.split(key, 10)
    x = jax.random.normal(ks[0], (N, D_IN), dtype=jnp.float32)
    edge_index = jax.random.randint(ks[1], (2, E), 0, N, dtype=jnp.int32)
    edge_label_index = jax.random.randint(ks[2], (2, L), 0, N, dtype=jnp.int32)
    s1 = 1.0 / np.sqrt(D_IN)
    s2 = 1.0 / np.sqrt(D_H)
    W1_l = jax.random.uniform(ks[3], (D_H, D_IN), jnp.float32, -s1, s1)
    b1 = jax.random.uniform(ks[4], (D_H,), jnp.float32, -s1, s1)
    W1_r = jax.random.uniform(ks[5], (D_H, D_IN), jnp.float32, -s1, s1)
    W2_l = jax.random.uniform(ks[6], (D_OUT, D_H), jnp.float32, -s2, s2)
    b2 = jax.random.uniform(ks[7], (D_OUT,), jnp.float32, -s2, s2)
    W2_r = jax.random.uniform(ks[8], (D_OUT, D_H), jnp.float32, -s2, s2)
    return {"x": x, "edge_index": edge_index, "edge_label_index": edge_label_index,
            "W1_l": W1_l, "b1": b1, "W1_r": W1_r,
            "W2_l": W2_l, "b2": b2, "W2_r": W2_r}


def reference(x, edge_index, edge_label_index, W1_l, b1, W1_r, W2_l, b2, W2_r):
    # encode
    z = jax.nn.relu(sage_conv(x, edge_index, W1_l, b1, W1_r, N))
    z = sage_conv(z, edge_index, W2_l, b2, W2_r, N)
    # decode: dot product of endpoint embeddings
    out = (z[edge_label_index[0]] * z[edge_label_index[1]]).sum(axis=-1)
    return out

if __name__ == "__main__":
    import jax
    _d = setup_inputs()
    print(jax.jit(kernel)(*tuple(_d.values())))

</pallas_src>

<mosaic_0001>
#map = affine_map<(d0, d1) -> (0, 0)>
#map1 = affine_map<(d0, d1) -> (0)>
module attributes {stable_mosaic.version = 14 : i64} {
  func.func @_decode_kernel(%arg0: i32, %arg1: i32, %arg2: memref<10240x128xf32, #tpu.memory_space<hbm>>, %arg3: memref<200000xi32, #tpu.memory_space<hbm>>, %arg4: memref<200000xi32, #tpu.memory_space<hbm>>, %arg5: memref<200704x16xf32, #tpu.memory_space<hbm>>, %arg6: memref<160xi32, #tpu.memory_space<vmem>>, %arg7: memref<160xi32, #tpu.memory_space<vmem>>, %arg8: memref<160x128xf32, #tpu.memory_space<vmem>>, %arg9: memref<160x128xf32, #tpu.memory_space<vmem>>, %arg10: memref<160x16xf32, #tpu.memory_space<vmem>>, %arg11: memref<!tpu.dma_semaphore, #tpu.memory_space<semaphore_mem>>, %arg12: memref<!tpu.dma_semaphore, #tpu.memory_space<semaphore_mem>>, %arg13: memref<!tpu.dma_semaphore, #tpu.memory_space<semaphore_mem>>, %arg14: memref<160xi32, #tpu.memory_space<vmem>>, %arg15: memref<160xi32, #tpu.memory_space<vmem>>, %arg16: memref<160x128xf32, #tpu.memory_space<vmem>>, %arg17: memref<160x128xf32, #tpu.memory_space<vmem>>, %arg18: memref<160x16xf32, #tpu.memory_space<vmem>>, %arg19: memref<!tpu.dma_semaphore, #tpu.memory_space<semaphore_mem>>, %arg20: memref<!tpu.dma_semaphore, #tpu.memory_space<semaphore_mem>>, %arg21: memref<!tpu.dma_semaphore, #tpu.memory_space<semaphore_mem>>) attributes {dimension_semantics = [#tpu.dimension_semantics<core_parallel>, #tpu.dimension_semantics<subcore_parallel>], iteration_bounds = array<i64: 2, 16>, scalar_prefetch = 0 : i64, scratch_operands = 16 : i64, tpu.core_type = #tpu.core_type<sc_vector_subcore>, window_params = [{transform_indices = #map}, {transform_indices = #map1}, {transform_indices = #map1}, {transform_indices = #map}]} {
    %mul3A = arith.constant 16 : i32
    %mul3A_0 = arith.muli %arg0, %mul3A : i32
    %add3A = arith.addi %mul3A_0, %arg1 : i32
    %add3A_1 = arith.constant 0 : i32
    %add3A_2 = arith.addi %add3A, %add3A_1 : i32
    %lt3A = arith.constant 1250 : i32
    %lt3A_3 = arith.cmpi slt, %add3A_2, %lt3A : i32
    %convert_element_type3A = arith.extui %lt3A_3 : i1 to i32
    %cond3A = arith.constant 0 : i32
    %cond3A_4 = arith.cmpi ne, %convert_element_type3A, %cond3A : i32
    scf.if %cond3A_4 {
      %mul3A_106 = arith.constant 160 : i32
      %mul3A_107 = arith.muli %add3A_2, %mul3A_106 : i32
      "tpu.region"() ({
        %run_scoped3A = tpu.sem_alloc : memref<!tpu.dma_semaphore, #tpu.memory_space<semaphore_mem>>
        %dma_start3A_113 = tpu.memref_slice %arg3[%mul3A_107] : memref<200000xi32, #tpu.memory_space<hbm>> -> memref<160xi32, #tpu.memory_space<hbm>>
        %dma_start3A_114 = tpu.memref_slice %arg3[%mul3A_107] : memref<200000xi32, #tpu.memory_space<hbm>> -> memref<160xi32, #tpu.memory_space<hbm>>
        tpu.enqueue_dma source(%dma_start3A_114 : memref<160xi32, #tpu.memory_space<hbm>>) target(%arg6 : memref<160xi32, #tpu.memory_space<vmem>>) target_semaphore(%run_scoped3A : memref<!tpu.dma_semaphore, #tpu.memory_space<semaphore_mem>>)
        %dma_wait3A_115 = tpu.memref_slice %arg3[%mul3A_107] : memref<200000xi32, #tpu.memory_space<hbm>> -> memref<160xi32, #tpu.memory_space<hbm>>
        %dma_wait3A_116 = tpu.memref_slice %arg3[%mul3A_107] : memref<200000xi32, #tpu.memory_space<hbm>> -> memref<160xi32, #tpu.memory_space<hbm>>
        tpu.wait_dma2 semaphore(%run_scoped3A : memref<!tpu.dma_semaphore, #tpu.memory_space<semaphore_mem>>) src(%dma_wait3A_116 : memref<160xi32, #tpu.memory_space<hbm>>) dst(%arg6 : memref<160xi32, #tpu.memory_space<vmem>>)
        tpu.yield
      }) : () -> ()
      "tpu.region"() ({
        %run_scoped3A = tpu.sem_alloc : memref<!tpu.dma_semaphore, #tpu.memory_space<semaphore_mem>>
        %dma_start3A_113 = tpu.memref_slice %arg4[%mul3A_107] : memref<200000xi32, #tpu.memory_space<hbm>> -> memref<160xi32, #tpu.memory_space<hbm>>
        %dma_start3A_114 = tpu.memref_slice %arg4[%mul3A_107] : memref<200000xi32, #tpu.memory_space<hbm>> -> memref<160xi32, #tpu.memory_space<hbm>>
        tpu.enqueue_dma source(%dma_start3A_114 : memref<160xi32, #tpu.memory_space<hbm>>) target(%arg7 : memref<160xi32, #tpu.memory_space<vmem>>) target_semaphore(%run_scoped3A : memref<!tpu.dma_semaphore, #tpu.memory_space<semaphore_mem>>)
        %dma_wait3A_115 = tpu.memref_slice %arg4[%mul3A_107] : memref<200000xi32, #tpu.memory_space<hbm>> -> memref<160xi32, #tpu.memory_space<hbm>>
        %dma_wait3A_116 = tpu.memref_slice %arg4[%mul3A_107] : memref<200000xi32, #tpu.memory_space<hbm>> -> memref<160xi32, #tpu.memory_space<hbm>>
        tpu.wait_dma2 semaphore(%run_scoped3A : memref<!tpu.dma_semaphore, #tpu.memory_space<semaphore_mem>>) src(%dma_wait3A_116 : memref<160xi32, #tpu.memory_space<hbm>>) dst(%arg7 : memref<160xi32, #tpu.memory_space<vmem>>)
        tpu.yield
      }) : () -> ()
      %dma_start3A = arith.constant 0 : i32
      %dma_start3A_108 = arith.constant 0 : i32
      %dma_start3A_109 = tpu.memref_slice %arg2[%dma_start3A, %dma_start3A_108] : memref<10240x128xf32, #tpu.memory_space<hbm>> -> memref<10240x128xf32, #tpu.memory_space<hbm>>
      tpu.enqueue_indirect_dma source(%dma_start3A_109 : memref<10240x128xf32, #tpu.memory_space<hbm>>) target(%arg8 : memref<160x128xf32, #tpu.memory_space<vmem>>) offsets(%arg6 : memref<160xi32, #tpu.memory_space<vmem>>) semaphore(%arg11 : memref<!tpu.dma_semaphore, #tpu.memory_space<semaphore_mem>>)
      %dma_start3A_110 = arith.constant 0 : i32
      %dma_start3A_111 = arith.constant 0 : i32
      %dma_start3A_112 = tpu.memref_slice %arg2[%dma_start3A_110, %dma_start3A_111] : memref<10240x128xf32, #tpu.memory_space<hbm>> -> memref<10240x128xf32, #tpu.memory_space<hbm>>
      tpu.enqueue_indirect_dma source(%dma_start3A_112 : memref<10240x128xf32, #tpu.memory_space<hbm>>) target(%arg9 : memref<160x128xf32, #tpu.memory_space<vmem>>) offsets(%arg7 : memref<160xi32, #tpu.memory_space<vmem>>) semaphore(%arg12 : memref<!tpu.dma_semaphore, #tpu.memory_space<semaphore_mem>>)
    } else {
    }
    %add3A_5 = arith.constant 32 : i32
    %add3A_6 = arith.addi %add3A, %add3A_5 : i32
    %lt3A_7 = arith.constant 1250 : i32
    %lt3A_8 = arith.cmpi slt, %add3A_6, %lt3A_7 : i32
    %convert_element_type3A_9 = arith.extui %lt3A_8 : i1 to i32
    %cond3A_10 = arith.constant 0 : i32
    %cond3A_11 = arith.cmpi ne, %convert_element_type3A_9, %cond3A_10 : i32
    scf.if %cond3A_11 {
      %mul3A_106 = arith.constant 160 : i32
      %mul3A_107 = arith.muli %add3A_6, %mul3A_106 : i32
      "tpu.region"() ({
        %run_scoped3A = tpu.sem_alloc : memref<!tpu.dma_semaphore, #tpu.memory_space<semaphore_mem>>
        %dma_start3A_113 = tpu.memref_slice %arg3[%mul3A_107] : memref<200000xi32, #tpu.memory_space<hbm>> -> memref<160xi32, #tpu.memory_space<hbm>>
        %dma_start3A_114 = tpu.memref_slice %arg3[%mul3A_107] : memref<200000xi32, #tpu.memory_space<hbm>> -> memref<160xi32, #tpu.memory_space<hbm>>
        tpu.enqueue_dma source(%dma_start3A_114 : memref<160xi32, #tpu.memory_space<hbm>>) target(%arg14 : memref<160xi32, #tpu.memory_space<vmem>>) target_semaphore(%run_scoped3A : memref<!tpu.dma_semaphore, #tpu.memory_space<semaphore_mem>>)
        %dma_wait3A_115 = tpu.memref_slice %arg3[%mul3A_107] : memref<200000xi32, #tpu.memory_space<hbm>> -> memref<160xi32, #tpu.memory_space<hbm>>
        %dma_wait3A_116 = tpu.memref_slice %arg3[%mul3A_107] : memref<200000xi32, #tpu.memory_space<hbm>> -> memref<160xi32, #tpu.memory_space<hbm>>
        tpu.wait_dma2 semaphore(%run_scoped3A : memref<!tpu.dma_semaphore, #tpu.memory_space<semaphore_mem>>) src(%dma_wait3A_116 : memref<160xi32, #tpu.memory_space<hbm>>) dst(%arg14 : memref<160xi32, #tpu.memory_space<vmem>>)
        tpu.yield
      }) : () -> ()
      "tpu.region"() ({
        %run_scoped3A = tpu.sem_alloc : memref<!tpu.dma_semaphore, #tpu.memory_space<semaphore_mem>>
        %dma_start3A_113 = tpu.memref_slice %arg4[%mul3A_107] : memref<200000xi32, #tpu.memory_space<hbm>> -> memref<160xi32, #tpu.memory_space<hbm>>
        %dma_start3A_114 = tpu.memref_slice %arg4[%mul3A_107] : memref<200000xi32, #tpu.memory_space<hbm>> -> memref<160xi32, #tpu.memory_space<hbm>>
        tpu.enqueue_dma source(%dma_start3A_114 : memref<160xi32, #tpu.memory_space<hbm>>) target(%arg15 : memref<160xi32, #tpu.memory_space<vmem>>) target_semaphore(%run_scoped3A : memref<!tpu.dma_semaphore, #tpu.memory_space<semaphore_mem>>)
        %dma_wait3A_115 = tpu.memref_slice %arg4[%mul3A_107] : memref<200000xi32, #tpu.memory_space<hbm>> -> memref<160xi32, #tpu.memory_space<hbm>>
        %dma_wait3A_116 = tpu.memref_slice %arg4[%mul3A_107] : memref<200000xi32, #tpu.memory_space<hbm>> -> memref<160xi32, #tpu.memory_space<hbm>>
        tpu.wait_dma2 semaphore(%run_scoped3A : memref<!tpu.dma_semaphore, #tpu.memory_space<semaphore_mem>>) src(%dma_wait3A_116 : memref<160xi32, #tpu.memory_space<hbm>>) dst(%arg15 : memref<160xi32, #tpu.memory_space<vmem>>)
        tpu.yield
      }) : () -> ()
      %dma_start3A = arith.constant 0 : i32
      %dma_start3A_108 = arith.constant 0 : i32
      %dma_start3A_109 = tpu.memref_slice %arg2[%dma_start3A, %dma_start3A_108] : memref<10240x128xf32, #tpu.memory_space<hbm>> -> memref<10240x128xf32, #tpu.memory_space<hbm>>
      tpu.enqueue_indirect_dma source(%dma_start3A_109 : memref<10240x128xf32, #tpu.memory_space<hbm>>) target(%arg16 : memref<160x128xf32, #tpu.memory_space<vmem>>) offsets(%arg14 : memref<160xi32, #tpu.memory_space<vmem>>) semaphore(%arg19 : memref<!tpu.dma_semaphore, #tpu.memory_space<semaphore_mem>>)
      %dma_start3A_110 = arith.constant 0 : i32
      %dma_start3A_111 = arith.constant 0 : i32
      %dma_start3A_112 = tpu.memref_slice %arg2[%dma_start3A_110, %dma_start3A_111] : memref<10240x128xf32, #tpu.memory_space<hbm>> -> memref<10240x128xf32, #tpu.memory_space<hbm>>
      tpu.enqueue_indirect_dma source(%dma_start3A_112 : memref<10240x128xf32, #tpu.memory_space<hbm>>) target(%arg17 : memref<160x128xf32, #tpu.memory_space<vmem>>) offsets(%arg15 : memref<160xi32, #tpu.memory_space<vmem>>) semaphore(%arg20 : memref<!tpu.dma_semaphore, #tpu.memory_space<semaphore_mem>>)
    } else {
    }
    %scan3A = arith.constant 0 : i32
    %scan3A_12 = arith.constant 0 : i32
    %scan3A_13 = arith.constant 20 : i32
    %scan3A_14 = arith.addi %scan3A_12, %scan3A_13 : i32
    %scan3A_15 = arith.constant 1 : i32
    %scan3A_16 = scf.for %scan3A_106 = %scan3A_12 to %scan3A_14 step %scan3A_15 iter_args(%scan3A_107 = %scan3A) -> (i32)  : i32 {
      %mul3A_108 = arith.constant 2 : i32
      %mul3A_109 = arith.muli %mul3A_108, %scan3A_106 : i32
      %add3A_110 = arith.constant 0 : i32
      %add3A_111 = arith.addi %mul3A_109, %add3A_110 : i32
      %mul3A_112 = arith.constant 32 : i32
      %mul3A_113 = arith.muli %add3A_111, %mul3A_112 : i32
      %add3A_114 = arith.addi %add3A, %mul3A_113 : i32
      %add3A_115 = arith.constant 2 : i32
      %add3A_116 = arith.addi %add3A_111, %add3A_115 : i32
      %mul3A_117 = arith.constant 32 : i32
      %mul3A_118 = arith.muli %add3A_116, %mul3A_117 : i32
      %add3A_119 = arith.addi %add3A, %mul3A_118 : i32
      %lt3A_120 = arith.constant 1250 : i32
      %lt3A_121 = arith.cmpi slt, %add3A_114, %lt3A_120 : i32
      %convert_element_type3A_122 = arith.extui %lt3A_121 : i1 to i32
      %cond3A_123 = arith.constant 0 : i32
      %cond3A_124 = arith.cmpi ne, %convert_element_type3A_122, %cond3A_123 : i32
      scf.if %cond3A_124 {
        %mul3A_143 = arith.constant 160 : i32
        %mul3A_144 = arith.muli %add3A_114, %mul3A_143 : i32
        %dma_wait3A_145 = arith.constant 0 : i32
        %dma_wait3A_146 = arith.constant 0 : i32
        %dma_wait3A_147 = tpu.memref_slice %arg2[%dma_wait3A_145, %dma_wait3A_146] : memref<10240x128xf32, #tpu.memory_space<hbm>> -> memref<10240x128xf32, #tpu.memory_space<hbm>>
        tpu.wait_indirect_dma semaphore(%arg11 : memref<!tpu.dma_semaphore, #tpu.memory_space<semaphore_mem>>) src(%dma_wait3A_147 : memref<10240x128xf32, #tpu.memory_space<hbm>>) dst(%arg8 : memref<160x128xf32, #tpu.memory_space<vmem>>)
        %dma_wait3A_148 = arith.constant 0 : i32
        %dma_wait3A_149 = arith.constant 0 : i32
        %dma_wait3A_150 = tpu.memref_slice %arg2[%dma_wait3A_148, %dma_wait3A_149] : memref<10240x128xf32, #tpu.memory_space<hbm>> -> memref<10240x128xf32, #tpu.memory_space<hbm>>
        tpu.wait_indirect_dma semaphore(%arg12 : memref<!tpu.dma_semaphore, #tpu.memory_space<semaphore_mem>>) src(%dma_wait3A_150 : memref<10240x128xf32, #tpu.memory_space<hbm>>) dst(%arg9 : memref<160x128xf32, #tpu.memory_space<vmem>>)
        %ge3A = arith.constant 2 : i32
        %ge3A_151 = arith.cmpi sge, %add3A_111, %ge3A : i32
        %convert_element_type3A_152 = arith.extui %ge3A_151 : i1 to i32
        %cond3A_153 = arith.constant 0 : i32
        %cond3A_154 = arith.cmpi ne, %convert_element_type3A_152, %cond3A_153 : i32
        scf.if %cond3A_154 {
          %sub3A_175 = arith.constant 64 : i32
          %sub3A_176 = arith.subi %add3A_114, %sub3A_175 : i32
          %mul3A_177 = arith.constant 160 : i32
          %mul3A_178 = arith.muli %sub3A_176, %mul3A_177 : i32
          %dma_wait3A_179 = arith.constant 0 : i32
          %dma_wait3A_180 = tpu.memref_slice %arg5[%mul3A_178, %dma_wait3A_179] : memref<200704x16xf32, #tpu.memory_space<hbm>> -> memref<160x16xf32, #tpu.memory_space<hbm>>
          %dma_wait3A_181 = arith.constant 0 : i32
          %dma_wait3A_182 = tpu.memref_slice %arg5[%mul3A_178, %dma_wait3A_181] : memref<200704x16xf32, #tpu.memory_space<hbm>> -> memref<160x16xf32, #tpu.memory_space<hbm>>
          tpu.wait_dma2 semaphore(%arg13 : memref<!tpu.dma_semaphore, #tpu.memory_space<semaphore_mem>>) src(%arg10 : memref<160x16xf32, #tpu.memory_space<vmem>>) dst(%dma_wait3A_182 : memref<160x16xf32, #tpu.memory_space<hbm>>)
        } else {
        }
        %lt3A_155 = arith.constant 1250 : i32
        %lt3A_156 = arith.cmpi slt, %add3A_119, %lt3A_155 : i32
        %convert_element_type3A_157 = arith.extui %lt3A_156 : i1 to i32
        %cond3A_158 = arith.constant 0 : i32
        %cond3A_159 = arith.cmpi ne, %convert_element_type3A_157, %cond3A_158 : i32
        scf.if %cond3A_159 {
          %mul3A_175 = arith.constant 160 : i32
          %mul3A_176 = arith.muli %add3A_119, %mul3A_175 : i32
          %dma_start3A_177 = tpu.memref_slice %arg3[%mul3A_176] : memref<200000xi32, #tpu.memory_space<hbm>> -> memref<160xi32, #tpu.memory_space<hbm>>
          %dma_start3A_178 = tpu.memref_slice %arg3[%mul3A_176] : memref<200000xi32, #tpu.memory_space<hbm>> -> memref<160xi32, #tpu.memory_space<hbm>>
          tpu.enqueue_dma source(%dma_start3A_178 : memref<160xi32, #tpu.memory_space<hbm>>) target(%arg6 : memref<160xi32, #tpu.memory_space<vmem>>) target_semaphore(%arg11 : memref<!tpu.dma_semaphore, #tpu.memory_space<semaphore_mem>>)
          %dma_start3A_179 = tpu.memref_slice %arg4[%mul3A_176] : memref<200000xi32, #tpu.memory_space<hbm>> -> memref<160xi32, #tpu.memory_space<hbm>>
          %dma_start3A_180 = tpu.memref_slice %arg4[%mul3A_176] : memref<200000xi32, #tpu.memory_space<hbm>> -> memref<160xi32, #tpu.memory_space<hbm>>
          tpu.enqueue_dma source(%dma_start3A_180 : memref<160xi32, #tpu.memory_space<hbm>>) target(%arg7 : memref<160xi32, #tpu.memory_space<vmem>>) target_semaphore(%arg12 : memref<!tpu.dma_semaphore, #tpu.memory_space<semaphore_mem>>)
        } else {
        }
        %scan3A_160 = arith.constant 0 : i32
        %scan3A_161 = arith.constant 0 : i32
        %scan3A_162 = arith.constant 40 : i32
        %scan3A_163 = arith.addi %scan3A_161, %scan3A_162 : i32
        %scan3A_164 = arith.constant 1 : i32
        %scan3A_165 = scf.for %scan3A_175 = %scan3A_161 to %scan3A_163 step %scan3A_164 iter_args(%scan3A_176 = %scan3A_160) -> (i32)  : i32 {
          %mul3A_177 = arith.constant 4 : i32
          %mul3A_178 = arith.muli %scan3A_175, %mul3A_177 : i32
          %add3A_179 = arith.constant 0 : i32
          %add3A_180 = arith.addi %mul3A_178, %add3A_179 : i32
          %get3A = arith.index_cast %add3A_180 : i32 to index
          %get3A_181 = arith.constant 0 : index
          %get3A_182 = tpu.vector_load %arg8[%get3A, %get3A_181] {strides = array<i32>} : memref<160x128xf32, #tpu.memory_space<vmem>>, vector<1x16xf32>,
          %get3A_183 = vector.shape_cast %get3A_182 : vector<1x16xf32> to vector<16xf32>
          %add3A_184 = arith.constant 0 : i32
          %add3A_185 = arith.addi %mul3A_178, %add3A_184 : i32
          %get3A_186 = arith.index_cast %add3A_185 : i32 to index
          %get3A_187 = arith.constant 0 : index
          %get3A_188 = tpu.vector_load %arg9[%get3A_186, %get3A_187] {strides = array<i32>} : memref<160x128xf32, #tpu.memory_space<vmem>>, vector<1x16xf32>,
          %get3A_189 = vector.shape_cast %get3A_188 : vector<1x16xf32> to vector<16xf32>
          %mul3A_190 = arith.mulf %get3A_183, %get3A_189 : vector<16xf32>
          %add3A_191 = arith.constant 1 : i32
          %add3A_192 = arith.addi %mul3A_178, %add3A_191 : i32
          %get3A_193 = arith.index_cast %add3A_192 : i32 to index
          %get3A_194 = arith.constant 0 : index
          %get3A_195 = tpu.vector_load %arg8[%get3A_193, %get3A_194] {strides = array<i32>} : memref<160x128xf32, #tpu.memory_space<vmem>>, vector<1x16xf32>,
          %get3A_196 = vector.shape_cast %get3A_195 : vector<1x16xf32> to vector<16xf32>
          %add3A_197 = arith.constant 1 : i32
          %add3A_198 = arith.addi %mul3A_178, %add3A_197 : i32
          %get3A_199 = arith.index_cast %add3A_198 : i32 to index
          %get3A_200 = arith.constant 0 : index
          %get3A_201 = tpu.vector_load %arg9[%get3A_199, %get3A_200] {strides = array<i32>} : memref<160x128xf32, #tpu.memory_space<vmem>>, vector<1x16xf32>,
          %get3A_202 = vector.shape_cast %get3A_201 : vector<1x16xf32> to vector<16xf32>
          %mul3A_203 = arith.mulf %get3A_196, %get3A_202 : vector<16xf32>
          %add3A_204 = arith.constant 2 : i32
          %add3A_205 = arith.addi %mul3A_178, %add3A_204 : i32
          %get3A_206 = arith.index_cast %add3A_205 : i32 to index
          %get3A_207 = arith.constant 0 : index
          %get3A_208 = tpu.vector_load %arg8[%get3A_206, %get3A_207] {strides = array<i32>} : memref<160x128xf32, #tpu.memory_space<vmem>>, vector<1x16xf32>,
          %get3A_209 = vector.shape_cast %get3A_208 : vector<1x16xf32> to vector<16xf32>
          %add3A_210 = arith.constant 2 : i32
          %add3A_211 = arith.addi %mul3A_178, %add3A_210 : i32
          %get3A_212 = arith.index_cast %add3A_211 : i32 to index
          %get3A_213 = arith.constant 0 : index
          %get3A_214 = tpu.vector_load %arg9[%get3A_212, %get3A_213] {strides = array<i32>} : memref<160x128xf32, #tpu.memory_space<vmem>>, vector<1x16xf32>,
          %get3A_215 = vector.shape_cast %get3A_214 : vector<1x16xf32> to vector<16xf32>
          %mul3A_216 = arith.mulf %get3A_209, %get3A_215 : vector<16xf32>
          %add3A_217 = arith.constant 3 : i32
          %add3A_218 = arith.addi %mul3A_178, %add3A_217 : i32
          %get3A_219 = arith.index_cast %add3A_218 : i32 to index
          %get3A_220 = arith.constant 0 : index
          %get3A_221 = tpu.vector_load %arg8[%get3A_219, %get3A_220] {strides = array<i32>} : memref<160x128xf32, #tpu.memory_space<vmem>>, vector<1x16xf32>,
          %get3A_222 = vector.shape_cast %get3A_221 : vector<1x16xf32> to vector<16xf32>
          %add3A_223 = arith.constant 3 : i32
          %add3A_224 = arith.addi %mul3A_178, %add3A_223 : i32
          %get3A_225 = arith.index_cast %add3A_224 : i32 to index
          %get3A_226 = arith.constant 0 : index
          %get3A_227 = tpu.vector_load %arg9[%get3A_225, %get3A_226] {strides = array<i32>} : memref<160x128xf32, #tpu.memory_space<vmem>>, vector<1x16xf32>,
          %get3A_228 = vector.shape_cast %get3A_227 : vector<1x16xf32> to vector<16xf32>
          %mul3A_229 = arith.mulf %get3A_222, %get3A_228 : vector<16xf32>
          %add3A_230 = arith.constant 0 : i32
          %add3A_231 = arith.addi %mul3A_178, %add3A_230 : i32
          %get3A_232 = arith.index_cast %add3A_231 : i32 to index
          %get3A_233 = arith.constant 16 : index
          %get3A_234 = tpu.vector_load %arg8[%get3A_232, %get3A_233] {strides = array<i32>} : memref<160x128xf32, #tpu.memory_space<vmem>>, vector<1x16xf32>,
          %get3A_235 = vector.shape_cast %get3A_234 : vector<1x16xf32> to vector<16xf32>
          %add3A_236 = arith.constant 0 : i32
          %add3A_237 = arith.addi %mul3A_178, %add3A_236 : i32
          %get3A_238 = arith.index_cast %add3A_237 : i32 to index
          %get3A_239 = arith.constant 16 : index
          %get3A_240 = tpu.vector_load %arg9[%get3A_238, %get3A_239] {strides = array<i32>} : memref<160x128xf32, #tpu.memory_space<vmem>>, vector<1x16xf32>,
          %get3A_241 = vector.shape_cast %get3A_240 : vector<1x16xf32> to vector<16xf32>
          %mul3A_242 = arith.mulf %get3A_235, %get3A_241 : vector<16xf32>
          %add3A_243 = arith.addf %mul3A_190, %mul3A_242 : vector<16xf32>
          %add3A_244 = arith.constant 1 : i32
          %add3A_245 = arith.addi %mul3A_178, %add3A_244 : i32
          %get3A_246 = arith.index_cast %add3A_245 : i32 to index
          %get3A_247 = arith.constant 16 : index
          %get3A_248 = tpu.vector_load %arg8[%get3A_246, %get3A_247] {strides = array<i32>} : memref<160x128xf32, #tpu.memory_space<vmem>>, vector<1x16xf32>,
          %get3A_249 = vector.shape_cast %get3A_248 : vector<1x16xf32> to vector<16xf32>
          %add3A_250 = arith.constant 1 : i32
          %add3A_251 = arith.addi %mul3A_178, %add3A_250 : i32
          %get3A_252 = arith.index_cast %add3A_251 : i32 to index
          %get3A_253 = arith.constant 16 : index
          %get3A_254 = tpu.vector_load %arg9[%get3A_252, %get3A_253] {strides = array<i32>} : memref<160x128xf32, #tpu.memory_space<vmem>>, vector<1x16xf32>,
          %get3A_255 = vector.shape_cast %get3A_254 : vector<1x16xf32> to vector<16xf32>
          %mul3A_256 = arith.mulf %get3A_249, %get3A_255 : vector<16xf32>
          %add3A_257 = arith.addf %mul3A_203, %mul3A_256 : vector<16xf32>
          %add3A_258 = arith.constant 2 : i32
          %add3A_259 = arith.addi %mul3A_178, %add3A_258 : i32
          %get3A_260 = arith.index_cast %add3A_259 : i32 to index
          %get3A_261 = arith.constant 16 : index
          %get3A_262 = tpu.vector_load %arg8[%get3A_260, %get3A_261] {strides = array<i32>} : memref<160x128xf32, #tpu.memory_space<vmem>>, vector<1x16xf32>,
          %get3A_263 = vector.shape_cast %get3A_262 : vector<1x16xf32> to vector<16xf32>
          %add3A_264 = arith.constant 2 : i32
          %add3A_265 = arith.addi %mul3A_178, %add3A_264 : i32
          %get3A_266 = arith.index_cast %add3A_265 : i32 to index
          %get3A_267 = arith.constant 16 : index
          %get3A_268 = tpu.vector_load %arg9[%get3A_266, %get3A_267] {strides = array<i32>} : memref<160x128xf32, #tpu.memory_space<vmem>>, vector<1x16xf32>,
          %get3A_269 = vector.shape_cast %get3A_268 : vector<1x16xf32> to vector<16xf32>
          %mul3A_270 = arith.mulf %get3A_263, %get3A_269 : vector<16xf32>
          %add3A_271 = arith.addf %mul3A_216, %mul3A_270 : vector<16xf32>
          %add3A_272 = arith.constant 3 : i32
          %add3A_273 = arith.addi %mul3A_178, %add3A_272 : i32
          %get3A_274 = arith.index_cast %add3A_273 : i32 to index
          %get3A_275 = arith.constant 16 : index
          %get3A_276 = tpu.vector_load %arg8[%get3A_274, %get3A_275] {strides = array<i32>} : memref<160x128xf32, #tpu.memory_space<vmem>>, vector<1x16xf32>,
          %get3A_277 = vector.shape_cast %get3A_276 : vector<1x16xf32> to vector<16xf32>
          %add3A_278 = arith.constant 3 : i32
          %add3A_279 = arith.addi %mul3A_178, %add3A_278 : i32
          %get3A_280 = arith.index_cast %add3A_279 : i32 to index
          %get3A_281 = arith.constant 16 : index
          %get3A_282 = tpu.vector_load %arg9[%get3A_280, %get3A_281] {strides = array<i32>} : memref<160x128xf32, #tpu.memory_space<vmem>>, vector<1x16xf32>,
          %get3A_283 = vector.shape_cast %get3A_282 : vector<1x16xf32> to vector<16xf32>
          %mul3A_284 = arith.mulf %get3A_277, %get3A_283 : vector<16xf32>
          %add3A_285 = arith.addf %mul3A_229, %mul3A_284 : vector<16xf32>
          %add3A_286 = arith.constant 0 : i32
          %add3A_287 = arith.addi %mul3A_178, %add3A_286 : i32
          %get3A_288 = arith.index_cast %add3A_287 : i32 to index
          %get3A_289 = arith.constant 32 : index
          %get3A_290 = tpu.vector_load %arg8[%get3A_288, %get3A_289] {strides = array<i32>} : memref<160x128xf32, #tpu.memory_space<vmem>>, vector<1x16xf32>,
          %get3A_291 = vector.shape_cast %get3A_290 : vector<1x16xf32> to vector<16xf32>
          %add3A_292 = arith.constant 0 : i32
          %add3A_293 = arith.addi %mul3A_178, %add3A_292 : i32
          %get3A_294 = arith.index_cast %add3A_293 : i32 to index
          %get3A_295 = arith.constant 32 : index
          %get3A_296 = tpu.vector_load %arg9[%get3A_294, %get3A_295] {strides = array<i32>} : memref<160x128xf32, #tpu.memory_space<vmem>>, vector<1x16xf32>,
          %get3A_297 = vector.shape_cast %get3A_296 : vector<1x16xf32> to vector<16xf32>
          %mul3A_298 = arith.mulf %get3A_291, %get3A_297 : vector<16xf32>
          %add3A_299 = arith.addf %add3A_243, %mul3A_298 : vector<16xf32>
          %add3A_300 = arith.constant 1 : i32
          %add3A_301 = arith.addi %mul3A_178, %add3A_300 : i32
          %get3A_302 = arith.index_cast %add3A_301 : i32 to index
          %get3A_303 = arith.constant 32 : index
          %get3A_304 = tpu.vector_load %arg8[%get3A_302, %get3A_303] {strides = array<i32>} : memref<160x128xf32, #tpu.memory_space<vmem>>, vector<1x16xf32>,
          %get3A_305 = vector.shape_cast %get3A_304 : vector<1x16xf32> to vector<16xf32>
          %add3A_306 = arith.constant 1 : i32
          %add3A_307 = arith.addi %mul3A_178, %add3A_306 : i32
          %get3A_308 = arith.index_cast %add3A_307 : i32 to index
          %get3A_309 = arith.constant 32 : index
          %get3A_310 = tpu.vector_load %arg9[%get3A_308, %get3A_309] {strides = array<i32>} : memref<160x128xf32, #tpu.memory_space<vmem>>, vector<1x16xf32>,
          %get3A_311 = vector.shape_cast %get3A_310 : vector<1x16xf32> to vector<16xf32>
          %mul3A_312 = arith.mulf %get3A_305, %get3A_311 : vector<16xf32>
          %add3A_313 = arith.addf %add3A_257, %mul3A_312 : vector<16xf32>
          %add3A_314 = arith.constant 2 : i32
          %add3A_315 = arith.addi %mul3A_178, %add3A_314 : i32
          %get3A_316 = arith.index_cast %add3A_315 : i32 to index
          %get3A_317 = arith.constant 32 : index
          %get3A_318 = tpu.vector_load %arg8[%get3A_316, %get3A_317] {strides = array<i32>} : memref<160x128xf32, #tpu.memory_space<vmem>>, vector<1x16xf32>,
          %get3A_319 = vector.shape_cast %get3A_318 : vector<1x16xf32> to vector<16xf32>
          %add3A_320 = arith.constant 2 : i32
          %add3A_321 = arith.addi %mul3A_178, %add3A_320 : i32
          %get3A_322 = arith.index_cast %add3A_321 : i32 to index
          %get3A_323 = arith.constant 32 : index
          %get3A_324 = tpu.vector_load %arg9[%get3A_322, %get3A_323] {strides = array<i32>} : memref<160x128xf32, #tpu.memory_space<vmem>>, vector<1x16xf32>,
          %get3A_325 = vector.shape_cast %get3A_324 : vector<1x16xf32> to vector<16xf32>
          %mul3A_326 = arith.mulf %get3A_319, %get3A_325 : vector<16xf32>
          %add3A_327 = arith.addf %add3A_271, %mul3A_326 : vector<16xf32>
          %add3A_328 = arith.constant 3 : i32
          %add3A_329 = arith.addi %mul3A_178, %add3A_328 : i32
          %get3A_330 = arith.index_cast %add3A_329 : i32 to index
          %get3A_331 = arith.constant 32 : index
          %get3A_332 = tpu.vector_load %arg8[%get3A_330, %get3A_331] {strides = array<i32>} : memref<160x128xf32, #tpu.memory_space<vmem>>, vector<1x16xf32>,
          %get3A_333 = vector.shape_cast %get3A_332 : vector<1x16xf32> to vector<16xf32>
          %add3A_334 = arith.constant 3 : i32
          %add3A_335 = arith.addi %mul3A_178, %add3A_334 : i32
          %get3A_336 = arith.index_cast %add3A_335 : i32 to index
          %get3A_337 = arith.constant 32 : index
          %get3A_338 = tpu.vector_load %arg9[%get3A_336, %get3A_337] {strides = array<i32>} : memref<160x128xf32, #tpu.memory_space<vmem>>, vector<1x16xf32>,
          %get3A_339 = vector.shape_cast %get3A_338 : vector<1x16xf32> to vector<16xf32>
          %mul3A_340 = arith.mulf %get3A_333, %get3A_339 : vector<16xf32>
          %add3A_341 = arith.addf %add3A_285, %mul3A_340 : vector<16xf32>
          %add3A_342 = arith.constant 0 : i32
          %add3A_343 = arith.addi %mul3A_178, %add3A_342 : i32
          %get3A_344 = arith.index_cast %add3A_343 : i32 to index
          %get3A_345 = arith.constant 48 : index
          %get3A_346 = tpu.vector_load %arg8[%get3A_344, %get3A_345] {strides = array<i32>} : memref<160x128xf32, #tpu.memory_space<vmem>>, vector<1x16xf32>,
          %get3A_347 = vector.shape_cast %get3A_346 : vector<1x16xf32> to vector<16xf32>
          %add3A_348 = arith.constant 0 : i32
          %add3A_349 = arith.addi %mul3A_178, %add3A_348 : i32
          %get3A_350 = arith.index_cast %add3A_349 : i32 to index
          %get3A_351 = arith.constant 48 : index
          %get3A_352 = tpu.vector_load %arg9[%get3A_350, %get3A_351] {strides = array<i32>} : memref<160x128xf32, #tpu.memory_space<vmem>>, vector<1x16xf32>,
          %get3A_353 = vector.shape_cast %get3A_352 : vector<1x16xf32> to vector<16xf32>
          %mul3A_354 = arith.mulf %get3A_347, %get3A_353 : vector<16xf32>
          %add3A_355 = arith.addf %add3A_299, %mul3A_354 : vector<16xf32>
          %add3A_356 = arith.constant 1 : i32
          %add3A_357 = arith.addi %mul3A_178, %add3A_356 : i32
          %get3A_358 = arith.index_cast %add3A_357 : i32 to index
          %get3A_359 = arith.constant 48 : index
          %get3A_360 = tpu.vector_load %arg8[%get3A_358, %get3A_359] {strides = array<i32>} : memref<160x128xf32, #tpu.memory_space<vmem>>, vector<1x16xf32>,
          %get3A_361 = vector.shape_cast %get3A_360 : vector<1x16xf32> to vector<16xf32>
          %add3A_362 = arith.constant 1 : i32
          %add3A_363 = arith.addi %mul3A_178, %add3A_362 : i32
          %get3A_364 = arith.index_cast %add3A_363 : i32 to index
          %get3A_365 = arith.constant 48 : index
          %get3A_366 = tpu.vector_load %arg9[%get3A_364, %get3A_365] {strides = array<i32>} : memref<160x128xf32, #tpu.memory_space<vmem>>, vector<1x16xf32>,
          %get3A_367 = vector.shape_cast %get3A_366 : vector<1x16xf32> to vector<16xf32>
          %mul3A_368 = arith.mulf %get3A_361, %get3A_367 : vector<16xf32>
          %add3A_369 = arith.addf %add3A_313, %mul3A_368 : vector<16xf32>
          %add3A_370 = arith.constant 2 : i32
          %add3A_371 = arith.addi %mul3A_178, %add3A_370 : i32
          %get3A_372 = arith.index_cast %add3A_371 : i32 to index
          %get3A_373 = arith.constant 48 : index
          %get3A_374 = tpu.vector_load %arg8[%get3A_372, %get3A_373] {strides = array<i32>} : memref<160x128xf32, #tpu.memory_space<vmem>>, vector<1x16xf32>,
          %get3A_375 = vector.shape_cast %get3A_374 : vector<1x16xf32> to vector<16xf32>
          %add3A_376 = arith.constant 2 : i32
          %add3A_377 = arith.addi %mul3A_178, %add3A_376 : i32
          %get3A_378 = arith.index_cast %add3A_377 : i32 to index
          %get3A_379 = arith.constant 48 : index
          %get3A_380 = tpu.vector_load %arg9[%get3A_378, %get3A_379] {strides = array<i32>} : memref<160x128xf32, #tpu.memory_space<vmem>>, vector<1x16xf32>,
          %get3A_381 = vector.shape_cast %get3A_380 : vector<1x16xf32> to vector<16xf32>
          %mul3A_382 = arith.mulf %get3A_375, %get3A_381 : vector<16xf32>
          %add3A_383 = arith.addf %add3A_327, %mul3A_382 : vector<16xf32>
          %add3A_384 = arith.constant 3 : i32
          %add3A_385 = arith.addi %mul3A_178, %add3A_384 : i32
          %get3A_386 = arith.index_cast %add3A_385 : i32 to index
          %get3A_387 = arith.constant 48 : index
          %get3A_388 = tpu.vector_load %arg8[%get3A_386, %get3A_387] {strides = array<i32>} : memref<160x128xf32, #tpu.memory_space<vmem>>, vector<1x16xf32>,
          %get3A_389 = vector.shape_cast %get3A_388 : vector<1x16xf32> to vector<16xf32>
          %add3A_390 = arith.constant 3 : i32
          %add3A_391 = arith.addi %mul3A_178, %add3A_390 : i32
          %get3A_392 = arith.index_cast %add3A_391 : i32 to index
          %get3A_393 = arith.constant 48 : index
          %get3A_394 = tpu.vector_load %arg9[%get3A_392, %get3A_393] {strides = array<i32>} : memref<160x128xf32, #tpu.memory_space<vmem>>, vector<1x16xf32>,
          %get3A_395 = vector.shape_cast %get3A_394 : vector<1x16xf32> to vector<16xf32>
          %mul3A_396 = arith.mulf %get3A_389, %get3A_395 : vector<16xf32>
          %add3A_397 = arith.addf %add3A_341, %mul3A_396 : vector<16xf32>
          %add3A_398 = arith.constant 0 : i32
          %add3A_399 = arith.addi %mul3A_178, %add3A_398 : i32
          %get3A_400 = arith.index_cast %add3A_399 : i32 to index
          %get3A_401 = arith.constant 64 : index
          %get3A_402 = tpu.vector_load %arg8[%get3A_400, %get3A_401] {strides = array<i32>} : memref<160x128xf32, #tpu.memory_space<vmem>>, vector<1x16xf32>,
          %get3A_403 = vector.shape_cast %get3A_402 : vector<1x16xf32> to vector<16xf32>
          %add3A_404 = arith.constant 0 : i32
          %add3A_405 = arith.addi %mul3A_178, %add3A_404 : i32
          %get3A_406 = arith.index_cast %add3A_405 : i32 to index
          %get3A_407 = arith.constant 64 : index
          %get3A_408 = tpu.vector_load %arg9[%get3A_406, %get3A_407] {strides = array<i32>} : memref<160x128xf32, #tpu.memory_space<vmem>>, vector<1x16xf32>,
          %get3A_409 = vector.shape_cast %get3A_408 : vector<1x16xf32> to vector<16xf32>
          %mul3A_410 = arith.mulf %get3A_403, %get3A_409 : vector<16xf32>
          %add3A_411 = arith.addf %add3A_355, %mul3A_410 : vector<16xf32>
          %add3A_412 = arith.constant 1 : i32
          %add3A_413 = arith.addi %mul3A_178, %add3A_412 : i32
          %get3A_414 = arith.index_cast %add3A_413 : i32 to index
          %get3A_415 = arith.constant 64 : index
          %get3A_416 = tpu.vector_load %arg8[%get3A_414, %get3A_415] {strides = array<i32>} : memref<160x128xf32, #tpu.memory_space<vmem>>, vector<1x16xf32>,
          %get3A_417 = vector.shape_cast %get3A_416 : vector<1x16xf32> to vector<16xf32>
          %add3A_418 = arith.constant 1 : i32
          %add3A_419 = arith.addi %mul3A_178, %add3A_418 : i32
          %get3A_420 = arith.index_cast %add3A_419 : i32 to index
          %get3A_421 = arith.constant 64 : index
          %get3A_422 = tpu.vector_load %arg9[%get3A_420, %get3A_421] {strides = array<i32>} : memref<160x128xf32, #tpu.memory_space<vmem>>, vector<1x16xf32>,
          %get3A_423 = vector.shape_cast %get3A_422 : vector<1x16xf32> to vector<16xf32>
          %mul3A_424 = arith.mulf %get3A_417, %get3A_423 : vector<16xf32>
          %add3A_425 = arith.addf %add3A_369, %mul3A_424 : vector<16xf32>
          %add3A_426 = arith.constant 2 : i32
          %add3A_427 = arith.addi %mul3A_178, %add3A_426 : i32
          %get3A_428 = arith.index_cast %add3A_427 : i32 to index
          %get3A_429 = arith.constant 64 : index
          %get3A_430 = tpu.vector_load %arg8[%get3A_428, %get3A_429] {strides = array<i32>} : memref<160x128xf32, #tpu.memory_space<vmem>>, vector<1x16xf32>,
          %get3A_431 = vector.shape_cast %get3A_430 : vector<1x16xf32> to vector<16xf32>
          %add3A_432 = arith.constant 2 : i32
          %add3A_433 = arith.addi %mul3A_178, %add3A_432 : i32
          %get3A_434 = arith.index_cast %add3A_433 : i32 to index
          %get3A_435 = arith.constant 64 : index
          %get3A_436 = tpu.vector_load %arg9[%get3A_434, %get3A_435] {strides = array<i32>} : memref<160x128xf32, #tpu.memory_space<vmem>>, vector<1x16xf32>,
          %get3A_437 = vector.shape_cast %get3A_436 : vector<1x16xf32> to vector<16xf32>
          %mul3A_438 = arith.mulf %get3A_431, %get3A_437 : vector<16xf32>
          %add3A_439 = arith.addf %add3A_383, %mul3A_438 : vector<16xf32>
          %add3A_440 = arith.constant 3 : i32
          %add3A_441 = arith.addi %mul3A_178, %add3A_440 : i32
          %get3A_442 = arith.index_cast %add3A_441 : i32 to index
          %get3A_443 = arith.constant 64 : index
          %get3A_444 = tpu.vector_load %arg8[%get3A_442, %get3A_443] {strides = array<i32>} : memref<160x128xf32, #tpu.memory_space<vmem>>, vector<1x16xf32>,
          %get3A_445 = vector.shape_cast %get3A_444 : vector<1x16xf32> to vector<16xf32>
          %add3A_446 = arith.constant 3 : i32
          %add3A_447 = arith.addi %mul3A_178, %add3A_446 : i32
          %get3A_448 = arith.index_cast %add3A_447 : i32 to index
          %get3A_449 = arith.constant 64 : index
          %get3A_450 = tpu.vector_load %arg9[%get3A_448, %get3A_449] {strides = array<i32>} : memref<160x128xf32, #tpu.memory_space<vmem>>, vector<1x16xf32>,
          %get3A_451 = vector.shape_cast %get3A_450 : vector<1x16xf32> to vector<16xf32>
          %mul3A_452 = arith.mulf %get3A_445, %get3A_451 : vector<16xf32>
          %add3A_453 = arith.addf %add3A_397, %mul3A_452 : vector<16xf32>
          %add3A_454 = arith.constant 0 : i32
          %add3A_455 = arith.addi %mul3A_178, %add3A_454 : i32
          %get3A_456 = arith.index_cast %add3A_455 : i32 to index
          %get3A_457 = arith.constant 80 : index
          %get3A_458 = tpu.vector_load %arg8[%get3A_456, %get3A_457] {strides = array<i32>} : memref<160x128xf32, #tpu.memory_space<vmem>>, vector<1x16xf32>,
          %get3A_459 = vector.shape_cast %get3A_458 : vector<1x16xf32> to vector<16xf32>
          %add3A_460 = arith.constant 0 : i32
          %add3A_461 = arith.addi %mul3A_178, %add3A_460 : i32
          %get3A_462 = arith.index_cast %add3A_461 : i32 to index
          %get3A_463 = arith.constant 80 : index
          %get3A_464 = tpu.vector_load %arg9[%get3A_462, %get3A_463] {strides = array<i32>} : memref<160x128xf32, #tpu.memory_space<vmem>>, vector<1x16xf32>,
          %get3A_465 = vector.shape_cast %get3A_464 : vector<1x16xf32> to vector<16xf32>
          %mul3A_466 = arith.mulf %get3A_459, %get3A_465 : vector<16xf32>
          %add3A_467 = arith.addf %add3A_411, %mul3A_466 : vector<16xf32>
          %add3A_468 = arith.constant 1 : i32
          %add3A_469 = arith.addi %mul3A_178, %add3A_468 : i32
          %get3A_470 = arith.index_cast %add3A_469 : i32 to index
          %get3A_471 = arith.constant 80 : index
          %get3A_472 = tpu.vector_load %arg8[%get3A_470, %get3A_471] {strides = array<i32>} : memref<160x128xf32, #tpu.memory_space<vmem>>, vector<1x16xf32>,
          %get3A_473 = vector.shape_cast %get3A_472 : vector<1x16xf32> to vector<16xf32>
          %add3A_474 = arith.constant 1 : i32
          %add3A_475 = arith.addi %mul3A_178, %add3A_474 : i32
          %get3A_476 = arith.index_cast %add3A_475 : i32 to index
          %get3A_477 = arith.constant 80 : index
          %get3A_478 = tpu.vector_load %arg9[%get3A_476, %get3A_477] {strides = array<i32>} : memref<160x128xf32, #tpu.memory_space<vmem>>, vector<1x16xf32>,
          %get3A_479 = vector.shape_cast %get3A_478 : vector<1x16xf32> to vector<16xf32>
          %mul3A_480 = arith.mulf %get3A_473, %get3A_479 : vector<16xf32>
          %add3A_481 = arith.addf %add3A_425, %mul3A_480 : vector<16xf32>
          %add3A_482 = arith.constant 2 : i32
          %add3A_483 = arith.addi %mul3A_178, %add3A_482 : i32
          %get3A_484 = arith.index_cast %add3A_483 : i32 to index
          %get3A_485 = arith.constant 80 : index
          %get3A_486 = tpu.vector_load %arg8[%get3A_484, %get3A_485] {strides = array<i32>} : memref<160x128xf32, #tpu.memory_space<vmem>>, vector<1x16xf32>,
          %get3A_487 = vector.shape_cast %get3A_486 : vector<1x16xf32> to vector<16xf32>
          %add3A_488 = arith.constant 2 : i32
          %add3A_489 = arith.addi %mul3A_178, %add3A_488 : i32
          %get3A_490 = arith.index_cast %add3A_489 : i32 to index
          %get3A_491 = arith.constant 80 : index
          %get3A_492 = tpu.vector_load %arg9[%get3A_490, %get3A_491] {strides = array<i32>} : memref<160x128xf32, #tpu.memory_space<vmem>>, vector<1x16xf32>,
          %get3A_493 = vector.shape_cast %get3A_492 : vector<1x16xf32> to vector<16xf32>
          %mul3A_494 = arith.mulf %get3A_487, %get3A_493 : vector<16xf32>
          %add3A_495 = arith.addf %add3A_439, %mul3A_494 : vector<16xf32>
          %add3A_496 = arith.constant 3 : i32
          %add3A_497 = arith.addi %mul3A_178, %add3A_496 : i32
          %get3A_498 = arith.index_cast %add3A_497 : i32 to index
          %get3A_499 = arith.constant 80 : index
          %get3A_500 = tpu.vector_load %arg8[%get3A_498, %get3A_499] {strides = array<i32>} : memref<160x128xf32, #tpu.memory_space<vmem>>, vector<1x16xf32>,
          %get3A_501 = vector.shape_cast %get3A_500 : vector<1x16xf32> to vector<16xf32>
          %add3A_502 = arith.constant 3 : i32
          %add3A_503 = arith.addi %mul3A_178, %add3A_502 : i32
          %get3A_504 = arith.index_cast %add3A_503 : i32 to index
          %get3A_505 = arith.constant 80 : index
          %get3A_506 = tpu.vector_load %arg9[%get3A_504, %get3A_505] {strides = array<i32>} : memref<160x128xf32, #tpu.memory_space<vmem>>, vector<1x16xf32>,
          %get3A_507 = vector.shape_cast %get3A_506 : vector<1x16xf32> to vector<16xf32>
          %mul3A_508 = arith.mulf %get3A_501, %get3A_507 : vector<16xf32>
          %add3A_509 = arith.addf %add3A_453, %mul3A_508 : vector<16xf32>
          %add3A_510 = arith.constant 0 : i32
          %add3A_511 = arith.addi %mul3A_178, %add3A_510 : i32
          %get3A_512 = arith.index_cast %add3A_511 : i32 to index
          %get3A_513 = arith.constant 96 : index
          %get3A_514 = tpu.vector_load %arg8[%get3A_512, %get3A_513] {strides = array<i32>} : memref<160x128xf32, #tpu.memory_space<vmem>>, vector<1x16xf32>,
          %get3A_515 = vector.shape_cast %get3A_514 : vector<1x16xf32> to vector<16xf32>
          %add3A_516 = arith.constant 0 : i32
          %add3A_517 = arith.addi %mul3A_178, %add3A_516 : i32
          %get3A_518 = arith.index_cast %add3A_517 : i32 to index
          %get3A_519 = arith.constant 96 : index
          %get3A_520 = tpu.vector_load %arg9[%get3A_518, %get3A_519] {strides = array<i32>} : memref<160x128xf32, #tpu.memory_space<vmem>>, vector<1x16xf32>,
          %get3A_521 = vector.shape_cast %get3A_520 : vector<1x16xf32> to vector<16xf32>
          %mul3A_522 = arith.mulf %get3A_515, %get3A_521 : vector<16xf32>
          %add3A_523 = arith.addf %add3A_467, %mul3A_522 : vector<16xf32>
          %add3A_524 = arith.constant 1 : i32
          %add3A_525 = arith.addi %mul3A_178, %add3A_524 : i32
          %get3A_526 = arith.index_cast %add3A_525 : i32 to index
          %get3A_527 = arith.constant 96 : index
          %get3A_528 = tpu.vector_load %arg8[%get3A_526, %get3A_527] {strides = array<i32>} : memref<160x128xf32, #tpu.memory_space<vmem>>, vector<1x16xf32>,
          %get3A_529 = vector.shape_cast %get3A_528 : vector<1x16xf32> to vector<16xf32>
          %add3A_530 = arith.constant 1 : i32
          %add3A_531 = arith.addi %mul3A_178, %add3A_530 : i32
          %get3A_532 = arith.index_cast %add3A_531 : i32 to index
          %get3A_533 = arith.constant 96 : index
          %get3A_534 = tpu.vector_load %arg9[%get3A_532, %get3A_533] {strides = array<i32>} : memref<160x128xf32, #tpu.memory_space<vmem>>, vector<1x16xf32>,
          %get3A_535 = vector.shape_cast %get3A_534 : vector<1x16xf32> to vector<16xf32>
          %mul3A_536 = arith.mulf %get3A_529, %get3A_535 : vector<16xf32>
          %add3A_537 = arith.addf %add3A_481, %mul3A_536 : vector<16xf32>
          %add3A_538 = arith.constant 2 : i32
          %add3A_539 = arith.addi %mul3A_178, %add3A_538 : i32
          %get3A_540 = arith.index_cast %add3A_539 : i32 to index
          %get3A_541 = arith.constant 96 : index
          %get3A_542 = tpu.vector_load %arg8[%get3A_540, %get3A_541] {strides = array<i32>} : memref<160x128xf32, #tpu.memory_space<vmem>>, vector<1x16xf32>,
          %get3A_543 = vector.shape_cast %get3A_542 : vector<1x16xf32> to vector<16xf32>
          %add3A_544 = arith.constant 2 : i32
          %add3A_545 = arith.addi %mul3A_178, %add3A_544 : i32
          %get3A_546 = arith.index_cast %add3A_545 : i32 to index
          %get3A_547 = arith.constant 96 : index
          %get3A_548 = tpu.vector_load %arg9[%get3A_546, %get3A_547] {strides = array<i32>} : memref<160x128xf32, #tpu.memory_space<vmem>>, vector<1x16xf32>,
          %get3A_549 = vector.shape_cast %get3A_548 : vector<1x16xf32> to vector<16xf32>
          %mul3A_550 = arith.mulf %get3A_543, %get3A_549 : vector<16xf32>
          %add3A_551 = arith.addf %add3A_495, %mul3A_550 : vector<16xf32>
          %add3A_552 = arith.constant 3 : i32
          %add3A_553 = arith.addi %mul3A_178, %add3A_552 : i32
          %get3A_554 = arith.index_cast %add3A_553 : i32 to index
          %get3A_555 = arith.constant 96 : index
          %get3A_556 = tpu.vector_load %arg8[%get3A_554, %get3A_555] {strides = array<i32>} : memref<160x128xf32, #tpu.memory_space<vmem>>, vector<1x16xf32>,
          %get3A_557 = vector.shape_cast %get3A_556 : vector<1x16xf32> to vector<16xf32>
          %add3A_558 = arith.constant 3 : i32
          %add3A_559 = arith.addi %mul3A_178, %add3A_558 : i32
          %get3A_560 = arith.index_cast %add3A_559 : i32 to index
          %get3A_561 = arith.constant 96 : index
          %get3A_562 = tpu.vector_load %arg9[%get3A_560, %get3A_561] {strides = array<i32>} : memref<160x128xf32, #tpu.memory_space<vmem>>, vector<1x16xf32>,
          %get3A_563 = vector.shape_cast %get3A_562 : vector<1x16xf32> to vector<16xf32>
          %mul3A_564 = arith.mulf %get3A_557, %get3A_563 : vector<16xf32>
          %add3A_565 = arith.addf %add3A_509, %mul3A_564 : vector<16xf32>
          %add3A_566 = arith.constant 0 : i32
          %add3A_567 = arith.addi %mul3A_178, %add3A_566 : i32
          %get3A_568 = arith.index_cast %add3A_567 : i32 to index
          %get3A_569 = arith.constant 112 : index
          %get3A_570 = tpu.vector_load %arg8[%get3A_568, %get3A_569] {strides = array<i32>} : memref<160x128xf32, #tpu.memory_space<vmem>>, vector<1x16xf32>,
          %get3A_571 = vector.shape_cast %get3A_570 : vector<1x16xf32> to vector<16xf32>
          %add3A_572 = arith.constant 0 : i32
          %add3A_573 = arith.addi %mul3A_178, %add3A_572 : i32
          %get3A_574 = arith.index_cast %add3A_573 : i32 to index
          %get3A_575 = arith.constant 112 : index
          %get3A_576 = tpu.vector_load %arg9[%get3A_574, %get3A_575] {strides = array<i32>} : memref<160x128xf32, #tpu.memory_space<vmem>>, vector<1x16xf32>,
          %get3A_577 = vector.shape_cast %get3A_576 : vector<1x16xf32> to vector<16xf32>
          %mul3A_578 = arith.mulf %get3A_571, %get3A_577 : vector<16xf32>
          %add3A_579 = arith.addf %add3A_523, %mul3A_578 : vector<16xf32>
          %add3A_580 = arith.constant 1 : i32
          %add3A_581 = arith.addi %mul3A_178, %add3A_580 : i32
          %get3A_582 = arith.index_cast %add3A_581 : i32 to index
          %get3A_583 = arith.constant 112 : index
          %get3A_584 = tpu.vector_load %arg8[%get3A_582, %get3A_583] {strides = array<i32>} : memref<160x128xf32, #tpu.memory_space<vmem>>, vector<1x16xf32>,
          %get3A_585 = vector.shape_cast %get3A_584 : vector<1x16xf32> to vector<16xf32>
          %add3A_586 = arith.constant 1 : i32
          %add3A_587 = arith.addi %mul3A_178, %add3A_586 : i32
          %get3A_588 = arith.index_cast %add3A_587 : i32 to index
          %get3A_589 = arith.constant 112 : index
          %get3A_590 = tpu.vector_load %arg9[%get3A_588, %get3A_589] {strides = array<i32>} : memref<160x128xf32, #tpu.memory_space<vmem>>, vector<1x16xf32>,
          %get3A_591 = vector.shape_cast %get3A_590 : vector<1x16xf32> to vector<16xf32>
          %mul3A_592 = arith.mulf %get3A_585, %get3A_591 : vector<16xf32>
          %add3A_593 = arith.addf %add3A_537, %mul3A_592 : vector<16xf32>
          %add3A_594 = arith.constant 2 : i32
          %add3A_595 = arith.addi %mul3A_178, %add3A_594 : i32
          %get3A_596 = arith.index_cast %add3A_595 : i32 to index
          %get3A_597 = arith.constant 112 : index
          %get3A_598 = tpu.vector_load %arg8[%get3A_596, %get3A_597] {strides = array<i32>} : memref<160x128xf32, #tpu.memory_space<vmem>>, vector<1x16xf32>,
          %get3A_599 = vector.shape_cast %get3A_598 : vector<1x16xf32> to vector<16xf32>
          %add3A_600 = arith.constant 2 : i32
          %add3A_601 = arith.addi %mul3A_178, %add3A_600 : i32
          %get3A_602 = arith.index_cast %add3A_601 : i32 to index
          %get3A_603 = arith.constant 112 : index
          %get3A_604 = tpu.vector_load %arg9[%get3A_602, %get3A_603] {strides = array<i32>} : memref<160x128xf32, #tpu.memory_space<vmem>>, vector<1x16xf32>,
          %get3A_605 = vector.shape_cast %get3A_604 : vector<1x16xf32> to vector<16xf32>
          %mul3A_606 = arith.mulf %get3A_599, %get3A_605 : vector<16xf32>
          %add3A_607 = arith.addf %add3A_551, %mul3A_606 : vector<16xf32>
          %add3A_608 = arith.constant 3 : i32
          %add3A_609 = arith.addi %mul3A_178, %add3A_608 : i32
          %get3A_610 = arith.index_cast %add3A_609 : i32 to index
          %get3A_611 = arith.constant 112 : index
          %get3A_612 = tpu.vector_load %arg8[%get3A_610, %get3A_611] {strides = array<i32>} : memref<160x128xf32, #tpu.memory_space<vmem>>, vector<1x16xf32>,
          %get3A_613 = vector.shape_cast %get3A_612 : vector<1x16xf32> to vector<16xf32>
          %add3A_614 = arith.constant 3 : i32
          %add3A_615 = arith.addi %mul3A_178, %add3A_614 : i32
          %get3A_616 = arith.index_cast %add3A_615 : i32 to index
          %get3A_617 = arith.constant 112 : index
          %get3A_618 = tpu.vector_load %arg9[%get3A_616, %get3A_617] {strides = array<i32>} : memref<160x128xf32, #tpu.memory_space<vmem>>, vector<1x16xf32>,
          %get3A_619 = vector.shape_cast %get3A_618 : vector<1x16xf32> to vector<16xf32>
          %mul3A_620 = arith.mulf %get3A_613, %get3A_619 : vector<16xf32>
          %add3A_621 = arith.addf %add3A_565, %mul3A_620 : vector<16xf32>
          %add3A_622 = arith.constant 0 : i32
          %add3A_623 = arith.addi %mul3A_178, %add3A_622 : i32
          %swap3A = arith.index_cast %add3A_623 : i32 to index
          %swap3A_624 = arith.constant 0 : index
          %swap3A_625 = tpu.vector_load %arg10[%swap3A, %swap3A_624] {strides = array<i32>} : memref<160x16xf32, #tpu.memory_space<vmem>>, vector<1x16xf32>,
          %swap3A_626 = vector.shape_cast %swap3A_625 : vector<1x16xf32> to vector<16xf32>
          %swap3A_627 = vector.shape_cast %add3A_579 : vector<16xf32> to vector<1x16xf32>
          tpu.vector_store %arg10[%swap3A, %swap3A_624], %swap3A_627 {strides = array<i32>} : memref<160x16xf32, #tpu.memory_space<vmem>>, vector<1x16xf32>,
          %add3A_628 = arith.constant 1 : i32
          %add3A_629 = arith.addi %mul3A_178, %add3A_628 : i32
          %swap3A_630 = arith.index_cast %add3A_629 : i32 to index
          %swap3A_631 = arith.constant 0 : index
          %swap3A_632 = tpu.vector_load %arg10[%swap3A_630, %swap3A_631] {strides = array<i32>} : memref<160x16xf32, #tpu.memory_space<vmem>>, vector<1x16xf32>,
          %swap3A_633 = vector.shape_cast %swap3A_632 : vector<1x16xf32> to vector<16xf32>
          %swap3A_634 = vector.shape_cast %add3A_593 : vector<16xf32> to vector<1x16xf32>
          tpu.vector_store %arg10[%swap3A_630, %swap3A_631], %swap3A_634 {strides = array<i32>} : memref<160x16xf32, #tpu.memory_space<vmem>>, vector<1x16xf32>,
          %add3A_635 = arith.constant 2 : i32
          %add3A_636 = arith.addi %mul3A_178, %add3A_635 : i32
          %swap3A_637 = arith.index_cast %add3A_636 : i32 to index
          %swap3A_638 = arith.constant 0 : index
          %swap3A_639 = tpu.vector_load %arg10[%swap3A_637, %swap3A_638] {strides = array<i32>} : memref<160x16xf32, #tpu.memory_space<vmem>>, vector<1x16xf32>,
          %swap3A_640 = vector.shape_cast %swap3A_639 : vector<1x16xf32> to vector<16xf32>
          %swap3A_641 = vector.shape_cast %add3A_607 : vector<16xf32> to vector<1x16xf32>
          tpu.vector_store %arg10[%swap3A_637, %swap3A_638], %swap3A_641 {strides = array<i32>} : memref<160x16xf32, #tpu.memory_space<vmem>>, vector<1x16xf32>,
          %add3A_642 = arith.constant 3 : i32
          %add3A_643 = arith.addi %mul3A_178, %add3A_642 : i32
          %swap3A_644 = arith.index_cast %add3A_643 : i32 to index
          %swap3A_645 = arith.constant 0 : index
          %swap3A_646 = tpu.vector_load %arg10[%swap3A_644, %swap3A_645] {strides = array<i32>} : memref<160x16xf32, #tpu.memory_space<vmem>>, vector<1x16xf32>,
          %swap3A_647 = vector.shape_cast %swap3A_646 : vector<1x16xf32> to vector<16xf32>
          %swap3A_648 = vector.shape_cast %add3A_621 : vector<16xf32> to vector<1x16xf32>
          tpu.vector_store %arg10[%swap3A_644, %swap3A_645], %swap3A_648 {strides = array<i32>} : memref<160x16xf32, #tpu.memory_space<vmem>>, vector<1x16xf32>,
          %scan3A_649 = arith.constant 0 : i32
          scf.yield %scan3A_649 : i32
        }
        %scan3A_166 = arith.constant 40 : i32
        %dma_start3A = arith.constant 0 : i32
        %dma_start3A_167 = tpu.memref_slice %arg5[%mul3A_144, %dma_start3A] : memref<200704x16xf32, #tpu.memory_space<hbm>> -> memref<160x16xf32, #tpu.memory_space<hbm>>
        %dma_start3A_168 = arith.constant 0 : i32
        %dma_start3A_169 = tpu.memref_slice %arg5[%mul3A_144, %dma_start3A_168] : memref<200704x16xf32, #tpu.memory_space<hbm>> -> memref<160x16xf32, #tpu.memory_space<hbm>>
        tpu.enqueue_dma source(%arg10 : memref<160x16xf32, #tpu.memory_space<vmem>>) target(%dma_start3A_169 : memref<160x16xf32, #tpu.memory_space<hbm>>) target_semaphore(%arg13 : memref<!tpu.dma_semaphore, #tpu.memory_space<semaphore_mem>>)
        %lt3A_170 = arith.constant 1250 : i32
        %lt3A_171 = arith.cmpi slt, %add3A_119, %lt3A_170 : i32
        %convert_element_type3A_172 = arith.extui %lt3A_171 : i1 to i32
        %cond3A_173 = arith.constant 0 : i32
        %cond3A_174 = arith.cmpi ne, %convert_element_type3A_172, %cond3A_173 : i32
        scf.if %cond3A_174 {
          %mul3A_175 = arith.constant 160 : i32
          %mul3A_176 = arith.muli %add3A_119, %mul3A_175 : i32
          %dma_wait3A_177 = tpu.memref_slice %arg3[%mul3A_176] : memref<200000xi32, #tpu.memory_space<hbm>> -> memref<160xi32, #tpu.memory_space<hbm>>
          %dma_wait3A_178 = tpu.memref_slice %arg3[%mul3A_176] : memref<200000xi32, #tpu.memory_space<hbm>> -> memref<160xi32, #tpu.memory_space<hbm>>
          tpu.wait_dma2 semaphore(%arg11 : memref<!tpu.dma_semaphore, #tpu.memory_space<semaphore_mem>>) src(%dma_wait3A_178 : memref<160xi32, #tpu.memory_space<hbm>>) dst(%arg6 : memref<160xi32, #tpu.memory_space<vmem>>)
          %dma_wait3A_179 = tpu.memref_slice %arg4[%mul3A_176] : memref<200000xi32, #tpu.memory_space<hbm>> -> memref<160xi32, #tpu.memory_space<hbm>>
          %dma_wait3A_180 = tpu.memref_slice %arg4[%mul3A_176] : memref<200000xi32, #tpu.memory_space<hbm>> -> memref<160xi32, #tpu.memory_space<hbm>>
          tpu.wait_dma2 semaphore(%arg12 : memref<!tpu.dma_semaphore, #tpu.memory_space<semaphore_mem>>) src(%dma_wait3A_180 : memref<160xi32, #tpu.memory_space<hbm>>) dst(%arg7 : memref<160xi32, #tpu.memory_space<vmem>>)
          %dma_start3A_181 = arith.constant 0 : i32
          %dma_start3A_182 = arith.constant 0 : i32
          %dma_start3A_183 = tpu.memref_slice %arg2[%dma_start3A_181, %dma_start3A_182] : memref<10240x128xf32, #tpu.memory_space<hbm>> -> memref<10240x128xf32, #tpu.memory_space<hbm>>
          tpu.enqueue_indirect_dma source(%dma_start3A_183 : memref<10240x128xf32, #tpu.memory_space<hbm>>) target(%arg8 : memref<160x128xf32, #tpu.memory_space<vmem>>) offsets(%arg6 : memref<160xi32, #tpu.memory_space<vmem>>) semaphore(%arg11 : memref<!tpu.dma_semaphore, #tpu.memory_space<semaphore_mem>>)
          %dma_start3A_184 = arith.constant 0 : i32
          %dma_start3A_185 = arith.constant 0 : i32
          %dma_start3A_186 = tpu.memref_slice %arg2[%dma_start3A_184, %dma_start3A_185] : memref<10240x128xf32, #tpu.memory_space<hbm>> -> memref<10240x128xf32, #tpu.memory_space<hbm>>
          tpu.enqueue_indirect_dma source(%dma_start3A_186 : memref<10240x128xf32, #tpu.memory_space<hbm>>) target(%arg9 : memref<160x128xf32, #tpu.memory_space<vmem>>) offsets(%arg7 : memref<160xi32, #tpu.memory_space<vmem>>) semaphore(%arg12 : memref<!tpu.dma_semaphore, #tpu.memory_space<semaphore_mem>>)
        } else {
        }
      } else {
      }
      %mul3A_125 = arith.constant 2 : i32
      %mul3A_126 = arith.muli %mul3A_125, %scan3A_106 : i32
      %add3A_127 = arith.constant 1 : i32
      %add3A_128 = arith.addi %mul3A_126, %add3A_127 : i32
      %mul3A_129 = arith.constant 32 : i32
      %mul3A_130 = arith.muli %add3A_128, %mul3A_129 : i32
      %add3A_131 = arith.addi %add3A, %mul3A_130 : i32
      %add3A_132 = arith.constant 2 : i32
      %add3A_133 = arith.addi %add3A_128, %add3A_132 : i32
      %mul3A_134 = arith.constant 32 : i32
      %mul3A_135 = arith.muli %add3A_133, %mul3A_134 : i32
      %add3A_136 = arith.addi %add3A, %mul3A_135 : i32
      %lt3A_137 = arith.constant 1250 : i32
      %lt3A_138 = arith.cmpi slt, %add3A_131, %lt3A_137 : i32
      %convert_element_type3A_139 = arith.extui %lt3A_138 : i1 to i32
      %cond3A_140 = arith.constant 0 : i32
      %cond3A_141 = arith.cmpi ne, %convert_element_type3A_139, %cond3A_140 : i32
      scf.if %cond3A_141 {
        %mul3A_143 = arith.constant 160 : i32
        %mul3A_144 = arith.muli %add3A_131, %mul3A_143 : i32
        %dma_wait3A_145 = arith.constant 0 : i32
        %dma_wait3A_146 = arith.constant 0 : i32
        %dma_wait3A_147 = tpu.memref_slice %arg2[%dma_wait3A_145, %dma_wait3A_146] : memref<10240x128xf32, #tpu.memory_space<hbm>> -> memref<10240x128xf32, #tpu.memory_space<hbm>>
        tpu.wait_indirect_dma semaphore(%arg19 : memref<!tpu.dma_semaphore, #tpu.memory_space<semaphore_mem>>) src(%dma_wait3A_147 : memref<10240x128xf32, #tpu.memory_space<hbm>>) dst(%arg16 : memref<160x128xf32, #tpu.memory_space<vmem>>)
        %dma_wait3A_148 = arith.constant 0 : i32
        %dma_wait3A_149 = arith.constant 0 : i32
        %dma_wait3A_150 = tpu.memref_slice %arg2[%dma_wait3A_148, %dma_wait3A_149] : memref<10240x128xf32, #tpu.memory_space<hbm>> -> memref<10240x128xf32, #tpu.memory_space<hbm>>
        tpu.wait_indirect_dma semaphore(%arg20 : memref<!tpu.dma_semaphore, #tpu.memory_space<semaphore_mem>>) src(%dma_wait3A_150 : memref<10240x128xf32, #tpu.memory_space<hbm>>) dst(%arg17 : memref<160x128xf32, #tpu.memory_space<vmem>>)
        %ge3A = arith.constant 2 : i32
        %ge3A_151 = arith.cmpi sge, %add3A_128, %ge3A : i32
        %convert_element_type3A_152 = arith.extui %ge3A_151 : i1 to i32
        %cond3A_153 = arith.constant 0 : i32
        %cond3A_154 = arith.cmpi ne, %convert_element_type3A_152, %cond3A_153 : i32
        scf.if %cond3A_154 {
          %sub3A_175 = arith.constant 64 : i32
          %sub3A_176 = arith.subi %add3A_131, %sub3A_175 : i32
          %mul3A_177 = arith.constant 160 : i32
          %mul3A_178 = arith.muli %sub3A_176, %mul3A_177 : i32
          %dma_wait3A_179 = arith.constant 0 : i32
          %dma_wait3A_180 = tpu.memref_slice %arg5[%mul3A_178, %dma_wait3A_179] : memref<200704x16xf32, #tpu.memory_space<hbm>> -> memref<160x16xf32, #tpu.memory_space<hbm>>
          %dma_wait3A_181 = arith.constant 0 : i32
          %dma_wait3A_182 = tpu.memref_slice %arg5[%mul3A_178, %dma_wait3A_181] : memref<200704x16xf32, #tpu.memory_space<hbm>> -> memref<160x16xf32, #tpu.memory_space<hbm>>
          tpu.wait_dma2 semaphore(%arg21 : memref<!tpu.dma_semaphore, #tpu.memory_space<semaphore_mem>>) src(%arg18 : memref<160x16xf32, #tpu.memory_space<vmem>>) dst(%dma_wait3A_182 : memref<160x16xf32, #tpu.memory_space<hbm>>)
        } else {
        }
        %lt3A_155 = arith.constant 1250 : i32
        %lt3A_156 = arith.cmpi slt, %add3A_136, %lt3A_155 : i32
        %convert_element_type3A_157 = arith.extui %lt3A_156 : i1 to i32
        %cond3A_158 = arith.constant 0 : i32
        %cond3A_159 = arith.cmpi ne, %convert_element_type3A_157, %cond3A_158 : i32
        scf.if %cond3A_159 {
          %mul3A_175 = arith.constant 160 : i32
          %mul3A_176 = arith.muli %add3A_136, %mul3A_175 : i32
          %dma_start3A_177 = tpu.memref_slice %arg3[%mul3A_176] : memref<200000xi32, #tpu.memory_space<hbm>> -> memref<160xi32, #tpu.memory_space<hbm>>
          %dma_start3A_178 = tpu.memref_slice %arg3[%mul3A_176] : memref<200000xi32, #tpu.memory_space<hbm>> -> memref<160xi32, #tpu.memory_space<hbm>>
          tpu.enqueue_dma source(%dma_start3A_178 : memref<160xi32, #tpu.memory_space<hbm>>) target(%arg14 : memref<160xi32, #tpu.memory_space<vmem>>) target_semaphore(%arg19 : memref<!tpu.dma_semaphore, #tpu.memory_space<semaphore_mem>>)
          %dma_start3A_179 = tpu.memref_slice %arg4[%mul3A_176] : memref<200000xi32, #tpu.memory_space<hbm>> -> memref<160xi32, #tpu.memory_space<hbm>>
          %dma_start3A_180 = tpu.memref_slice %arg4[%mul3A_176] : memref<200000xi32, #tpu.memory_space<hbm>> -> memref<160xi32, #tpu.memory_space<hbm>>
          tpu.enqueue_dma source(%dma_start3A_180 : memref<160xi32, #tpu.memory_space<hbm>>) target(%arg15 : memref<160xi32, #tpu.memory_space<vmem>>) target_semaphore(%arg20 : memref<!tpu.dma_semaphore, #tpu.memory_space<semaphore_mem>>)
        } else {
        }
        %scan3A_160 = arith.constant 0 : i32
        %scan3A_161 = arith.constant 0 : i32
        %scan3A_162 = arith.constant 40 : i32
        %scan3A_163 = arith.addi %scan3A_161, %scan3A_162 : i32
        %scan3A_164 = arith.constant 1 : i32
        %scan3A_165 = scf.for %scan3A_175 = %scan3A_161 to %scan3A_163 step %scan3A_164 iter_args(%scan3A_176 = %scan3A_160) -> (i32)  : i32 {
          %mul3A_177 = arith.constant 4 : i32
          %mul3A_178 = arith.muli %scan3A_175, %mul3A_177 : i32
          %add3A_179 = arith.constant 0 : i32
          %add3A_180 = arith.addi %mul3A_178, %add3A_179 : i32
          %get3A = arith.index_cast %add3A_180 : i32 to index
          %get3A_181 = arith.constant 0 : index
          %get3A_182 = tpu.vector_load %arg16[%get3A, %get3A_181] {strides = array<i32>} : memref<160x128xf32, #tpu.memory_space<vmem>>, vector<1x16xf32>,
          %get3A_183 = vector.shape_cast %get3A_182 : vector<1x16xf32> to vector<16xf32>
          %add3A_184 = arith.constant 0 : i32
          %add3A_185 = arith.addi %mul3A_178, %add3A_184 : i32
          %get3A_186 = arith.index_cast %add3A_185 : i32 to index
          %get3A_187 = arith.constant 0 : index
          %get3A_188 = tpu.vector_load %arg17[%get3A_186, %get3A_187] {strides = array<i32>} : memref<160x128xf32, #tpu.memory_space<vmem>>, vector<1x16xf32>,
          %get3A_189 = vector.shape_cast %get3A_188 : vector<1x16xf32> to vector<16xf32>
          %mul3A_190 = arith.mulf %get3A_183, %get3A_189 : vector<16xf32>
          %add3A_191 = arith.constant 1 : i32
          %add3A_192 = arith.addi %mul3A_178, %add3A_191 : i32
          %get3A_193 = arith.index_cast %add3A_192 : i32 to index
          %get3A_194 = arith.constant 0 : index
          %get3A_195 = tpu.vector_load %arg16[%get3A_193, %get3A_194] {strides = array<i32>} : memref<160x128xf32, #tpu.memory_space<vmem>>, vector<1x16xf32>,
          %get3A_196 = vector.shape_cast %get3A_195 : vector<1x16xf32> to vector<16xf32>
          %add3A_197 = arith.constant 1 : i32
          %add3A_198 = arith.addi %mul3A_178, %add3A_197 : i32
          %get3A_199 = arith.index_cast %add3A_198 : i32 to index
          %get3A_200 = arith.constant 0 : index
          %get3A_201 = tpu.vector_load %arg17[%get3A_199, %get3A_200] {strides = array<i32>} : memref<160x128xf32, #tpu.memory_space<vmem>>, vector<1x16xf32>,
          %get3A_202 = vector.shape_cast %get3A_201 : vector<1x16xf32> to vector<16xf32>
          %mul3A_203 = arith.mulf %get3A_196, %get3A_202 : vector<16xf32>
          %add3A_204 = arith.constant 2 : i32
          %add3A_205 = arith.addi %mul3A_178, %add3A_204 : i32
          %get3A_206 = arith.index_cast %add3A_205 : i32 to index
          %get3A_207 = arith.constant 0 : index
          %get3A_208 = tpu.vector_load %arg16[%get3A_206, %get3A_207] {strides = array<i32>} : memref<160x128xf32, #tpu.memory_space<vmem>>, vector<1x16xf32>,
          %get3A_209 = vector.shape_cast %get3A_208 : vector<1x16xf32> to vector<16xf32>
          %add3A_210 = arith.constant 2 : i32
          %add3A_211 = arith.addi %mul3A_178, %add3A_210 : i32
          %get3A_212 = arith.index_cast %add3A_211 : i32 to index
          %get3A_213 = arith.constant 0 : index
          %get3A_214 = tpu.vector_load %arg17[%get3A_212, %get3A_213] {strides = array<i32>} : memref<160x128xf32, #tpu.memory_space<vmem>>, vector<1x16xf32>,
          %get3A_215 = vector.shape_cast %get3A_214 : vector<1x16xf32> to vector<16xf32>
          %mul3A_216 = arith.mulf %get3A_209, %get3A_215 : vector<16xf32>
          %add3A_217 = arith.constant 3 : i32
          %add3A_218 = arith.addi %mul3A_178, %add3A_217 : i32
          %get3A_219 = arith.index_cast %add3A_218 : i32 to index
          %get3A_220 = arith.constant 0 : index
          %get3A_221 = tpu.vector_load %arg16[%get3A_219, %get3A_220] {strides = array<i32>} : memref<160x128xf32, #tpu.memory_space<vmem>>, vector<1x16xf32>,
          %get3A_222 = vector.shape_cast %get3A_221 : vector<1x16xf32> to vector<16xf32>
          %add3A_223 = arith.constant 3 : i32
          %add3A_224 = arith.addi %mul3A_178, %add3A_223 : i32
          %get3A_225 = arith.index_cast %add3A_224 : i32 to index
          %get3A_226 = arith.constant 0 : index
          %get3A_227 = tpu.vector_load %arg17[%get3A_225, %get3A_226] {strides = array<i32>} : memref<160x128xf32, #tpu.memory_space<vmem>>, vector<1x16xf32>,
          %get3A_228 = vector.shape_cast %get3A_227 : vector<1x16xf32> to vector<16xf32>
          %mul3A_229 = arith.mulf %get3A_222, %get3A_228 : vector<16xf32>
          %add3A_230 = arith.constant 0 : i32
          %add3A_231 = arith.addi %mul3A_178, %add3A_230 : i32
          %get3A_232 = arith.index_cast %add3A_231 : i32 to index
          %get3A_233 = arith.constant 16 : index
          %get3A_234 = tpu.vector_load %arg16[%get3A_232, %get3A_233] {strides = array<i32>} : memref<160x128xf32, #tpu.memory_space<vmem>>, vector<1x16xf32>,
          %get3A_235 = vector.shape_cast %get3A_234 : vector<1x16xf32> to vector<16xf32>
          %add3A_236 = arith.constant 0 : i32
          %add3A_237 = arith.addi %mul3A_178, %add3A_236 : i32
          %get3A_238 = arith.index_cast %add3A_237 : i32 to index
          %get3A_239 = arith.constant 16 : index
          %get3A_240 = tpu.vector_load %arg17[%get3A_238, %get3A_239] {strides = array<i32>} : memref<160x128xf32, #tpu.memory_space<vmem>>, vector<1x16xf32>,
          %get3A_241 = vector.shape_cast %get3A_240 : vector<1x16xf32> to vector<16xf32>
          %mul3A_242 = arith.mulf %get3A_235, %get3A_241 : vector<16xf32>
          %add3A_243 = arith.addf %mul3A_190, %mul3A_242 : vector<16xf32>
          %add3A_244 = arith.constant 1 : i32
          %add3A_245 = arith.addi %mul3A_178, %add3A_244 : i32
          %get3A_246 = arith.index_cast %add3A_245 : i32 to index
          %get3A_247 = arith.constant 16 : index
          %get3A_248 = tpu.vector_load %arg16[%get3A_246, %get3A_247] {strides = array<i32>} : memref<160x128xf32, #tpu.memory_space<vmem>>, vector<1x16xf32>,
          %get3A_249 = vector.shape_cast %get3A_248 : vector<1x16xf32> to vector<16xf32>
          %add3A_250 = arith.constant 1 : i32
          %add3A_251 = arith.addi %mul3A_178, %add3A_250 : i32
          %get3A_252 = arith.index_cast %add3A_251 : i32 to index
          %get3A_253 = arith.constant 16 : index
          %get3A_254 = tpu.vector_load %arg17[%get3A_252, %get3A_253] {strides = array<i32>} : memref<160x128xf32, #tpu.memory_space<vmem>>, vector<1x16xf32>,
          %get3A_255 = vector.shape_cast %get3A_254 : vector<1x16xf32> to vector<16xf32>
          %mul3A_256 = arith.mulf %get3A_249, %get3A_255 : vector<16xf32>
          %add3A_257 = arith.addf %mul3A_203, %mul3A_256 : vector<16xf32>
          %add3A_258 = arith.constant 2 : i32
          %add3A_259 = arith.addi %mul3A_178, %add3A_258 : i32
          %get3A_260 = arith.index_cast %add3A_259 : i32 to index
          %get3A_261 = arith.constant 16 : index
          %get3A_262 = tpu.vector_load %arg16[%get3A_260, %get3A_261] {strides = array<i32>} : memref<160x128xf32, #tpu.memory_space<vmem>>, vector<1x16xf32>,
          %get3A_263 = vector.shape_cast %get3A_262 : vector<1x16xf32> to vector<16xf32>
          %add3A_264 = arith.constant 2 : i32
          %add3A_265 = arith.addi %mul3A_178, %add3A_264 : i32
          %get3A_266 = arith.index_cast %add3A_265 : i32 to index
          %get3A_267 = arith.constant 16 : index
          %get3A_268 = tpu.vector_load %arg17[%get3A_266, %get3A_267] {strides = array<i32>} : memref<160x128xf32, #tpu.memory_space<vmem>>, vector<1x16xf32>,
          %get3A_269 = vector.shape_cast %get3A_268 : vector<1x16xf32> to vector<16xf32>
          %mul3A_270 = arith.mulf %get3A_263, %get3A_269 : vector<16xf32>
          %add3A_271 = arith.addf %mul3A_216, %mul3A_270 : vector<16xf32>
          %add3A_272 = arith.constant 3 : i32
          %add3A_273 = arith.addi %mul3A_178, %add3A_272 : i32
          %get3A_274 = arith.index_cast %add3A_273 : i32 to index
          %get3A_275 = arith.constant 16 : index
          %get3A_276 = tpu.vector_load %arg16[%get3A_274, %get3A_275] {strides = array<i32>} : memref<160x128xf32, #tpu.memory_space<vmem>>, vector<1x16xf32>,
          %get3A_277 = vector.shape_cast %get3A_276 : vector<1x16xf32> to vector<16xf32>
          %add3A_278 = arith.constant 3 : i32
          %add3A_279 = arith.addi %mul3A_178, %add3A_278 : i32
          %get3A_280 = arith.index_cast %add3A_279 : i32 to index
          %get3A_281 = arith.constant 16 : index
          %get3A_282 = tpu.vector_load %arg17[%get3A_280, %get3A_281] {strides = array<i32>} : memref<160x128xf32, #tpu.memory_space<vmem>>, vector<1x16xf32>,
          %get3A_283 = vector.shape_cast %get3A_282 : vector<1x16xf32> to vector<16xf32>
          %mul3A_284 = arith.mulf %get3A_277, %get3A_283 : vector<16xf32>
          %add3A_285 = arith.addf %mul3A_229, %mul3A_284 : vector<16xf32>
          %add3A_286 = arith.constant 0 : i32
          %add3A_287 = arith.addi %mul3A_178, %add3A_286 : i32
          %get3A_288 = arith.index_cast %add3A_287 : i32 to index
          %get3A_289 = arith.constant 32 : index
          %get3A_290 = tpu.vector_load %arg16[%get3A_288, %get3A_289] {strides = array<i32>} : memref<160x128xf32, #tpu.memory_space<vmem>>, vector<1x16xf32>,
          %get3A_291 = vector.shape_cast %get3A_290 : vector<1x16xf32> to vector<16xf32>
          %add3A_292 = arith.constant 0 : i32
          %add3A_293 = arith.addi %mul3A_178, %add3A_292 : i32
          %get3A_294 = arith.index_cast %add3A_293 : i32 to index
          %get3A_295 = arith.constant 32 : index
          %get3A_296 = tpu.vector_load %arg17[%get3A_294, %get3A_295] {strides = array<i32>} : memref<160x128xf32, #tpu.memory_space<vmem>>, vector<1x16xf32>,
          %get3A_297 = vector.shape_cast %get3A_296 : vector<1x16xf32> to vector<16xf32>
          %mul3A_298 = arith.mulf %get3A_291, %get3A_297 : vector<16xf32>
          %add3A_299 = arith.addf %add3A_243, %mul3A_298 : vector<16xf32>
          %add3A_300 = arith.constant 1 : i32
          %add3A_301 = arith.addi %mul3A_178, %add3A_300 : i32
          %get3A_302 = arith.index_cast %add3A_301 : i32 to index
          %get3A_303 = arith.constant 32 : index
          %get3A_304 = tpu.vector_load %arg16[%get3A_302, %get3A_303] {strides = array<i32>} : memref<160x128xf32, #tpu.memory_space<vmem>>, vector<1x16xf32>,
          %get3A_305 = vector.shape_cast %get3A_304 : vector<1x16xf32> to vector<16xf32>
          %add3A_306 = arith.constant 1 : i32
          %add3A_307 = arith.addi %mul3A_178, %add3A_306 : i32
          %get3A_308 = arith.index_cast %add3A_307 : i32 to index
          %get3A_309 = arith.constant 32 : index
          %get3A_310 = tpu.vector_load %arg17[%get3A_308, %get3A_309] {strides = array<i32>} : memref<160x128xf32, #tpu.memory_space<vmem>>, vector<1x16xf32>,
          %get3A_311 = vector.shape_cast %get3A_310 : vector<1x16xf32> to vector<16xf32>
          %mul3A_312 = arith.mulf %get3A_305, %get3A_311 : vector<16xf32>
          %add3A_313 = arith.addf %add3A_257, %mul3A_312 : vector<16xf32>
          %add3A_314 = arith.constant 2 : i32
          %add3A_315 = arith.addi %mul3A_178, %add3A_314 : i32
          %get3A_316 = arith.index_cast %add3A_315 : i32 to index
          %get3A_317 = arith.constant 32 : index
          %get3A_318 = tpu.vector_load %arg16[%get3A_316, %get3A_317] {strides = array<i32>} : memref<160x128xf32, #tpu.memory_space<vmem>>, vector<1x16xf32>,
          %get3A_319 = vector.shape_cast %get3A_318 : vector<1x16xf32> to vector<16xf32>
          %add3A_320 = arith.constant 2 : i32
          %add3A_321 = arith.addi %mul3A_178, %add3A_320 : i32
          %get3A_322 = arith.index_cast %add3A_321 : i32 to index
          %get3A_323 = arith.constant 32 : index
          %get3A_324 = tpu.vector_load %arg17[%get3A_322, %get3A_323] {strides = array<i32>} : memref<160x128xf32, #tpu.memory_space<vmem>>, vector<1x16xf32>,
          %get3A_325 = vector.shape_cast %get3A_324 : vector<1x16xf32> to vector<16xf32>
          %mul3A_326 = arith.mulf %get3A_319, %get3A_325 : vector<16xf32>
          %add3A_327 = arith.addf %add3A_271, %mul3A_326 : vector<16xf32>
          %add3A_328 = arith.constant 3 : i32
          %add3A_329 = arith.addi %mul3A_178, %add3A_328 : i32
          %get3A_330 = arith.index_cast %add3A_329 : i32 to index
          %get3A_331 = arith.constant 32 : index
          %get3A_332 = tpu.vector_load %arg16[%get3A_330, %get3A_331] {strides = array<i32>} : memref<160x128xf32, #tpu.memory_space<vmem>>, vector<1x16xf32>,
          %get3A_333 = vector.shape_cast %get3A_332 : vector<1x16xf32> to vector<16xf32>
          %add3A_334 = arith.constant 3 : i32
          %add3A_335 = arith.addi %mul3A_178, %add3A_334 : i32
          %get3A_336 = arith.index_cast %add3A_335 : i32 to index
          %get3A_337 = arith.constant 32 : index
          %get3A_338 = tpu.vector_load %arg17[%get3A_336, %get3A_337] {strides = array<i32>} : memref<160x128xf32, #tpu.memory_space<vmem>>, vector<1x16xf32>,
          %get3A_339 = vector.shape_cast %get3A_338 : vector<1x16xf32> to vector<16xf32>
          %mul3A_340 = arith.mulf %get3A_333, %get3A_339 : vector<16xf32>
          %add3A_341 = arith.addf %add3A_285, %mul3A_340 : vector<16xf32>
          %add3A_342 = arith.constant 0 : i32
          %add3A_343 = arith.addi %mul3A_178, %add3A_342 : i32
          %get3A_344 = arith.index_cast %add3A_343 : i32 to index
          %get3A_345 = arith.constant 48 : index
          %get3A_346 = tpu.vector_load %arg16[%get3A_344, %get3A_345] {strides = array<i32>} : memref<160x128xf32, #tpu.memory_space<vmem>>, vector<1x16xf32>,
          %get3A_347 = vector.shape_cast %get3A_346 : vector<1x16xf32> to vector<16xf32>
          %add3A_348 = arith.constant 0 : i32
          %add3A_349 = arith.addi %mul3A_178, %add3A_348 : i32
          %get3A_350 = arith.index_cast %add3A_349 : i32 to index
          %get3A_351 = arith.constant 48 : index
          %get3A_352 = tpu.vector_load %arg17[%get3A_350, %get3A_351] {strides = array<i32>} : memref<160x128xf32, #tpu.memory_space<vmem>>, vector<1x16xf32>,
          %get3A_353 = vector.shape_cast %get3A_352 : vector<1x16xf32> to vector<16xf32>
          %mul3A_354 = arith.mulf %get3A_347, %get3A_353 : vector<16xf32>
          %add3A_355 = arith.addf %add3A_299, %mul3A_354 : vector<16xf32>
          %add3A_356 = arith.constant 1 : i32
          %add3A_357 = arith.addi %mul3A_178, %add3A_356 : i32
          %get3A_358 = arith.index_cast %add3A_357 : i32 to index
          %get3A_359 = arith.constant 48 : index
          %get3A_360 = tpu.vector_load %arg16[%get3A_358, %get3A_359] {strides = array<i32>} : memref<160x128xf32, #tpu.memory_space<vmem>>, vector<1x16xf32>,
          %get3A_361 = vector.shape_cast %get3A_360 : vector<1x16xf32> to vector<16xf32>
          %add3A_362 = arith.constant 1 : i32
          %add3A_363 = arith.addi %mul3A_178, %add3A_362 : i32
          %get3A_364 = arith.index_cast %add3A_363 : i32 to index
          %get3A_365 = arith.constant 48 : index
          %get3A_366 = tpu.vector_load %arg17[%get3A_364, %get3A_365] {strides = array<i32>} : memref<160x128xf32, #tpu.memory_space<vmem>>, vector<1x16xf32>,
          %get3A_367 = vector.shape_cast %get3A_366 : vector<1x16xf32> to vector<16xf32>
          %mul3A_368 = arith.mulf %get3A_361, %get3A_367 : vector<16xf32>
          %add3A_369 = arith.addf %add3A_313, %mul3A_368 : vector<16xf32>
          %add3A_370 = arith.constant 2 : i32
          %add3A_371 = arith.addi %mul3A_178, %add3A_370 : i32
          %get3A_372 = arith.index_cast %add3A_371 : i32 to index
          %get3A_373 = arith.constant 48 : index
          %get3A_374 = tpu.vector_load %arg16[%get3A_372, %get3A_373] {strides = array<i32>} : memref<160x128xf32, #tpu.memory_space<vmem>>, vector<1x16xf32>,
          %get3A_375 = vector.shape_cast %get3A_374 : vector<1x16xf32> to vector<16xf32>
          %add3A_376 = arith.constant 2 : i32
          %add3A_377 = arith.addi %mul3A_178, %add3A_376 : i32
          %get3A_378 = arith.index_cast %add3A_377 : i32 to index
          %get3A_379 = arith.constant 48 : index
          %get3A_380 = tpu.vector_load %arg17[%get3A_378, %get3A_379] {strides = array<i32>} : memref<160x128xf32, #tpu.memory_space<vmem>>, vector<1x16xf32>,
          %get3A_381 = vector.shape_cast %get3A_380 : vector<1x16xf32> to vector<16xf32>
          %mul3A_382 = arith.mulf %get3A_375, %get3A_381 : vector<16xf32>
          %add3A_383 = arith.addf %add3A_327, %mul3A_382 : vector<16xf32>
          %add3A_384 = arith.constant 3 : i32
          %add3A_385 = arith.addi %mul3A_178, %add3A_384 : i32
          %get3A_386 = arith.index_cast %add3A_385 : i32 to index
          %get3A_387 = arith.constant 48 : index
          %get3A_388 = tpu.vector_load %arg16[%get3A_386, %get3A_387] {strides = array<i32>} : memref<160x128xf32, #tpu.memory_space<vmem>>, vector<1x16xf32>,
          %get3A_389 = vector.shape_cast %get3A_388 : vector<1x16xf32> to vector<16xf32>
          %add3A_390 = arith.constant 3 : i32
          %add3A_391 = arith.addi %mul3A_178, %add3A_390 : i32
          %get3A_392 = arith.index_cast %add3A_391 : i32 to index
          %get3A_393 = arith.constant 48 : index
          %get3A_394 = tpu.vector_load %arg17[%get3A_392, %get3A_393] {strides = array<i32>} : memref<160x128xf32, #tpu.memory_space<vmem>>, vector<1x16xf32>,
          %get3A_395 = vector.shape_cast %get3A_394 : vector<1x16xf32> to vector<16xf32>
          %mul3A_396 = arith.mulf %get3A_389, %get3A_395 : vector<16xf32>
          %add3A_397 = arith.addf %add3A_341, %mul3A_396 : vector<16xf32>
          %add3A_398 = arith.constant 0 : i32
          %add3A_399 = arith.addi %mul3A_178, %add3A_398 : i32
          %get3A_400 = arith.index_cast %add3A_399 : i32 to index
          %get3A_401 = arith.constant 64 : index
          %get3A_402 = tpu.vector_load %arg16[%get3A_400, %get3A_401] {strides = array<i32>} : memref<160x128xf32, #tpu.memory_space<vmem>>, vector<1x16xf32>,
          %get3A_403 = vector.shape_cast %get3A_402 : vector<1x16xf32> to vector<16xf32>
          %add3A_404 = arith.constant 0 : i32
          %add3A_405 = arith.addi %mul3A_178, %add3A_404 : i32
          %get3A_406 = arith.index_cast %add3A_405 : i32 to index
          %get3A_407 = arith.constant 64 : index
          %get3A_408 = tpu.vector_load %arg17[%get3A_406, %get3A_407] {strides = array<i32>} : memref<160x128xf32, #tpu.memory_space<vmem>>, vector<1x16xf32>,
          %get3A_409 = vector.shape_cast %get3A_408 : vector<1x16xf32> to vector<16xf32>
          %mul3A_410 = arith.mulf %get3A_403, %get3A_409 : vector<16xf32>
          %add3A_411 = arith.addf %add3A_355, %mul3A_410 : vector<16xf32>
          %add3A_412 = arith.constant 1 : i32
          %add3A_413 = arith.addi %mul3A_178, %add3A_412 : i32
          %get3A_414 = arith.index_cast %add3A_413 : i32 to index
          %get3A_415 = arith.constant 64 : index
          %get3A_416 = tpu.vector_load %arg16[%get3A_414, %get3A_415] {strides = array<i32>} : memref<160x128xf32, #tpu.memory_space<vmem>>, vector<1x16xf32>,
          %get3A_417 = vector.shape_cast %get3A_416 : vector<1x16xf32> to vector<16xf32>
          %add3A_418 = arith.constant 1 : i32
          %add3A_419 = arith.addi %mul3A_178, %add3A_418 : i32
          %get3A_420 = arith.index_cast %add3A_419 : i32 to index
          %get3A_421 = arith.constant 64 : index
          %get3A_422 = tpu.vector_load %arg17[%get3A_420, %get3A_421] {strides = array<i32>} : memref<160x128xf32, #tpu.memory_space<vmem>>, vector<1x16xf32>,
          %get3A_423 = vector.shape_cast %get3A_422 : vector<1x16xf32> to vector<16xf32>
          %mul3A_424 = arith.mulf %get3A_417, %get3A_423 : vector<16xf32>
          %add3A_425 = arith.addf %add3A_369, %mul3A_424 : vector<16xf32>
          %add3A_426 = arith.constant 2 : i32
          %add3A_427 = arith.addi %mul3A_178, %add3A_426 : i32
          %get3A_428 = arith.index_cast %add3A_427 : i32 to index
          %get3A_429 = arith.constant 64 : index
          %get3A_430 = tpu.vector_load %arg16[%get3A_428, %get3A_429] {strides = array<i32>} : memref<160x128xf32, #tpu.memory_space<vmem>>, vector<1x16xf32>,
          %get3A_431 = vector.shape_cast %get3A_430 : vector<1x16xf32> to vector<16xf32>
          %add3A_432 = arith.constant 2 : i32
          %add3A_433 = arith.addi %mul3A_178, %add3A_432 : i32
          %get3A_434 = arith.index_cast %add3A_433 : i32 to index
          %get3A_435 = arith.constant 64 : index
          %get3A_436 = tpu.vector_load %arg17[%get3A_434, %get3A_435] {strides = array<i32>} : memref<160x128xf32, #tpu.memory_space<vmem>>, vector<1x16xf32>,
          %get3A_437 = vector.shape_cast %get3A_436 : vector<1x16xf32> to vector<16xf32>
          %mul3A_438 = arith.mulf %get3A_431, %get3A_437 : vector<16xf32>
          %add3A_439 = arith.addf %add3A_383, %mul3A_438 : vector<16xf32>
          %add3A_440 = arith.constant 3 : i32
          %add3A_441 = arith.addi %mul3A_178, %add3A_440 : i32
          %get3A_442 = arith.index_cast %add3A_441 : i32 to index
          %get3A_443 = arith.constant 64 : index
          %get3A_444 = tpu.vector_load %arg16[%get3A_442, %get3A_443] {strides = array<i32>} : memref<160x128xf32, #tpu.memory_space<vmem>>, vector<1x16xf32>,
          %get3A_445 = vector.shape_cast %get3A_444 : vector<1x16xf32> to vector<16xf32>
          %add3A_446 = arith.constant 3 : i32
          %add3A_447 = arith.addi %mul3A_178, %add3A_446 : i32
          %get3A_448 = arith.index_cast %add3A_447 : i32 to index
          %get3A_449 = arith.constant 64 : index
          %get3A_450 = tpu.vector_load %arg17[%get3A_448, %get3A_449] {strides = array<i32>} : memref<160x128xf32, #tpu.memory_space<vmem>>, vector<1x16xf32>,
          %get3A_451 = vector.shape_cast %get3A_450 : vector<1x16xf32> to vector<16xf32>
          %mul3A_452 = arith.mulf %get3A_445, %get3A_451 : vector<16xf32>
          %add3A_453 = arith.addf %add3A_397, %mul3A_452 : vector<16xf32>
          %add3A_454 = arith.constant 0 : i32
          %add3A_455 = arith.addi %mul3A_178, %add3A_454 : i32
          %get3A_456 = arith.index_cast %add3A_455 : i32 to index
          %get3A_457 = arith.constant 80 : index
          %get3A_458 = tpu.vector_load %arg16[%get3A_456, %get3A_457] {strides = array<i32>} : memref<160x128xf32, #tpu.memory_space<vmem>>, vector<1x16xf32>,
          %get3A_459 = vector.shape_cast %get3A_458 : vector<1x16xf32> to vector<16xf32>
          %add3A_460 = arith.constant 0 : i32
          %add3A_461 = arith.addi %mul3A_178, %add3A_460 : i32
          %get3A_462 = arith.index_cast %add3A_461 : i32 to index
          %get3A_463 = arith.constant 80 : index
          %get3A_464 = tpu.vector_load %arg17[%get3A_462, %get3A_463] {strides = array<i32>} : memref<160x128xf32, #tpu.memory_space<vmem>>, vector<1x16xf32>,
          %get3A_465 = vector.shape_cast %get3A_464 : vector<1x16xf32> to vector<16xf32>
          %mul3A_466 = arith.mulf %get3A_459, %get3A_465 : vector<16xf32>
          %add3A_467 = arith.addf %add3A_411, %mul3A_466 : vector<16xf32>
          %add3A_468 = arith.constant 1 : i32
          %add3A_469 = arith.addi %mul3A_178, %add3A_468 : i32
          %get3A_470 = arith.index_cast %add3A_469 : i32 to index
          %get3A_471 = arith.constant 80 : index
          %get3A_472 = tpu.vector_load %arg16[%get3A_470, %get3A_471] {strides = array<i32>} : memref<160x128xf32, #tpu.memory_space<vmem>>, vector<1x16xf32>,
          %get3A_473 = vector.shape_cast %get3A_472 : vector<1x16xf32> to vector<16xf32>
          %add3A_474 = arith.constant 1 : i32
          %add3A_475 = arith.addi %mul3A_178, %add3A_474 : i32
          %get3A_476 = arith.index_cast %add3A_475 : i32 to index
          %get3A_477 = arith.constant 80 : index
          %get3A_478 = tpu.vector_load %arg17[%get3A_476, %get3A_477] {strides = array<i32>} : memref<160x128xf32, #tpu.memory_space<vmem>>, vector<1x16xf32>,
          %get3A_479 = vector.shape_cast %get3A_478 : vector<1x16xf32> to vector<16xf32>
          %mul3A_480 = arith.mulf %get3A_473, %get3A_479 : vector<16xf32>
          %add3A_481 = arith.addf %add3A_425, %mul3A_480 : vector<16xf32>
          %add3A_482 = arith.constant 2 : i32
          %add3A_483 = arith.addi %mul3A_178, %add3A_482 : i32
          %get3A_484 = arith.index_cast %add3A_483 : i32 to index
          %get3A_485 = arith.constant 80 : index
          %get3A_486 = tpu.vector_load %arg16[%get3A_484, %get3A_485] {strides = array<i32>} : memref<160x128xf32, #tpu.memory_space<vmem>>, vector<1x16xf32>,
          %get3A_487 = vector.shape_cast %get3A_486 : vector<1x16xf32> to vector<16xf32>
          %add3A_488 = arith.constant 2 : i32
          %add3A_489 = arith.addi %mul3A_178, %add3A_488 : i32
          %get3A_490 = arith.index_cast %add3A_489 : i32 to index
          %get3A_491 = arith.constant 80 : index
          %get3A_492 = tpu.vector_load %arg17[%get3A_490, %get3A_491] {strides = array<i32>} : memref<160x128xf32, #tpu.memory_space<vmem>>, vector<1x16xf32>,
          %get3A_493 = vector.shape_cast %get3A_492 : vector<1x16xf32> to vector<16xf32>
          %mul3A_494 = arith.mulf %get3A_487, %get3A_493 : vector<16xf32>
          %add3A_495 = arith.addf %add3A_439, %mul3A_494 : vector<16xf32>
          %add3A_496 = arith.constant 3 : i32
          %add3A_497 = arith.addi %mul3A_178, %add3A_496 : i32
          %get3A_498 = arith.index_cast %add3A_497 : i32 to index
          %get3A_499 = arith.constant 80 : index
          %get3A_500 = tpu.vector_load %arg16[%get3A_498, %get3A_499] {strides = array<i32>} : memref<160x128xf32, #tpu.memory_space<vmem>>, vector<1x16xf32>,
          %get3A_501 = vector.shape_cast %get3A_500 : vector<1x16xf32> to vector<16xf32>
          %add3A_502 = arith.constant 3 : i32
          %add3A_503 = arith.addi %mul3A_178, %add3A_502 : i32
          %get3A_504 = arith.index_cast %add3A_503 : i32 to index
          %get3A_505 = arith.constant 80 : index
          %get3A_506 = tpu.vector_load %arg17[%get3A_504, %get3A_505] {strides = array<i32>} : memref<160x128xf32, #tpu.memory_space<vmem>>, vector<1x16xf32>,
          %get3A_507 = vector.shape_cast %get3A_506 : vector<1x16xf32> to vector<16xf32>
          %mul3A_508 = arith.mulf %get3A_501, %get3A_507 : vector<16xf32>
          %add3A_509 = arith.addf %add3A_453, %mul3A_508 : vector<16xf32>
          %add3A_510 = arith.constant 0 : i32
          %add3A_511 = arith.addi %mul3A_178, %add3A_510 : i32
          %get3A_512 = arith.index_cast %add3A_511 : i32 to index
          %get3A_513 = arith.constant 96 : index
          %get3A_514 = tpu.vector_load %arg16[%get3A_512, %get3A_513] {strides = array<i32>} : memref<160x128xf32, #tpu.memory_space<vmem>>, vector<1x16xf32>,
          %get3A_515 = vector.shape_cast %get3A_514 : vector<1x16xf32> to vector<16xf32>
          %add3A_516 = arith.constant 0 : i32
          %add3A_517 = arith.addi %mul3A_178, %add3A_516 : i32
          %get3A_518 = arith.index_cast %add3A_517 : i32 to index
          %get3A_519 = arith.constant 96 : index
          %get3A_520 = tpu.vector_load %arg17[%get3A_518, %get3A_519] {strides = array<i32>} : memref<160x128xf32, #tpu.memory_space<vmem>>, vector<1x16xf32>,
          %get3A_521 = vector.shape_cast %get3A_520 : vector<1x16xf32> to vector<16xf32>
          %mul3A_522 = arith.mulf %get3A_515, %get3A_521 : vector<16xf32>
          %add3A_523 = arith.addf %add3A_467, %mul3A_522 : vector<16xf32>
          %add3A_524 = arith.constant 1 : i32
          %add3A_525 = arith.addi %mul3A_178, %add3A_524 : i32
          %get3A_526 = arith.index_cast %add3A_525 : i32 to index
          %get3A_527 = arith.constant 96 : index
          %get3A_528 = tpu.vector_load %arg16[%get3A_526, %get3A_527] {strides = array<i32>} : memref<160x128xf32, #tpu.memory_space<vmem>>, vector<1x16xf32>,
          %get3A_529 = vector.shape_cast %get3A_528 : vector<1x16xf32> to vector<16xf32>
          %add3A_530 = arith.constant 1 : i32
          %add3A_531 = arith.addi %mul3A_178, %add3A_530 : i32
          %get3A_532 = arith.index_cast %add3A_531 : i32 to index
          %get3A_533 = arith.constant 96 : index
          %get3A_534 = tpu.vector_load %arg17[%get3A_532, %get3A_533] {strides = array<i32>} : memref<160x128xf32, #tpu.memory_space<vmem>>, vector<1x16xf32>,
          %get3A_535 = vector.shape_cast %get3A_534 : vector<1x16xf32> to vector<16xf32>
          %mul3A_536 = arith.mulf %get3A_529, %get3A_535 : vector<16xf32>
          %add3A_537 = arith.addf %add3A_481, %mul3A_536 : vector<16xf32>
          %add3A_538 = arith.constant 2 : i32
          %add3A_539 = arith.addi %mul3A_178, %add3A_538 : i32
          %get3A_540 = arith.index_cast %add3A_539 : i32 to index
          %get3A_541 = arith.constant 96 : index
          %get3A_542 = tpu.vector_load %arg16[%get3A_540, %get3A_541] {strides = array<i32>} : memref<160x128xf32, #tpu.memory_space<vmem>>, vector<1x16xf32>,
          %get3A_543 = vector.shape_cast %get3A_542 : vector<1x16xf32> to vector<16xf32>
          %add3A_544 = arith.constant 2 : i32
          %add3A_545 = arith.addi %mul3A_178, %add3A_544 : i32
          %get3A_546 = arith.index_cast %add3A_545 : i32 to index
          %get3A_547 = arith.constant 96 : index
          %get3A_548 = tpu.vector_load %arg17[%get3A_546, %get3A_547] {strides = array<i32>} : memref<160x128xf32, #tpu.memory_space<vmem>>, vector<1x16xf32>,
          %get3A_549 = vector.shape_cast %get3A_548 : vector<1x16xf32> to vector<16xf32>
          %mul3A_550 = arith.mulf %get3A_543, %get3A_549 : vector<16xf32>
          %add3A_551 = arith.addf %add3A_495, %mul3A_550 : vector<16xf32>
          %add3A_552 = arith.constant 3 : i32
          %add3A_553 = arith.addi %mul3A_178, %add3A_552 : i32
          %get3A_554 = arith.index_cast %add3A_553 : i32 to index
          %get3A_555 = arith.constant 96 : index
          %get3A_556 = tpu.vector_load %arg16[%get3A_554, %get3A_555] {strides = array<i32>} : memref<160x128xf32, #tpu.memory_space<vmem>>, vector<1x16xf32>,
          %get3A_557 = vector.shape_cast %get3A_556 : vector<1x16xf32> to vector<16xf32>
          %add3A_558 = arith.constant 3 : i32
          %add3A_559 = arith.addi %mul3A_178, %add3A_558 : i32
          %get3A_560 = arith.index_cast %add3A_559 : i32 to index
          %get3A_561 = arith.constant 96 : index
          %get3A_562 = tpu.vector_load %arg17[%get3A_560, %get3A_561] {strides = array<i32>} : memref<160x128xf32, #tpu.memory_space<vmem>>, vector<1x16xf32>,
          %get3A_563 = vector.shape_cast %get3A_562 : vector<1x16xf32> to vector<16xf32>
          %mul3A_564 = arith.mulf %get3A_557, %get3A_563 : vector<16xf32>
          %add3A_565 = arith.addf %add3A_509, %mul3A_564 : vector<16xf32>
          %add3A_566 = arith.constant 0 : i32
          %add3A_567 = arith.addi %mul3A_178, %add3A_566 : i32
          %get3A_568 = arith.index_cast %add3A_567 : i32 to index
          %get3A_569 = arith.constant 112 : index
          %get3A_570 = tpu.vector_load %arg16[%get3A_568, %get3A_569] {strides = array<i32>} : memref<160x128xf32, #tpu.memory_space<vmem>>, vector<1x16xf32>,
          %get3A_571 = vector.shape_cast %get3A_570 : vector<1x16xf32> to vector<16xf32>
          %add3A_572 = arith.constant 0 : i32
          %add3A_573 = arith.addi %mul3A_178, %add3A_572 : i32
          %get3A_574 = arith.index_cast %add3A_573 : i32 to index
          %get3A_575 = arith.constant 112 : index
          %get3A_576 = tpu.vector_load %arg17[%get3A_574, %get3A_575] {strides = array<i32>} : memref<160x128xf32, #tpu.memory_space<vmem>>, vector<1x16xf32>,
          %get3A_577 = vector.shape_cast %get3A_576 : vector<1x16xf32> to vector<16xf32>
          %mul3A_578 = arith.mulf %get3A_571, %get3A_577 : vector<16xf32>
          %add3A_579 = arith.addf %add3A_523, %mul3A_578 : vector<16xf32>
          %add3A_580 = arith.constant 1 : i32
          %add3A_581 = arith.addi %mul3A_178, %add3A_580 : i32
          %get3A_582 = arith.index_cast %add3A_581 : i32 to index
          %get3A_583 = arith.constant 112 : index
          %get3A_584 = tpu.vector_load %arg16[%get3A_582, %get3A_583] {strides = array<i32>} : memref<160x128xf32, #tpu.memory_space<vmem>>, vector<1x16xf32>,
          %get3A_585 = vector.shape_cast %get3A_584 : vector<1x16xf32> to vector<16xf32>
          %add3A_586 = arith.constant 1 : i32
          %add3A_587 = arith.addi %mul3A_178, %add3A_586 : i32
          %get3A_588 = arith.index_cast %add3A_587 : i32 to index
          %get3A_589 = arith.constant 112 : index
          %get3A_590 = tpu.vector_load %arg17[%get3A_588, %get3A_589] {strides = array<i32>} : memref<160x128xf32, #tpu.memory_space<vmem>>, vector<1x16xf32>,
          %get3A_591 = vector.shape_cast %get3A_590 : vector<1x16xf32> to vector<16xf32>
          %mul3A_592 = arith.mulf %get3A_585, %get3A_591 : vector<16xf32>
          %add3A_593 = arith.addf %add3A_537, %mul3A_592 : vector<16xf32>
          %add3A_594 = arith.constant 2 : i32
          %add3A_595 = arith.addi %mul3A_178, %add3A_594 : i32
          %get3A_596 = arith.index_cast %add3A_595 : i32 to index
          %get3A_597 = arith.constant 112 : index
          %get3A_598 = tpu.vector_load %arg16[%get3A_596, %get3A_597] {strides = array<i32>} : memref<160x128xf32, #tpu.memory_space<vmem>>, vector<1x16xf32>,
          %get3A_599 = vector.shape_cast %get3A_598 : vector<1x16xf32> to vector<16xf32>
          %add3A_600 = arith.constant 2 : i32
          %add3A_601 = arith.addi %mul3A_178, %add3A_600 : i32
          %get3A_602 = arith.index_cast %add3A_601 : i32 to index
          %get3A_603 = arith.constant 112 : index
          %get3A_604 = tpu.vector_load %arg17[%get3A_602, %get3A_603] {strides = array<i32>} : memref<160x128xf32, #tpu.memory_space<vmem>>, vector<1x16xf32>,
          %get3A_605 = vector.shape_cast %get3A_604 : vector<1x16xf32> to vector<16xf32>
          %mul3A_606 = arith.mulf %get3A_599, %get3A_605 : vector<16xf32>
          %add3A_607 = arith.addf %add3A_551, %mul3A_606 : vector<16xf32>
          %add3A_608 = arith.constant 3 : i32
          %add3A_609 = arith.addi %mul3A_178, %add3A_608 : i32
          %get3A_610 = arith.index_cast %add3A_609 : i32 to index
          %get3A_611 = arith.constant 112 : index
          %get3A_612 = tpu.vector_load %arg16[%get3A_610, %get3A_611] {strides = array<i32>} : memref<160x128xf32, #tpu.memory_space<vmem>>, vector<1x16xf32>,
          %get3A_613 = vector.shape_cast %get3A_612 : vector<1x16xf32> to vector<16xf32>
          %add3A_614 = arith.constant 3 : i32
          %add3A_615 = arith.addi %mul3A_178, %add3A_614 : i32
          %get3A_616 = arith.index_cast %add3A_615 : i32 to index
          %get3A_617 = arith.constant 112 : index
          %get3A_618 = tpu.vector_load %arg17[%get3A_616, %get3A_617] {strides = array<i32>} : memref<160x128xf32, #tpu.memory_space<vmem>>, vector<1x16xf32>,
          %get3A_619 = vector.shape_cast %get3A_618 : vector<1x16xf32> to vector<16xf32>
          %mul3A_620 = arith.mulf %get3A_613, %get3A_619 : vector<16xf32>
          %add3A_621 = arith.addf %add3A_565, %mul3A_620 : vector<16xf32>
          %add3A_622 = arith.constant 0 : i32
          %add3A_623 = arith.addi %mul3A_178, %add3A_622 : i32
          %swap3A = arith.index_cast %add3A_623 : i32 to index
          %swap3A_624 = arith.constant 0 : index
          %swap3A_625 = tpu.vector_load %arg18[%swap3A, %swap3A_624] {strides = array<i32>} : memref<160x16xf32, #tpu.memory_space<vmem>>, vector<1x16xf32>,
          %swap3A_626 = vector.shape_cast %swap3A_625 : vector<1x16xf32> to vector<16xf32>
          %swap3A_627 = vector.shape_cast %add3A_579 : vector<16xf32> to vector<1x16xf32>
          tpu.vector_store %arg18[%swap3A, %swap3A_624], %swap3A_627 {strides = array<i32>} : memref<160x16xf32, #tpu.memory_space<vmem>>, vector<1x16xf32>,
          %add3A_628 = arith.constant 1 : i32
          %add3A_629 = arith.addi %mul3A_178, %add3A_628 : i32
          %swap3A_630 = arith.index_cast %add3A_629 : i32 to index
          %swap3A_631 = arith.constant 0 : index
          %swap3A_632 = tpu.vector_load %arg18[%swap3A_630, %swap3A_631] {strides = array<i32>} : memref<160x16xf32, #tpu.memory_space<vmem>>, vector<1x16xf32>,
          %swap3A_633 = vector.shape_cast %swap3A_632 : vector<1x16xf32> to vector<16xf32>
          %swap3A_634 = vector.shape_cast %add3A_593 : vector<16xf32> to vector<1x16xf32>
          tpu.vector_store %arg18[%swap3A_630, %swap3A_631], %swap3A_634 {strides = array<i32>} : memref<160x16xf32, #tpu.memory_space<vmem>>, vector<1x16xf32>,
          %add3A_635 = arith.constant 2 : i32
          %add3A_636 = arith.addi %mul3A_178, %add3A_635 : i32
          %swap3A_637 = arith.index_cast %add3A_636 : i32 to index
          %swap3A_638 = arith.constant 0 : index
          %swap3A_639 = tpu.vector_load %arg18[%swap3A_637, %swap3A_638] {strides = array<i32>} : memref<160x16xf32, #tpu.memory_space<vmem>>, vector<1x16xf32>,
          %swap3A_640 = vector.shape_cast %swap3A_639 : vector<1x16xf32> to vector<16xf32>
          %swap3A_641 = vector.shape_cast %add3A_607 : vector<16xf32> to vector<1x16xf32>
          tpu.vector_store %arg18[%swap3A_637, %swap3A_638], %swap3A_641 {strides = array<i32>} : memref<160x16xf32, #tpu.memory_space<vmem>>, vector<1x16xf32>,
          %add3A_642 = arith.constant 3 : i32
          %add3A_643 = arith.addi %mul3A_178, %add3A_642 : i32
          %swap3A_644 = arith.index_cast %add3A_643 : i32 to index
          %swap3A_645 = arith.constant 0 : index
          %swap3A_646 = tpu.vector_load %arg18[%swap3A_644, %swap3A_645] {strides = array<i32>} : memref<160x16xf32, #tpu.memory_space<vmem>>, vector<1x16xf32>,
          %swap3A_647 = vector.shape_cast %swap3A_646 : vector<1x16xf32> to vector<16xf32>
          %swap3A_648 = vector.shape_cast %add3A_621 : vector<16xf32> to vector<1x16xf32>
          tpu.vector_store %arg18[%swap3A_644, %swap3A_645], %swap3A_648 {strides = array<i32>} : memref<160x16xf32, #tpu.memory_space<vmem>>, vector<1x16xf32>,
          %scan3A_649 = arith.constant 0 : i32
          scf.yield %scan3A_649 : i32
        }
        %scan3A_166 = arith.constant 40 : i32
        %dma_start3A = arith.constant 0 : i32
        %dma_start3A_167 = tpu.memref_slice %arg5[%mul3A_144, %dma_start3A] : memref<200704x16xf32, #tpu.memory_space<hbm>> -> memref<160x16xf32, #tpu.memory_space<hbm>>
        %dma_start3A_168 = arith.constant 0 : i32
        %dma_start3A_169 = tpu.memref_slice %arg5[%mul3A_144, %dma_start3A_168] : memref<200704x16xf32, #tpu.memory_space<hbm>> -> memref<160x16xf32, #tpu.memory_space<hbm>>
        tpu.enqueue_dma source(%arg18 : memref<160x16xf32, #tpu.memory_space<vmem>>) target(%dma_start3A_169 : memref<160x16xf32, #tpu.memory_space<hbm>>) target_semaphore(%arg21 : memref<!tpu.dma_semaphore, #tpu.memory_space<semaphore_mem>>)
        %lt3A_170 = arith.constant 1250 : i32
        %lt3A_171 = arith.cmpi slt, %add3A_136, %lt3A_170 : i32
        %convert_element_type3A_172 = arith.extui %lt3A_171 : i1 to i32
        %cond3A_173 = arith.constant 0 : i32
        %cond3A_174 = arith.cmpi ne, %convert_element_type3A_172, %cond3A_173 : i32
        scf.if %cond3A_174 {
          %mul3A_175 = arith.constant 160 : i32
          %mul3A_176 = arith.muli %add3A_136, %mul3A_175 : i32
          %dma_wait3A_177 = tpu.memref_slice %arg3[%mul3A_176] : memref<200000xi32, #tpu.memory_space<hbm>> -> memref<160xi32, #tpu.memory_space<hbm>>
          %dma_wait3A_178 = tpu.memref_slice %arg3[%mul3A_176] : memref<200000xi32, #tpu.memory_space<hbm>> -> memref<160xi32, #tpu.memory_space<hbm>>
          tpu.wait_dma2 semaphore(%arg19 : memref<!tpu.dma_semaphore, #tpu.memory_space<semaphore_mem>>) src(%dma_wait3A_178 : memref<160xi32, #tpu.memory_space<hbm>>) dst(%arg14 : memref<160xi32, #tpu.memory_space<vmem>>)
          %dma_wait3A_179 = tpu.memref_slice %arg4[%mul3A_176] : memref<200000xi32, #tpu.memory_space<hbm>> -> memref<160xi32, #tpu.memory_space<hbm>>
          %dma_wait3A_180 = tpu.memref_slice %arg4[%mul3A_176] : memref<200000xi32, #tpu.memory_space<hbm>> -> memref<160xi32, #tpu.memory_space<hbm>>
          tpu.wait_dma2 semaphore(%arg20 : memref<!tpu.dma_semaphore, #tpu.memory_space<semaphore_mem>>) src(%dma_wait3A_180 : memref<160xi32, #tpu.memory_space<hbm>>) dst(%arg15 : memref<160xi32, #tpu.memory_space<vmem>>)
          %dma_start3A_181 = arith.constant 0 : i32
          %dma_start3A_182 = arith.constant 0 : i32
          %dma_start3A_183 = tpu.memref_slice %arg2[%dma_start3A_181, %dma_start3A_182] : memref<10240x128xf32, #tpu.memory_space<hbm>> -> memref<10240x128xf32, #tpu.memory_space<hbm>>
          tpu.enqueue_indirect_dma source(%dma_start3A_183 : memref<10240x128xf32, #tpu.memory_space<hbm>>) target(%arg16 : memref<160x128xf32, #tpu.memory_space<vmem>>) offsets(%arg14 : memref<160xi32, #tpu.memory_space<vmem>>) semaphore(%arg19 : memref<!tpu.dma_semaphore, #tpu.memory_space<semaphore_mem>>)
          %dma_start3A_184 = arith.constant 0 : i32
          %dma_start3A_185 = arith.constant 0 : i32
          %dma_start3A_186 = tpu.memref_slice %arg2[%dma_start3A_184, %dma_start3A_185] : memref<10240x128xf32, #tpu.memory_space<hbm>> -> memref<10240x128xf32, #tpu.memory_space<hbm>>
          tpu.enqueue_indirect_dma source(%dma_start3A_186 : memref<10240x128xf32, #tpu.memory_space<hbm>>) target(%arg17 : memref<160x128xf32, #tpu.memory_space<vmem>>) offsets(%arg15 : memref<160xi32, #tpu.memory_space<vmem>>) semaphore(%arg20 : memref<!tpu.dma_semaphore, #tpu.memory_space<semaphore_mem>>)
        } else {
        }
      } else {
      }
      %scan3A_142 = arith.constant 0 : i32
      scf.yield %scan3A_142 : i32
    }
    %scan3A_17 = arith.constant 20 : i32
    %sub3A = arith.constant 1250 : i32
    %sub3A_18 = arith.subi %sub3A, %add3A : i32
    %add3A_19 = arith.constant 32 : i32
    %add3A_20 = arith.addi %sub3A_18, %add3A_19 : i32
    %sub3A_21 = arith.constant 1 : i32
    %sub3A_22 = arith.subi %add3A_20, %sub3A_21 : i32
    %jit3A = arith.constant 32 : i32
    %div3A = arith.divsi %sub3A_22, %jit3A : i32
    %sign3A = arith.constant 0 : i32
    %sign3A_23 = arith.cmpi sgt, %sub3A_22, %sign3A : i32
    %sign3A_24 = arith.extui %sign3A_23 : i1 to i32
    %sign3A_25 = arith.constant 0 : i32
    %sign3A_26 = arith.cmpi slt, %sub3A_22, %sign3A_25 : i32
    %sign3A_27 = arith.extui %sign3A_26 : i1 to i32
    %sign3A_28 = arith.subi %sign3A_24, %sign3A_27 : i32
    %sign3A_29 = arith.constant 0 : i32
    %sign3A_30 = arith.cmpi sgt, %jit3A, %sign3A_29 : i32
    %sign3A_31 = arith.extui %sign3A_30 : i1 to i32
    %sign3A_32 = arith.constant 0 : i32
    %sign3A_33 = arith.cmpi slt, %jit3A, %sign3A_32 : i32
    %sign3A_34 = arith.extui %sign3A_33 : i1 to i32
    %sign3A_35 = arith.subi %sign3A_31, %sign3A_34 : i32
    %ne3A = arith.cmpi ne, %sign3A_28, %sign3A_35 : i32
    %rem3A = arith.remsi %sub3A_22, %jit3A : i32
    %ne3A_36 = arith.constant 0 : i32
    %ne3A_37 = arith.cmpi ne, %rem3A, %ne3A_36 : i32
    %and3A = arith.andi %ne3A, %ne3A_37 : i1
    %sub3A_38 = arith.constant 1 : i32
    %sub3A_39 = arith.subi %div3A, %sub3A_38 : i32
    %select_n3A = arith.select %and3A, %sub3A_39, %div3A : i32
    %sub3A_40 = arith.constant 1 : i32
    %sub3A_41 = arith.subi %select_n3A, %sub3A_40 : i32
    %jit3A_42 = arith.constant 2 : i32
    %eq3A = arith.constant 0 : i32
    %eq3A_43 = arith.cmpi eq, %jit3A_42, %eq3A : i32
    %jit3A_44 = arith.constant 1 : i32
    %select_n3A_45 = arith.select %eq3A_43, %jit3A_44, %jit3A_42 : i32
    %rem3A_46 = arith.remsi %sub3A_41, %select_n3A_45 : i32
    %ne3A_47 = arith.constant 0 : i32
    %ne3A_48 = arith.cmpi ne, %rem3A_46, %ne3A_47 : i32
    %lt3A_49 = arith.constant 0 : i32
    %lt3A_50 = arith.cmpi slt, %rem3A_46, %lt3A_49 : i32
    %lt3A_51 = arith.constant 0 : i32
    %lt3A_52 = arith.cmpi slt, %select_n3A_45, %lt3A_51 : i32
    %ne3A_53 = arith.xori %lt3A_50, %lt3A_52 : i1
    %and3A_54 = arith.andi %ne3A_53, %ne3A_48 : i1
    %add3A_55 = arith.addi %rem3A_46, %select_n3A_45 : i32
    %select_n3A_56 = arith.select %and3A_54, %add3A_55, %rem3A_46 : i32
    %eq3A_57 = arith.constant 0 : i32
    %eq3A_58 = arith.cmpi eq, %select_n3A_56, %eq3A_57 : i32
    %sub3A_59 = arith.constant 1 : i32
    %sub3A_60 = arith.subi %select_n3A, %sub3A_59 : i32
    %sub3A_61 = arith.constant 2 : i32
    %sub3A_62 = arith.subi %select_n3A, %sub3A_61 : i32
    %select_n3A_63 = arith.select %eq3A_58, %sub3A_60, %sub3A_62 : i32
    %mul3A_64 = arith.constant 32 : i32
    %mul3A_65 = arith.muli %select_n3A_63, %mul3A_64 : i32
    %add3A_66 = arith.addi %add3A, %mul3A_65 : i32
    %mul3A_67 = arith.constant 160 : i32
    %mul3A_68 = arith.muli %add3A_66, %mul3A_67 : i32
    %dma_wait3A = arith.constant 0 : i32
    %dma_wait3A_69 = tpu.memref_slice %arg5[%mul3A_68, %dma_wait3A] : memref<200704x16xf32, #tpu.memory_space<hbm>> -> memref<160x16xf32, #tpu.memory_space<hbm>>
    %dma_wait3A_70 = arith.constant 0 : i32
    %dma_wait3A_71 = tpu.memref_slice %arg5[%mul3A_68, %dma_wait3A_70] : memref<200704x16xf32, #tpu.memory_space<hbm>> -> memref<160x16xf32, #tpu.memory_space<hbm>>
    tpu.wait_dma2 semaphore(%arg13 : memref<!tpu.dma_semaphore, #tpu.memory_space<semaphore_mem>>) src(%arg10 : memref<160x16xf32, #tpu.memory_space<vmem>>) dst(%dma_wait3A_71 : memref<160x16xf32, #tpu.memory_space<hbm>>)
    %sub3A_72 = arith.constant 1 : i32
    %sub3A_73 = arith.subi %select_n3A, %sub3A_72 : i32
    %jit3A_74 = arith.constant 2 : i32
    %eq3A_75 = arith.constant 0 : i32
    %eq3A_76 = arith.cmpi eq, %jit3A_74, %eq3A_75 : i32
    %jit3A_77 = arith.constant 1 : i32
    %select_n3A_78 = arith.select %eq3A_76, %jit3A_77, %jit3A_74 : i32
    %rem3A_79 = arith.remsi %sub3A_73, %select_n3A_78 : i32
    %ne3A_80 = arith.constant 0 : i32
    %ne3A_81 = arith.cmpi ne, %rem3A_79, %ne3A_80 : i32
    %lt3A_82 = arith.constant 0 : i32
    %lt3A_83 = arith.cmpi slt, %rem3A_79, %lt3A_82 : i32
    %lt3A_84 = arith.constant 0 : i32
    %lt3A_85 = arith.cmpi slt, %select_n3A_78, %lt3A_84 : i32
    %ne3A_86 = arith.xori %lt3A_83, %lt3A_85 : i1
    %and3A_87 = arith.andi %ne3A_86, %ne3A_81 : i1
    %add3A_88 = arith.addi %rem3A_79, %select_n3A_78 : i32
    %select_n3A_89 = arith.select %and3A_87, %add3A_88, %rem3A_79 : i32
    %eq3A_90 = arith.constant 1 : i32
    %eq3A_91 = arith.cmpi eq, %select_n3A_89, %eq3A_90 : i32
    %sub3A_92 = arith.constant 1 : i32
    %sub3A_93 = arith.subi %select_n3A, %sub3A_92 : i32
    %sub3A_94 = arith.constant 2 : i32
    %sub3A_95 = arith.subi %select_n3A, %sub3A_94 : i32
    %select_n3A_96 = arith.select %eq3A_91, %sub3A_93, %sub3A_95 : i32
    %mul3A_97 = arith.constant 32 : i32
    %mul3A_98 = arith.muli %select_n3A_96, %mul3A_97 : i32
    %add3A_99 = arith.addi %add3A, %mul3A_98 : i32
    %mul3A_100 = arith.constant 160 : i32
    %mul3A_101 = arith.muli %add3A_99, %mul3A_100 : i32
    %dma_wait3A_102 = arith.constant 0 : i32
    %dma_wait3A_103 = tpu.memref_slice %arg5[%mul3A_101, %dma_wait3A_102] : memref<200704x16xf32, #tpu.memory_space<hbm>> -> memref<160x16xf32, #tpu.memory_space<hbm>>
    %dma_wait3A_104 = arith.constant 0 : i32
    %dma_wait3A_105 = tpu.memref_slice %arg5[%mul3A_101, %dma_wait3A_104] : memref<200704x16xf32, #tpu.memory_space<hbm>> -> memref<160x16xf32, #tpu.memory_space<hbm>>
    tpu.wait_dma2 semaphore(%arg21 : memref<!tpu.dma_semaphore, #tpu.memory_space<semaphore_mem>>) src(%arg18 : memref<160x16xf32, #tpu.memory_space<vmem>>) dst(%dma_wait3A_105 : memref<160x16xf32, #tpu.memory_space<hbm>>)
    return
  }
}

#map = affine_map<(d0, d1) -> (0, 0)>
#map1 = affine_map<(d0, d1) -> (0)>
#map2 = affine_map<(d0, d1) -> (0, 0, 0)>
module attributes {stable_mosaic.version = 14 : i64} {
  func.func @_segsum_deg_kernel(%arg0: i32, %arg1: i32, %arg2: memref<10240x128xf32, #tpu.memory_space<hbm>>, %arg3: memref<320000xi32, #tpu.memory_space<hbm>>, %arg4: memref<320000xi32, #tpu.memory_space<hbm>>, %arg5: memref<640x128xf32, #tpu.memory_space<hbm>>, %arg6: memref<176x128xf32, #tpu.memory_space<hbm>>, %arg7: memref<2x10240x128xf32, #tpu.memory_space<hbm>>, %arg8: memref<10240x128xf32, #tpu.memory_space<vmem_shared>>, %arg9: memref<176xi32, #tpu.memory_space<vmem>>, %arg10: memref<176x128xf32, #tpu.memory_space<vmem>>, %arg11: memref<!tpu.dma_semaphore, #tpu.memory_space<semaphore_mem>>, %arg12: memref<!tpu.dma_semaphore, #tpu.memory_space<semaphore_mem>>, %arg13: memref<176xi32, #tpu.memory_space<vmem>>, %arg14: memref<176x128xf32, #tpu.memory_space<vmem>>, %arg15: memref<!tpu.dma_semaphore, #tpu.memory_space<semaphore_mem>>, %arg16: memref<!tpu.dma_semaphore, #tpu.memory_space<semaphore_mem>>, %arg17: memref<176xi32, #tpu.memory_space<vmem>>, %arg18: memref<176xi32, #tpu.memory_space<vmem>>, %arg19: memref<176xi32, #tpu.memory_space<vmem>>, %arg20: memref<176xi32, #tpu.memory_space<vmem>>, %arg21: memref<112xi32, #tpu.memory_space<vmem>>, %arg22: memref<112xi32, #tpu.memory_space<vmem>>) attributes {dimension_semantics = [#tpu.dimension_semantics<core_parallel>, #tpu.dimension_semantics<subcore_parallel>], iteration_bounds = array<i64: 2, 16>, scalar_prefetch = 0 : i64, scratch_operands = 15 : i64, tpu.core_type = #tpu.core_type<sc_vector_subcore>, window_params = [{transform_indices = #map}, {transform_indices = #map1}, {transform_indices = #map1}, {transform_indices = #map}, {transform_indices = #map}, {transform_indices = #map2}]} {
    %mul3A = arith.constant 640 : i32
    %mul3A_0 = arith.muli %arg1, %mul3A : i32
    %mul3A_1 = arith.constant 20000 : i32
    %mul3A_2 = arith.muli %arg1, %mul3A_1 : i32
    "tpu.region"() ({
      %run_scoped3A = tpu.sem_alloc : memref<!tpu.dma_semaphore, #tpu.memory_space<semaphore_mem>>
      %dma_start3A = arith.constant 0 : i32
      %dma_start3A_11 = tpu.memref_slice %arg8[%mul3A_0, %dma_start3A] : memref<10240x128xf32, #tpu.memory_space<vmem_shared>> -> memref<640x128xf32, #tpu.memory_space<vmem_shared>>
      tpu.enqueue_dma source(%arg5 : memref<640x128xf32, #tpu.memory_space<hbm>>) target(%dma_start3A_11 : memref<640x128xf32, #tpu.memory_space<vmem_shared>>) target_semaphore(%run_scoped3A : memref<!tpu.dma_semaphore, #tpu.memory_space<semaphore_mem>>)
      %dma_wait3A = arith.constant 0 : i32
      %dma_wait3A_12 = tpu.memref_slice %arg8[%mul3A_0, %dma_wait3A] : memref<10240x128xf32, #tpu.memory_space<vmem_shared>> -> memref<640x128xf32, #tpu.memory_space<vmem_shared>>
      tpu.wait_dma2 semaphore(%run_scoped3A : memref<!tpu.dma_semaphore, #tpu.memory_space<semaphore_mem>>) src(%arg5 : memref<640x128xf32, #tpu.memory_space<hbm>>) dst(%dma_wait3A_12 : memref<640x128xf32, #tpu.memory_space<vmem_shared>>)
      tpu.yield
    }) : () -> ()
    %barrier3A = arith.constant 0 : index
    tpu.barrier barrier_id(%barrier3A)
    %eq3A = arith.constant 0 : i32
    %eq3A_3 = arith.cmpi eq, %arg0, %eq3A : i32
    %convert_element_type3A = arith.extui %eq3A_3 : i1 to i32
    %cond3A = arith.constant 0 : i32
    %cond3A_4 = arith.cmpi ne, %convert_element_type3A, %cond3A : i32
    scf.if %cond3A_4 {
      %add3A = arith.constant 0 : i32
      %add3A_11 = arith.addi %mul3A_2, %add3A : i32
      "tpu.region"() ({
        %run_scoped3A = tpu.sem_alloc : memref<!tpu.dma_semaphore, #tpu.memory_space<semaphore_mem>>
        %dma_start3A_41 = tpu.memref_slice %arg3[%add3A_11] : memref<320000xi32, #tpu.memory_space<hbm>> -> memref<176xi32, #tpu.memory_space<hbm>>
        %dma_start3A_42 = tpu.memref_slice %arg3[%add3A_11] : memref<320000xi32, #tpu.memory_space<hbm>> -> memref<176xi32, #tpu.memory_space<hbm>>
        tpu.enqueue_dma source(%dma_start3A_42 : memref<176xi32, #tpu.memory_space<hbm>>) target(%arg9 : memref<176xi32, #tpu.memory_space<vmem>>) target_semaphore(%run_scoped3A : memref<!tpu.dma_semaphore, #tpu.memory_space<semaphore_mem>>)
        %dma_wait3A_43 = tpu.memref_slice %arg3[%add3A_11] : memref<320000xi32, #tpu.memory_space<hbm>> -> memref<176xi32, #tpu.memory_space<hbm>>
        %dma_wait3A_44 = tpu.memref_slice %arg3[%add3A_11] : memref<320000xi32, #tpu.memory_space<hbm>> -> memref<176xi32, #tpu.memory_space<hbm>>
        tpu.wait_dma2 semaphore(%run_scoped3A : memref<!tpu.dma_semaphore, #tpu.memory_space<semaphore_mem>>) src(%dma_wait3A_44 : memref<176xi32, #tpu.memory_space<hbm>>) dst(%arg9 : memref<176xi32, #tpu.memory_space<vmem>>)
        tpu.yield
      }) : () -> ()
      "tpu.region"() ({
        %run_scoped3A = tpu.sem_alloc : memref<!tpu.dma_semaphore, #tpu.memory_space<semaphore_mem>>
        %dma_start3A_41 = tpu.memref_slice %arg4[%add3A_11] : memref<320000xi32, #tpu.memory_space<hbm>> -> memref<176xi32, #tpu.memory_space<hbm>>
        %dma_start3A_42 = tpu.memref_slice %arg4[%add3A_11] : memref<320000xi32, #tpu.memory_space<hbm>> -> memref<176xi32, #tpu.memory_space<hbm>>
        tpu.enqueue_dma source(%dma_start3A_42 : memref<176xi32, #tpu.memory_space<hbm>>) target(%arg17 : memref<176xi32, #tpu.memory_space<vmem>>) target_semaphore(%run_scoped3A : memref<!tpu.dma_semaphore, #tpu.memory_space<semaphore_mem>>)
        %dma_wait3A_43 = tpu.memref_slice %arg4[%add3A_11] : memref<320000xi32, #tpu.memory_space<hbm>> -> memref<176xi32, #tpu.memory_space<hbm>>
        %dma_wait3A_44 = tpu.memref_slice %arg4[%add3A_11] : memref<320000xi32, #tpu.memory_space<hbm>> -> memref<176xi32, #tpu.memory_space<hbm>>
        tpu.wait_dma2 semaphore(%run_scoped3A : memref<!tpu.dma_semaphore, #tpu.memory_space<semaphore_mem>>) src(%dma_wait3A_44 : memref<176xi32, #tpu.memory_space<hbm>>) dst(%arg17 : memref<176xi32, #tpu.memory_space<vmem>>)
        tpu.yield
      }) : () -> ()
      %dma_start3A = arith.constant 0 : i32
      %dma_start3A_12 = arith.constant 0 : i32
      %dma_start3A_13 = tpu.memref_slice %arg2[%dma_start3A, %dma_start3A_12] : memref<10240x128xf32, #tpu.memory_space<hbm>> -> memref<10240x128xf32, #tpu.memory_space<hbm>>
      tpu.enqueue_indirect_dma source(%dma_start3A_13 : memref<10240x128xf32, #tpu.memory_space<hbm>>) target(%arg10 : memref<176x128xf32, #tpu.memory_space<vmem>>) offsets(%arg9 : memref<176xi32, #tpu.memory_space<vmem>>) semaphore(%arg11 : memref<!tpu.dma_semaphore, #tpu.memory_space<semaphore_mem>>)
      %add3A_14 = arith.constant 176 : i32
      %add3A_15 = arith.addi %mul3A_2, %add3A_14 : i32
      "tpu.region"() ({
        %run_scoped3A = tpu.sem_alloc : memref<!tpu.dma_semaphore, #tpu.memory_space<semaphore_mem>>
        %dma_start3A_41 = tpu.memref_slice %arg3[%add3A_15] : memref<320000xi32, #tpu.memory_space<hbm>> -> memref<176xi32, #tpu.memory_space<hbm>>
        %dma_start3A_42 = tpu.memref_slice %arg3[%add3A_15] : memref<320000xi32, #tpu.memory_space<hbm>> -> memref<176xi32, #tpu.memory_space<hbm>>
        tpu.enqueue_dma source(%dma_start3A_42 : memref<176xi32, #tpu.memory_space<hbm>>) target(%arg13 : memref<176xi32, #tpu.memory_space<vmem>>) target_semaphore(%run_scoped3A : memref<!tpu.dma_semaphore, #tpu.memory_space<semaphore_mem>>)
        %dma_wait3A_43 = tpu.memref_slice %arg3[%add3A_15] : memref<320000xi32, #tpu.memory_space<hbm>> -> memref<176xi32, #tpu.memory_space<hbm>>
        %dma_wait3A_44 = tpu.memref_slice %arg3[%add3A_15] : memref<320000xi32, #tpu.memory_space<hbm>> -> memref<176xi32, #tpu.memory_space<hbm>>
        tpu.wait_dma2 semaphore(%run_scoped3A : memref<!tpu.dma_semaphore, #tpu.memory_space<semaphore_mem>>) src(%dma_wait3A_44 : memref<176xi32, #tpu.memory_space<hbm>>) dst(%arg13 : memref<176xi32, #tpu.memory_space<vmem>>)
        tpu.yield
      }) : () -> ()
      "tpu.region"() ({
        %run_scoped3A = tpu.sem_alloc : memref<!tpu.dma_semaphore, #tpu.memory_space<semaphore_mem>>
        %dma_start3A_41 = tpu.memref_slice %arg4[%add3A_15] : memref<320000xi32, #tpu.memory_space<hbm>> -> memref<176xi32, #tpu.memory_space<hbm>>
        %dma_start3A_42 = tpu.memref_slice %arg4[%add3A_15] : memref<320000xi32, #tpu.memory_space<hbm>> -> memref<176xi32, #tpu.memory_space<hbm>>
        tpu.enqueue_dma source(%dma_start3A_42 : memref<176xi32, #tpu.memory_space<hbm>>) target(%arg18 : memref<176xi32, #tpu.memory_space<vmem>>) target_semaphore(%run_scoped3A : memref<!tpu.dma_semaphore, #tpu.memory_space<semaphore_mem>>)
        %dma_wait3A_43 = tpu.memref_slice %arg4[%add3A_15] : memref<320000xi32, #tpu.memory_space<hbm>> -> memref<176xi32, #tpu.memory_space<hbm>>
        %dma_wait3A_44 = tpu.memref_slice %arg4[%add3A_15] : memref<320000xi32, #tpu.memory_space<hbm>> -> memref<176xi32, #tpu.memory_space<hbm>>
        tpu.wait_dma2 semaphore(%run_scoped3A : memref<!tpu.dma_semaphore, #tpu.memory_space<semaphore_mem>>) src(%dma_wait3A_44 : memref<176xi32, #tpu.memory_space<hbm>>) dst(%arg18 : memref<176xi32, #tpu.memory_space<vmem>>)
        tpu.yield
      }) : () -> ()
      %dma_start3A_16 = arith.constant 0 : i32
      %dma_start3A_17 = arith.constant 0 : i32
      %dma_start3A_18 = tpu.memref_slice %arg2[%dma_start3A_16, %dma_start3A_17] : memref<10240x128xf32, #tpu.memory_space<hbm>> -> memref<10240x128xf32, #tpu.memory_space<hbm>>
      tpu.enqueue_indirect_dma source(%dma_start3A_18 : memref<10240x128xf32, #tpu.memory_space<hbm>>) target(%arg14 : memref<176x128xf32, #tpu.memory_space<vmem>>) offsets(%arg13 : memref<176xi32, #tpu.memory_space<vmem>>) semaphore(%arg15 : memref<!tpu.dma_semaphore, #tpu.memory_space<semaphore_mem>>)
      %scan3A = arith.constant 0 : i32
      %scan3A_19 = arith.constant 0 : i32
      %scan3A_20 = arith.constant 28 : i32
      %scan3A_21 = arith.addi %scan3A_19, %scan3A_20 : i32
      %scan3A_22 = arith.constant 1 : i32
      %scan3A_23 = scf.for %scan3A_41 = %scan3A_19 to %scan3A_21 step %scan3A_22 iter_args(%scan3A_42 = %scan3A) -> (i32)  : i32 {
        %mul3A_43 = arith.constant 4 : i32
        %mul3A_44 = arith.muli %mul3A_43, %scan3A_41 : i32
        %add3A_45 = arith.constant 0 : i32
        %add3A_46 = arith.addi %mul3A_44, %add3A_45 : i32
        %dma_wait3A_47 = arith.constant 0 : i32
        %dma_wait3A_48 = arith.constant 0 : i32
        %dma_wait3A_49 = tpu.memref_slice %arg2[%dma_wait3A_47, %dma_wait3A_48] : memref<10240x128xf32, #tpu.memory_space<hbm>> -> memref<10240x128xf32, #tpu.memory_space<hbm>>
        tpu.wait_indirect_dma semaphore(%arg11 : memref<!tpu.dma_semaphore, #tpu.memory_space<semaphore_mem>>) src(%dma_wait3A_49 : memref<10240x128xf32, #tpu.memory_space<hbm>>) dst(%arg10 : memref<176x128xf32, #tpu.memory_space<vmem>>)
        %add3A_50 = arith.constant 2 : i32
        %add3A_51 = arith.addi %add3A_46, %add3A_50 : i32
        %lt3A = arith.constant 113 : i32
        %lt3A_52 = arith.cmpi slt, %add3A_51, %lt3A : i32
        %convert_element_type3A_53 = arith.extui %lt3A_52 : i1 to i32
        %cond3A_54 = arith.constant 0 : i32
        %cond3A_55 = arith.cmpi ne, %convert_element_type3A_53, %cond3A_54 : i32
        scf.if %cond3A_55 {
          %add3A_127 = arith.constant 2 : i32
          %add3A_128 = arith.addi %add3A_46, %add3A_127 : i32
          %mul3A_129 = arith.constant 176 : i32
          %mul3A_130 = arith.muli %add3A_128, %mul3A_129 : i32
          %add3A_131 = arith.addi %mul3A_2, %mul3A_130 : i32
          %dma_start3A_132 = tpu.memref_slice %arg3[%add3A_131] : memref<320000xi32, #tpu.memory_space<hbm>> -> memref<176xi32, #tpu.memory_space<hbm>>
          %dma_start3A_133 = tpu.memref_slice %arg3[%add3A_131] : memref<320000xi32, #tpu.memory_space<hbm>> -> memref<176xi32, #tpu.memory_space<hbm>>
          tpu.enqueue_dma source(%dma_start3A_133 : memref<176xi32, #tpu.memory_space<hbm>>) target(%arg9 : memref<176xi32, #tpu.memory_space<vmem>>) target_semaphore(%arg12 : memref<!tpu.dma_semaphore, #tpu.memory_space<semaphore_mem>>)
          %dma_start3A_134 = tpu.memref_slice %arg4[%add3A_131] : memref<320000xi32, #tpu.memory_space<hbm>> -> memref<176xi32, #tpu.memory_space<hbm>>
          %dma_start3A_135 = tpu.memref_slice %arg4[%add3A_131] : memref<320000xi32, #tpu.memory_space<hbm>> -> memref<176xi32, #tpu.memory_space<hbm>>
          tpu.enqueue_dma source(%dma_start3A_135 : memref<176xi32, #tpu.memory_space<hbm>>) target(%arg19 : memref<176xi32, #tpu.memory_space<vmem>>) target_semaphore(%arg12 : memref<!tpu.dma_semaphore, #tpu.memory_space<semaphore_mem>>)
        } else {
        }
        "tpu.region"() ({
          %run_scoped3A = tpu.sem_alloc : memref<!tpu.dma_semaphore, #tpu.memory_space<semaphore_mem>>
          %dma_start3A_127 = arith.constant 0 : i32
          %dma_start3A_128 = arith.constant 0 : i32
          %dma_start3A_129 = tpu.memref_slice %arg8[%dma_start3A_127, %dma_start3A_128] : memref<10240x128xf32, #tpu.memory_space<vmem_shared>> -> memref<10240x128xf32, #tpu.memory_space<vmem_shared>>
          tpu.enqueue_indirect_dma source(%arg10 : memref<176x128xf32, #tpu.memory_space<vmem>>) target(%dma_start3A_129 : memref<10240x128xf32, #tpu.memory_space<vmem_shared>>) offsets(%arg17 : memref<176xi32, #tpu.memory_space<vmem>>) semaphore(%run_scoped3A : memref<!tpu.dma_semaphore, #tpu.memory_space<semaphore_mem>>) {add = true}
          %dma_wait3A_130 = arith.constant 0 : i32
          %dma_wait3A_131 = arith.constant 0 : i32
          %dma_wait3A_132 = tpu.memref_slice %arg8[%dma_wait3A_130, %dma_wait3A_131] : memref<10240x128xf32, #tpu.memory_space<vmem_shared>> -> memref<10240x128xf32, #tpu.memory_space<vmem_shared>>
          tpu.wait_indirect_dma semaphore(%run_scoped3A : memref<!tpu.dma_semaphore, #tpu.memory_space<semaphore_mem>>) src(%arg10 : memref<176x128xf32, #tpu.memory_space<vmem>>) dst(%dma_wait3A_132 : memref<10240x128xf32, #tpu.memory_space<vmem_shared>>)
          tpu.yield
        }) : () -> ()
        %add3A_56 = arith.constant 2 : i32
        %add3A_57 = arith.addi %add3A_46, %add3A_56 : i32
        %lt3A_58 = arith.constant 113 : i32
        %lt3A_59 = arith.cmpi slt, %add3A_57, %lt3A_58 : i32
        %convert_element_type3A_60 = arith.extui %lt3A_59 : i1 to i32
        %cond3A_61 = arith.constant 0 : i32
        %cond3A_62 = arith.cmpi ne, %convert_element_type3A_60, %cond3A_61 : i32
        scf.if %cond3A_62 {
          %add3A_127 = arith.constant 2 : i32
          %add3A_128 = arith.addi %add3A_46, %add3A_127 : i32
          %mul3A_129 = arith.constant 176 : i32
          %mul3A_130 = arith.muli %add3A_128, %mul3A_129 : i32
          %add3A_131 = arith.addi %mul3A_2, %mul3A_130 : i32
          %dma_wait3A_132 = tpu.memref_slice %arg3[%add3A_131] : memref<320000xi32, #tpu.memory_space<hbm>> -> memref<176xi32, #tpu.memory_space<hbm>>
          %dma_wait3A_133 = tpu.memref_slice %arg3[%add3A_131] : memref<320000xi32, #tpu.memory_space<hbm>> -> memref<176xi32, #tpu.memory_space<hbm>>
          tpu.wait_dma2 semaphore(%arg12 : memref<!tpu.dma_semaphore, #tpu.memory_space<semaphore_mem>>) src(%dma_wait3A_133 : memref<176xi32, #tpu.memory_space<hbm>>) dst(%arg9 : memref<176xi32, #tpu.memory_space<vmem>>)
          %dma_wait3A_134 = tpu.memref_slice %arg4[%add3A_131] : memref<320000xi32, #tpu.memory_space<hbm>> -> memref<176xi32, #tpu.memory_space<hbm>>
          %dma_wait3A_135 = tpu.memref_slice %arg4[%add3A_131] : memref<320000xi32, #tpu.memory_space<hbm>> -> memref<176xi32, #tpu.memory_space<hbm>>
          tpu.wait_dma2 semaphore(%arg12 : memref<!tpu.dma_semaphore, #tpu.memory_space<semaphore_mem>>) src(%dma_wait3A_135 : memref<176xi32, #tpu.memory_space<hbm>>) dst(%arg19 : memref<176xi32, #tpu.memory_space<vmem>>)
          %dma_start3A_136 = arith.constant 0 : i32
          %dma_start3A_137 = arith.constant 0 : i32
          %dma_start3A_138 = tpu.memref_slice %arg2[%dma_start3A_136, %dma_start3A_137] : memref<10240x128xf32, #tpu.memory_space<hbm>> -> memref<10240x128xf32, #tpu.memory_space<hbm>>
          tpu.enqueue_indirect_dma source(%dma_start3A_138 : memref<10240x128xf32, #tpu.memory_space<hbm>>) target(%arg10 : memref<176x128xf32, #tpu.memory_space<vmem>>) offsets(%arg9 : memref<176xi32, #tpu.memory_space<vmem>>) semaphore(%arg11 : memref<!tpu.dma_semaphore, #tpu.memory_space<semaphore_mem>>)
        } else {
        }
        %mul3A_63 = arith.constant 4 : i32
        %mul3A_64 = arith.muli %mul3A_63, %scan3A_41 : i32
        %add3A_65 = arith.constant 1 : i32
        %add3A_66 = arith.addi %mul3A_64, %add3A_65 : i32
        %dma_wait3A_67 = arith.constant 0 : i32
        %dma_wait3A_68 = arith.constant 0 : i32
        %dma_wait3A_69 = tpu.memref_slice %arg2[%dma_wait3A_67, %dma_wait3A_68] : memref<10240x128xf32, #tpu.memory_space<hbm>> -> memref<10240x128xf32, #tpu.memory_space<hbm>>
        tpu.wait_indirect_dma semaphore(%arg15 : memref<!tpu.dma_semaphore, #tpu.memory_space<semaphore_mem>>) src(%dma_wait3A_69 : memref<10240x128xf32, #tpu.memory_space<hbm>>) dst(%arg14 : memref<176x128xf32, #tpu.memory_space<vmem>>)
        %add3A_70 = arith.constant 2 : i32
        %add3A_71 = arith.addi %add3A_66, %add3A_70 : i32
        %lt3A_72 = arith.constant 113 : i32
        %lt3A_73 = arith.cmpi slt, %add3A_71, %lt3A_72 : i32
        %convert_element_type3A_74 = arith.extui %lt3A_73 : i1 to i32
        %cond3A_75 = arith.constant 0 : i32
        %cond3A_76 = arith.cmpi ne, %convert_element_type3A_74, %cond3A_75 : i32
        scf.if %cond3A_76 {
          %add3A_127 = arith.constant 2 : i32
          %add3A_128 = arith.addi %add3A_66, %add3A_127 : i32
          %mul3A_129 = arith.constant 176 : i32
          %mul3A_130 = arith.muli %add3A_128, %mul3A_129 : i32
          %add3A_131 = arith.addi %mul3A_2, %mul3A_130 : i32
          %dma_start3A_132 = tpu.memref_slice %arg3[%add3A_131] : memref<320000xi32, #tpu.memory_space<hbm>> -> memref<176xi32, #tpu.memory_space<hbm>>
          %dma_start3A_133 = tpu.memref_slice %arg3[%add3A_131] : memref<320000xi32, #tpu.memory_space<hbm>> -> memref<176xi32, #tpu.memory_space<hbm>>
          tpu.enqueue_dma source(%dma_start3A_133 : memref<176xi32, #tpu.memory_space<hbm>>) target(%arg13 : memref<176xi32, #tpu.memory_space<vmem>>) target_semaphore(%arg16 : memref<!tpu.dma_semaphore, #tpu.memory_space<semaphore_mem>>)
          %dma_start3A_134 = tpu.memref_slice %arg4[%add3A_131] : memref<320000xi32, #tpu.memory_space<hbm>> -> memref<176xi32, #tpu.memory_space<hbm>>
          %dma_start3A_135 = tpu.memref_slice %arg4[%add3A_131] : memref<320000xi32, #tpu.memory_space<hbm>> -> memref<176xi32, #tpu.memory_space<hbm>>
          tpu.enqueue_dma source(%dma_start3A_135 : memref<176xi32, #tpu.memory_space<hbm>>) target(%arg20 : memref<176xi32, #tpu.memory_space<vmem>>) target_semaphore(%arg16 : memref<!tpu.dma_semaphore, #tpu.memory_space<semaphore_mem>>)
        } else {
        }
        "tpu.region"() ({
          %run_scoped3A = tpu.sem_alloc : memref<!tpu.dma_semaphore, #tpu.memory_space<semaphore_mem>>
          %dma_start3A_127 = arith.constant 0 : i32
          %dma_start3A_128 = arith.constant 0 : i32
          %dma_start3A_129 = tpu.memref_slice %arg8[%dma_start3A_127, %dma_start3A_128] : memref<10240x128xf32, #tpu.memory_space<vmem_shared>> -> memref<10240x128xf32, #tpu.memory_space<vmem_shared>>
          tpu.enqueue_indirect_dma source(%arg14 : memref<176x128xf32, #tpu.memory_space<vmem>>) target(%dma_start3A_129 : memref<10240x128xf32, #tpu.memory_space<vmem_shared>>) offsets(%arg18 : memref<176xi32, #tpu.memory_space<vmem>>) semaphore(%run_scoped3A : memref<!tpu.dma_semaphore, #tpu.memory_space<semaphore_mem>>) {add = true}
          %dma_wait3A_130 = arith.constant 0 : i32
          %dma_wait3A_131 = arith.constant 0 : i32
          %dma_wait3A_132 = tpu.memref_slice %arg8[%dma_wait3A_130, %dma_wait3A_131] : memref<10240x128xf32, #tpu.memory_space<vmem_shared>> -> memref<10240x128xf32, #tpu.memory_space<vmem_shared>>
          tpu.wait_indirect_dma semaphore(%run_scoped3A : memref<!tpu.dma_semaphore, #tpu.memory_space<semaphore_mem>>) src(%arg14 : memref<176x128xf32, #tpu.memory_space<vmem>>) dst(%dma_wait3A_132 : memref<10240x128xf32, #tpu.memory_space<vmem_shared>>)
          tpu.yield
        }) : () -> ()
        %add3A_77 = arith.constant 2 : i32
        %add3A_78 = arith.addi %add3A_66, %add3A_77 : i32
        %lt3A_79 = arith.constant 113 : i32
        %lt3A_80 = arith.cmpi slt, %add3A_78, %lt3A_79 : i32
        %convert_element_type3A_81 = arith.extui %lt3A_80 : i1 to i32
        %cond3A_82 = arith.constant 0 : i32
        %cond3A_83 = arith.cmpi ne, %convert_element_type3A_81, %cond3A_82 : i32
        scf.if %cond3A_83 {
          %add3A_127 = arith.constant 2 : i32
          %add3A_128 = arith.addi %add3A_66, %add3A_127 : i32
          %mul3A_129 = arith.constant 176 : i32
          %mul3A_130 = arith.muli %add3A_128, %mul3A_129 : i32
          %add3A_131 = arith.addi %mul3A_2, %mul3A_130 : i32
          %dma_wait3A_132 = tpu.memref_slice %arg3[%add3A_131] : memref<320000xi32, #tpu.memory_space<hbm>> -> memref<176xi32, #tpu.memory_space<hbm>>
          %dma_wait3A_133 = tpu.memref_slice %arg3[%add3A_131] : memref<320000xi32, #tpu.memory_space<hbm>> -> memref<176xi32, #tpu.memory_space<hbm>>
          tpu.wait_dma2 semaphore(%arg16 : memref<!tpu.dma_semaphore, #tpu.memory_space<semaphore_mem>>) src(%dma_wait3A_133 : memref<176xi32, #tpu.memory_space<hbm>>) dst(%arg13 : memref<176xi32, #tpu.memory_space<vmem>>)
          %dma_wait3A_134 = tpu.memref_slice %arg4[%add3A_131] : memref<320000xi32, #tpu.memory_space<hbm>> -> memref<176xi32, #tpu.memory_space<hbm>>
          %dma_wait3A_135 = tpu.memref_slice %arg4[%add3A_131] : memref<320000xi32, #tpu.memory_space<hbm>> -> memref<176xi32, #tpu.memory_space<hbm>>
          tpu.wait_dma2 semaphore(%arg16 : memref<!tpu.dma_semaphore, #tpu.memory_space<semaphore_mem>>) src(%dma_wait3A_135 : memref<176xi32, #tpu.memory_space<hbm>>) dst(%arg20 : memref<176xi32, #tpu.memory_space<vmem>>)
          %dma_start3A_136 = arith.constant 0 : i32
          %dma_start3A_137 = arith.constant 0 : i32
          %dma_start3A_138 = tpu.memref_slice %arg2[%dma_start3A_136, %dma_start3A_137] : memref<10240x128xf32, #tpu.memory_space<hbm>> -> memref<10240x128xf32, #tpu.memory_space<hbm>>
          tpu.enqueue_indirect_dma source(%dma_start3A_138 : memref<10240x128xf32, #tpu.memory_space<hbm>>) target(%arg14 : memref<176x128xf32, #tpu.memory_space<vmem>>) offsets(%arg13 : memref<176xi32, #tpu.memory_space<vmem>>) semaphore(%arg15 : memref<!tpu.dma_semaphore, #tpu.memory_space<semaphore_mem>>)
        } else {
        }
        %mul3A_84 = arith.constant 4 : i32
        %mul3A_85 = arith.muli %mul3A_84, %scan3A_41 : i32
        %add3A_86 = arith.constant 2 : i32
        %add3A_87 = arith.addi %mul3A_85, %add3A_86 : i32
        %dma_wait3A_88 = arith.constant 0 : i32
        %dma_wait3A_89 = arith.constant 0 : i32
        %dma_wait3A_90 = tpu.memref_slice %arg2[%dma_wait3A_88, %dma_wait3A_89] : memref<10240x128xf32, #tpu.memory_space<hbm>> -> memref<10240x128xf32, #tpu.memory_space<hbm>>
        tpu.wait_indirect_dma semaphore(%arg11 : memref<!tpu.dma_semaphore, #tpu.memory_space<semaphore_mem>>) src(%dma_wait3A_90 : memref<10240x128xf32, #tpu.memory_space<hbm>>) dst(%arg10 : memref<176x128xf32, #tpu.memory_space<vmem>>)
        %add3A_91 = arith.constant 2 : i32
        %add3A_92 = arith.addi %add3A_87, %add3A_91 : i32
        %lt3A_93 = arith.constant 113 : i32
        %lt3A_94 = arith.cmpi slt, %add3A_92, %lt3A_93 : i32
        %convert_element_type3A_95 = arith.extui %lt3A_94 : i1 to i32
        %cond3A_96 = arith.constant 0 : i32
        %cond3A_97 = arith.cmpi ne, %convert_element_type3A_95, %cond3A_96 : i32
        scf.if %cond3A_97 {
          %add3A_127 = arith.constant 2 : i32
          %add3A_128 = arith.addi %add3A_87, %add3A_127 : i32
          %mul3A_129 = arith.constant 176 : i32
          %mul3A_130 = arith.muli %add3A_128, %mul3A_129 : i32
          %add3A_131 = arith.addi %mul3A_2, %mul3A_130 : i32
          %dma_start3A_132 = tpu.memref_slice %arg3[%add3A_131] : memref<320000xi32, #tpu.memory_space<hbm>> -> memref<176xi32, #tpu.memory_space<hbm>>
          %dma_start3A_133 = tpu.memref_slice %arg3[%add3A_131] : memref<320000xi32, #tpu.memory_space<hbm>> -> memref<176xi32, #tpu.memory_space<hbm>>
          tpu.enqueue_dma source(%dma_start3A_133 : memref<176xi32, #tpu.memory_space<hbm>>) target(%arg9 : memref<176xi32, #tpu.memory_space<vmem>>) target_semaphore(%arg12 : memref<!tpu.dma_semaphore, #tpu.memory_space<semaphore_mem>>)
          %dma_start3A_134 = tpu.memref_slice %arg4[%add3A_131] : memref<320000xi32, #tpu.memory_space<hbm>> -> memref<176xi32, #tpu.memory_space<hbm>>
          %dma_start3A_135 = tpu.memref_slice %arg4[%add3A_131] : memref<320000xi32, #tpu.memory_space<hbm>> -> memref<176xi32, #tpu.memory_space<hbm>>
          tpu.enqueue_dma source(%dma_start3A_135 : memref<176xi32, #tpu.memory_space<hbm>>) target(%arg17 : memref<176xi32, #tpu.memory_space<vmem>>) target_semaphore(%arg12 : memref<!tpu.dma_semaphore, #tpu.memory_space<semaphore_mem>>)
        } else {
        }
        "tpu.region"() ({
          %run_scoped3A = tpu.sem_alloc : memref<!tpu.dma_semaphore, #tpu.memory_space<semaphore_mem>>
          %dma_start3A_127 = arith.constant 0 : i32
          %dma_start3A_128 = arith.constant 0 : i32
          %dma_start3A_129 = tpu.memref_slice %arg8[%dma_start3A_127, %dma_start3A_128] : memref<10240x128xf32, #tpu.memory_space<vmem_shared>> -> memref<10240x128xf32, #tpu.memory_space<vmem_shared>>
          tpu.enqueue_indirect_dma source(%arg10 : memref<176x128xf32, #tpu.memory_space<vmem>>) target(%dma_start3A_129 : memref<10240x128xf32, #tpu.memory_space<vmem_shared>>) offsets(%arg19 : memref<176xi32, #tpu.memory_space<vmem>>) semaphore(%run_scoped3A : memref<!tpu.dma_semaphore, #tpu.memory_space<semaphore_mem>>) {add = true}
          %dma_wait3A_130 = arith.constant 0 : i32
          %dma_wait3A_131 = arith.constant 0 : i32
          %dma_wait3A_132 = tpu.memref_slice %arg8[%dma_wait3A_130, %dma_wait3A_131] : memref<10240x128xf32, #tpu.memory_space<vmem_shared>> -> memref<10240x128xf32, #tpu.memory_space<vmem_shared>>
          tpu.wait_indirect_dma semaphore(%run_scoped3A : memref<!tpu.dma_semaphore, #tpu.memory_space<semaphore_mem>>) src(%arg10 : memref<176x128xf32, #tpu.memory_space<vmem>>) dst(%dma_wait3A_132 : memref<10240x128xf32, #tpu.memory_space<vmem_shared>>)
          tpu.yield
        }) : () -> ()
        %add3A_98 = arith.constant 2 : i32
        %add3A_99 = arith.addi %add3A_87, %add3A_98 : i32
        %lt3A_100 = arith.constant 113 : i32
        %lt3A_101 = arith.cmpi slt, %add3A_99, %lt3A_100 : i32
        %convert_element_type3A_102 = arith.extui %lt3A_101 : i1 to i32
        %cond3A_103 = arith.constant 0 : i32
        %cond3A_104 = arith.cmpi ne, %convert_element_type3A_102, %cond3A_103 : i32
        scf.if %cond3A_104 {
          %add3A_127 = arith.constant 2 : i32
          %add3A_128 = arith.addi %add3A_87, %add3A_127 : i32
          %mul3A_129 = arith.constant 176 : i32
          %mul3A_130 = arith.muli %add3A_128, %mul3A_129 : i32
          %add3A_131 = arith.addi %mul3A_2, %mul3A_130 : i32
          %dma_wait3A_132 = tpu.memref_slice %arg3[%add3A_131] : memref<320000xi32, #tpu.memory_space<hbm>> -> memref<176xi32, #tpu.memory_space<hbm>>
          %dma_wait3A_133 = tpu.memref_slice %arg3[%add3A_131] : memref<320000xi32, #tpu.memory_space<hbm>> -> memref<176xi32, #tpu.memory_space<hbm>>
          tpu.wait_dma2 semaphore(%arg12 : memref<!tpu.dma_semaphore, #tpu.memory_space<semaphore_mem>>) src(%dma_wait3A_133 : memref<176xi32, #tpu.memory_space<hbm>>) dst(%arg9 : memref<176xi32, #tpu.memory_space<vmem>>)
          %dma_wait3A_134 = tpu.memref_slice %arg4[%add3A_131] : memref<320000xi32, #tpu.memory_space<hbm>> -> memref<176xi32, #tpu.memory_space<hbm>>
          %dma_wait3A_135 = tpu.memref_slice %arg4[%add3A_131] : memref<320000xi32, #tpu.memory_space<hbm>> -> memref<176xi32, #tpu.memory_space<hbm>>
          tpu.wait_dma2 semaphore(%arg12 : memref<!tpu.dma_semaphore, #tpu.memory_space<semaphore_mem>>) src(%dma_wait3A_135 : memref<176xi32, #tpu.memory_space<hbm>>) dst(%arg17 : memref<176xi32, #tpu.memory_space<vmem>>)
          %dma_start3A_136 = arith.constant 0 : i32
          %dma_start3A_137 = arith.constant 0 : i32
          %dma_start3A_138 = tpu.memref_slice %arg2[%dma_start3A_136, %dma_start3A_137] : memref<10240x128xf32, #tpu.memory_space<hbm>> -> memref<10240x128xf32, #tpu.memory_space<hbm>>
          tpu.enqueue_indirect_dma source(%dma_start3A_138 : memref<10240x128xf32, #tpu.memory_space<hbm>>) target(%arg10 : memref<176x128xf32, #tpu.memory_space<vmem>>) offsets(%arg9 : memref<176xi32, #tpu.memory_space<vmem>>) semaphore(%arg11 : memref<!tpu.dma_semaphore, #tpu.memory_space<semaphore_mem>>)
        } else {
        }
        %mul3A_105 = arith.constant 4 : i32
        %mul3A_106 = arith.muli %mul3A_105, %scan3A_41 : i32
        %add3A_107 = arith.constant 3 : i32
        %add3A_108 = arith.addi %mul3A_106, %add3A_107 : i32
        %dma_wait3A_109 = arith.constant 0 : i32
        %dma_wait3A_110 = arith.constant 0 : i32
        %dma_wait3A_111 = tpu.memref_slice %arg2[%dma_wait3A_109, %dma_wait3A_110] : memref<10240x128xf32, #tpu.memory_space<hbm>> -> memref<10240x128xf32, #tpu.memory_space<hbm>>
        tpu.wait_indirect_dma semaphore(%arg15 : memref<!tpu.dma_semaphore, #tpu.memory_space<semaphore_mem>>) src(%dma_wait3A_111 : memref<10240x128xf32, #tpu.memory_space<hbm>>) dst(%arg14 : memref<176x128xf32, #tpu.memory_space<vmem>>)
        %add3A_112 = arith.constant 2 : i32
        %add3A_113 = arith.addi %add3A_108, %add3A_112 : i32
        %lt3A_114 = arith.constant 113 : i32
        %lt3A_115 = arith.cmpi slt, %add3A_113, %lt3A_114 : i32
        %convert_element_type3A_116 = arith.extui %lt3A_115 : i1 to i32
        %cond3A_117 = arith.constant 0 : i32
        %cond3A_118 = arith.cmpi ne, %convert_element_type3A_116, %cond3A_117 : i32
        scf.if %cond3A_118 {
          %add3A_127 = arith.constant 2 : i32
          %add3A_128 = arith.addi %add3A_108, %add3A_127 : i32
          %mul3A_129 = arith.constant 176 : i32
          %mul3A_130 = arith.muli %add3A_128, %mul3A_129 : i32
          %add3A_131 = arith.addi %mul3A_2, %mul3A_130 : i32
          %dma_start3A_132 = tpu.memref_slice %arg3[%add3A_131] : memref<320000xi32, #tpu.memory_space<hbm>> -> memref<176xi32, #tpu.memory_space<hbm>>
          %dma_start3A_133 = tpu.memref_slice %arg3[%add3A_131] : memref<320000xi32, #tpu.memory_space<hbm>> -> memref<176xi32, #tpu.memory_space<hbm>>
          tpu.enqueue_dma source(%dma_start3A_133 : memref<176xi32, #tpu.memory_space<hbm>>) target(%arg13 : memref<176xi32, #tpu.memory_space<vmem>>) target_semaphore(%arg16 : memref<!tpu.dma_semaphore, #tpu.memory_space<semaphore_mem>>)
          %dma_start3A_134 = tpu.memref_slice %arg4[%add3A_131] : memref<320000xi32, #tpu.memory_space<hbm>> -> memref<176xi32, #tpu.memory_space<hbm>>
          %dma_start3A_135 = tpu.memref_slice %arg4[%add3A_131] : memref<320000xi32, #tpu.memory_space<hbm>> -> memref<176xi32, #tpu.memory_space<hbm>>
          tpu.enqueue_dma source(%dma_start3A_135 : memref<176xi32, #tpu.memory_space<hbm>>) target(%arg18 : memref<176xi32, #tpu.memory_space<vmem>>) target_semaphore(%arg16 : memref<!tpu.dma_semaphore, #tpu.memory_space<semaphore_mem>>)
        } else {
        }
        "tpu.region"() ({
          %run_scoped3A = tpu.sem_alloc : memref<!tpu.dma_semaphore, #tpu.memory_space<semaphore_mem>>
          %dma_start3A_127 = arith.constant 0 : i32
          %dma_start3A_128 = arith.constant 0 : i32
          %dma_start3A_129 = tpu.memref_slice %arg8[%dma_start3A_127, %dma_start3A_128] : memref<10240x128xf32, #tpu.memory_space<vmem_shared>> -> memref<10240x128xf32, #tpu.memory_space<vmem_shared>>
          tpu.enqueue_indirect_dma source(%arg14 : memref<176x128xf32, #tpu.memory_space<vmem>>) target(%dma_start3A_129 : memref<10240x128xf32, #tpu.memory_space<vmem_shared>>) offsets(%arg20 : memref<176xi32, #tpu.memory_space<vmem>>) semaphore(%run_scoped3A : memref<!tpu.dma_semaphore, #tpu.memory_space<semaphore_mem>>) {add = true}
          %dma_wait3A_130 = arith.constant 0 : i32
          %dma_wait3A_131 = arith.constant 0 : i32
          %dma_wait3A_132 = tpu.memref_slice %arg8[%dma_wait3A_130, %dma_wait3A_131] : memref<10240x128xf32, #tpu.memory_space<vmem_shared>> -> memref<10240x128xf32, #tpu.memory_space<vmem_shared>>
          tpu.wait_indirect_dma semaphore(%run_scoped3A : memref<!tpu.dma_semaphore, #tpu.memory_space<semaphore_mem>>) src(%arg14 : memref<176x128xf32, #tpu.memory_space<vmem>>) dst(%dma_wait3A_132 : memref<10240x128xf32, #tpu.memory_space<vmem_shared>>)
          tpu.yield
        }) : () -> ()
        %add3A_119 = arith.constant 2 : i32
        %add3A_120 = arith.addi %add3A_108, %add3A_119 : i32
        %lt3A_121 = arith.constant 113 : i32
        %lt3A_122 = arith.cmpi slt, %add3A_120, %lt3A_121 : i32
        %convert_element_type3A_123 = arith.extui %lt3A_122 : i1 to i32
        %cond3A_124 = arith.constant 0 : i32
        %cond3A_125 = arith.cmpi ne, %convert_element_type3A_123, %cond3A_124 : i32
        scf.if %cond3A_125 {
          %add3A_127 = arith.constant 2 : i32
          %add3A_128 = arith.addi %add3A_108, %add3A_127 : i32
          %mul3A_129 = arith.constant 176 : i32
          %mul3A_130 = arith.muli %add3A_128, %mul3A_129 : i32
          %add3A_131 = arith.addi %mul3A_2, %mul3A_130 : i32
          %dma_wait3A_132 = tpu.memref_slice %arg3[%add3A_131] : memref<320000xi32, #tpu.memory_space<hbm>> -> memref<176xi32, #tpu.memory_space<hbm>>
          %dma_wait3A_133 = tpu.memref_slice %arg3[%add3A_131] : memref<320000xi32, #tpu.memory_space<hbm>> -> memref<176xi32, #tpu.memory_space<hbm>>
          tpu.wait_dma2 semaphore(%arg16 : memref<!tpu.dma_semaphore, #tpu.memory_space<semaphore_mem>>) src(%dma_wait3A_133 : memref<176xi32, #tpu.memory_space<hbm>>) dst(%arg13 : memref<176xi32, #tpu.memory_space<vmem>>)
          %dma_wait3A_134 = tpu.memref_slice %arg4[%add3A_131] : memref<320000xi32, #tpu.memory_space<hbm>> -> memref<176xi32, #tpu.memory_space<hbm>>
          %dma_wait3A_135 = tpu.memref_slice %arg4[%add3A_131] : memref<320000xi32, #tpu.memory_space<hbm>> -> memref<176xi32, #tpu.memory_space<hbm>>
          tpu.wait_dma2 semaphore(%arg16 : memref<!tpu.dma_semaphore, #tpu.memory_space<semaphore_mem>>) src(%dma_wait3A_135 : memref<176xi32, #tpu.memory_space<hbm>>) dst(%arg18 : memref<176xi32, #tpu.memory_space<vmem>>)
          %dma_start3A_136 = arith.constant 0 : i32
          %dma_start3A_137 = arith.constant 0 : i32
          %dma_start3A_138 = tpu.memref_slice %arg2[%dma_start3A_136, %dma_start3A_137] : memref<10240x128xf32, #tpu.memory_space<hbm>> -> memref<10240x128xf32, #tpu.memory_space<hbm>>
          tpu.enqueue_indirect_dma source(%dma_start3A_138 : memref<10240x128xf32, #tpu.memory_space<hbm>>) target(%arg14 : memref<176x128xf32, #tpu.memory_space<vmem>>) offsets(%arg13 : memref<176xi32, #tpu.memory_space<vmem>>) semaphore(%arg15 : memref<!tpu.dma_semaphore, #tpu.memory_space<semaphore_mem>>)
        } else {
        }
        %scan3A_126 = arith.constant 0 : i32
        scf.yield %scan3A_126 : i32
      }
      %scan3A_24 = arith.constant 28 : i32
      %dma_wait3A = arith.constant 0 : i32
      %dma_wait3A_25 = arith.constant 0 : i32
      %dma_wait3A_26 = tpu.memref_slice %arg2[%dma_wait3A, %dma_wait3A_25] : memref<10240x128xf32, #tpu.memory_space<hbm>> -> memref<10240x128xf32, #tpu.memory_space<hbm>>
      tpu.wait_indirect_dma semaphore(%arg11 : memref<!tpu.dma_semaphore, #tpu.memory_space<semaphore_mem>>) src(%dma_wait3A_26 : memref<10240x128xf32, #tpu.memory_space<hbm>>) dst(%arg10 : memref<176x128xf32, #tpu.memory_space<vmem>>)
      "tpu.region"() ({
        %run_scoped3A = tpu.sem_alloc : memref<!tpu.dma_semaphore, #tpu.memory_space<semaphore_mem>>
        %dma_start3A_41 = arith.constant 0 : i32
        %dma_start3A_42 = arith.constant 0 : i32
        %dma_start3A_43 = tpu.memref_slice %arg8[%dma_start3A_41, %dma_start3A_42] : memref<10240x128xf32, #tpu.memory_space<vmem_shared>> -> memref<10240x128xf32, #tpu.memory_space<vmem_shared>>
        tpu.enqueue_indirect_dma source(%arg10 : memref<176x128xf32, #tpu.memory_space<vmem>>) target(%dma_start3A_43 : memref<10240x128xf32, #tpu.memory_space<vmem_shared>>) offsets(%arg17 : memref<176xi32, #tpu.memory_space<vmem>>) semaphore(%run_scoped3A : memref<!tpu.dma_semaphore, #tpu.memory_space<semaphore_mem>>) {add = true}
        %dma_wait3A_44 = arith.constant 0 : i32
        %dma_wait3A_45 = arith.constant 0 : i32
        %dma_wait3A_46 = tpu.memref_slice %arg8[%dma_wait3A_44, %dma_wait3A_45] : memref<10240x128xf32, #tpu.memory_space<vmem_shared>> -> memref<10240x128xf32, #tpu.memory_space<vmem_shared>>
        tpu.wait_indirect_dma semaphore(%run_scoped3A : memref<!tpu.dma_semaphore, #tpu.memory_space<semaphore_mem>>) src(%arg10 : memref<176x128xf32, #tpu.memory_space<vmem>>) dst(%dma_wait3A_46 : memref<10240x128xf32, #tpu.memory_space<vmem_shared>>)
        tpu.yield
      }) : () -> ()
      %add3A_27 = arith.constant 19888 : i32
      %add3A_28 = arith.addi %mul3A_2, %add3A_27 : i32
      "tpu.region"() ({
        %run_scoped3A = tpu.sem_alloc : memref<!tpu.dma_semaphore, #tpu.memory_space<semaphore_mem>>
        %dma_start3A_41 = tpu.memref_slice %arg3[%add3A_28] : memref<320000xi32, #tpu.memory_space<hbm>> -> memref<112xi32, #tpu.memory_space<hbm>>
        %dma_start3A_42 = tpu.memref_slice %arg3[%add3A_28] : memref<320000xi32, #tpu.memory_space<hbm>> -> memref<112xi32, #tpu.memory_space<hbm>>
        tpu.enqueue_dma source(%dma_start3A_42 : memref<112xi32, #tpu.memory_space<hbm>>) target(%arg21 : memref<112xi32, #tpu.memory_space<vmem>>) target_semaphore(%run_scoped3A : memref<!tpu.dma_semaphore, #tpu.memory_space<semaphore_mem>>)
        %dma_wait3A_43 = tpu.memref_slice %arg3[%add3A_28] : memref<320000xi32, #tpu.memory_space<hbm>> -> memref<112xi32, #tpu.memory_space<hbm>>
        %dma_wait3A_44 = tpu.memref_slice %arg3[%add3A_28] : memref<320000xi32, #tpu.memory_space<hbm>> -> memref<112xi32, #tpu.memory_space<hbm>>
        tpu.wait_dma2 semaphore(%run_scoped3A : memref<!tpu.dma_semaphore, #tpu.memory_space<semaphore_mem>>) src(%dma_wait3A_44 : memref<112xi32, #tpu.memory_space<hbm>>) dst(%arg21 : memref<112xi32, #tpu.memory_space<vmem>>)
        tpu.yield
      }) : () -> ()
      "tpu.region"() ({
        %run_scoped3A = tpu.sem_alloc : memref<!tpu.dma_semaphore, #tpu.memory_space<semaphore_mem>>
        %dma_start3A_41 = tpu.memref_slice %arg4[%add3A_28] : memref<320000xi32, #tpu.memory_space<hbm>> -> memref<112xi32, #tpu.memory_space<hbm>>
        %dma_start3A_42 = tpu.memref_slice %arg4[%add3A_28] : memref<320000xi32, #tpu.memory_space<hbm>> -> memref<112xi32, #tpu.memory_space<hbm>>
        tpu.enqueue_dma source(%dma_start3A_42 : memref<112xi32, #tpu.memory_space<hbm>>) target(%arg22 : memref<112xi32, #tpu.memory_space<vmem>>) target_semaphore(%run_scoped3A : memref<!tpu.dma_semaphore, #tpu.memory_space<semaphore_mem>>)
        %dma_wait3A_43 = tpu.memref_slice %arg4[%add3A_28] : memref<320000xi32, #tpu.memory_space<hbm>> -> memref<112xi32, #tpu.memory_space<hbm>>
        %dma_wait3A_44 = tpu.memref_slice %arg4[%add3A_28] : memref<320000xi32, #tpu.memory_space<hbm>> -> memref<112xi32, #tpu.memory_space<hbm>>
        tpu.wait_dma2 semaphore(%run_scoped3A : memref<!tpu.dma_semaphore, #tpu.memory_space<semaphore_mem>>) src(%dma_wait3A_44 : memref<112xi32, #tpu.memory_space<hbm>>) dst(%arg22 : memref<112xi32, #tpu.memory_space<vmem>>)
        tpu.yield
      }) : () -> ()
      %dma_start3A_29 = arith.constant 0 : i32
      %dma_start3A_30 = arith.constant 0 : i32
      %dma_start3A_31 = tpu.memref_slice %arg10[%dma_start3A_29, %dma_start3A_30] : memref<176x128xf32, #tpu.memory_space<vmem>> -> memref<112x128xf32, #tpu.memory_space<vmem>>
      %dma_start3A_32 = arith.constant 0 : i32
      %dma_start3A_33 = arith.constant 0 : i32
      %dma_start3A_34 = tpu.memref_slice %arg2[%dma_start3A_32, %dma_start3A_33] : memref<10240x128xf32, #tpu.memory_space<hbm>> -> memref<10240x128xf32, #tpu.memory_space<hbm>>
      tpu.enqueue_indirect_dma source(%dma_start3A_34 : memref<10240x128xf32, #tpu.memory_space<hbm>>) target(%dma_start3A_31 : memref<112x128xf32, #tpu.memory_space<vmem>>) offsets(%arg21 : memref<112xi32, #tpu.memory_space<vmem>>) semaphore(%arg11 : memref<!tpu.dma_semaphore, #tpu.memory_space<semaphore_mem>>)
      %dma_wait3A_35 = arith.constant 0 : i32
      %dma_wait3A_36 = arith.constant 0 : i32
      %dma_wait3A_37 = tpu.memref_slice %arg10[%dma_wait3A_35, %dma_wait3A_36] : memref<176x128xf32, #tpu.memory_space<vmem>> -> memref<112x128xf32, #tpu.memory_space<vmem>>
      %dma_wait3A_38 = arith.constant 0 : i32
      %dma_wait3A_39 = arith.constant 0 : i32
      %dma_wait3A_40 = tpu.memref_slice %arg2[%dma_wait3A_38, %dma_wait3A_39] : memref<10240x128xf32, #tpu.memory_space<hbm>> -> memref<10240x128xf32, #tpu.memory_space<hbm>>
      tpu.wait_indirect_dma semaphore(%arg11 : memref<!tpu.dma_semaphore, #tpu.memory_space<semaphore_mem>>) src(%dma_wait3A_40 : memref<10240x128xf32, #tpu.memory_space<hbm>>) dst(%dma_wait3A_37 : memref<112x128xf32, #tpu.memory_space<vmem>>)
      "tpu.region"() ({
        %run_scoped3A = tpu.sem_alloc : memref<!tpu.dma_semaphore, #tpu.memory_space<semaphore_mem>>
        %dma_start3A_41 = arith.constant 0 : i32
        %dma_start3A_42 = arith.constant 0 : i32
        %dma_start3A_43 = tpu.memref_slice %arg10[%dma_start3A_41, %dma_start3A_42] : memref<176x128xf32, #tpu.memory_space<vmem>> -> memref<112x128xf32, #tpu.memory_space<vmem>>
        %dma_start3A_44 = arith.constant 0 : i32
        %dma_start3A_45 = arith.constant 0 : i32
        %dma_start3A_46 = tpu.memref_slice %arg8[%dma_start3A_44, %dma_start3A_45] : memref<10240x128xf32, #tpu.memory_space<vmem_shared>> -> memref<10240x128xf32, #tpu.memory_space<vmem_shared>>
        tpu.enqueue_indirect_dma source(%dma_start3A_43 : memref<112x128xf32, #tpu.memory_space<vmem>>) target(%dma_start3A_46 : memref<10240x128xf32, #tpu.memory_space<vmem_shared>>) offsets(%arg22 : memref<112xi32, #tpu.memory_space<vmem>>) semaphore(%run_scoped3A : memref<!tpu.dma_semaphore, #tpu.memory_space<semaphore_mem>>) {add = true}
        %dma_wait3A_47 = arith.constant 0 : i32
        %dma_wait3A_48 = arith.constant 0 : i32
        %dma_wait3A_49 = tpu.memref_slice %arg10[%dma_wait3A_47, %dma_wait3A_48] : memref<176x128xf32, #tpu.memory_space<vmem>> -> memref<112x128xf32, #tpu.memory_space<vmem>>
        %dma_wait3A_50 = arith.constant 0 : i32
        %dma_wait3A_51 = arith.constant 0 : i32
        %dma_wait3A_52 = tpu.memref_slice %arg8[%dma_wait3A_50, %dma_wait3A_51] : memref<10240x128xf32, #tpu.memory_space<vmem_shared>> -> memref<10240x128xf32, #tpu.memory_space<vmem_shared>>
        tpu.wait_indirect_dma semaphore(%run_scoped3A : memref<!tpu.dma_semaphore, #tpu.memory_space<semaphore_mem>>) src(%dma_wait3A_49 : memref<112x128xf32, #tpu.memory_space<vmem>>) dst(%dma_wait3A_52 : memref<10240x128xf32, #tpu.memory_space<vmem_shared>>)
        tpu.yield
      }) : () -> ()
    } else {
    }
    %eq3A_5 = arith.constant 1 : i32
    %eq3A_6 = arith.cmpi eq, %arg0, %eq3A_5 : i32
    %convert_element_type3A_7 = arith.extui %eq3A_6 : i1 to i32
    %cond3A_8 = arith.constant 0 : i32
    %cond3A_9 = arith.cmpi ne, %convert_element_type3A_7, %cond3A_8 : i32
    scf.if %cond3A_9 {
      "tpu.region"() ({
        %run_scoped3A = tpu.sem_alloc : memref<!tpu.dma_semaphore, #tpu.memory_space<semaphore_mem>>
        tpu.enqueue_dma source(%arg6 : memref<176x128xf32, #tpu.memory_space<hbm>>) target(%arg10 : memref<176x128xf32, #tpu.memory_space<vmem>>) target_semaphore(%run_scoped3A : memref<!tpu.dma_semaphore, #tpu.memory_space<semaphore_mem>>)
        tpu.wait_dma2 semaphore(%run_scoped3A : memref<!tpu.dma_semaphore, #tpu.memory_space<semaphore_mem>>) src(%arg6 : memref<176x128xf32, #tpu.memory_space<hbm>>) dst(%arg10 : memref<176x128xf32, #tpu.memory_space<vmem>>)
        tpu.yield
      }) : () -> ()
      "tpu.region"() ({
        %run_scoped3A = tpu.sem_alloc : memref<!tpu.dma_semaphore, #tpu.memory_space<semaphore_mem>>
        %dma_start3A = tpu.memref_slice %arg4[%mul3A_2] : memref<320000xi32, #tpu.memory_space<hbm>> -> memref<176xi32, #tpu.memory_space<hbm>>
        %dma_start3A_18 = tpu.memref_slice %arg4[%mul3A_2] : memref<320000xi32, #tpu.memory_space<hbm>> -> memref<176xi32, #tpu.memory_space<hbm>>
        tpu.enqueue_dma source(%dma_start3A_18 : memref<176xi32, #tpu.memory_space<hbm>>) target(%arg17 : memref<176xi32, #tpu.memory_space<vmem>>) target_semaphore(%run_scoped3A : memref<!tpu.dma_semaphore, #tpu.memory_space<semaphore_mem>>)
        %dma_wait3A = tpu.memref_slice %arg4[%mul3A_2] : memref<320000xi32, #tpu.memory_space<hbm>> -> memref<176xi32, #tpu.memory_space<hbm>>
        %dma_wait3A_19 = tpu.memref_slice %arg4[%mul3A_2] : memref<320000xi32, #tpu.memory_space<hbm>> -> memref<176xi32, #tpu.memory_space<hbm>>
        tpu.wait_dma2 semaphore(%run_scoped3A : memref<!tpu.dma_semaphore, #tpu.memory_space<semaphore_mem>>) src(%dma_wait3A_19 : memref<176xi32, #tpu.memory_space<hbm>>) dst(%arg17 : memref<176xi32, #tpu.memory_space<vmem>>)
        tpu.yield
      }) : () -> ()
      %scan3A = arith.constant 0 : i32
      %scan3A_11 = arith.constant 0 : i32
      %scan3A_12 = arith.constant 56 : i32
      %scan3A_13 = arith.addi %scan3A_11, %scan3A_12 : i32
      %scan3A_14 = arith.constant 1 : i32
      %scan3A_15 = scf.for %scan3A_18 = %scan3A_11 to %scan3A_13 step %scan3A_14 iter_args(%scan3A_19 = %scan3A) -> (i32)  : i32 {
        %mul3A_20 = arith.constant 2 : i32
        %mul3A_21 = arith.muli %mul3A_20, %scan3A_18 : i32
        %add3A_22 = arith.constant 0 : i32
        %add3A_23 = arith.addi %mul3A_21, %add3A_22 : i32
        %add3A_24 = arith.constant 1 : i32
        %add3A_25 = arith.addi %add3A_23, %add3A_24 : i32
        %lt3A = arith.constant 113 : i32
        %lt3A_26 = arith.cmpi slt, %add3A_25, %lt3A : i32
        %convert_element_type3A_27 = arith.extui %lt3A_26 : i1 to i32
        %cond3A_28 = arith.constant 0 : i32
        %cond3A_29 = arith.cmpi ne, %convert_element_type3A_27, %cond3A_28 : i32
        scf.if %cond3A_29 {
          %add3A_56 = arith.constant 1 : i32
          %add3A_57 = arith.addi %add3A_23, %add3A_56 : i32
          %mul3A_58 = arith.constant 176 : i32
          %mul3A_59 = arith.muli %add3A_57, %mul3A_58 : i32
          %add3A_60 = arith.addi %mul3A_2, %mul3A_59 : i32
          %dma_start3A = tpu.memref_slice %arg4[%add3A_60] : memref<320000xi32, #tpu.memory_space<hbm>> -> memref<176xi32, #tpu.memory_space<hbm>>
          %dma_start3A_61 = tpu.memref_slice %arg4[%add3A_60] : memref<320000xi32, #tpu.memory_space<hbm>> -> memref<176xi32, #tpu.memory_space<hbm>>
          tpu.enqueue_dma source(%dma_start3A_61 : memref<176xi32, #tpu.memory_space<hbm>>) target(%arg18 : memref<176xi32, #tpu.memory_space<vmem>>) target_semaphore(%arg12 : memref<!tpu.dma_semaphore, #tpu.memory_space<semaphore_mem>>)
        } else {
        }
        "tpu.region"() ({
          %run_scoped3A = tpu.sem_alloc : memref<!tpu.dma_semaphore, #tpu.memory_space<semaphore_mem>>
          %dma_start3A = arith.constant 0 : i32
          %dma_start3A_56 = arith.constant 0 : i32
          %dma_start3A_57 = tpu.memref_slice %arg8[%dma_start3A, %dma_start3A_56] : memref<10240x128xf32, #tpu.memory_space<vmem_shared>> -> memref<10240x128xf32, #tpu.memory_space<vmem_shared>>
          tpu.enqueue_indirect_dma source(%arg10 : memref<176x128xf32, #tpu.memory_space<vmem>>) target(%dma_start3A_57 : memref<10240x128xf32, #tpu.memory_space<vmem_shared>>) offsets(%arg17 : memref<176xi32, #tpu.memory_space<vmem>>) semaphore(%run_scoped3A : memref<!tpu.dma_semaphore, #tpu.memory_space<semaphore_mem>>) {add = true}
          %dma_wait3A = arith.constant 0 : i32
          %dma_wait3A_58 = arith.constant 0 : i32
          %dma_wait3A_59 = tpu.memref_slice %arg8[%dma_wait3A, %dma_wait3A_58] : memref<10240x128xf32, #tpu.memory_space<vmem_shared>> -> memref<10240x128xf32, #tpu.memory_space<vmem_shared>>
          tpu.wait_indirect_dma semaphore(%run_scoped3A : memref<!tpu.dma_semaphore, #tpu.memory_space<semaphore_mem>>) src(%arg10 : memref<176x128xf32, #tpu.memory_space<vmem>>) dst(%dma_wait3A_59 : memref<10240x128xf32, #tpu.memory_space<vmem_shared>>)
          tpu.yield
        }) : () -> ()
        %add3A_30 = arith.constant 1 : i32
        %add3A_31 = arith.addi %add3A_23, %add3A_30 : i32
        %lt3A_32 = arith.constant 113 : i32
        %lt3A_33 = arith.cmpi slt, %add3A_31, %lt3A_32 : i32
        %convert_element_type3A_34 = arith.extui %lt3A_33 : i1 to i32
        %cond3A_35 = arith.constant 0 : i32
        %cond3A_36 = arith.cmpi ne, %convert_element_type3A_34, %cond3A_35 : i32
        scf.if %cond3A_36 {
          %add3A_56 = arith.constant 1 : i32
          %add3A_57 = arith.addi %add3A_23, %add3A_56 : i32
          %mul3A_58 = arith.constant 176 : i32
          %mul3A_59 = arith.muli %add3A_57, %mul3A_58 : i32
          %add3A_60 = arith.addi %mul3A_2, %mul3A_59 : i32
          %dma_wait3A = tpu.memref_slice %arg4[%add3A_60] : memref<320000xi32, #tpu.memory_space<hbm>> -> memref<176xi32, #tpu.memory_space<hbm>>
          %dma_wait3A_61 = tpu.memref_slice %arg4[%add3A_60] : memref<320000xi32, #tpu.memory_space<hbm>> -> memref<176xi32, #tpu.memory_space<hbm>>
          tpu.wait_dma2 semaphore(%arg12 : memref<!tpu.dma_semaphore, #tpu.memory_space<semaphore_mem>>) src(%dma_wait3A_61 : memref<176xi32, #tpu.memory_space<hbm>>) dst(%arg18 : memref<176xi32, #tpu.memory_space<vmem>>)
        } else {
        }
        %mul3A_37 = arith.constant 2 : i32
        %mul3A_38 = arith.muli %mul3A_37, %scan3A_18 : i32
        %add3A_39 = arith.constant 1 : i32
        %add3A_40 = arith.addi %mul3A_38, %add3A_39 : i32
        %add3A_41 = arith.constant 1 : i32
        %add3A_42 = arith.addi %add3A_40, %add3A_41 : i32
        %lt3A_43 = arith.constant 113 : i32
        %lt3A_44 = arith.cmpi slt, %add3A_42, %lt3A_43 : i32
        %convert_element_type3A_45 = arith.extui %lt3A_44 : i1 to i32
        %cond3A_46 = arith.constant 0 : i32
        %cond3A_47 = arith.cmpi ne, %convert_element_type3A_45, %cond3A_46 : i32
        scf.if %cond3A_47 {
          %add3A_56 = arith.constant 1 : i32
          %add3A_57 = arith.addi %add3A_40, %add3A_56 : i32
          %mul3A_58 = arith.constant 176 : i32
          %mul3A_59 = arith.muli %add3A_57, %mul3A_58 : i32
          %add3A_60 = arith.addi %mul3A_2, %mul3A_59 : i32
          %dma_start3A = tpu.memref_slice %arg4[%add3A_60] : memref<320000xi32, #tpu.memory_space<hbm>> -> memref<176xi32, #tpu.memory_space<hbm>>
          %dma_start3A_61 = tpu.memref_slice %arg4[%add3A_60] : memref<320000xi32, #tpu.memory_space<hbm>> -> memref<176xi32, #tpu.memory_space<hbm>>
          tpu.enqueue_dma source(%dma_start3A_61 : memref<176xi32, #tpu.memory_space<hbm>>) target(%arg17 : memref<176xi32, #tpu.memory_space<vmem>>) target_semaphore(%arg12 : memref<!tpu.dma_semaphore, #tpu.memory_space<semaphore_mem>>)
        } else {
        }
        "tpu.region"() ({
          %run_scoped3A = tpu.sem_alloc : memref<!tpu.dma_semaphore, #tpu.memory_space<semaphore_mem>>
          %dma_start3A = arith.constant 0 : i32
          %dma_start3A_56 = arith.constant 0 : i32
          %dma_start3A_57 = tpu.memref_slice %arg8[%dma_start3A, %dma_start3A_56] : memref<10240x128xf32, #tpu.memory_space<vmem_shared>> -> memref<10240x128xf32, #tpu.memory_space<vmem_shared>>
          tpu.enqueue_indirect_dma source(%arg10 : memref<176x128xf32, #tpu.memory_space<vmem>>) target(%dma_start3A_57 : memref<10240x128xf32, #tpu.memory_space<vmem_shared>>) offsets(%arg18 : memref<176xi32, #tpu.memory_space<vmem>>) semaphore(%run_scoped3A : memref<!tpu.dma_semaphore, #tpu.memory_space<semaphore_mem>>) {add = true}
          %dma_wait3A = arith.constant 0 : i32
          %dma_wait3A_58 = arith.constant 0 : i32
          %dma_wait3A_59 = tpu.memref_slice %arg8[%dma_wait3A, %dma_wait3A_58] : memref<10240x128xf32, #tpu.memory_space<vmem_shared>> -> memref<10240x128xf32, #tpu.memory_space<vmem_shared>>
          tpu.wait_indirect_dma semaphore(%run_scoped3A : memref<!tpu.dma_semaphore, #tpu.memory_space<semaphore_mem>>) src(%arg10 : memref<176x128xf32, #tpu.memory_space<vmem>>) dst(%dma_wait3A_59 : memref<10240x128xf32, #tpu.memory_space<vmem_shared>>)
          tpu.yield
        }) : () -> ()
        %add3A_48 = arith.constant 1 : i32
        %add3A_49 = arith.addi %add3A_40, %add3A_48 : i32
        %lt3A_50 = arith.constant 113 : i32
        %lt3A_51 = arith.cmpi slt, %add3A_49, %lt3A_50 : i32
        %convert_element_type3A_52 = arith.extui %lt3A_51 : i1 to i32
        %cond3A_53 = arith.constant 0 : i32
        %cond3A_54 = arith.cmpi ne, %convert_element_type3A_52, %cond3A_53 : i32
        scf.if %cond3A_54 {
          %add3A_56 = arith.constant 1 : i32
          %add3A_57 = arith.addi %add3A_40, %add3A_56 : i32
          %mul3A_58 = arith.constant 176 : i32
          %mul3A_59 = arith.muli %add3A_57, %mul3A_58 : i32
          %add3A_60 = arith.addi %mul3A_2, %mul3A_59 : i32
          %dma_wait3A = tpu.memref_slice %arg4[%add3A_60] : memref<320000xi32, #tpu.memory_space<hbm>> -> memref<176xi32, #tpu.memory_space<hbm>>
          %dma_wait3A_61 = tpu.memref_slice %arg4[%add3A_60] : memref<320000xi32, #tpu.memory_space<hbm>> -> memref<176xi32, #tpu.memory_space<hbm>>
          tpu.wait_dma2 semaphore(%arg12 : memref<!tpu.dma_semaphore, #tpu.memory_space<semaphore_mem>>) src(%dma_wait3A_61 : memref<176xi32, #tpu.memory_space<hbm>>) dst(%arg17 : memref<176xi32, #tpu.memory_space<vmem>>)
        } else {
        }
        %scan3A_55 = arith.constant 0 : i32
        scf.yield %scan3A_55 : i32
      }
      %scan3A_16 = arith.constant 56 : i32
      "tpu.region"() ({
        %run_scoped3A = tpu.sem_alloc : memref<!tpu.dma_semaphore, #tpu.memory_space<semaphore_mem>>
        %dma_start3A = arith.constant 0 : i32
        %dma_start3A_18 = arith.constant 0 : i32
        %dma_start3A_19 = tpu.memref_slice %arg8[%dma_start3A, %dma_start3A_18] : memref<10240x128xf32, #tpu.memory_space<vmem_shared>> -> memref<10240x128xf32, #tpu.memory_space<vmem_shared>>
        tpu.enqueue_indirect_dma source(%arg10 : memref<176x128xf32, #tpu.memory_space<vmem>>) target(%dma_start3A_19 : memref<10240x128xf32, #tpu.memory_space<vmem_shared>>) offsets(%arg17 : memref<176xi32, #tpu.memory_space<vmem>>) semaphore(%run_scoped3A : memref<!tpu.dma_semaphore, #tpu.memory_space<semaphore_mem>>) {add = true}
        %dma_wait3A = arith.constant 0 : i32
        %dma_wait3A_20 = arith.constant 0 : i32
        %dma_wait3A_21 = tpu.memref_slice %arg8[%dma_wait3A, %dma_wait3A_20] : memref<10240x128xf32, #tpu.memory_space<vmem_shared>> -> memref<10240x128xf32, #tpu.memory_space<vmem_shared>>
        tpu.wait_indirect_dma semaphore(%run_scoped3A : memref<!tpu.dma_semaphore, #tpu.memory_space<semaphore_mem>>) src(%arg10 : memref<176x128xf32, #tpu.memory_space<vmem>>) dst(%dma_wait3A_21 : memref<10240x128xf32, #tpu.memory_space<vmem_shared>>)
        tpu.yield
      }) : () -> ()
      %add3A = arith.constant 19888 : i32
      %add3A_17 = arith.addi %mul3A_2, %add3A : i32
      "tpu.region"() ({
        %run_scoped3A = tpu.sem_alloc : memref<!tpu.dma_semaphore, #tpu.memory_space<semaphore_mem>>
        %dma_start3A = tpu.memref_slice %arg4[%add3A_17] : memref<320000xi32, #tpu.memory_space<hbm>> -> memref<112xi32, #tpu.memory_space<hbm>>
        %dma_start3A_18 = tpu.memref_slice %arg4[%add3A_17] : memref<320000xi32, #tpu.memory_space<hbm>> -> memref<112xi32, #tpu.memory_space<hbm>>
        tpu.enqueue_dma source(%dma_start3A_18 : memref<112xi32, #tpu.memory_space<hbm>>) target(%arg22 : memref<112xi32, #tpu.memory_space<vmem>>) target_semaphore(%run_scoped3A : memref<!tpu.dma_semaphore, #tpu.memory_space<semaphore_mem>>)
        %dma_wait3A = tpu.memref_slice %arg4[%add3A_17] : memref<320000xi32, #tpu.memory_space<hbm>> -> memref<112xi32, #tpu.memory_space<hbm>>
        %dma_wait3A_19 = tpu.memref_slice %arg4[%add3A_17] : memref<320000xi32, #tpu.memory_space<hbm>> -> memref<112xi32, #tpu.memory_space<hbm>>
        tpu.wait_dma2 semaphore(%run_scoped3A : memref<!tpu.dma_semaphore, #tpu.memory_space<semaphore_mem>>) src(%dma_wait3A_19 : memref<112xi32, #tpu.memory_space<hbm>>) dst(%arg22 : memref<112xi32, #tpu.memory_space<vmem>>)
        tpu.yield
      }) : () -> ()
      "tpu.region"() ({
        %run_scoped3A = tpu.sem_alloc : memref<!tpu.dma_semaphore, #tpu.memory_space<semaphore_mem>>
        %dma_start3A = arith.constant 0 : i32
        %dma_start3A_18 = arith.constant 0 : i32
        %dma_start3A_19 = tpu.memref_slice %arg10[%dma_start3A, %dma_start3A_18] : memref<176x128xf32, #tpu.memory_space<vmem>> -> memref<112x128xf32, #tpu.memory_space<vmem>>
        %dma_start3A_20 = arith.constant 0 : i32
        %dma_start3A_21 = arith.constant 0 : i32
        %dma_start3A_22 = tpu.memref_slice %arg8[%dma_start3A_20, %dma_start3A_21] : memref<10240x128xf32, #tpu.memory_space<vmem_shared>> -> memref<10240x128xf32, #tpu.memory_space<vmem_shared>>
        tpu.enqueue_indirect_dma source(%dma_start3A_19 : memref<112x128xf32, #tpu.memory_space<vmem>>) target(%dma_start3A_22 : memref<10240x128xf32, #tpu.memory_space<vmem_shared>>) offsets(%arg22 : memref<112xi32, #tpu.memory_space<vmem>>) semaphore(%run_scoped3A : memref<!tpu.dma_semaphore, #tpu.memory_space<semaphore_mem>>) {add = true}
        %dma_wait3A = arith.constant 0 : i32
        %dma_wait3A_23 = arith.constant 0 : i32
        %dma_wait3A_24 = tpu.memref_slice %arg10[%dma_wait3A, %dma_wait3A_23] : memref<176x128xf32, #tpu.memory_space<vmem>> -> memref<112x128xf32, #tpu.memory_space<vmem>>
        %dma_wait3A_25 = arith.constant 0 : i32
        %dma_wait3A_26 = arith.constant 0 : i32
        %dma_wait3A_27 = tpu.memref_slice %arg8[%dma_wait3A_25, %dma_wait3A_26] : memref<10240x128xf32, #tpu.memory_space<vmem_shared>> -> memref<10240x128xf32, #tpu.memory_space<vmem_shared>>
        tpu.wait_indirect_dma semaphore(%run_scoped3A : memref<!tpu.dma_semaphore, #tpu.memory_space<semaphore_mem>>) src(%dma_wait3A_24 : memref<112x128xf32, #tpu.memory_space<vmem>>) dst(%dma_wait3A_27 : memref<10240x128xf32, #tpu.memory_space<vmem_shared>>)
        tpu.yield
      }) : () -> ()
    } else {
    }
    %barrier3A_10 = arith.constant 0 : index
    tpu.barrier barrier_id(%barrier3A_10)
    "tpu.region"() ({
      %run_scoped3A = tpu.sem_alloc : memref<!tpu.dma_semaphore, #tpu.memory_space<semaphore_mem>>
      %dma_start3A = arith.constant 0 : i32
      %dma_start3A_11 = tpu.memref_slice %arg7[%arg0, %mul3A_0, %dma_start3A] : memref<2x10240x128xf32, #tpu.memory_space<hbm>> -> memref<1x640x128xf32, #tpu.memory_space<hbm>>
      %dma_start3A_12 = tpu.memref_squeeze %dma_start3A_11 : memref<1x640x128xf32, #tpu.memory_space<hbm>> -> memref<640x128xf32, #tpu.memory_space<hbm>>
      %dma_start3A_13 = arith.constant 0 : i32
      %dma_start3A_14 = tpu.memref_slice %arg8[%mul3A_0, %dma_start3A_13] : memref<10240x128xf32, #tpu.memory_space<vmem_shared>> -> memref<640x128xf32, #tpu.memory_space<vmem_shared>>
      tpu.enqueue_dma source(%dma_start3A_14 : memref<640x128xf32, #tpu.memory_space<vmem_shared>>) target(%dma_start3A_12 : memref<640x128xf32, #tpu.memory_space<hbm>>) target_semaphore(%run_scoped3A : memref<!tpu.dma_semaphore, #tpu.memory_space<semaphore_mem>>)
      %dma_wait3A = arith.constant 0 : i32
      %dma_wait3A_15 = tpu.memref_slice %arg7[%arg0, %mul3A_0, %dma_wait3A] : memref<2x10240x128xf32, #tpu.memory_space<hbm>> -> memref<1x640x128xf32, #tpu.memory_space<hbm>>
      %dma_wait3A_16 = tpu.memref_squeeze %dma_wait3A_15 : memref<1x640x128xf32, #tpu.memory_space<hbm>> -> memref<640x128xf32, #tpu.memory_space<hbm>>
      %dma_wait3A_17 = arith.constant 0 : i32
      %dma_wait3A_18 = tpu.memref_slice %arg8[%mul3A_0, %dma_wait3A_17] : memref<10240x128xf32, #tpu.memory_space<vmem_shared>> -> memref<640x128xf32, #tpu.memory_space<vmem_shared>>
      tpu.wait_dma2 semaphore(%run_scoped3A : memref<!tpu.dma_semaphore, #tpu.memory_space<semaphore_mem>>) src(%dma_wait3A_18 : memref<640x128xf32, #tpu.memory_space<vmem_shared>>) dst(%dma_wait3A_16 : memref<640x128xf32, #tpu.memory_space<hbm>>)
      tpu.yield
    }) : () -> ()
    return
  }
}

#map = affine_map<(d0, d1) -> (0, 0)>
#map1 = affine_map<(d0, d1) -> (0)>
#map2 = affine_map<(d0, d1) -> (0, 0, 0)>
module attributes {stable_mosaic.version = 14 : i64} {
  func.func @_segsum_kernel(%arg0: i32, %arg1: i32, %arg2: memref<10240x128xf32, #tpu.memory_space<hbm>>, %arg3: memref<320000xi32, #tpu.memory_space<hbm>>, %arg4: memref<320000xi32, #tpu.memory_space<hbm>>, %arg5: memref<640x128xf32, #tpu.memory_space<hbm>>, %arg6: memref<2x10240x128xf32, #tpu.memory_space<hbm>>, %arg7: memref<10240x128xf32, #tpu.memory_space<vmem_shared>>, %arg8: memref<176xi32, #tpu.memory_space<vmem>>, %arg9: memref<176x128xf32, #tpu.memory_space<vmem>>, %arg10: memref<!tpu.dma_semaphore, #tpu.memory_space<semaphore_mem>>, %arg11: memref<!tpu.dma_semaphore, #tpu.memory_space<semaphore_mem>>, %arg12: memref<176xi32, #tpu.memory_space<vmem>>, %arg13: memref<176x128xf32, #tpu.memory_space<vmem>>, %arg14: memref<!tpu.dma_semaphore, #tpu.memory_space<semaphore_mem>>, %arg15: memref<!tpu.dma_semaphore, #tpu.memory_space<semaphore_mem>>, %arg16: memref<176xi32, #tpu.memory_space<vmem>>, %arg17: memref<176xi32, #tpu.memory_space<vmem>>, %arg18: memref<176xi32, #tpu.memory_space<vmem>>, %arg19: memref<176xi32, #tpu.memory_space<vmem>>, %arg20: memref<144xi32, #tpu.memory_space<vmem>>, %arg21: memref<144xi32, #tpu.memory_space<vmem>>) attributes {dimension_semantics = [#tpu.dimension_semantics<core_parallel>, #tpu.dimension_semantics<subcore_parallel>], iteration_bounds = array<i64: 2, 16>, scalar_prefetch = 0 : i64, scratch_operands = 15 : i64, tpu.core_type = #tpu.core_type<sc_vector_subcore>, window_params = [{transform_indices = #map}, {transform_indices = #map1}, {transform_indices = #map1}, {transform_indices = #map}, {transform_indices = #map2}]} {
    %mul3A = arith.constant 16 : i32
    %mul3A_0 = arith.muli %arg0, %mul3A : i32
    %add3A = arith.addi %mul3A_0, %arg1 : i32
    %mul3A_1 = arith.constant 640 : i32
    %mul3A_2 = arith.muli %arg1, %mul3A_1 : i32
    %mul3A_3 = arith.constant 10000 : i32
    %mul3A_4 = arith.muli %add3A, %mul3A_3 : i32
    "tpu.region"() ({
      %run_scoped3A = tpu.sem_alloc : memref<!tpu.dma_semaphore, #tpu.memory_space<semaphore_mem>>
      %dma_start3A_34 = arith.constant 0 : i32
      %dma_start3A_35 = tpu.memref_slice %arg7[%mul3A_2, %dma_start3A_34] : memref<10240x128xf32, #tpu.memory_space<vmem_shared>> -> memref<640x128xf32, #tpu.memory_space<vmem_shared>>
      tpu.enqueue_dma source(%arg5 : memref<640x128xf32, #tpu.memory_space<hbm>>) target(%dma_start3A_35 : memref<640x128xf32, #tpu.memory_space<vmem_shared>>) target_semaphore(%run_scoped3A : memref<!tpu.dma_semaphore, #tpu.memory_space<semaphore_mem>>)
      %dma_wait3A_36 = arith.constant 0 : i32
      %dma_wait3A_37 = tpu.memref_slice %arg7[%mul3A_2, %dma_wait3A_36] : memref<10240x128xf32, #tpu.memory_space<vmem_shared>> -> memref<640x128xf32, #tpu.memory_space<vmem_shared>>
      tpu.wait_dma2 semaphore(%run_scoped3A : memref<!tpu.dma_semaphore, #tpu.memory_space<semaphore_mem>>) src(%arg5 : memref<640x128xf32, #tpu.memory_space<hbm>>) dst(%dma_wait3A_37 : memref<640x128xf32, #tpu.memory_space<vmem_shared>>)
      tpu.yield
    }) : () -> ()
    %barrier3A = arith.constant 0 : index
    tpu.barrier barrier_id(%barrier3A)
    %add3A_5 = arith.constant 0 : i32
    %add3A_6 = arith.addi %mul3A_4, %add3A_5 : i32
    "tpu.region"() ({
      %run_scoped3A = tpu.sem_alloc : memref<!tpu.dma_semaphore, #tpu.memory_space<semaphore_mem>>
      %dma_start3A_34 = tpu.memref_slice %arg3[%add3A_6] : memref<320000xi32, #tpu.memory_space<hbm>> -> memref<176xi32, #tpu.memory_space<hbm>>
      %dma_start3A_35 = tpu.memref_slice %arg3[%add3A_6] : memref<320000xi32, #tpu.memory_space<hbm>> -> memref<176xi32, #tpu.memory_space<hbm>>
      tpu.enqueue_dma source(%dma_start3A_35 : memref<176xi32, #tpu.memory_space<hbm>>) target(%arg8 : memref<176xi32, #tpu.memory_space<vmem>>) target_semaphore(%run_scoped3A : memref<!tpu.dma_semaphore, #tpu.memory_space<semaphore_mem>>)
      %dma_wait3A_36 = tpu.memref_slice %arg3[%add3A_6] : memref<320000xi32, #tpu.memory_space<hbm>> -> memref<176xi32, #tpu.memory_space<hbm>>
      %dma_wait3A_37 = tpu.memref_slice %arg3[%add3A_6] : memref<320000xi32, #tpu.memory_space<hbm>> -> memref<176xi32, #tpu.memory_space<hbm>>
      tpu.wait_dma2 semaphore(%run_scoped3A : memref<!tpu.dma_semaphore, #tpu.memory_space<semaphore_mem>>) src(%dma_wait3A_37 : memref<176xi32, #tpu.memory_space<hbm>>) dst(%arg8 : memref<176xi32, #tpu.memory_space<vmem>>)
      tpu.yield
    }) : () -> ()
    "tpu.region"() ({
      %run_scoped3A = tpu.sem_alloc : memref<!tpu.dma_semaphore, #tpu.memory_space<semaphore_mem>>
      %dma_start3A_34 = tpu.memref_slice %arg4[%add3A_6] : memref<320000xi32, #tpu.memory_space<hbm>> -> memref<176xi32, #tpu.memory_space<hbm>>
      %dma_start3A_35 = tpu.memref_slice %arg4[%add3A_6] : memref<320000xi32, #tpu.memory_space<hbm>> -> memref<176xi32, #tpu.memory_space<hbm>>
      tpu.enqueue_dma source(%dma_start3A_35 : memref<176xi32, #tpu.memory_space<hbm>>) target(%arg16 : memref<176xi32, #tpu.memory_space<vmem>>) target_semaphore(%run_scoped3A : memref<!tpu.dma_semaphore, #tpu.memory_space<semaphore_mem>>)
      %dma_wait3A_36 = tpu.memref_slice %arg4[%add3A_6] : memref<320000xi32, #tpu.memory_space<hbm>> -> memref<176xi32, #tpu.memory_space<hbm>>
      %dma_wait3A_37 = tpu.memref_slice %arg4[%add3A_6] : memref<320000xi32, #tpu.memory_space<hbm>> -> memref<176xi32, #tpu.memory_space<hbm>>
      tpu.wait_dma2 semaphore(%run_scoped3A : memref<!tpu.dma_semaphore, #tpu.memory_space<semaphore_mem>>) src(%dma_wait3A_37 : memref<176xi32, #tpu.memory_space<hbm>>) dst(%arg16 : memref<176xi32, #tpu.memory_space<vmem>>)
      tpu.yield
    }) : () -> ()
    %dma_start3A = arith.constant 0 : i32
    %dma_start3A_7 = arith.constant 0 : i32
    %dma_start3A_8 = tpu.memref_slice %arg2[%dma_start3A, %dma_start3A_7] : memref<10240x128xf32, #tpu.memory_space<hbm>> -> memref<10240x128xf32, #tpu.memory_space<hbm>>
    tpu.enqueue_indirect_dma source(%dma_start3A_8 : memref<10240x128xf32, #tpu.memory_space<hbm>>) target(%arg9 : memref<176x128xf32, #tpu.memory_space<vmem>>) offsets(%arg8 : memref<176xi32, #tpu.memory_space<vmem>>) semaphore(%arg10 : memref<!tpu.dma_semaphore, #tpu.memory_space<semaphore_mem>>)
    %add3A_9 = arith.constant 176 : i32
    %add3A_10 = arith.addi %mul3A_4, %add3A_9 : i32
    "tpu.region"() ({
      %run_scoped3A = tpu.sem_alloc : memref<!tpu.dma_semaphore, #tpu.memory_space<semaphore_mem>>
      %dma_start3A_34 = tpu.memref_slice %arg3[%add3A_10] : memref<320000xi32, #tpu.memory_space<hbm>> -> memref<176xi32, #tpu.memory_space<hbm>>
      %dma_start3A_35 = tpu.memref_slice %arg3[%add3A_10] : memref<320000xi32, #tpu.memory_space<hbm>> -> memref<176xi32, #tpu.memory_space<hbm>>
      tpu.enqueue_dma source(%dma_start3A_35 : memref<176xi32, #tpu.memory_space<hbm>>) target(%arg12 : memref<176xi32, #tpu.memory_space<vmem>>) target_semaphore(%run_scoped3A : memref<!tpu.dma_semaphore, #tpu.memory_space<semaphore_mem>>)
      %dma_wait3A_36 = tpu.memref_slice %arg3[%add3A_10] : memref<320000xi32, #tpu.memory_space<hbm>> -> memref<176xi32, #tpu.memory_space<hbm>>
      %dma_wait3A_37 = tpu.memref_slice %arg3[%add3A_10] : memref<320000xi32, #tpu.memory_space<hbm>> -> memref<176xi32, #tpu.memory_space<hbm>>
      tpu.wait_dma2 semaphore(%run_scoped3A : memref<!tpu.dma_semaphore, #tpu.memory_space<semaphore_mem>>) src(%dma_wait3A_37 : memref<176xi32, #tpu.memory_space<hbm>>) dst(%arg12 : memref<176xi32, #tpu.memory_space<vmem>>)
      tpu.yield
    }) : () -> ()
    "tpu.region"() ({
      %run_scoped3A = tpu.sem_alloc : memref<!tpu.dma_semaphore, #tpu.memory_space<semaphore_mem>>
      %dma_start3A_34 = tpu.memref_slice %arg4[%add3A_10] : memref<320000xi32, #tpu.memory_space<hbm>> -> memref<176xi32, #tpu.memory_space<hbm>>
      %dma_start3A_35 = tpu.memref_slice %arg4[%add3A_10] : memref<320000xi32, #tpu.memory_space<hbm>> -> memref<176xi32, #tpu.memory_space<hbm>>
      tpu.enqueue_dma source(%dma_start3A_35 : memref<176xi32, #tpu.memory_space<hbm>>) target(%arg17 : memref<176xi32, #tpu.memory_space<vmem>>) target_semaphore(%run_scoped3A : memref<!tpu.dma_semaphore, #tpu.memory_space<semaphore_mem>>)
      %dma_wait3A_36 = tpu.memref_slice %arg4[%add3A_10] : memref<320000xi32, #tpu.memory_space<hbm>> -> memref<176xi32, #tpu.memory_space<hbm>>
      %dma_wait3A_37 = tpu.memref_slice %arg4[%add3A_10] : memref<320000xi32, #tpu.memory_space<hbm>> -> memref<176xi32, #tpu.memory_space<hbm>>
      tpu.wait_dma2 semaphore(%run_scoped3A : memref<!tpu.dma_semaphore, #tpu.memory_space<semaphore_mem>>) src(%dma_wait3A_37 : memref<176xi32, #tpu.memory_space<hbm>>) dst(%arg17 : memref<176xi32, #tpu.memory_space<vmem>>)
      tpu.yield
    }) : () -> ()
    %dma_start3A_11 = arith.constant 0 : i32
    %dma_start3A_12 = arith.constant 0 : i32
    %dma_start3A_13 = tpu.memref_slice %arg2[%dma_start3A_11, %dma_start3A_12] : memref<10240x128xf32, #tpu.memory_space<hbm>> -> memref<10240x128xf32, #tpu.memory_space<hbm>>
    tpu.enqueue_indirect_dma source(%dma_start3A_13 : memref<10240x128xf32, #tpu.memory_space<hbm>>) target(%arg13 : memref<176x128xf32, #tpu.memory_space<vmem>>) offsets(%arg12 : memref<176xi32, #tpu.memory_space<vmem>>) semaphore(%arg14 : memref<!tpu.dma_semaphore, #tpu.memory_space<semaphore_mem>>)
    %scan3A = arith.constant 0 : i32
    %scan3A_14 = arith.constant 0 : i32
    %scan3A_15 = arith.constant 14 : i32
    %scan3A_16 = arith.addi %scan3A_14, %scan3A_15 : i32
    %scan3A_17 = arith.constant 1 : i32
    %scan3A_18 = scf.for %scan3A_34 = %scan3A_14 to %scan3A_16 step %scan3A_17 iter_args(%scan3A_35 = %scan3A) -> (i32)  : i32 {
      %mul3A_36 = arith.constant 4 : i32
      %mul3A_37 = arith.muli %mul3A_36, %scan3A_34 : i32
      %add3A_38 = arith.constant 0 : i32
      %add3A_39 = arith.addi %mul3A_37, %add3A_38 : i32
      %dma_wait3A_40 = arith.constant 0 : i32
      %dma_wait3A_41 = arith.constant 0 : i32
      %dma_wait3A_42 = tpu.memref_slice %arg2[%dma_wait3A_40, %dma_wait3A_41] : memref<10240x128xf32, #tpu.memory_space<hbm>> -> memref<10240x128xf32, #tpu.memory_space<hbm>>
      tpu.wait_indirect_dma semaphore(%arg10 : memref<!tpu.dma_semaphore, #tpu.memory_space<semaphore_mem>>) src(%dma_wait3A_42 : memref<10240x128xf32, #tpu.memory_space<hbm>>) dst(%arg9 : memref<176x128xf32, #tpu.memory_space<vmem>>)
      %add3A_43 = arith.constant 2 : i32
      %add3A_44 = arith.addi %add3A_39, %add3A_43 : i32
      %lt3A = arith.constant 56 : i32
      %lt3A_45 = arith.cmpi slt, %add3A_44, %lt3A : i32
      %convert_element_type3A = arith.extui %lt3A_45 : i1 to i32
      %cond3A = arith.constant 0 : i32
      %cond3A_46 = arith.cmpi ne, %convert_element_type3A, %cond3A : i32
      scf.if %cond3A_46 {
        %add3A_118 = arith.constant 2 : i32
        %add3A_119 = arith.addi %add3A_39, %add3A_118 : i32
        %mul3A_120 = arith.constant 176 : i32
        %mul3A_121 = arith.muli %add3A_119, %mul3A_120 : i32
        %add3A_122 = arith.addi %mul3A_4, %mul3A_121 : i32
        %dma_start3A_123 = tpu.memref_slice %arg3[%add3A_122] : memref<320000xi32, #tpu.memory_space<hbm>> -> memref<176xi32, #tpu.memory_space<hbm>>
        %dma_start3A_124 = tpu.memref_slice %arg3[%add3A_122] : memref<320000xi32, #tpu.memory_space<hbm>> -> memref<176xi32, #tpu.memory_space<hbm>>
        tpu.enqueue_dma source(%dma_start3A_124 : memref<176xi32, #tpu.memory_space<hbm>>) target(%arg8 : memref<176xi32, #tpu.memory_space<vmem>>) target_semaphore(%arg11 : memref<!tpu.dma_semaphore, #tpu.memory_space<semaphore_mem>>)
        %dma_start3A_125 = tpu.memref_slice %arg4[%add3A_122] : memref<320000xi32, #tpu.memory_space<hbm>> -> memref<176xi32, #tpu.memory_space<hbm>>
        %dma_start3A_126 = tpu.memref_slice %arg4[%add3A_122] : memref<320000xi32, #tpu.memory_space<hbm>> -> memref<176xi32, #tpu.memory_space<hbm>>
        tpu.enqueue_dma source(%dma_start3A_126 : memref<176xi32, #tpu.memory_space<hbm>>) target(%arg18 : memref<176xi32, #tpu.memory_space<vmem>>) target_semaphore(%arg11 : memref<!tpu.dma_semaphore, #tpu.memory_space<semaphore_mem>>)
      } else {
      }
      "tpu.region"() ({
        %run_scoped3A = tpu.sem_alloc : memref<!tpu.dma_semaphore, #tpu.memory_space<semaphore_mem>>
        %dma_start3A_118 = arith.constant 0 : i32
        %dma_start3A_119 = arith.constant 0 : i32
        %dma_start3A_120 = tpu.memref_slice %arg7[%dma_start3A_118, %dma_start3A_119] : memref<10240x128xf32, #tpu.memory_space<vmem_shared>> -> memref<10240x128xf32, #tpu.memory_space<vmem_shared>>
        tpu.enqueue_indirect_dma source(%arg9 : memref<176x128xf32, #tpu.memory_space<vmem>>) target(%dma_start3A_120 : memref<10240x128xf32, #tpu.memory_space<vmem_shared>>) offsets(%arg16 : memref<176xi32, #tpu.memory_space<vmem>>) semaphore(%run_scoped3A : memref<!tpu.dma_semaphore, #tpu.memory_space<semaphore_mem>>) {add = true}
        %dma_wait3A_121 = arith.constant 0 : i32
        %dma_wait3A_122 = arith.constant 0 : i32
        %dma_wait3A_123 = tpu.memref_slice %arg7[%dma_wait3A_121, %dma_wait3A_122] : memref<10240x128xf32, #tpu.memory_space<vmem_shared>> -> memref<10240x128xf32, #tpu.memory_space<vmem_shared>>
        tpu.wait_indirect_dma semaphore(%run_scoped3A : memref<!tpu.dma_semaphore, #tpu.memory_space<semaphore_mem>>) src(%arg9 : memref<176x128xf32, #tpu.memory_space<vmem>>) dst(%dma_wait3A_123 : memref<10240x128xf32, #tpu.memory_space<vmem_shared>>)
        tpu.yield
      }) : () -> ()
      %add3A_47 = arith.constant 2 : i32
      %add3A_48 = arith.addi %add3A_39, %add3A_47 : i32
      %lt3A_49 = arith.constant 56 : i32
      %lt3A_50 = arith.cmpi slt, %add3A_48, %lt3A_49 : i32
      %convert_element_type3A_51 = arith.extui %lt3A_50 : i1 to i32
      %cond3A_52 = arith.constant 0 : i32
      %cond3A_53 = arith.cmpi ne, %convert_element_type3A_51, %cond3A_52 : i32
      scf.if %cond3A_53 {
        %add3A_118 = arith.constant 2 : i32
        %add3A_119 = arith.addi %add3A_39, %add3A_118 : i32
        %mul3A_120 = arith.constant 176 : i32
        %mul3A_121 = arith.muli %add3A_119, %mul3A_120 : i32
        %add3A_122 = arith.addi %mul3A_4, %mul3A_121 : i32
        %dma_wait3A_123 = tpu.memref_slice %arg3[%add3A_122] : memref<320000xi32, #tpu.memory_space<hbm>> -> memref<176xi32, #tpu.memory_space<hbm>>
        %dma_wait3A_124 = tpu.memref_slice %arg3[%add3A_122] : memref<320000xi32, #tpu.memory_space<hbm>> -> memref<176xi32, #tpu.memory_space<hbm>>
        tpu.wait_dma2 semaphore(%arg11 : memref<!tpu.dma_semaphore, #tpu.memory_space<semaphore_mem>>) src(%dma_wait3A_124 : memref<176xi32, #tpu.memory_space<hbm>>) dst(%arg8 : memref<176xi32, #tpu.memory_space<vmem>>)
        %dma_wait3A_125 = tpu.memref_slice %arg4[%add3A_122] : memref<320000xi32, #tpu.memory_space<hbm>> -> memref<176xi32, #tpu.memory_space<hbm>>
        %dma_wait3A_126 = tpu.memref_slice %arg4[%add3A_122] : memref<320000xi32, #tpu.memory_space<hbm>> -> memref<176xi32, #tpu.memory_space<hbm>>
        tpu.wait_dma2 semaphore(%arg11 : memref<!tpu.dma_semaphore, #tpu.memory_space<semaphore_mem>>) src(%dma_wait3A_126 : memref<176xi32, #tpu.memory_space<hbm>>) dst(%arg18 : memref<176xi32, #tpu.memory_space<vmem>>)
        %dma_start3A_127 = arith.constant 0 : i32
        %dma_start3A_128 = arith.constant 0 : i32
        %dma_start3A_129 = tpu.memref_slice %arg2[%dma_start3A_127, %dma_start3A_128] : memref<10240x128xf32, #tpu.memory_space<hbm>> -> memref<10240x128xf32, #tpu.memory_space<hbm>>
        tpu.enqueue_indirect_dma source(%dma_start3A_129 : memref<10240x128xf32, #tpu.memory_space<hbm>>) target(%arg9 : memref<176x128xf32, #tpu.memory_space<vmem>>) offsets(%arg8 : memref<176xi32, #tpu.memory_space<vmem>>) semaphore(%arg10 : memref<!tpu.dma_semaphore, #tpu.memory_space<semaphore_mem>>)
      } else {
      }
      %mul3A_54 = arith.constant 4 : i32
      %mul3A_55 = arith.muli %mul3A_54, %scan3A_34 : i32
      %add3A_56 = arith.constant 1 : i32
      %add3A_57 = arith.addi %mul3A_55, %add3A_56 : i32
      %dma_wait3A_58 = arith.constant 0 : i32
      %dma_wait3A_59 = arith.constant 0 : i32
      %dma_wait3A_60 = tpu.memref_slice %arg2[%dma_wait3A_58, %dma_wait3A_59] : memref<10240x128xf32, #tpu.memory_space<hbm>> -> memref<10240x128xf32, #tpu.memory_space<hbm>>
      tpu.wait_indirect_dma semaphore(%arg14 : memref<!tpu.dma_semaphore, #tpu.memory_space<semaphore_mem>>) src(%dma_wait3A_60 : memref<10240x128xf32, #tpu.memory_space<hbm>>) dst(%arg13 : memref<176x128xf32, #tpu.memory_space<vmem>>)
      %add3A_61 = arith.constant 2 : i32
      %add3A_62 = arith.addi %add3A_57, %add3A_61 : i32
      %lt3A_63 = arith.constant 56 : i32
      %lt3A_64 = arith.cmpi slt, %add3A_62, %lt3A_63 : i32
      %convert_element_type3A_65 = arith.extui %lt3A_64 : i1 to i32
      %cond3A_66 = arith.constant 0 : i32
      %cond3A_67 = arith.cmpi ne, %convert_element_type3A_65, %cond3A_66 : i32
      scf.if %cond3A_67 {
        %add3A_118 = arith.constant 2 : i32
        %add3A_119 = arith.addi %add3A_57, %add3A_118 : i32
        %mul3A_120 = arith.constant 176 : i32
        %mul3A_121 = arith.muli %add3A_119, %mul3A_120 : i32
        %add3A_122 = arith.addi %mul3A_4, %mul3A_121 : i32
        %dma_start3A_123 = tpu.memref_slice %arg3[%add3A_122] : memref<320000xi32, #tpu.memory_space<hbm>> -> memref<176xi32, #tpu.memory_space<hbm>>
        %dma_start3A_124 = tpu.memref_slice %arg3[%add3A_122] : memref<320000xi32, #tpu.memory_space<hbm>> -> memref<176xi32, #tpu.memory_space<hbm>>
        tpu.enqueue_dma source(%dma_start3A_124 : memref<176xi32, #tpu.memory_space<hbm>>) target(%arg12 : memref<176xi32, #tpu.memory_space<vmem>>) target_semaphore(%arg15 : memref<!tpu.dma_semaphore, #tpu.memory_space<semaphore_mem>>)
        %dma_start3A_125 = tpu.memref_slice %arg4[%add3A_122] : memref<320000xi32, #tpu.memory_space<hbm>> -> memref<176xi32, #tpu.memory_space<hbm>>
        %dma_start3A_126 = tpu.memref_slice %arg4[%add3A_122] : memref<320000xi32, #tpu.memory_space<hbm>> -> memref<176xi32, #tpu.memory_space<hbm>>
        tpu.enqueue_dma source(%dma_start3A_126 : memref<176xi32, #tpu.memory_space<hbm>>) target(%arg19 : memref<176xi32, #tpu.memory_space<vmem>>) target_semaphore(%arg15 : memref<!tpu.dma_semaphore, #tpu.memory_space<semaphore_mem>>)
      } else {
      }
      "tpu.region"() ({
        %run_scoped3A = tpu.sem_alloc : memref<!tpu.dma_semaphore, #tpu.memory_space<semaphore_mem>>
        %dma_start3A_118 = arith.constant 0 : i32
        %dma_start3A_119 = arith.constant 0 : i32
        %dma_start3A_120 = tpu.memref_slice %arg7[%dma_start3A_118, %dma_start3A_119] : memref<10240x128xf32, #tpu.memory_space<vmem_shared>> -> memref<10240x128xf32, #tpu.memory_space<vmem_shared>>
        tpu.enqueue_indirect_dma source(%arg13 : memref<176x128xf32, #tpu.memory_space<vmem>>) target(%dma_start3A_120 : memref<10240x128xf32, #tpu.memory_space<vmem_shared>>) offsets(%arg17 : memref<176xi32, #tpu.memory_space<vmem>>) semaphore(%run_scoped3A : memref<!tpu.dma_semaphore, #tpu.memory_space<semaphore_mem>>) {add = true}
        %dma_wait3A_121 = arith.constant 0 : i32
        %dma_wait3A_122 = arith.constant 0 : i32
        %dma_wait3A_123 = tpu.memref_slice %arg7[%dma_wait3A_121, %dma_wait3A_122] : memref<10240x128xf32, #tpu.memory_space<vmem_shared>> -> memref<10240x128xf32, #tpu.memory_space<vmem_shared>>
        tpu.wait_indirect_dma semaphore(%run_scoped3A : memref<!tpu.dma_semaphore, #tpu.memory_space<semaphore_mem>>) src(%arg13 : memref<176x128xf32, #tpu.memory_space<vmem>>) dst(%dma_wait3A_123 : memref<10240x128xf32, #tpu.memory_space<vmem_shared>>)
        tpu.yield
      }) : () -> ()
      %add3A_68 = arith.constant 2 : i32
      %add3A_69 = arith.addi %add3A_57, %add3A_68 : i32
      %lt3A_70 = arith.constant 56 : i32
      %lt3A_71 = arith.cmpi slt, %add3A_69, %lt3A_70 : i32
      %convert_element_type3A_72 = arith.extui %lt3A_71 : i1 to i32
      %cond3A_73 = arith.constant 0 : i32
      %cond3A_74 = arith.cmpi ne, %convert_element_type3A_72, %cond3A_73 : i32
      scf.if %cond3A_74 {
        %add3A_118 = arith.constant 2 : i32
        %add3A_119 = arith.addi %add3A_57, %add3A_118 : i32
        %mul3A_120 = arith.constant 176 : i32
        %mul3A_121 = arith.muli %add3A_119, %mul3A_120 : i32
        %add3A_122 = arith.addi %mul3A_4, %mul3A_121 : i32
        %dma_wait3A_123 = tpu.memref_slice %arg3[%add3A_122] : memref<320000xi32, #tpu.memory_space<hbm>> -> memref<176xi32, #tpu.memory_space<hbm>>
        %dma_wait3A_124 = tpu.memref_slice %arg3[%add3A_122] : memref<320000xi32, #tpu.memory_space<hbm>> -> memref<176xi32, #tpu.memory_space<hbm>>
        tpu.wait_dma2 semaphore(%arg15 : memref<!tpu.dma_semaphore, #tpu.memory_space<semaphore_mem>>) src(%dma_wait3A_124 : memref<176xi32, #tpu.memory_space<hbm>>) dst(%arg12 : memref<176xi32, #tpu.memory_space<vmem>>)
        %dma_wait3A_125 = tpu.memref_slice %arg4[%add3A_122] : memref<320000xi32, #tpu.memory_space<hbm>> -> memref<176xi32, #tpu.memory_space<hbm>>
        %dma_wait3A_126 = tpu.memref_slice %arg4[%add3A_122] : memref<320000xi32, #tpu.memory_space<hbm>> -> memref<176xi32, #tpu.memory_space<hbm>>
        tpu.wait_dma2 semaphore(%arg15 : memref<!tpu.dma_semaphore, #tpu.memory_space<semaphore_mem>>) src(%dma_wait3A_126 : memref<176xi32, #tpu.memory_space<hbm>>) dst(%arg19 : memref<176xi32, #tpu.memory_space<vmem>>)
        %dma_start3A_127 = arith.constant 0 : i32
        %dma_start3A_128 = arith.constant 0 : i32
        %dma_start3A_129 = tpu.memref_slice %arg2[%dma_start3A_127, %dma_start3A_128] : memref<10240x128xf32, #tpu.memory_space<hbm>> -> memref<10240x128xf32, #tpu.memory_space<hbm>>
        tpu.enqueue_indirect_dma source(%dma_start3A_129 : memref<10240x128xf32, #tpu.memory_space<hbm>>) target(%arg13 : memref<176x128xf32, #tpu.memory_space<vmem>>) offsets(%arg12 : memref<176xi32, #tpu.memory_space<vmem>>) semaphore(%arg14 : memref<!tpu.dma_semaphore, #tpu.memory_space<semaphore_mem>>)
      } else {
      }
      %mul3A_75 = arith.constant 4 : i32
      %mul3A_76 = arith.muli %mul3A_75, %scan3A_34 : i32
      %add3A_77 = arith.constant 2 : i32
      %add3A_78 = arith.addi %mul3A_76, %add3A_77 : i32
      %dma_wait3A_79 = arith.constant 0 : i32
      %dma_wait3A_80 = arith.constant 0 : i32
      %dma_wait3A_81 = tpu.memref_slice %arg2[%dma_wait3A_79, %dma_wait3A_80] : memref<10240x128xf32, #tpu.memory_space<hbm>> -> memref<10240x128xf32, #tpu.memory_space<hbm>>
      tpu.wait_indirect_dma semaphore(%arg10 : memref<!tpu.dma_semaphore, #tpu.memory_space<semaphore_mem>>) src(%dma_wait3A_81 : memref<10240x128xf32, #tpu.memory_space<hbm>>) dst(%arg9 : memref<176x128xf32, #tpu.memory_space<vmem>>)
      %add3A_82 = arith.constant 2 : i32
      %add3A_83 = arith.addi %add3A_78, %add3A_82 : i32
      %lt3A_84 = arith.constant 56 : i32
      %lt3A_85 = arith.cmpi slt, %add3A_83, %lt3A_84 : i32
      %convert_element_type3A_86 = arith.extui %lt3A_85 : i1 to i32
      %cond3A_87 = arith.constant 0 : i32
      %cond3A_88 = arith.cmpi ne, %convert_element_type3A_86, %cond3A_87 : i32
      scf.if %cond3A_88 {
        %add3A_118 = arith.constant 2 : i32
        %add3A_119 = arith.addi %add3A_78, %add3A_118 : i32
        %mul3A_120 = arith.constant 176 : i32
        %mul3A_121 = arith.muli %add3A_119, %mul3A_120 : i32
        %add3A_122 = arith.addi %mul3A_4, %mul3A_121 : i32
        %dma_start3A_123 = tpu.memref_slice %arg3[%add3A_122] : memref<320000xi32, #tpu.memory_space<hbm>> -> memref<176xi32, #tpu.memory_space<hbm>>
        %dma_start3A_124 = tpu.memref_slice %arg3[%add3A_122] : memref<320000xi32, #tpu.memory_space<hbm>> -> memref<176xi32, #tpu.memory_space<hbm>>
        tpu.enqueue_dma source(%dma_start3A_124 : memref<176xi32, #tpu.memory_space<hbm>>) target(%arg8 : memref<176xi32, #tpu.memory_space<vmem>>) target_semaphore(%arg11 : memref<!tpu.dma_semaphore, #tpu.memory_space<semaphore_mem>>)
        %dma_start3A_125 = tpu.memref_slice %arg4[%add3A_122] : memref<320000xi32, #tpu.memory_space<hbm>> -> memref<176xi32, #tpu.memory_space<hbm>>
        %dma_start3A_126 = tpu.memref_slice %arg4[%add3A_122] : memref<320000xi32, #tpu.memory_space<hbm>> -> memref<176xi32, #tpu.memory_space<hbm>>
        tpu.enqueue_dma source(%dma_start3A_126 : memref<176xi32, #tpu.memory_space<hbm>>) target(%arg16 : memref<176xi32, #tpu.memory_space<vmem>>) target_semaphore(%arg11 : memref<!tpu.dma_semaphore, #tpu.memory_space<semaphore_mem>>)
      } else {
      }
      "tpu.region"() ({
        %run_scoped3A = tpu.sem_alloc : memref<!tpu.dma_semaphore, #tpu.memory_space<semaphore_mem>>
        %dma_start3A_118 = arith.constant 0 : i32
        %dma_start3A_119 = arith.constant 0 : i32
        %dma_start3A_120 = tpu.memref_slice %arg7[%dma_start3A_118, %dma_start3A_119] : memref<10240x128xf32, #tpu.memory_space<vmem_shared>> -> memref<10240x128xf32, #tpu.memory_space<vmem_shared>>
        tpu.enqueue_indirect_dma source(%arg9 : memref<176x128xf32, #tpu.memory_space<vmem>>) target(%dma_start3A_120 : memref<10240x128xf32, #tpu.memory_space<vmem_shared>>) offsets(%arg18 : memref<176xi32, #tpu.memory_space<vmem>>) semaphore(%run_scoped3A : memref<!tpu.dma_semaphore, #tpu.memory_space<semaphore_mem>>) {add = true}
        %dma_wait3A_121 = arith.constant 0 : i32
        %dma_wait3A_122 = arith.constant 0 : i32
        %dma_wait3A_123 = tpu.memref_slice %arg7[%dma_wait3A_121, %dma_wait3A_122] : memref<10240x128xf32, #tpu.memory_space<vmem_shared>> -> memref<10240x128xf32, #tpu.memory_space<vmem_shared>>
        tpu.wait_indirect_dma semaphore(%run_scoped3A : memref<!tpu.dma_semaphore, #tpu.memory_space<semaphore_mem>>) src(%arg9 : memref<176x128xf32, #tpu.memory_space<vmem>>) dst(%dma_wait3A_123 : memref<10240x128xf32, #tpu.memory_space<vmem_shared>>)
        tpu.yield
      }) : () -> ()
      %add3A_89 = arith.constant 2 : i32
      %add3A_90 = arith.addi %add3A_78, %add3A_89 : i32
      %lt3A_91 = arith.constant 56 : i32
      %lt3A_92 = arith.cmpi slt, %add3A_90, %lt3A_91 : i32
      %convert_element_type3A_93 = arith.extui %lt3A_92 : i1 to i32
      %cond3A_94 = arith.constant 0 : i32
      %cond3A_95 = arith.cmpi ne, %convert_element_type3A_93, %cond3A_94 : i32
      scf.if %cond3A_95 {
        %add3A_118 = arith.constant 2 : i32
        %add3A_119 = arith.addi %add3A_78, %add3A_118 : i32
        %mul3A_120 = arith.constant 176 : i32
        %mul3A_121 = arith.muli %add3A_119, %mul3A_120 : i32
        %add3A_122 = arith.addi %mul3A_4, %mul3A_121 : i32
        %dma_wait3A_123 = tpu.memref_slice %arg3[%add3A_122] : memref<320000xi32, #tpu.memory_space<hbm>> -> memref<176xi32, #tpu.memory_space<hbm>>
        %dma_wait3A_124 = tpu.memref_slice %arg3[%add3A_122] : memref<320000xi32, #tpu.memory_space<hbm>> -> memref<176xi32, #tpu.memory_space<hbm>>
        tpu.wait_dma2 semaphore(%arg11 : memref<!tpu.dma_semaphore, #tpu.memory_space<semaphore_mem>>) src(%dma_wait3A_124 : memref<176xi32, #tpu.memory_space<hbm>>) dst(%arg8 : memref<176xi32, #tpu.memory_space<vmem>>)
        %dma_wait3A_125 = tpu.memref_slice %arg4[%add3A_122] : memref<320000xi32, #tpu.memory_space<hbm>> -> memref<176xi32, #tpu.memory_space<hbm>>
        %dma_wait3A_126 = tpu.memref_slice %arg4[%add3A_122] : memref<320000xi32, #tpu.memory_space<hbm>> -> memref<176xi32, #tpu.memory_space<hbm>>
        tpu.wait_dma2 semaphore(%arg11 : memref<!tpu.dma_semaphore, #tpu.memory_space<semaphore_mem>>) src(%dma_wait3A_126 : memref<176xi32, #tpu.memory_space<hbm>>) dst(%arg16 : memref<176xi32, #tpu.memory_space<vmem>>)
        %dma_start3A_127 = arith.constant 0 : i32
        %dma_start3A_128 = arith.constant 0 : i32
        %dma_start3A_129 = tpu.memref_slice %arg2[%dma_start3A_127, %dma_start3A_128] : memref<10240x128xf32, #tpu.memory_space<hbm>> -> memref<10240x128xf32, #tpu.memory_space<hbm>>
        tpu.enqueue_indirect_dma source(%dma_start3A_129 : memref<10240x128xf32, #tpu.memory_space<hbm>>) target(%arg9 : memref<176x128xf32, #tpu.memory_space<vmem>>) offsets(%arg8 : memref<176xi32, #tpu.memory_space<vmem>>) semaphore(%arg10 : memref<!tpu.dma_semaphore, #tpu.memory_space<semaphore_mem>>)
      } else {
      }
      %mul3A_96 = arith.constant 4 : i32
      %mul3A_97 = arith.muli %mul3A_96, %scan3A_34 : i32
      %add3A_98 = arith.constant 3 : i32
      %add3A_99 = arith.addi %mul3A_97, %add3A_98 : i32
      %dma_wait3A_100 = arith.constant 0 : i32
      %dma_wait3A_101 = arith.constant 0 : i32
      %dma_wait3A_102 = tpu.memref_slice %arg2[%dma_wait3A_100, %dma_wait3A_101] : memref<10240x128xf32, #tpu.memory_space<hbm>> -> memref<10240x128xf32, #tpu.memory_space<hbm>>
      tpu.wait_indirect_dma semaphore(%arg14 : memref<!tpu.dma_semaphore, #tpu.memory_space<semaphore_mem>>) src(%dma_wait3A_102 : memref<10240x128xf32, #tpu.memory_space<hbm>>) dst(%arg13 : memref<176x128xf32, #tpu.memory_space<vmem>>)
      %add3A_103 = arith.constant 2 : i32
      %add3A_104 = arith.addi %add3A_99, %add3A_103 : i32
      %lt3A_105 = arith.constant 56 : i32
      %lt3A_106 = arith.cmpi slt, %add3A_104, %lt3A_105 : i32
      %convert_element_type3A_107 = arith.extui %lt3A_106 : i1 to i32
      %cond3A_108 = arith.constant 0 : i32
      %cond3A_109 = arith.cmpi ne, %convert_element_type3A_107, %cond3A_108 : i32
      scf.if %cond3A_109 {
        %add3A_118 = arith.constant 2 : i32
        %add3A_119 = arith.addi %add3A_99, %add3A_118 : i32
        %mul3A_120 = arith.constant 176 : i32
        %mul3A_121 = arith.muli %add3A_119, %mul3A_120 : i32
        %add3A_122 = arith.addi %mul3A_4, %mul3A_121 : i32
        %dma_start3A_123 = tpu.memref_slice %arg3[%add3A_122] : memref<320000xi32, #tpu.memory_space<hbm>> -> memref<176xi32, #tpu.memory_space<hbm>>
        %dma_start3A_124 = tpu.memref_slice %arg3[%add3A_122] : memref<320000xi32, #tpu.memory_space<hbm>> -> memref<176xi32, #tpu.memory_space<hbm>>
        tpu.enqueue_dma source(%dma_start3A_124 : memref<176xi32, #tpu.memory_space<hbm>>) target(%arg12 : memref<176xi32, #tpu.memory_space<vmem>>) target_semaphore(%arg15 : memref<!tpu.dma_semaphore, #tpu.memory_space<semaphore_mem>>)
        %dma_start3A_125 = tpu.memref_slice %arg4[%add3A_122] : memref<320000xi32, #tpu.memory_space<hbm>> -> memref<176xi32, #tpu.memory_space<hbm>>
        %dma_start3A_126 = tpu.memref_slice %arg4[%add3A_122] : memref<320000xi32, #tpu.memory_space<hbm>> -> memref<176xi32, #tpu.memory_space<hbm>>
        tpu.enqueue_dma source(%dma_start3A_126 : memref<176xi32, #tpu.memory_space<hbm>>) target(%arg17 : memref<176xi32, #tpu.memory_space<vmem>>) target_semaphore(%arg15 : memref<!tpu.dma_semaphore, #tpu.memory_space<semaphore_mem>>)
      } else {
      }
      "tpu.region"() ({
        %run_scoped3A = tpu.sem_alloc : memref<!tpu.dma_semaphore, #tpu.memory_space<semaphore_mem>>
        %dma_start3A_118 = arith.constant 0 : i32
        %dma_start3A_119 = arith.constant 0 : i32
        %dma_start3A_120 = tpu.memref_slice %arg7[%dma_start3A_118, %dma_start3A_119] : memref<10240x128xf32, #tpu.memory_space<vmem_shared>> -> memref<10240x128xf32, #tpu.memory_space<vmem_shared>>
        tpu.enqueue_indirect_dma source(%arg13 : memref<176x128xf32, #tpu.memory_space<vmem>>) target(%dma_start3A_120 : memref<10240x128xf32, #tpu.memory_space<vmem_shared>>) offsets(%arg19 : memref<176xi32, #tpu.memory_space<vmem>>) semaphore(%run_scoped3A : memref<!tpu.dma_semaphore, #tpu.memory_space<semaphore_mem>>) {add = true}
        %dma_wait3A_121 = arith.constant 0 : i32
        %dma_wait3A_122 = arith.constant 0 : i32
        %dma_wait3A_123 = tpu.memref_slice %arg7[%dma_wait3A_121, %dma_wait3A_122] : memref<10240x128xf32, #tpu.memory_space<vmem_shared>> -> memref<10240x128xf32, #tpu.memory_space<vmem_shared>>
        tpu.wait_indirect_dma semaphore(%run_scoped3A : memref<!tpu.dma_semaphore, #tpu.memory_space<semaphore_mem>>) src(%arg13 : memref<176x128xf32, #tpu.memory_space<vmem>>) dst(%dma_wait3A_123 : memref<10240x128xf32, #tpu.memory_space<vmem_shared>>)
        tpu.yield
      }) : () -> ()
      %add3A_110 = arith.constant 2 : i32
      %add3A_111 = arith.addi %add3A_99, %add3A_110 : i32
      %lt3A_112 = arith.constant 56 : i32
      %lt3A_113 = arith.cmpi slt, %add3A_111, %lt3A_112 : i32
      %convert_element_type3A_114 = arith.extui %lt3A_113 : i1 to i32
      %cond3A_115 = arith.constant 0 : i32
      %cond3A_116 = arith.cmpi ne, %convert_element_type3A_114, %cond3A_115 : i32
      scf.if %cond3A_116 {
        %add3A_118 = arith.constant 2 : i32
        %add3A_119 = arith.addi %add3A_99, %add3A_118 : i32
        %mul3A_120 = arith.constant 176 : i32
        %mul3A_121 = arith.muli %add3A_119, %mul3A_120 : i32
        %add3A_122 = arith.addi %mul3A_4, %mul3A_121 : i32
        %dma_wait3A_123 = tpu.memref_slice %arg3[%add3A_122] : memref<320000xi32, #tpu.memory_space<hbm>> -> memref<176xi32, #tpu.memory_space<hbm>>
        %dma_wait3A_124 = tpu.memref_slice %arg3[%add3A_122] : memref<320000xi32, #tpu.memory_space<hbm>> -> memref<176xi32, #tpu.memory_space<hbm>>
        tpu.wait_dma2 semaphore(%arg15 : memref<!tpu.dma_semaphore, #tpu.memory_space<semaphore_mem>>) src(%dma_wait3A_124 : memref<176xi32, #tpu.memory_space<hbm>>) dst(%arg12 : memref<176xi32, #tpu.memory_space<vmem>>)
        %dma_wait3A_125 = tpu.memref_slice %arg4[%add3A_122] : memref<320000xi32, #tpu.memory_space<hbm>> -> memref<176xi32, #tpu.memory_space<hbm>>
        %dma_wait3A_126 = tpu.memref_slice %arg4[%add3A_122] : memref<320000xi32, #tpu.memory_space<hbm>> -> memref<176xi32, #tpu.memory_space<hbm>>
        tpu.wait_dma2 semaphore(%arg15 : memref<!tpu.dma_semaphore, #tpu.memory_space<semaphore_mem>>) src(%dma_wait3A_126 : memref<176xi32, #tpu.memory_space<hbm>>) dst(%arg17 : memref<176xi32, #tpu.memory_space<vmem>>)
        %dma_start3A_127 = arith.constant 0 : i32
        %dma_start3A_128 = arith.constant 0 : i32
        %dma_start3A_129 = tpu.memref_slice %arg2[%dma_start3A_127, %dma_start3A_128] : memref<10240x128xf32, #tpu.memory_space<hbm>> -> memref<10240x128xf32, #tpu.memory_space<hbm>>
        tpu.enqueue_indirect_dma source(%dma_start3A_129 : memref<10240x128xf32, #tpu.memory_space<hbm>>) target(%arg13 : memref<176x128xf32, #tpu.memory_space<vmem>>) offsets(%arg12 : memref<176xi32, #tpu.memory_space<vmem>>) semaphore(%arg14 : memref<!tpu.dma_semaphore, #tpu.memory_space<semaphore_mem>>)
      } else {
      }
      %scan3A_117 = arith.constant 0 : i32
      scf.yield %scan3A_117 : i32
    }
    %scan3A_19 = arith.constant 14 : i32
    %add3A_20 = arith.constant 9856 : i32
    %add3A_21 = arith.addi %mul3A_4, %add3A_20 : i32
    "tpu.region"() ({
      %run_scoped3A = tpu.sem_alloc : memref<!tpu.dma_semaphore, #tpu.memory_space<semaphore_mem>>
      %dma_start3A_34 = tpu.memref_slice %arg3[%add3A_21] : memref<320000xi32, #tpu.memory_space<hbm>> -> memref<144xi32, #tpu.memory_space<hbm>>
      %dma_start3A_35 = tpu.memref_slice %arg3[%add3A_21] : memref<320000xi32, #tpu.memory_space<hbm>> -> memref<144xi32, #tpu.memory_space<hbm>>
      tpu.enqueue_dma source(%dma_start3A_35 : memref<144xi32, #tpu.memory_space<hbm>>) target(%arg20 : memref<144xi32, #tpu.memory_space<vmem>>) target_semaphore(%run_scoped3A : memref<!tpu.dma_semaphore, #tpu.memory_space<semaphore_mem>>)
      %dma_wait3A_36 = tpu.memref_slice %arg3[%add3A_21] : memref<320000xi32, #tpu.memory_space<hbm>> -> memref<144xi32, #tpu.memory_space<hbm>>
      %dma_wait3A_37 = tpu.memref_slice %arg3[%add3A_21] : memref<320000xi32, #tpu.memory_space<hbm>> -> memref<144xi32, #tpu.memory_space<hbm>>
      tpu.wait_dma2 semaphore(%run_scoped3A : memref<!tpu.dma_semaphore, #tpu.memory_space<semaphore_mem>>) src(%dma_wait3A_37 : memref<144xi32, #tpu.memory_space<hbm>>) dst(%arg20 : memref<144xi32, #tpu.memory_space<vmem>>)
      tpu.yield
    }) : () -> ()
    "tpu.region"() ({
      %run_scoped3A = tpu.sem_alloc : memref<!tpu.dma_semaphore, #tpu.memory_space<semaphore_mem>>
      %dma_start3A_34 = tpu.memref_slice %arg4[%add3A_21] : memref<320000xi32, #tpu.memory_space<hbm>> -> memref<144xi32, #tpu.memory_space<hbm>>
      %dma_start3A_35 = tpu.memref_slice %arg4[%add3A_21] : memref<320000xi32, #tpu.memory_space<hbm>> -> memref<144xi32, #tpu.memory_space<hbm>>
      tpu.enqueue_dma source(%dma_start3A_35 : memref<144xi32, #tpu.memory_space<hbm>>) target(%arg21 : memref<144xi32, #tpu.memory_space<vmem>>) target_semaphore(%run_scoped3A : memref<!tpu.dma_semaphore, #tpu.memory_space<semaphore_mem>>)
      %dma_wait3A_36 = tpu.memref_slice %arg4[%add3A_21] : memref<320000xi32, #tpu.memory_space<hbm>> -> memref<144xi32, #tpu.memory_space<hbm>>
      %dma_wait3A_37 = tpu.memref_slice %arg4[%add3A_21] : memref<320000xi32, #tpu.memory_space<hbm>> -> memref<144xi32, #tpu.memory_space<hbm>>
      tpu.wait_dma2 semaphore(%run_scoped3A : memref<!tpu.dma_semaphore, #tpu.memory_space<semaphore_mem>>) src(%dma_wait3A_37 : memref<144xi32, #tpu.memory_space<hbm>>) dst(%arg21 : memref<144xi32, #tpu.memory_space<vmem>>)
      tpu.yield
    }) : () -> ()
    %dma_start3A_22 = arith.constant 0 : i32
    %dma_start3A_23 = arith.constant 0 : i32
    %dma_start3A_24 = tpu.memref_slice %arg9[%dma_start3A_22, %dma_start3A_23] : memref<176x128xf32, #tpu.memory_space<vmem>> -> memref<144x128xf32, #tpu.memory_space<vmem>>
    %dma_start3A_25 = arith.constant 0 : i32
    %dma_start3A_26 = arith.constant 0 : i32
    %dma_start3A_27 = tpu.memref_slice %arg2[%dma_start3A_25, %dma_start3A_26] : memref<10240x128xf32, #tpu.memory_space<hbm>> -> memref<10240x128xf32, #tpu.memory_space<hbm>>
    tpu.enqueue_indirect_dma source(%dma_start3A_27 : memref<10240x128xf32, #tpu.memory_space<hbm>>) target(%dma_start3A_24 : memref<144x128xf32, #tpu.memory_space<vmem>>) offsets(%arg20 : memref<144xi32, #tpu.memory_space<vmem>>) semaphore(%arg10 : memref<!tpu.dma_semaphore, #tpu.memory_space<semaphore_mem>>)
    %dma_wait3A = arith.constant 0 : i32
    %dma_wait3A_28 = arith.constant 0 : i32
    %dma_wait3A_29 = tpu.memref_slice %arg9[%dma_wait3A, %dma_wait3A_28] : memref<176x128xf32, #tpu.memory_space<vmem>> -> memref<144x128xf32, #tpu.memory_space<vmem>>
    %dma_wait3A_30 = arith.constant 0 : i32
    %dma_wait3A_31 = arith.constant 0 : i32
    %dma_wait3A_32 = tpu.memref_slice %arg2[%dma_wait3A_30, %dma_wait3A_31] : memref<10240x128xf32, #tpu.memory_space<hbm>> -> memref<10240x128xf32, #tpu.memory_space<hbm>>
    tpu.wait_indirect_dma semaphore(%arg10 : memref<!tpu.dma_semaphore, #tpu.memory_space<semaphore_mem>>) src(%dma_wait3A_32 : memref<10240x128xf32, #tpu.memory_space<hbm>>) dst(%dma_wait3A_29 : memref<144x128xf32, #tpu.memory_space<vmem>>)
    "tpu.region"() ({
      %run_scoped3A = tpu.sem_alloc : memref<!tpu.dma_semaphore, #tpu.memory_space<semaphore_mem>>
      %dma_start3A_34 = arith.constant 0 : i32
      %dma_start3A_35 = arith.constant 0 : i32
      %dma_start3A_36 = tpu.memref_slice %arg9[%dma_start3A_34, %dma_start3A_35] : memref<176x128xf32, #tpu.memory_space<vmem>> -> memref<144x128xf32, #tpu.memory_space<vmem>>
      %dma_start3A_37 = arith.constant 0 : i32
      %dma_start3A_38 = arith.constant 0 : i32
      %dma_start3A_39 = tpu.memref_slice %arg7[%dma_start3A_37, %dma_start3A_38] : memref<10240x128xf32, #tpu.memory_space<vmem_shared>> -> memref<10240x128xf32, #tpu.memory_space<vmem_shared>>
      tpu.enqueue_indirect_dma source(%dma_start3A_36 : memref<144x128xf32, #tpu.memory_space<vmem>>) target(%dma_start3A_39 : memref<10240x128xf32, #tpu.memory_space<vmem_shared>>) offsets(%arg21 : memref<144xi32, #tpu.memory_space<vmem>>) semaphore(%run_scoped3A : memref<!tpu.dma_semaphore, #tpu.memory_space<semaphore_mem>>) {add = true}
      %dma_wait3A_40 = arith.constant 0 : i32
      %dma_wait3A_41 = arith.constant 0 : i32
      %dma_wait3A_42 = tpu.memref_slice %arg9[%dma_wait3A_40, %dma_wait3A_41] : memref<176x128xf32, #tpu.memory_space<vmem>> -> memref<144x128xf32, #tpu.memory_space<vmem>>
      %dma_wait3A_43 = arith.constant 0 : i32
      %dma_wait3A_44 = arith.constant 0 : i32
      %dma_wait3A_45 = tpu.memref_slice %arg7[%dma_wait3A_43, %dma_wait3A_44] : memref<10240x128xf32, #tpu.memory_space<vmem_shared>> -> memref<10240x128xf32, #tpu.memory_space<vmem_shared>>
      tpu.wait_indirect_dma semaphore(%run_scoped3A : memref<!tpu.dma_semaphore, #tpu.memory_space<semaphore_mem>>) src(%dma_wait3A_42 : memref<144x128xf32, #tpu.memory_space<vmem>>) dst(%dma_wait3A_45 : memref<10240x128xf32, #tpu.memory_space<vmem_shared>>)
      tpu.yield
    }) : () -> ()
    %barrier3A_33 = arith.constant 0 : index
    tpu.barrier barrier_id(%barrier3A_33)
    "tpu.region"() ({
      %run_scoped3A = tpu.sem_alloc : memref<!tpu.dma_semaphore, #tpu.memory_space<semaphore_mem>>
      %dma_start3A_34 = arith.constant 0 : i32
      %dma_start3A_35 = tpu.memref_slice %arg6[%arg0, %mul3A_2, %dma_start3A_34] : memref<2x10240x128xf32, #tpu.memory_space<hbm>> -> memref<1x640x128xf32, #tpu.memory_space<hbm>>
      %dma_start3A_36 = tpu.memref_squeeze %dma_start3A_35 : memref<1x640x128xf32, #tpu.memory_space<hbm>> -> memref<640x128xf32, #tpu.memory_space<hbm>>
      %dma_start3A_37 = arith.constant 0 : i32
      %dma_start3A_38 = tpu.memref_slice %arg7[%mul3A_2, %dma_start3A_37] : memref<10240x128xf32, #tpu.memory_space<vmem_shared>> -> memref<640x128xf32, #tpu.memory_space<vmem_shared>>
      tpu.enqueue_dma source(%dma_start3A_38 : memref<640x128xf32, #tpu.memory_space<vmem_shared>>) target(%dma_start3A_36 : memref<640x128xf32, #tpu.memory_space<hbm>>) target_semaphore(%run_scoped3A : memref<!tpu.dma_semaphore, #tpu.memory_space<semaphore_mem>>)
      %dma_wait3A_39 = arith.constant 0 : i32
      %dma_wait3A_40 = tpu.memref_slice %arg6[%arg0, %mul3A_2, %dma_wait3A_39] : memref<2x10240x128xf32, #tpu.memory_space<hbm>> -> memref<1x640x128xf32, #tpu.memory_space<hbm>>
      %dma_wait3A_41 = tpu.memref_squeeze %dma_wait3A_40 : memref<1x640x128xf32, #tpu.memory_space<hbm>> -> memref<640x128xf32, #tpu.memory_space<hbm>>
      %dma_wait3A_42 = arith.constant 0 : i32
      %dma_wait3A_43 = tpu.memref_slice %arg7[%mul3A_2, %dma_wait3A_42] : memref<10240x128xf32, #tpu.memory_space<vmem_shared>> -> memref<640x128xf32, #tpu.memory_space<vmem_shared>>
      tpu.wait_dma2 semaphore(%run_scoped3A : memref<!tpu.dma_semaphore, #tpu.memory_space<semaphore_mem>>) src(%dma_wait3A_43 : memref<640x128xf32, #tpu.memory_space<vmem_shared>>) dst(%dma_wait3A_41 : memref<640x128xf32, #tpu.memory_space<hbm>>)
      tpu.yield
    }) : () -> ()
    return
  }
}

module attributes {stable_mosaic.version = 14 : i64} {
  func.func @_layer1_body(%arg0: i32, %arg1: memref<2x1280x128xf32, #tpu.memory_space<vmem>>, %arg2: memref<1280x128xf32, #tpu.memory_space<vmem>>, %arg3: memref<128x128xf32, #tpu.memory_space<vmem>>, %arg4: memref<128x128xf32, #tpu.memory_space<vmem>>, %arg5: memref<1x128xf32, #tpu.memory_space<vmem>>, %arg6: memref<1280x128xf32, #tpu.memory_space<vmem>>, %arg7: memref<1280x1xf32, #tpu.memory_space<vmem>>) attributes {dimension_semantics = [#tpu.dimension_semantics<arbitrary>], iteration_bounds = array<i64: 8>, scalar_prefetch = 0 : i64, scratch_operands = 0 : i64, tpu.core_type = #tpu.core_type<tc>, window_params = [{transform_indices = @transform_0, window_bounds = array<i64: 2, 1280, 128>}, {transform_indices = @transform_1, window_bounds = array<i64: 1280, 128>}, {pipeline_mode = #tpu.pipeline_mode<synchronous>, transform_indices = @transform_2, window_bounds = array<i64: 128, 128>}, {pipeline_mode = #tpu.pipeline_mode<synchronous>, transform_indices = @transform_3, window_bounds = array<i64: 128, 128>}, {pipeline_mode = #tpu.pipeline_mode<synchronous>, transform_indices = @transform_4, window_bounds = array<i64: 1, 128>}, {transform_indices = @transform_5, window_bounds = array<i64: 1280, 128>}, {transform_indices = @transform_6, window_bounds = array<i64: 1280, 1>}]} {
    %get3A = arith.constant 0 : index
    %get3A_0 = arith.constant 0 : index
    %get3A_1 = arith.constant 0 : index
    %get3A_2 = vector.load %arg1[%get3A, %get3A_0, %get3A_1] : memref<2x1280x128xf32, #tpu.memory_space<vmem>>, vector<2x1280x128xf32>
    %slice3A = vector.extract_strided_slice %get3A_2 {offsets = [1, 0, 0], sizes = [1, 1280, 1], strides = [1, 1, 1]} : vector<2x1280x128xf32> to vector<1x1280x1xf32>
    %squeeze3A = vector.shape_cast %slice3A : vector<1x1280x1xf32> to vector<1280x1xf32>
    %max3A = arith.constant 1.000000e+00 : f32
    %max3A_3 = vector.broadcast %max3A : f32 to vector<1280x1xf32>
    %max3A_4 = arith.maximumf %squeeze3A, %max3A_3 : vector<1280x1xf32>
    %div3A = arith.constant 1.000000e+00 : f32
    %div3A_5 = vector.broadcast %div3A : f32 to vector<1280x1xf32>
    %div3A_6 = arith.divf %div3A_5, %max3A_4 : vector<1280x1xf32>
    %slice3A_7 = vector.extract_strided_slice %get3A_2 {offsets = [0, 0, 0], sizes = [1, 1280, 128], strides = [1, 1, 1]} : vector<2x1280x128xf32> to vector<1x1280x128xf32>
    %squeeze3A_8 = vector.shape_cast %slice3A_7 : vector<1x1280x128xf32> to vector<1280x128xf32>
    %mul3A = vector.broadcast %div3A_6 : vector<1280x1xf32> to vector<1280x128xf32>
    %mul3A_9 = arith.mulf %squeeze3A_8, %mul3A : vector<1280x128xf32>
    %get3A_10 = arith.constant 0 : index
    %get3A_11 = arith.constant 0 : index
    %get3A_12 = vector.load %arg3[%get3A_10, %get3A_11] : memref<128x128xf32, #tpu.memory_space<vmem>>, vector<128x128xf32>
    %dot_general3A = arith.constant dense<0.000000e+00> : vector<1280x128xf32>
    %dot_general3A_13 = tpu.matmul %mul3A_9, %get3A_12, %dot_general3A {dimension_numbers = #tpu.dot_dimension_numbers<[1], [1], [0], [0], [0, 0, 1, 0], [], []>, transpose_lhs_hint = false} : vector<1280x128xf32>, vector<128x128xf32>, vector<1280x128xf32> -> vector<1280x128xf32>
    %get3A_14 = arith.constant 0 : index
    %get3A_15 = arith.constant 0 : index
    %get3A_16 = vector.load %arg2[%get3A_14, %get3A_15] : memref<1280x128xf32, #tpu.memory_space<vmem>>, vector<1280x128xf32>
    %get3A_17 = arith.constant 0 : index
    %get3A_18 = arith.constant 0 : index
    %get3A_19 = vector.load %arg4[%get3A_17, %get3A_18] : memref<128x128xf32, #tpu.memory_space<vmem>>, vector<128x128xf32>
    %dot_general3A_20 = arith.constant dense<0.000000e+00> : vector<1280x128xf32>
    %dot_general3A_21 = tpu.matmul %get3A_16, %get3A_19, %dot_general3A_20 {dimension_numbers = #tpu.dot_dimension_numbers<[1], [1], [0], [0], [0, 0, 1, 0], [], []>, transpose_lhs_hint = false} : vector<1280x128xf32>, vector<128x128xf32>, vector<1280x128xf32> -> vector<1280x128xf32>
    %add3A = arith.addf %dot_general3A_13, %dot_general3A_21 : vector<1280x128xf32>
    %get3A_22 = arith.constant 0 : index
    %get3A_23 = arith.constant 0 : index
    %get3A_24 = vector.load %arg5[%get3A_22, %get3A_23] : memref<1x128xf32, #tpu.memory_space<vmem>>, vector<1x128xf32>
    %add3A_25 = vector.broadcast %get3A_24 : vector<1x128xf32> to vector<1280x128xf32>
    %add3A_26 = arith.addf %add3A, %add3A_25 : vector<1280x128xf32>
    %max3A_27 = arith.constant 0.000000e+00 : f32
    %max3A_28 = vector.broadcast %max3A_27 : f32 to vector<1280x128xf32>
    %max3A_29 = arith.maximumf %add3A_26, %max3A_28 : vector<1280x128xf32>
    %swap3A = arith.constant 0 : index
    %swap3A_30 = arith.constant 0 : index
    %swap3A_31 = vector.load %arg6[%swap3A, %swap3A_30] : memref<1280x128xf32, #tpu.memory_space<vmem>>, vector<1280x128xf32>
    tpu.vector_store %arg6[%swap3A, %swap3A_30], %max3A_29 {strides = array<i32>} : memref<1280x128xf32, #tpu.memory_space<vmem>>, vector<1280x128xf32>,
    %swap3A_32 = arith.constant 0 : index
    %swap3A_33 = arith.constant 0 : index
    %swap3A_34 = vector.load %arg7[%swap3A_32, %swap3A_33] : memref<1280x1xf32, #tpu.memory_space<vmem>>, vector<1280x1xf32>
    tpu.vector_store %arg7[%swap3A_32, %swap3A_33], %div3A_6 {strides = array<i32>} : memref<1280x1xf32, #tpu.memory_space<vmem>>, vector<1280x1xf32>,
    return
  }
  func.func @transform_0(%arg0: i32) -> (i32, i32, i32) {
    %c0_i32 = arith.constant 0 : i32
    %c0_i32_0 = arith.constant 0 : i32
    %c0_i32_1 = arith.constant 0 : i32
    return %c0_i32, %arg0, %c0_i32_0 : i32, i32, i32
  }
  func.func @transform_1(%arg0: i32) -> (i32, i32) {
    %c0_i32 = arith.constant 0 : i32
    %c0_i32_0 = arith.constant 0 : i32
    return %arg0, %c0_i32 : i32, i32
  }
  func.func @transform_2(%arg0: i32) -> (i32, i32) {
    %c0_i32 = arith.constant 0 : i32
    %c0_i32_0 = arith.constant 0 : i32
    %c0_i32_1 = arith.constant 0 : i32
    return %c0_i32, %c0_i32_0 : i32, i32
  }
  func.func @transform_3(%arg0: i32) -> (i32, i32) {
    %c0_i32 = arith.constant 0 : i32
    %c0_i32_0 = arith.constant 0 : i32
    %c0_i32_1 = arith.constant 0 : i32
    return %c0_i32, %c0_i32_0 : i32, i32
  }
  func.func @transform_4(%arg0: i32) -> (i32, i32) {
    %c0_i32 = arith.constant 0 : i32
    %c0_i32_0 = arith.constant 0 : i32
    %c0_i32_1 = arith.constant 0 : i32
    return %c0_i32, %c0_i32_0 : i32, i32
  }
  func.func @transform_5(%arg0: i32) -> (i32, i32) {
    %c0_i32 = arith.constant 0 : i32
    %c0_i32_0 = arith.constant 0 : i32
    return %arg0, %c0_i32 : i32, i32
  }
  func.func @transform_6(%arg0: i32) -> (i32, i32) {
    %c0_i32 = arith.constant 0 : i32
    %c0_i32_0 = arith.constant 0 : i32
    return %arg0, %c0_i32 : i32, i32
  }
}

module attributes {stable_mosaic.version = 14 : i64} {
  func.func @_layer2_body(%arg0: i32, %arg1: memref<2x1280x128xf32, #tpu.memory_space<vmem>>, %arg2: memref<1280x1xf32, #tpu.memory_space<vmem>>, %arg3: memref<1280x128xf32, #tpu.memory_space<vmem>>, %arg4: memref<128x128xf32, #tpu.memory_space<vmem>>, %arg5: memref<128x128xf32, #tpu.memory_space<vmem>>, %arg6: memref<1x128xf32, #tpu.memory_space<vmem>>, %arg7: memref<1280x128xf32, #tpu.memory_space<vmem>>) attributes {dimension_semantics = [#tpu.dimension_semantics<arbitrary>], iteration_bounds = array<i64: 8>, scalar_prefetch = 0 : i64, scratch_operands = 0 : i64, tpu.core_type = #tpu.core_type<tc>, window_params = [{transform_indices = @transform_0, window_bounds = array<i64: 2, 1280, 128>}, {transform_indices = @transform_1, window_bounds = array<i64: 1280, 1>}, {transform_indices = @transform_2, window_bounds = array<i64: 1280, 128>}, {pipeline_mode = #tpu.pipeline_mode<synchronous>, transform_indices = @transform_3, window_bounds = array<i64: 128, 128>}, {pipeline_mode = #tpu.pipeline_mode<synchronous>, transform_indices = @transform_4, window_bounds = array<i64: 128, 128>}, {pipeline_mode = #tpu.pipeline_mode<synchronous>, transform_indices = @transform_5, window_bounds = array<i64: 1, 128>}, {transform_indices = @transform_6, window_bounds = array<i64: 1280, 128>}]} {
    %get3A = arith.constant 0 : index
    %get3A_0 = arith.constant 0 : index
    %get3A_1 = arith.constant 0 : index
    %get3A_2 = vector.load %arg1[%get3A, %get3A_0, %get3A_1] : memref<2x1280x128xf32, #tpu.memory_space<vmem>>, vector<2x1280x128xf32>
    %slice3A = vector.extract_strided_slice %get3A_2 {offsets = [0, 0, 0], sizes = [1, 1280, 128], strides = [1, 1, 1]} : vector<2x1280x128xf32> to vector<1x1280x128xf32>
    %squeeze3A = vector.shape_cast %slice3A : vector<1x1280x128xf32> to vector<1280x128xf32>
    %slice3A_3 = vector.extract_strided_slice %get3A_2 {offsets = [1, 0, 0], sizes = [1, 1280, 128], strides = [1, 1, 1]} : vector<2x1280x128xf32> to vector<1x1280x128xf32>
    %squeeze3A_4 = vector.shape_cast %slice3A_3 : vector<1x1280x128xf32> to vector<1280x128xf32>
    %add3A = arith.addf %squeeze3A, %squeeze3A_4 : vector<1280x128xf32>
    %get3A_5 = arith.constant 0 : index
    %get3A_6 = arith.constant 0 : index
    %get3A_7 = vector.load %arg2[%get3A_5, %get3A_6] : memref<1280x1xf32, #tpu.memory_space<vmem>>, vector<1280x1xf32>
    %mul3A = vector.broadcast %get3A_7 : vector<1280x1xf32> to vector<1280x128xf32>
    %mul3A_8 = arith.mulf %add3A, %mul3A : vector<1280x128xf32>
    %get3A_9 = arith.constant 0 : index
    %get3A_10 = arith.constant 0 : index
    %get3A_11 = vector.load %arg4[%get3A_9, %get3A_10] : memref<128x128xf32, #tpu.memory_space<vmem>>, vector<128x128xf32>
    %dot_general3A = arith.constant dense<0.000000e+00> : vector<1280x128xf32>
    %dot_general3A_12 = tpu.matmul %mul3A_8, %get3A_11, %dot_general3A {dimension_numbers = #tpu.dot_dimension_numbers<[1], [1], [0], [0], [0, 0, 1, 0], [], []>, transpose_lhs_hint = false} : vector<1280x128xf32>, vector<128x128xf32>, vector<1280x128xf32> -> vector<1280x128xf32>
    %get3A_13 = arith.constant 0 : index
    %get3A_14 = arith.constant 0 : index
    %get3A_15 = vector.load %arg3[%get3A_13, %get3A_14] : memref<1280x128xf32, #tpu.memory_space<vmem>>, vector<1280x128xf32>
    %get3A_16 = arith.constant 0 : index
    %get3A_17 = arith.constant 0 : index
    %get3A_18 = vector.load %arg5[%get3A_16, %get3A_17] : memref<128x128xf32, #tpu.memory_space<vmem>>, vector<128x128xf32>
    %dot_general3A_19 = arith.constant dense<0.000000e+00> : vector<1280x128xf32>
    %dot_general3A_20 = tpu.matmul %get3A_15, %get3A_18, %dot_general3A_19 {dimension_numbers = #tpu.dot_dimension_numbers<[1], [1], [0], [0], [0, 0, 1, 0], [], []>, transpose_lhs_hint = false} : vector<1280x128xf32>, vector<128x128xf32>, vector<1280x128xf32> -> vector<1280x128xf32>
    %add3A_21 = arith.addf %dot_general3A_12, %dot_general3A_20 : vector<1280x128xf32>
    %get3A_22 = arith.constant 0 : index
    %get3A_23 = arith.constant 0 : index
    %get3A_24 = vector.load %arg6[%get3A_22, %get3A_23] : memref<1x128xf32, #tpu.memory_space<vmem>>, vector<1x128xf32>
    %add3A_25 = vector.broadcast %get3A_24 : vector<1x128xf32> to vector<1280x128xf32>
    %add3A_26 = arith.addf %add3A_21, %add3A_25 : vector<1280x128xf32>
    %swap3A = arith.constant 0 : index
    %swap3A_27 = arith.constant 0 : index
    %swap3A_28 = vector.load %arg7[%swap3A, %swap3A_27] : memref<1280x128xf32, #tpu.memory_space<vmem>>, vector<1280x128xf32>
    tpu.vector_store %arg7[%swap3A, %swap3A_27], %add3A_26 {strides = array<i32>} : memref<1280x128xf32, #tpu.memory_space<vmem>>, vector<1280x128xf32>,
    return
  }
  func.func @transform_0(%arg0: i32) -> (i32, i32, i32) {
    %c0_i32 = arith.constant 0 : i32
    %c0_i32_0 = arith.constant 0 : i32
    %c0_i32_1 = arith.constant 0 : i32
    return %c0_i32, %arg0, %c0_i32_0 : i32, i32, i32
  }
  func.func @transform_1(%arg0: i32) -> (i32, i32) {
    %c0_i32 = arith.constant 0 : i32
    %c0_i32_0 = arith.constant 0 : i32
    return %arg0, %c0_i32 : i32, i32
  }
  func.func @transform_2(%arg0: i32) -> (i32, i32) {
    %c0_i32 = arith.constant 0 : i32
    %c0_i32_0 = arith.constant 0 : i32
    return %arg0, %c0_i32 : i32, i32
  }
  func.func @transform_3(%arg0: i32) -> (i32, i32) {
    %c0_i32 = arith.constant 0 : i32
    %c0_i32_0 = arith.constant 0 : i32
    %c0_i32_1 = arith.constant 0 : i32
    return %c0_i32, %c0_i32_0 : i32, i32
  }
  func.func @transform_4(%arg0: i32) -> (i32, i32) {
    %c0_i32 = arith.constant 0 : i32
    %c0_i32_0 = arith.constant 0 : i32
    %c0_i32_1 = arith.constant 0 : i32
    return %c0_i32, %c0_i32_0 : i32, i32
  }
  func.func @transform_5(%arg0: i32) -> (i32, i32) {
    %c0_i32 = arith.constant 0 : i32
    %c0_i32_0 = arith.constant 0 : i32
    %c0_i32_1 = arith.constant 0 : i32
    return %c0_i32, %c0_i32_0 : i32, i32
  }
  func.func @transform_6(%arg0: i32) -> (i32, i32) {
    %c0_i32 = arith.constant 0 : i32
    %c0_i32_0 = arith.constant 0 : i32
    return %arg0, %c0_i32 : i32, i32
  }
}

module attributes {stable_mosaic.version = 14 : i64} {
  func.func @_fold_body(%arg0: i32, %arg1: memref<4096x16xf32, #tpu.memory_space<vmem>>, %arg2: memref<4096x1xf32, #tpu.memory_space<vmem>>) attributes {dimension_semantics = [#tpu.dimension_semantics<arbitrary>], iteration_bounds = array<i64: 49>, scalar_prefetch = 0 : i64, scratch_operands = 0 : i64, tpu.core_type = #tpu.core_type<tc>, window_params = [{transform_indices = @transform_0, window_bounds = array<i64: 4096, 16>}, {transform_indices = @transform_1, window_bounds = array<i64: 4096, 1>}]} {
    %get3A = arith.constant 0 : index
    %get3A_0 = arith.constant 0 : index
    %get3A_1 = vector.load %arg1[%get3A, %get3A_0] : memref<4096x16xf32, #tpu.memory_space<vmem>>, vector<4096x16xf32>
    %reduce_sum3A = arith.constant dense<0.000000e+00> : vector<4096xf32>
    %reduce_sum3A_2 = vector.multi_reduction <add>, %get3A_1, %reduce_sum3A [1] : vector<4096x16xf32> to vector<4096xf32>
    %broadcast_in_dim3A = vector.shape_cast %reduce_sum3A_2 : vector<4096xf32> to vector<4096x1xf32>
    %swap3A = arith.constant 0 : index
    %swap3A_3 = arith.constant 0 : index
    %swap3A_4 = vector.load %arg2[%swap3A, %swap3A_3] : memref<4096x1xf32, #tpu.memory_space<vmem>>, vector<4096x1xf32>
    tpu.vector_store %arg2[%swap3A, %swap3A_3], %broadcast_in_dim3A {strides = array<i32>} : memref<4096x1xf32, #tpu.memory_space<vmem>>, vector<4096x1xf32>,
    return
  }
  func.func @transform_0(%arg0: i32) -> (i32, i32) {
    %c0_i32 = arith.constant 0 : i32
    %c0_i32_0 = arith.constant 0 : i32
    return %arg0, %c0_i32 : i32, i32
  }
  func.func @transform_1(%arg0: i32) -> (i32, i32) {
    %c0_i32 = arith.constant 0 : i32
    %c0_i32_0 = arith.constant 0 : i32
    return %arg0, %c0_i32 : i32, i32
  }
}

</mosaic_0001>

<sc_bundles>
// kernel: kernel.11.cloned.1.call-start
scs
__scs_entry_jumppad:
0x0: {  	(pc) =	sbr.rel $0x88, $3  }
0x1: {  	(tag) =	ssettag $0x0;
	lr =	simm.s32 $0x1  }
0x2: {  	[smem:$0x3F98] =	sst lr;
	_ =	strace $0xD0000000  }
0x3: {  	_ = 	snop  }
0x4: {  	_ = 	snop  }
0x5: {  	_ = 	snop  }
0x6: {  	_ = 	snop  }
0x7: {  	_ = 	snop  }
__scs_overlays_trampoline_lowered:
0x8: {  	[smem:$0x3FA7] =	sst s0  }
0x9: {  	[smem:$0x3FA8] =	sst s1  }
0xa: {  	[smem:$0x3FA9] =	sst s2  }
0xb: {  	[smem:$0x3FAA] =	sst s3  }
0xc: {  	[smem:$0x3FAB] =	sst s4  }
0xd: {  	[smem:$0x3FAC] =	sst s5  }
0xe: {  	[smem:$0x3FAD] =	sst s6  }
0xf: {  	[smem:$0x3FAE] =	sst s7  }
0x10: {  	[smem:$0x3FAF] =	sst s8  }
0x11: {  	[smem:$0x3FB0] =	sst s9;
	s0 =	simm.s32 @!p0 $0x0  }
0x12: {  	s1 =	sld [smem:$0x3F96];
	s0 =	simm.s32 @p0 $0x1  }
0x13: {  	[smem:$0x3FB1] =	sst s0;
	s0 =	simm.s32 @!p1 $0x0  }
0x14: {  	s2 =	sld [smem:$0x3F95];
	s0 =	simm.s32 @p1 $0x1  }
0x15: {  	[smem:$0x3FB2] =	sst s0;
	s0 =	simm.s32 @!p2 $0x0  }
0x16: {  	s3 =	sld [smem:$0x3FDB];
	s0 =	simm.s32 @p2 $0x1  }
0x17: {  	s4 =	simm.s32 $0x1BF5;
	[smem:$0x3FB4] =	sst s0  }
0x18: {  	s0 =	sld [smem:$0x3F97];
	_ =	swait.ge [sflag:s4], $0x0  }
0x19: {  	s7 =	sld [smem:$0x3F98]  }
0x1a: {  	s8 =	sadd.s32 $0xFFFFE003, lr  }
0x1b: {  	s9 =	sadd.s32 $0xFFFFFEF7, lr;
	s5 =	simm.s32 $0xFFFFFFFF;
	p2 =	slt.u32 s8, $0xFFFFF086  }
0x1c: {  	p1 =	slt.u32 s9, $0xF7A;
	s5 =	simm.s32 @!p2 $0x0  }
0x1d: {  	s5 =	simm.s32 @p1 $0x1;
	p0 =	seq.s32 s7, s2  }
0x1e: {  	s7 =	smul.u32 @!p0 $0xF7A, s2;
	p2 =	seq.s32 @!p0 s5, $0x0  }
0x1f: {  	s9 =	smul.u32 $0xF7A, s1;
	s8 =	simm.s32 @!p0 $0x1BF5;
	p2 =	por !p2, p0  }
0x20: {  	[sflag:s8] =	ssyncset.s32 @!p0 $0xFFFFF086;
	s6 =	sadd.s32 @!p0 s3, s7;
	s7 =	simm.s32 @!p0 $0x108  }
0x21: {  	s3 =	sadd.s32 s3, s9;
	s6 =	sadd.s32 @!p0 $0x88, s6;
	s7 =	simm.s32 @p2 $0x1082  }
0x22: {  	[simem:s7], [sflag:s8] =	dma.local @!p0 [hbm:s6], $0xF7A  }
0x23: {  	s9 =	sor.u32 $0xD0000000, s2;
	s6 =	simm.s32 $0x108;
	_ =	swait.ge @!p0 [sflag:s8], $0x0  }
0x24: {  	s3 =	sadd.s32 $0x88, s3;
	s6 =	simm.s32 @!p1 $0x1082;
	[sflag:s4] =	ssyncset.s32 $0xFFFFF086  }
0x25: {  	[simem:s6], [sflag:s4] =	dma.local [hbm:s3], $0xF7A  }
0x26: {  	[smem:$0x3F98] =	sst s1;
	(tag) =	ssettag s2;
	_ =	strace s9  }
0x27: {  	s1 =	sld [smem:$0x3FA8]  }
0x28: {  	s2 =	sld [smem:$0x3FA9]  }
0x29: {  	s4 =	sld [smem:$0x3FAB]  }
0x2a: {  	p0 =	seq.s32 s5, $0x0;
	s5 =	sld [smem:$0x3FAC]  }
0x2b: {  	s6 =	sld [smem:$0x3FAD]  }
0x2c: {  	s7 =	sld [smem:$0x3FAE]  }
0x2d: {  	s3 =	simm.s32 $0x108;
	s8 =	sld [smem:$0x3FAF]  }
0x2e: {  	s3 =	simm.s32 @!p0 $0x1082;
	s9 =	sld [smem:$0x3FB0]  }
0x2f: {  	lr =	sadd.s32 s0, s3;
	s0 =	sld [smem:$0x3FA7]  }
0x30: {  	s3 =	sld [smem:$0x3FAA]  }
0x31: {  	[smem:$0x3FB3] =	sst s10  }
0x32: {  	s10 =	sld [smem:$0x3FB1];
	_ =	sdelay $0x3  }
0x33: {  	p0 =	seq.s32 s10, $0x1;
	s10 =	sld [smem:$0x3FB3];
	_ =	sdelay $0x3  }
0x34: {  	[smem:$0x3FB3] =	sst s10  }
0x35: {  	s10 =	sld [smem:$0x3FB2];
	_ =	sdelay $0x3  }
0x36: {  	p1 =	seq.s32 s10, $0x1;
	s10 =	sld [smem:$0x3FB3];
	_ =	sdelay $0x3  }
0x37: {  	[smem:$0x3FB3] =	sst s10  }
0x38: {  	s10 =	sld [smem:$0x3FB4]  }
0x39: {  	_ = 	snop;
	(pc) =	sbr.ind lr, $3  }
0x3a: {  	_ = 	snop  }
0x3b: {  	_ = 	snop  }
0x3c: {  	p2 =	seq.s32 s10, $0x1;
	s10 =	sld [smem:$0x3FB3]  }
0x3d: {  	_ =	shalt  }
0x3e: {  	_ =	shalt  }
0x3f: {  	_ =	shalt  }
0x40: {  	_ =	shalt  }
0x41: {  	_ =	shalt  }
0x42: {  	_ =	shalt  }
0x43: {  	_ =	shalt  }
0x44: {  	_ =	shalt  }
0x45: {  	_ =	shalt  }
0x46: {  	_ =	shalt  }
0x47: {  	_ =	shalt  }
0x48: {  	_ =	shalt  }
0x49: {  	_ =	shalt  }
0x4a: {  	_ =	shalt  }
0x4b: {  	_ =	shalt  }
0x4c: {  	_ =	shalt  }
0x4d: {  	_ =	shalt  }
0x4e: {  	_ =	shalt  }
0x4f: {  	_ =	shalt  }
0x50: {  	_ =	shalt  }
0x51: {  	_ =	shalt  }
0x52: {  	_ =	shalt  }
0x53: {  	_ =	shalt  }
0x54: {  	_ =	shalt  }
0x55: {  	_ =	shalt  }
0x56: {  	_ =	shalt  }
0x57: {  	_ =	shalt  }
0x58: {  	_ =	shalt  }
0x59: {  	_ =	shalt  }
0x5a: {  	_ =	shalt  }
0x5b: {  	_ =	shalt  }
0x5c: {  	_ =	shalt  }
0x5d: {  	_ =	shalt  }
0x5e: {  	_ =	shalt  }
0x5f: {  	_ =	shalt  }
0x60: {  	_ =	shalt  }
0x61: {  	_ =	shalt  }
0x62: {  	_ =	shalt  }
0x63: {  	_ =	shalt  }
0x64: {  	_ =	shalt  }
0x65: {  	_ =	shalt  }
0x66: {  	_ =	shalt  }
0x67: {  	_ =	shalt  }
0x68: {  	_ =	shalt  }
0x69: {  	_ =	shalt  }
0x6a: {  	_ =	shalt  }
0x6b: {  	_ =	shalt  }
0x6c: {  	_ =	shalt  }
0x6d: {  	_ =	shalt  }
0x6e: {  	_ =	shalt  }
0x6f: {  	_ =	shalt  }
0x70: {  	_ =	shalt  }
0x71: {  	_ =	shalt  }
0x72: {  	_ =	shalt  }
0x73: {  	_ =	shalt  }
0x74: {  	_ =	shalt  }
0x75: {  	_ =	shalt  }
0x76: {  	_ =	shalt  }
0x77: {  	_ =	shalt  }
0x78: {  	_ =	shalt  }
0x79: {  	_ =	shalt  }
0x7a: {  	_ =	shalt  }
0x7b: {  	_ =	shalt  }
0x7c: {  	_ =	shalt  }
0x7d: {  	_ =	shalt  }
0x7e: {  	_ =	shalt  }
0x7f: {  	_ =	shalt  }
0x80: {  	_ =	shalt  }
0x81: {  	_ =	shalt  }
0x82: {  	_ =	shalt  }
0x83: {  	_ =	shalt  }
0x84: {  	_ =	shalt  }
0x85: {  	_ =	shalt  }
0x86: {  	_ =	shalt  }
0x87: {  	_ =	shalt  }
.Lfunc_end0:
.L_simem_size_0:
called_computation.1_lowered:
.L_overlay_start_0:
0x88: {  	s2 =	sld [smem:$0x3FD9]  }
0x89: {  	s3 =	sld [smem:$0x3FFE];
	_ =	sdelay $0x1  }
0x8a: {  	s1 =	srdreg.scid  }
0x8b: {  	s0 =	sand.u32 $0x1, s1  }
0x8c: {  	s16 =	sshll.u32 s0, $0xA;
	s2 =	sadd.s32 s3, s2  }
0x8d: {  	s2 =	sadd.s32 s2, s16  }
0x8e: {  	[smem:$0x3FBF] =	sst s2  }
0x8f: {  	_ = 	snop  }
0x90: {  	(tm) =	ssettm $0x1  }
0x91: {  	s17 =	sld [smem:$0x3FFB];
	_ =	sdelay $0x3  }
0x92: {  	_ =	strace s17  }
0x93: {  	s2 =	sld [smem:$0x3FFC];
	_ =	sdelay $0x3  }
0x94: {  	_ =	strace s2  }
0x95: {  	s2 =	sld [smem:$0x3FFD];
	_ =	sdelay $0x3  }
0x96: {  	_ =	strace s2  }
0x97: {  	_ =	strace $0x8FFFFFFF  }
0x98: {  	s18 =	sld [smem:$0x3FDB];
	_ =	sdelay $0x1  }
0x99: {  	s19 =	simm.s32 $_scs_section_size  }
0x9a: {  	s4 =	simm.s32 $_size__tile_overlayer_lowered;
	s5 =	simm.s32 $_tile_overlayer_lowered  }
0x9b: {  	s22 =	simm.s32 $0x1BFF;
	s21 =	sshll.u32 s5, $0x1;
	s2 =	sadd.s32 s19, s18  }
0x9c: {  	s6 =	simm.s32 $0x0;
	s20 =	sshll.u32 s4, $0x1;
	s4 =	sadd.s32 s21, s2  }
0x9d: {  	[timem:s6], [sflag:s22] =	dma.local [hbm:s4], s20  }
0x9e: {  	_ =	swait.ge [sflag:s22], s20  }
0x9f: {  	s3 =	ssub.s32 $0x0, s20;
	[sflag:s22] =	ssyncset.done $0x0  }
0xa0: {  	[sflag:s22] =	ssyncadd.s32 s3;
	_ =	sdelay $0x1  }
0xa1: {  	s23 =	simm.s32 $0x1B8B  }
0xa2: {  	_ =	swait.ge [sflag:s23], $0x1  }
0xa3: {  	[sflag:s23] =	ssyncset.done $0x0  }
0xa4: {  	s25 =	simm.s32 $0x1B8E;
	s24 =	sld [smem:$0x3FFE];
	[sflag:s23] =	ssyncadd.s32 $0xFFFFFFFF  }
0xa5: {  	s26 =	simm.s32 $execute0_lowered;
	[smem:$0x3FD2] =	sst s25  }
0xa6: {  	s4 =	sshll.u32 s26, $0x1;
	_ =	strace $0x80000049;
	[dreg:$0x1] =	wrdreg $0xFFFFFFFF  }
0xa7: {  	s28 =	simm.s32 $_size_execute0_lowered;
	s2 =	sadd.s32 s2, s4;
	[dreg:$0x0] =	wrdreg $0x0  }
0xa8: {  	s4 =	sshll.u32 s28, $0x1;
	[dreg:$0x2] =	wrdreg s2  }
0xa9: {  	[dreg:$0x3] =	wrdreg s4  }
0xaa: {  	[dreg:$0x4] =	wrdreg $0xC0  }
0xab: {  	_ =	task [dreg:s6], $0x5FFFF  }
0xac: {  	[dreg:$0x1] =	wrdreg $0xFFFFFFFF  }
0xad: {  	[dreg:$0x0] =	wrdreg $0x60  }
0xae: {  	[dreg:$0x2] =	wrdreg s24  }
0xaf: {  	[dreg:$0x3] =	wrdreg $0x0  }
0xb0: {  	[dreg:$0x4] =	wrdreg $0x9  }
0xb1: {  	_ =	task.clear_ibuf [dreg:s6], $0x5FFFF;
	_ =	strace $0x90000049  }
0xb2: {  	s29 =	simm.s32 $0x9;
	_ =	strace $0x8000004B  }
0xb3: {  	_ =	swait.ge [sflag:s29], $0x1  }
0xb4: {  	[sflag:s29] =	ssyncadd.s32 $0xFFFFFFFF  }
0xb5: {  	_ =	strace $0x9000004B  }
0xb6: {  	_ =	sfence  }
0xb7: {  	s30 =	sld [smem:$0x0];
	_ =	sdelay $0x2  }
0xb8: {  	s31 =	sshll.u32 s1, $0xD;
	s1 =	sshrl.u32 s1, $0x2  }
0xb9: {  	s3 =	sand.u32 $0x4000, s31;
	s1 =	sadd.s32 s1, s30  }
0xba: {  	s0 =	sor.u32 s3, s0;
	s1 =	sshll.u32 s1, $0x11  }
0xbb: {  	s0 =	sor.u32 s1, s0  }
0xbc: {  	s0 =	sadd.s32 $0x8F2B, s0  }
0xbd: {  	[sflag:s0] =	ssyncadd.remote.s32 $0x1  }
0xbe: {  	_ =	sfence.sel $0xFFFF  }
0xbf: {  	[dreg:$0x0] =	wrdreg $0xFFFFFFFF;
	(pc) =	sbr.abs _section_cstart, $3  }
0xc0: {  	[dreg:$0x1] =	wrdreg $0xFFFFFFFF  }
0xc1: {  	_ =	task.clear_ibuf [dreg:s6], $0x2FFFF;
	_ =	strace $0x9FFFFFFF  }
0xc2: {  	(tm) =	ssettm $0x7FFFFFFF  }
0xc3: {  	_ =	shalt  }
tec
execute0_lowered:
.L_overlay_start_1:
0x0: {  	(tag) =	ssettag $0x1  }
0x1: {  	s0 =	rddreg [dreg:$0x0]  }
0x2: {  	s1 =	rddreg [dreg:$0x1]  }
0x3: {  	s2 =	srdreg.scid;
	s3 =	simm.s32 $0x0;
	s11 =	stileid.u32  }
0x4: {  	s28 =	simm.s32 $0x1F200;
	s29 =	simm.s32 $0xB0;
	s30 =	simm.s32 $0x14100  }
0x5: {  	s31 =	simm.s32 $0x19900;
	s2 =	sand.u32 $0x1, s2;
	s7 =	smul.u32 $0x14000, s11  }
0x6: {  	[smem:$0x7FF] =	sst s3;
	s4 =	sadd.s32 $0x14A00, s0;
	s10 =	smul.u32 $0x50000, s11  }
0x7: {  	s5 =	sadd.s32 $0xAC00, s0;
	s8 =	sadd.s32 $0x3CA00, s0;
	s15 =	smul.u32 $0x2710, s11  }
0x8: {  	s14 =	sshll.u32 s11, $0x6;
	s6 =	smul.u32 $0x140000, s2;
	_ =	strace $0x8000004A  }
0x9: {  	[dreg:$0x3] =	wrdreg s8;
	s25 =	ssub.s32 $0x2, s2;
	s9 =	sshll.u32 s2, $0x4  }
0xa: {  	s2 =	smul.u32 $0x27100, s2;
	s14 =	sor.u32 $0x1C05, s14;
	s26 =	sshrl.u32 s25, $0x1  }
0xb: {  	s9 =	sor.u32 s11, s9;
	s13 =	sshrl.u32 s10, $0x2;
	s11 =	simm.s32 $0x3  }
0xc: {  	[dreg:$0x5] =	wrdreg s14;
	s7 =	sadd.s32 s7, s6;
	s6 =	sadd.s32 $0xE00, s0  }
0xd: {  	s12 =	smul.u32 $0x2710, s9;
	s9 =	sadd.s32 s13, s1;
	s2 =	sadd.s32 s15, s2  }
0xe: {  	s13 =	simm.s32 $0x4;
	s7 =	sshrl.u32 s7, $0x3;
	[dreg:$0x4] =	wrdreg s9  }
0xf: {  	s10 =	sadd.s32 $0x370, s2;
	s23 =	sadd.s32 $0x210, s2;
	s0 =	sadd.s32 s7, s0  }
0x10: {  	s7 =	ssub.s32 s25, s26;
	s8 =	sshrl.u32 s12, $0x3;
	s22 =	sshrl.u32 s10, $0x3  }
0x11: {  	s24 =	sshrl.u32 s23, $0x3;
	s25 =	sadd.s32 $0x160, s2;
	s2 =	sadd.s32 $0x2C0, s2  }
0x12: {  	s10 =	simm.s32 $0x2;
	s12 =	simm.s32 $0x1F500;
	s16 =	sadd.s32 s5, s8  }
0x13: {  	s17 =	sadd.s32 s6, s8;
	s18 =	sadd.s32 $0x16, s8;
	[dreg:$0xe] =	wrdreg s2  }
0x14: {  	s8 =	sadd.s32 $0x4D0, s8;
	s0 =	sadd.s32 $0x3F200, s0;
	[dreg:$0x6] =	wrdreg s16  }
0x15: {  	s7 =	smax.u32 s7, $0x1;
	s26 =	sshrl.u32 s25, $0x3;
	[dreg:$0x7] =	wrdreg s17  }
0x16: {  	s25 =	simm.s32 $0x5;
	s2 =	simm.s32 $0x19A00;
	[dreg:$0xc] =	wrdreg s0  }
0x17: {  	s19 =	sadd.s32 s5, s18;
	s20 =	sadd.s32 s6, s18;
	[dreg:$0xd] =	wrdreg s7  }
0x18: {  	s21 =	sadd.s32 s5, s8;
	s8 =	sadd.s32 s6, s8;
	[dreg:$0x8] =	wrdreg s19  }
.Ltmp0:
0x19: {  	s18 =	sadd.s32 s22, s6;
	[dreg:$0x9] =	wrdreg s20;
	(pc) =	sbr.rel .LBB2_1-.Ltmp0, $4  }
0x1a: {  	s23 =	sadd.s32 s26, s6;
	s0 =	simm.s32 $0x1F300;
	[dreg:$0xa] =	wrdreg s21  }
0x1b: {  	s7 =	simm.s32 $0x1;
	s17 =	simm.s32 $0x0;
	[dreg:$0xb] =	wrdreg s8  }
0x1c: {  	s19 =	sadd.s32 s22, s5;
	s21 =	sadd.s32 s24, s6;
	s22 =	sadd.s32 s24, s5  }
0x1d: {  	s24 =	sadd.s32 s26, s5;
	s26 =	simm.s32 $0x14000;
	s8 =	simm.s32 $0x1F400  }
.LBB2_4:
0x1e: {  	[spmem:s1] =	stream.indirect.scatter.add.f32 [tilespmem:s30], [sflag:$0x5], $0x80, s8, s29, $0xb8;
	[tilespmem:$0x1F800] =	vst v63  }
0x1f: {  	_ =	swait.ge [sflag:s25], $0x5800  }
0x20: {  	[sflag:s25] =	ssyncset.done $0x0  }
0x21: {  	[sflag:s25] =	ssyncadd.s32 $0xFFFFA800  }
0x22: {  	_ =	swait.ge [sflag:s11], $0x5800  }
0x23: {  	[sflag:s11] =	ssyncset.done $0x0  }
0x24: {  	[sflag:s11] =	ssyncadd.s32 $0xFFFFA800  }
0x25: {  	[spmem:s1] =	stream.indirect.scatter.add.f32 [tilespmem:s2], [sflag:$0x5], $0x80, s12, s29, $0xb8;
	[tilespmem:$0x1F800] =	vst v63  }
0x26: {  	_ =	swait.ge [sflag:s25], $0x5800  }
0x27: {  	[sflag:s25] =	ssyncset.done $0x0  }
0x28: {  	s14 =	simm.s32 $0x1F600;
	s9 =	rddreg [dreg:$0xa];
	[sflag:s25] =	ssyncadd.s32 $0xFFFFA800  }
0x29: {  	[tilespmem:s14], [sflag:$0x5] =	stream.linear.gather [hbm4b:s9+s3], $0x90, $0x38;
	[tilespmem:$0x1F800] =	vst v63  }
0x2a: {  	_ =	swait.ge [sflag:s25], $0x90  }
0x2b: {  	[sflag:s25] =	ssyncset.done $0x0  }
0x2c: {  	s15 =	simm.s32 $0x1F700;
	s16 =	rddreg [dreg:$0xb];
	[sflag:s25] =	ssyncadd.s32 $0xFFFFFF70  }
0x2d: {  	[tilespmem:s15], [sflag:$0x5] =	stream.linear.gather [hbm4b:s16+s3], $0x90, $0x38;
	[tilespmem:$0x1F800] =	vst v63  }
0x2e: {  	_ =	swait.ge [sflag:s25], $0x90  }
0x2f: {  	[sflag:s25] =	ssyncset.done $0x0  }
0x30: {  	s16 =	simm.s32 $0x90;
	[sflag:s25] =	ssyncadd.s32 $0xFFFFFF70  }
0x31: {  	[tilespmem:s30], [sflag:$0x1] =	stream.indirect.gather [hbm4b:s4+s16], $0x80, s14, s16, $0xb8;
	[tilespmem:$0x1F800] =	vst v63  }
0x32: {  	_ =	swait.ge [sflag:s7], $0x4800  }
0x33: {  	[sflag:s7] =	ssyncset.done $0x0  }
0x34: {  	[sflag:s7] =	ssyncadd.s32 $0xFFFFB800  }
0x35: {  	[spmem:s1] =	stream.indirect.scatter.add.f32 [tilespmem:s30], [sflag:$0x5], $0x80, s15, s16, $0xb8;
	[tilespmem:$0x1F800] =	vst v63  }
0x36: {  	_ =	swait.ge [sflag:s25], $0x4800  }
0x37: {  	[sflag:s25] =	ssyncset.done $0x0  }
0x38: {  	[sflag:s25] =	ssyncadd.s32 $0xFFFFB800  }
0x39: {  	[bflag:$0x0] =	sbarrier.arrive $0xFFFF  }
0x3a: {  	s14 =	rddreg [dreg:$0x5]  }
0x3b: {  	s16 =	rddreg [dreg:$0xc]  }
0x3c: {  	[hbm:s16], [sflag:s14] =	dma.local [spmem:s20], $0x2800  }
0x3d: {  	_ =	swait.ge [sflag:s25], $0x2800  }
0x3e: {  	s17 =	sadd.s32 $0x1, s17;
	s20 =	rddreg [dreg:$0xd]  }
0x3f: {  	p0 =	sne.s32 s17, s20  }
.Ltmp1:
0x40: {  	_ = 	snop;
	(pc) =	sbr.rel @!p0 .LBB2_5-.Ltmp1, $3  }
0x41: {  	_ =	sdelay $0x1  }
0x42: {  	[sflag:s25] =	ssyncset.done $0x0  }
0x43: {  	[sflag:s25] =	ssyncadd.s32 $0xFFFFD800  }
.LBB2_1:
0x44: {  	s9 =	rddreg [dreg:$0x4]  }
0x45: {  	s15 =	rddreg [dreg:$0x3];
	s20 =	sshrl.u32 s9, $0x3  }
0x46: {  	[spmem:s20], [sflag:s14] =	dma.local [hbm:s15], $0x2800  }
0x47: {  	_ =	swait.ge [sflag:s25], $0x2800  }
0x48: {  	[sflag:s25] =	ssyncset.done $0x0  }
0x49: {  	[sflag:s25] =	ssyncadd.s32 $0xFFFFD800  }
0x4a: {  	[bflag:$0x0] =	sbarrier.arrive $0xFFFF  }
0x4b: {  	s16 =	rddreg [dreg:$0x6]  }
0x4c: {  	[tilespmem:s26], [sflag:$0x5] =	stream.linear.gather [hbm4b:s16+s3], $0xB0, $0x38;
	[tilespmem:$0x1F800] =	vst v63  }
0x4d: {  	_ =	swait.ge [sflag:s25], $0xB0  }
0x4e: {  	[sflag:s25] =	ssyncset.done $0x0  }
0x4f: {  	s14 =	rddreg [dreg:$0x7];
	[sflag:s25] =	ssyncadd.s32 $0xFFFFFF50  }
0x50: {  	[tilespmem:s28], [sflag:$0x5] =	stream.linear.gather [hbm4b:s14+s3], $0xB0, $0x38;
	[tilespmem:$0x1F800] =	vst v63  }
0x51: {  	_ =	swait.ge [sflag:s25], $0xB0  }
0x52: {  	[sflag:s25] =	ssyncset.done $0x0  }
0x53: {  	[sflag:s25] =	ssyncadd.s32 $0xFFFFFF50  }
0x54: {  	[tilespmem:s30], [sflag:$0x1] =	stream.indirect.gather [hbm4b:s4+s29], $0x80, s26, s29, $0xb8;
	[tilespmem:$0x1F800] =	vst v63  }
0x55: {  	s15 =	rddreg [dreg:$0x8]  }
0x56: {  	[tilespmem:s31], [sflag:$0x5] =	stream.linear.gather [hbm4b:s15+s3], $0xB0, $0x38;
	[tilespmem:$0x1F800] =	vst v63  }
0x57: {  	_ =	swait.ge [sflag:s25], $0xB0  }
0x58: {  	[sflag:s25] =	ssyncset.done $0x0  }
0x59: {  	s16 =	rddreg [dreg:$0x9];
	[sflag:s25] =	ssyncadd.s32 $0xFFFFFF50  }
0x5a: {  	[tilespmem:s0], [sflag:$0x5] =	stream.linear.gather [hbm4b:s16+s3], $0xB0, $0x38;
	[tilespmem:$0x1F800] =	vst v63  }
0x5b: {  	_ =	swait.ge [sflag:s25], $0xB0  }
0x5c: {  	[sflag:s25] =	ssyncset.done $0x0  }
0x5d: {  	s15 =	simm.s32 $0x0;
	s14 =	rddreg [dreg:$0xe];
	[sflag:s25] =	ssyncadd.s32 $0xFFFFFF50  }
0x5e: {  	[tilespmem:s2], [sflag:$0x3] =	stream.indirect.gather [hbm4b:s4+s29], $0x80, s31, s29, $0xb8;
	[tilespmem:$0x1F800] =	vst v63  }
.LBB2_2:
0x5f: {  	_ =	swait.ge [sflag:s7], $0x5800  }
0x60: {  	[sflag:s7] =	ssyncset.done $0x0  }
0x61: {  	s16 =	sadd.s32 s15, s24;
	[sflag:s7] =	ssyncadd.s32 $0xFFFFA800  }
0x62: {  	[tilespmem:s26], [sflag:$0x2] =	stream.linear.gather [hbm4b:s16+s3], $0xB0, $0x38;
	[tilespmem:$0x1F800] =	vst v63  }
0x63: {  	s9 =	sadd.s32 s15, s23  }
0x64: {  	[tilespmem:s8], [sflag:$0x2] =	stream.linear.gather [hbm4b:s9+s3], $0xB0, $0x38;
	[tilespmem:$0x1F800] =	vst v63  }
0x65: {  	_ = 	snop  }
0x66: {  	[spmem:s1] =	stream.indirect.scatter.add.f32 [tilespmem:s30], [sflag:$0x5], $0x80, s28, s29, $0xb8;
	[tilespmem:$0x1F800] =	vst v63  }
0x67: {  	_ =	swait.ge [sflag:s25], $0x5800  }
0x68: {  	[sflag:s25] =	ssyncset.done $0x0  }
0x69: {  	[sflag:s25] =	ssyncadd.s32 $0xFFFFA800  }
0x6a: {  	_ =	swait.ge [sflag:s10], $0xB0  }
0x6b: {  	[sflag:s10] =	ssyncset.done $0x0  }
0x6c: {  	[sflag:s10] =	ssyncadd.s32 $0xFFFFFF50  }
0x6d: {  	_ =	swait.ge [sflag:s10], $0xB0  }
0x6e: {  	[sflag:s10] =	ssyncset.done $0x0  }
0x6f: {  	[sflag:s10] =	ssyncadd.s32 $0xFFFFFF50  }
0x70: {  	[tilespmem:s30], [sflag:$0x1] =	stream.indirect.gather [hbm4b:s4+s29], $0x80, s26, s29, $0xb8;
	[tilespmem:$0x1F800] =	vst v63  }
0x71: {  	_ =	swait.ge [sflag:s11], $0x5800  }
0x72: {  	[sflag:s11] =	ssyncset.done $0x0  }
0x73: {  	s9 =	sadd.s32 s15, s22;
	[sflag:s11] =	ssyncadd.s32 $0xFFFFA800  }
0x74: {  	[tilespmem:s31], [sflag:$0x4] =	stream.linear.gather [hbm4b:s9+s3], $0xB0, $0x38;
	[tilespmem:$0x1F800] =	vst v63  }
0x75: {  	s9 =	sadd.s32 s15, s21  }
0x76: {  	[tilespmem:s12], [sflag:$0x4] =	stream.linear.gather [hbm4b:s9+s3], $0xB0, $0x38;
	[tilespmem:$0x1F800] =	vst v63  }
0x77: {  	_ = 	snop  }
0x78: {  	[spmem:s1] =	stream.indirect.scatter.add.f32 [tilespmem:s2], [sflag:$0x5], $0x80, s0, s29, $0xb8;
	[tilespmem:$0x1F800] =	vst v63  }
0x79: {  	_ =	swait.ge [sflag:s25], $0x5800  }
0x7a: {  	[sflag:s25] =	ssyncset.done $0x0  }
0x7b: {  	[sflag:s25] =	ssyncadd.s32 $0xFFFFA800  }
0x7c: {  	_ =	swait.ge [sflag:s13], $0xB0  }
0x7d: {  	[sflag:s13] =	ssyncset.done $0x0  }
0x7e: {  	[sflag:s13] =	ssyncadd.s32 $0xFFFFFF50  }
0x7f: {  	_ =	swait.ge [sflag:s13], $0xB0  }
0x80: {  	p0 =	seq.s32 s15, $0x478;
	[sflag:s13] =	ssyncset.done $0x0  }
.Ltmp2:
0x81: {  	[sflag:s13] =	ssyncadd.s32 $0xFFFFFF50;
	(pc) =	sbr.rel @p0 .LBB2_4-.Ltmp2, $4  }
0x82: {  	[tilespmem:s2], [sflag:$0x3] =	stream.indirect.gather [hbm4b:s4+s29], $0x80, s31, s29, $0xb8;
	[tilespmem:$0x1F800] =	vst v63  }
0x83: {  	_ =	swait.ge [sflag:s7], $0x5800  }
0x84: {  	[sflag:s7] =	ssyncset.done $0x0  }
0x85: {  	[sflag:s7] =	ssyncadd.s32 $0xFFFFA800  }
0x86: {  	s16 =	sshrl.u32 s14, $0x3  }
0x87: {  	s9 =	sadd.s32 s5, s16  }
0x88: {  	[tilespmem:s26], [sflag:$0x2] =	stream.linear.gather [hbm4b:s9+s3], $0xB0, $0x38;
	[tilespmem:$0x1F800] =	vst v63  }
0x89: {  	s16 =	sadd.s32 s6, s16  }
0x8a: {  	[tilespmem:s28], [sflag:$0x2] =	stream.linear.gather [hbm4b:s16+s3], $0xB0, $0x38;
	[tilespmem:$0x1F800] =	vst v63  }
0x8b: {  	_ = 	snop  }
0x8c: {  	[spmem:s1] =	stream.indirect.scatter.add.f32 [tilespmem:s30], [sflag:$0x5], $0x80, s8, s29, $0xb8;
	[tilespmem:$0x1F800] =	vst v63  }
0x8d: {  	_ =	swait.ge [sflag:s25], $0x5800  }
0x8e: {  	[sflag:s25] =	ssyncset.done $0x0  }
0x8f: {  	[sflag:s25] =	ssyncadd.s32 $0xFFFFA800  }
0x90: {  	_ =	swait.ge [sflag:s10], $0xB0  }
0x91: {  	[sflag:s10] =	ssyncset.done $0x0  }
0x92: {  	[sflag:s10] =	ssyncadd.s32 $0xFFFFFF50  }
0x93: {  	_ =	swait.ge [sflag:s10], $0xB0  }
0x94: {  	[sflag:s10] =	ssyncset.done $0x0  }
0x95: {  	[sflag:s10] =	ssyncadd.s32 $0xFFFFFF50  }
0x96: {  	[tilespmem:s30], [sflag:$0x1] =	stream.indirect.gather [hbm4b:s4+s29], $0x80, s26, s29, $0xb8;
	[tilespmem:$0x1F800] =	vst v63  }
0x97: {  	_ =	swait.ge [sflag:s11], $0x5800  }
0x98: {  	[sflag:s11] =	ssyncset.done $0x0  }
0x99: {  	s16 =	sadd.s32 s15, s19;
	[sflag:s11] =	ssyncadd.s32 $0xFFFFA800  }
0x9a: {  	[tilespmem:s31], [sflag:$0x4] =	stream.linear.gather [hbm4b:s16+s3], $0xB0, $0x38;
	[tilespmem:$0x1F800] =	vst v63  }
0x9b: {  	s16 =	sadd.s32 s15, s18  }
0x9c: {  	[tilespmem:s0], [sflag:$0x4] =	stream.linear.gather [hbm4b:s16+s3], $0xB0, $0x38;
	[tilespmem:$0x1F800] =	vst v63  }
0x9d: {  	_ = 	snop  }
0x9e: {  	[spmem:s1] =	stream.indirect.scatter.add.f32 [tilespmem:s2], [sflag:$0x5], $0x80, s12, s29, $0xb8;
	[tilespmem:$0x1F800] =	vst v63  }
0x9f: {  	_ =	swait.ge [sflag:s25], $0x5800  }
0xa0: {  	[sflag:s25] =	ssyncset.done $0x0  }
0xa1: {  	[sflag:s25] =	ssyncadd.s32 $0xFFFFA800  }
0xa2: {  	_ =	swait.ge [sflag:s13], $0xB0  }
0xa3: {  	[sflag:s13] =	ssyncset.done $0x0  }
.Ltmp3:
0xa4: {  	[sflag:s13] =	ssyncadd.s32 $0xFFFFFF50;
	(pc) =	sbr.rel .LBB2_2-.Ltmp3, $4  }
0xa5: {  	_ =	swait.ge [sflag:s13], $0xB0  }
0xa6: {  	[sflag:s13] =	ssyncset.done $0x0  }
0xa7: {  	s14 =	sadd.s32 $0x2C0, s14;
	s15 =	sadd.s32 $0x58, s15;
	[sflag:s13] =	ssyncadd.s32 $0xFFFFFF50  }
0xa8: {  	[tilespmem:s2], [sflag:$0x3] =	stream.indirect.gather [hbm4b:s4+s29], $0x80, s31, s29, $0xb8;
	[tilespmem:$0x1F800] =	vst v63  }
.LBB2_5:
0xa9: {  	_ =	sfence.sel $0x180000  }
0xaa: {  	[bflag:$0x0] =	sbarrier.arrive $0xFFFF  }
0xab: {  	_ =	strace $0x9000004A  }
0xac: {  	s0 =	stileid.u32;
	[bflag:$0x2] =	sbarrier.arrive $0xFFFF  }
0xad: {  	p0 =	sne.s32 s0, $0x0;
	s0 =	rddreg [dreg:$0x2]  }
0xae: {  	s0 =	sadd.s32 @!p0 $0x100000, s0  }
0xaf: {  	[sflag:s0] =	ssyncadd.tile.s32 @!p0 $0x1;
	_ =	shalt  }
.Lfunc_end2:
_tile_overlayer_lowered:
.L_overlay_start_2:
0xb0: {  	(tag) =	ssettag $0x2  }
0xb1: {  	s0 =	rddreg [dreg:$0x0];
	s2 =	stileid.u32  }
0xb2: {  	s1 =	rddreg [dreg:$0x1];
	p0 =	sne.s32 s2, $0x0  }
0xb3: {  	s3 =	rddreg [dreg:$0x2];
	[bflag:$0x3] =	sbarrier.arrive $0xFFFF;
	s2 =	simm.s32 @!p0 $0x1C05  }
0xb4: {  	[timem:s3], [sflag:s2] =	dma.local @!p0 [hbm:s0], s1  }
0xb5: {  	s0 =	simm.s32 @!p0 $0x5  }
0xb6: {  	_ =	swait.ge @!p0 [sflag:s0], s1  }
0xb7: {  	s1 =	ssub.s32 @!p0 $0x0, s1;
	[sflag:s0] =	ssyncset.done @!p0 $0x0  }
0xb8: {  	[sflag:s0] =	ssyncadd.s32 @!p0 s1  }
0xb9: {  	[bflag:$0x3] =	sbarrier.arrive $0xFFFF  }
0xba: {  	_ =	shalt  }

// kernel: kernel.14.cloned.1.call-start
scs
__scs_entry_jumppad:
0x0: {  	(pc) =	sbr.rel $0x88, $3  }
0x1: {  	(tag) =	ssettag $0x0;
	lr =	simm.s32 $0x1  }
0x2: {  	[smem:$0x3F98] =	sst lr;
	_ =	strace $0xD0000000  }
0x3: {  	_ = 	snop  }
0x4: {  	_ = 	snop  }
0x5: {  	_ = 	snop  }
0x6: {  	_ = 	snop  }
0x7: {  	_ = 	snop  }
__scs_overlays_trampoline_lowered:
0x8: {  	[smem:$0x3FA7] =	sst s0  }
0x9: {  	[smem:$0x3FA8] =	sst s1  }
0xa: {  	[smem:$0x3FA9] =	sst s2  }
0xb: {  	[smem:$0x3FAA] =	sst s3  }
0xc: {  	[smem:$0x3FAB] =	sst s4  }
0xd: {  	[smem:$0x3FAC] =	sst s5  }
0xe: {  	[smem:$0x3FAD] =	sst s6  }
0xf: {  	[smem:$0x3FAE] =	sst s7  }
0x10: {  	[smem:$0x3FAF] =	sst s8  }
0x11: {  	[smem:$0x3FB0] =	sst s9;
	s0 =	simm.s32 @!p0 $0x0  }
0x12: {  	s1 =	sld [smem:$0x3F96];
	s0 =	simm.s32 @p0 $0x1  }
0x13: {  	[smem:$0x3FB1] =	sst s0;
	s0 =	simm.s32 @!p1 $0x0  }
0x14: {  	s2 =	sld [smem:$0x3F95];
	s0 =	simm.s32 @p1 $0x1  }
0x15: {  	[smem:$0x3FB2] =	sst s0;
	s0 =	simm.s32 @!p2 $0x0  }
0x16: {  	s3 =	sld [smem:$0x3FDB];
	s0 =	simm.s32 @p2 $0x1  }
0x17: {  	s4 =	simm.s32 $0x1BF5;
	[smem:$0x3FB4] =	sst s0  }
0x18: {  	s0 =	sld [smem:$0x3F97];
	_ =	swait.ge [sflag:s4], $0x0  }
0x19: {  	s7 =	sld [smem:$0x3F98]  }
0x1a: {  	s8 =	sadd.s32 $0xFFFFE003, lr  }
0x1b: {  	s9 =	sadd.s32 $0xFFFFFEF7, lr;
	s5 =	simm.s32 $0xFFFFFFFF;
	p2 =	slt.u32 s8, $0xFFFFF086  }
0x1c: {  	p1 =	slt.u32 s9, $0xF7A;
	s5 =	simm.s32 @!p2 $0x0  }
0x1d: {  	s5 =	simm.s32 @p1 $0x1;
	p0 =	seq.s32 s7, s2  }
0x1e: {  	s7 =	smul.u32 @!p0 $0xF7A, s2;
	p2 =	seq.s32 @!p0 s5, $0x0  }
0x1f: {  	s9 =	smul.u32 $0xF7A, s1;
	s8 =	simm.s32 @!p0 $0x1BF5;
	p2 =	por !p2, p0  }
0x20: {  	[sflag:s8] =	ssyncset.s32 @!p0 $0xFFFFF086;
	s6 =	sadd.s32 @!p0 s3, s7;
	s7 =	simm.s32 @!p0 $0x108  }
0x21: {  	s3 =	sadd.s32 s3, s9;
	s6 =	sadd.s32 @!p0 $0x88, s6;
	s7 =	simm.s32 @p2 $0x1082  }
0x22: {  	[simem:s7], [sflag:s8] =	dma.local @!p0 [hbm:s6], $0xF7A  }
0x23: {  	s9 =	sor.u32 $0xD0000000, s2;
	s6 =	simm.s32 $0x108;
	_ =	swait.ge @!p0 [sflag:s8], $0x0  }
0x24: {  	s3 =	sadd.s32 $0x88, s3;
	s6 =	simm.s32 @!p1 $0x1082;
	[sflag:s4] =	ssyncset.s32 $0xFFFFF086  }
0x25: {  	[simem:s6], [sflag:s4] =	dma.local [hbm:s3], $0xF7A  }
0x26: {  	[smem:$0x3F98] =	sst s1;
	(tag) =	ssettag s2;
	_ =	strace s9  }
0x27: {  	s1 =	sld [smem:$0x3FA8]  }
0x28: {  	s2 =	sld [smem:$0x3FA9]  }
0x29: {  	s4 =	sld [smem:$0x3FAB]  }
0x2a: {  	p0 =	seq.s32 s5, $0x0;
	s5 =	sld [smem:$0x3FAC]  }
0x2b: {  	s6 =	sld [smem:$0x3FAD]  }
0x2c: {  	s7 =	sld [smem:$0x3FAE]  }
0x2d: {  	s3 =	simm.s32 $0x108;
	s8 =	sld [smem:$0x3FAF]  }
0x2e: {  	s3 =	simm.s32 @!p0 $0x1082;
	s9 =	sld [smem:$0x3FB0]  }
0x2f: {  	lr =	sadd.s32 s0, s3;
	s0 =	sld [smem:$0x3FA7]  }
0x30: {  	s3 =	sld [smem:$0x3FAA]  }
0x31: {  	[smem:$0x3FB3] =	sst s10  }
0x32: {  	s10 =	sld [smem:$0x3FB1];
	_ =	sdelay $0x3  }
0x33: {  	p0 =	seq.s32 s10, $0x1;
	s10 =	sld [smem:$0x3FB3];
	_ =	sdelay $0x3  }
0x34: {  	[smem:$0x3FB3] =	sst s10  }
0x35: {  	s10 =	sld [smem:$0x3FB2];
	_ =	sdelay $0x3  }
0x36: {  	p1 =	seq.s32 s10, $0x1;
	s10 =	sld [smem:$0x3FB3];
	_ =	sdelay $0x3  }
0x37: {  	[smem:$0x3FB3] =	sst s10  }
0x38: {  	s10 =	sld [smem:$0x3FB4]  }
0x39: {  	_ = 	snop;
	(pc) =	sbr.ind lr, $3  }
0x3a: {  	_ = 	snop  }
0x3b: {  	_ = 	snop  }
0x3c: {  	p2 =	seq.s32 s10, $0x1;
	s10 =	sld [smem:$0x3FB3]  }
0x3d: {  	_ =	shalt  }
0x3e: {  	_ =	shalt  }
0x3f: {  	_ =	shalt  }
0x40: {  	_ =	shalt  }
0x41: {  	_ =	shalt  }
0x42: {  	_ =	shalt  }
0x43: {  	_ =	shalt  }
0x44: {  	_ =	shalt  }
0x45: {  	_ =	shalt  }
0x46: {  	_ =	shalt  }
0x47: {  	_ =	shalt  }
0x48: {  	_ =	shalt  }
0x49: {  	_ =	shalt  }
0x4a: {  	_ =	shalt  }
0x4b: {  	_ =	shalt  }
0x4c: {  	_ =	shalt  }
0x4d: {  	_ =	shalt  }
0x4e: {  	_ =	shalt  }
0x4f: {  	_ =	shalt  }
0x50: {  	_ =	shalt  }
0x51: {  	_ =	shalt  }
0x52: {  	_ =	shalt  }
0x53: {  	_ =	shalt  }
0x54: {  	_ =	shalt  }
0x55: {  	_ =	shalt  }
0x56: {  	_ =	shalt  }
0x57: {  	_ =	shalt  }
0x58: {  	_ =	shalt  }
0x59: {  	_ =	shalt  }
0x5a: {  	_ =	shalt  }
0x5b: {  	_ =	shalt  }
0x5c: {  	_ =	shalt  }
0x5d: {  	_ =	shalt  }
0x5e: {  	_ =	shalt  }
0x5f: {  	_ =	shalt  }
0x60: {  	_ =	shalt  }
0x61: {  	_ =	shalt  }
0x62: {  	_ =	shalt  }
0x63: {  	_ =	shalt  }
0x64: {  	_ =	shalt  }
0x65: {  	_ =	shalt  }
0x66: {  	_ =	shalt  }
0x67: {  	_ =	shalt  }
0x68: {  	_ =	shalt  }
0x69: {  	_ =	shalt  }
0x6a: {  	_ =	shalt  }
0x6b: {  	_ =	shalt  }
0x6c: {  	_ =	shalt  }
0x6d: {  	_ =	shalt  }
0x6e: {  	_ =	shalt  }
0x6f: {  	_ =	shalt  }
0x70: {  	_ =	shalt  }
0x71: {  	_ =	shalt  }
0x72: {  	_ =	shalt  }
0x73: {  	_ =	shalt  }
0x74: {  	_ =	shalt  }
0x75: {  	_ =	shalt  }
0x76: {  	_ =	shalt  }
0x77: {  	_ =	shalt  }
0x78: {  	_ =	shalt  }
0x79: {  	_ =	shalt  }
0x7a: {  	_ =	shalt  }
0x7b: {  	_ =	shalt  }
0x7c: {  	_ =	shalt  }
0x7d: {  	_ =	shalt  }
0x7e: {  	_ =	shalt  }
0x7f: {  	_ =	shalt  }
0x80: {  	_ =	shalt  }
0x81: {  	_ =	shalt  }
0x82: {  	_ =	shalt  }
0x83: {  	_ =	shalt  }
0x84: {  	_ =	shalt  }
0x85: {  	_ =	shalt  }
0x86: {  	_ =	shalt  }
0x87: {  	_ =	shalt  }
.Lfunc_end0:
.L_simem_size_0:
called_computation.2_lowered:
.L_overlay_start_0:
0x88: {  	s2 =	sld [smem:$0x3FD9]  }
0x89: {  	s3 =	sld [smem:$0x3FFE];
	_ =	sdelay $0x1  }
0x8a: {  	s1 =	srdreg.scid  }
0x8b: {  	s0 =	sand.u32 $0x1, s1  }
0x8c: {  	s17 =	sshll.u32 s0, $0xA;
	s2 =	sadd.s32 s3, s2  }
0x8d: {  	s2 =	sadd.s32 s2, s17  }
0x8e: {  	[smem:$0x3FBF] =	sst s2  }
0x8f: {  	_ = 	snop  }
0x90: {  	s2 =	sld [smem:$0x3FD0];
	(tm) =	ssettm $0x1  }
0x91: {  	s18 =	sld [smem:$0x3FFB];
	_ =	sdelay $0x3  }
0x92: {  	_ =	strace s18  }
0x93: {  	s3 =	sld [smem:$0x3FFC];
	_ =	sdelay $0x3  }
0x94: {  	_ =	strace s3  }
0x95: {  	s3 =	sld [smem:$0x3FFD];
	_ =	sdelay $0x3  }
0x96: {  	_ =	strace s3  }
0x97: {  	_ =	strace $0x8FFFFFFF  }
0x98: {  	s19 =	sld [smem:$0x3FDB];
	_ =	sdelay $0x1  }
0x99: {  	s4 =	simm.s32 $_scs_section_size  }
0x9a: {  	s5 =	simm.s32 $_size__tile_overlayer_lowered;
	s6 =	simm.s32 $_tile_overlayer_lowered  }
0x9b: {  	s22 =	simm.s32 $0x1BFF;
	s21 =	sshll.u32 s6, $0x1;
	s3 =	sadd.s32 s4, s19  }
0x9c: {  	s7 =	simm.s32 $0x0;
	s20 =	sshll.u32 s5, $0x1;
	s5 =	sadd.s32 s21, s3  }
0x9d: {  	[timem:s7], [sflag:s22] =	dma.local [hbm:s5], s20  }
0x9e: {  	_ =	swait.ge [sflag:s22], s20  }
0x9f: {  	s4 =	ssub.s32 $0x0, s20;
	[sflag:s22] =	ssyncset.done $0x0  }
0xa0: {  	[sflag:s22] =	ssyncadd.s32 s4;
	_ =	sdelay $0x1  }
0xa1: {  	s23 =	simm.s32 $0x1B8B  }
0xa2: {  	_ =	swait.ge [sflag:s23], $0x1  }
0xa3: {  	[sflag:s23] =	ssyncset.done $0x0  }
0xa4: {  	s25 =	simm.s32 $0x1B8E;
	s24 =	sld [smem:$0x3FFE];
	[sflag:s23] =	ssyncadd.s32 $0xFFFFFFFF  }
0xa5: {  	s26 =	simm.s32 $execute0_lowered;
	[smem:$0x3FD2] =	sst s25  }
0xa6: {  	s5 =	sshll.u32 s26, $0x1;
	_ =	strace $0x8000004C;
	[dreg:$0x1] =	wrdreg $0xFFFFFFFF  }
0xa7: {  	s28 =	simm.s32 $_size_execute0_lowered;
	s3 =	sadd.s32 s3, s5;
	[dreg:$0x0] =	wrdreg $0x0  }
0xa8: {  	s5 =	sshll.u32 s28, $0x1;
	[dreg:$0x2] =	wrdreg s3  }
0xa9: {  	[dreg:$0x3] =	wrdreg s5  }
0xaa: {  	[dreg:$0x4] =	wrdreg $0xC0  }
0xab: {  	_ =	task [dreg:s7], $0x5FFFF  }
0xac: {  	[dreg:$0x1] =	wrdreg $0xFFFFFFFF  }
0xad: {  	[dreg:$0x0] =	wrdreg $0x60  }
0xae: {  	[dreg:$0x2] =	wrdreg s24  }
0xaf: {  	[dreg:$0x3] =	wrdreg s2  }
0xb0: {  	[dreg:$0x4] =	wrdreg $0x9  }
0xb1: {  	_ =	task.clear_ibuf [dreg:s7], $0x5FFFF;
	_ =	strace $0x9000004C  }
0xb2: {  	s29 =	simm.s32 $0x9;
	_ =	strace $0x8000004E  }
0xb3: {  	_ =	swait.ge [sflag:s29], $0x1  }
0xb4: {  	[sflag:s29] =	ssyncadd.s32 $0xFFFFFFFF  }
0xb5: {  	_ =	strace $0x9000004E  }
0xb6: {  	_ =	sfence  }
0xb7: {  	s30 =	sld [smem:$0x0];
	_ =	sdelay $0x2  }
0xb8: {  	s31 =	sshll.u32 s1, $0xD;
	s1 =	sshrl.u32 s1, $0x2  }
0xb9: {  	s3 =	sand.u32 $0x4000, s31;
	s1 =	sadd.s32 s1, s30  }
0xba: {  	s0 =	sor.u32 s3, s0;
	s1 =	sshll.u32 s1, $0x11  }
0xbb: {  	s0 =	sor.u32 s1, s0  }
0xbc: {  	s0 =	sadd.s32 $0x8F2B, s0  }
0xbd: {  	[sflag:s0] =	ssyncadd.remote.s32 $0x1  }
0xbe: {  	_ =	sfence.sel $0xFFFF  }
0xbf: {  	[dreg:$0x0] =	wrdreg $0xFFFFFFFF;
	(pc) =	sbr.abs _section_cstart, $3  }
0xc0: {  	[dreg:$0x1] =	wrdreg $0xFFFFFFFF  }
0xc1: {  	_ =	task.clear_ibuf [dreg:s7], $0x2FFFF;
	_ =	strace $0x9FFFFFFF  }
0xc2: {  	(tm) =	ssettm $0x7FFFFFFF  }
0xc3: {  	_ =	shalt  }
tec
execute0_lowered:
.L_overlay_start_1:
0x0: {  	(tag) =	ssettag $0x1  }
0x1: {  	s0 =	rddreg [dreg:$0x0]  }
0x2: {  	s1 =	rddreg [dreg:$0x1];
	s2 =	srdreg.scid;
	s3 =	simm.s32 $0x0  }
0x3: {  	s5 =	stileid.u32;
	s15 =	simm.s32 $0x7;
	s17 =	simm.s32 $0xA0  }
0x4: {  	s21 =	simm.s32 $0xF300;
	s24 =	simm.s32 $0x1;
	s28 =	simm.s32 $0x4  }
0x5: {  	s29 =	simm.s32 $0x5;
	s30 =	simm.s32 $0x19400;
	s2 =	sand.u32 $0x1, s2  }
0x6: {  	s31 =	simm.s32 $0x3;
	[smem:$0x7FF] =	sst s3;
	s4 =	sshll.u32 s2, $0x4  }
0x7: {  	s6 =	sadd.s32 $0x8F200, s0;
	s7 =	sadd.s32 $0x95400, s0;
	s4 =	sor.u32 s5, s4  }
0x8: {  	_ =	strace $0x8000004D;
	s2 =	ssub.s32 $0x2, s2;
	s8 =	smul.u32 $0xA0, s4  }
0x9: {  	s5 =	sadd.s32 $0xE00, s0;
	s25 =	sshrl.u32 s2, $0x1;
	s9 =	smul.u32 $0x14, s4  }
.Ltmp0:
0xa: {  	s0 =	ssub.s32 s2, s25;
	s12 =	sor.u32 $0x40, s4;
	(pc) =	sbr.rel .LBB2_1-.Ltmp0, $4  }
0xb: {  	s13 =	sor.u32 $0x60, s4;
	s25 =	simm.s32 $0x2;
	s2 =	simm.s32 $0x0  }
0xc: {  	s14 =	smax.u32 s0, $0x1;
	s0 =	simm.s32 $0x6;
	s10 =	sshrl.u32 s8, $0x3  }
0xd: {  	s8 =	sadd.s32 s6, s9;
	s9 =	sadd.s32 s1, s9;
	s26 =	sadd.s32 $0x280, s10  }
0xe: {  	s10 =	sadd.s32 s6, s26;
	s11 =	sadd.s32 s1, s26;
	s26 =	simm.s32 $0xA200  }
.LBB2_9:
0xf: {  	s2 =	sadd.s32 $0x1, s2  }
0x10: {  	_ =	swait.ge [sflag:s31], $0x5000;
	p0 =	sne.s32 s2, s14  }
.Ltmp1:
0x11: {  	[sflag:s31] =	ssyncset.done $0x0;
	(pc) =	sbr.rel @!p0 .LBB2_10-.Ltmp1, $4  }
0x12: {  	[sflag:s31] =	ssyncadd.s32 $0xFFFFB000  }
0x13: {  	_ =	swait.ge [sflag:s0], $0x5000  }
0x14: {  	[sflag:s0] =	ssyncset.done $0x0  }
0x15: {  	[sflag:s0] =	ssyncadd.s32 $0xFFFFB000  }
.LBB2_1:
0x16: {  	[tilespmem:s3], [sflag:$0x7] =	stream.linear.gather [hbm4b:s8+s3], $0xA0, $0x38;
	[tilespmem:$0x1E400] =	vst v63  }
0x17: {  	_ =	swait.ge [sflag:s15], $0xA0  }
0x18: {  	[sflag:s15] =	ssyncset.done $0x0  }
0x19: {  	s16 =	simm.s32 $0x100;
	[sflag:s15] =	ssyncadd.s32 $0xFFFFFF60  }
0x1a: {  	[tilespmem:s16], [sflag:$0x7] =	stream.linear.gather [hbm4b:s9+s3], $0xA0, $0x38;
	[tilespmem:$0x1E400] =	vst v63  }
0x1b: {  	_ =	swait.ge [sflag:s15], $0xA0  }
0x1c: {  	[sflag:s15] =	ssyncset.done $0x0  }
0x1d: {  	s18 =	simm.s32 $0x200;
	[sflag:s15] =	ssyncadd.s32 $0xFFFFFF60  }
0x1e: {  	[tilespmem:s18], [sflag:$0x1] =	stream.indirect.gather [hbm4b:s5+s17], $0x80, s3, s17, $0xb8;
	[tilespmem:$0x1E400] =	vst v63  }
0x1f: {  	s19 =	simm.s32 $0x5200  }
0x20: {  	[tilespmem:s19], [sflag:$0x2] =	stream.indirect.gather [hbm4b:s5+s17], $0x80, s16, s17, $0xb8;
	[tilespmem:$0x1E400] =	vst v63  }
0x21: {  	s20 =	simm.s32 $0xF200  }
0x22: {  	[tilespmem:s20], [sflag:$0x7] =	stream.linear.gather [hbm4b:s10+s3], $0xA0, $0x38;
	[tilespmem:$0x1E400] =	vst v63  }
0x23: {  	_ =	swait.ge [sflag:s15], $0xA0  }
0x24: {  	[sflag:s15] =	ssyncset.done $0x0  }
0x25: {  	[sflag:s15] =	ssyncadd.s32 $0xFFFFFF60  }
0x26: {  	[tilespmem:s21], [sflag:$0x7] =	stream.linear.gather [hbm4b:s11+s3], $0xA0, $0x38;
	[tilespmem:$0x1E400] =	vst v63  }
0x27: {  	_ =	swait.ge [sflag:s15], $0xA0  }
.Ltmp2:
0x28: {  	[sflag:s15] =	ssyncset.done $0x0;
	(pc) =	sbr.rel .LBB2_2-.Ltmp2, $4  }
0x29: {  	s22 =	simm.s32 $0xF400;
	[sflag:s15] =	ssyncadd.s32 $0xFFFFFF60  }
0x2a: {  	[tilespmem:s22], [sflag:$0x4] =	stream.indirect.gather [hbm4b:s5+s17], $0x80, s20, s17, $0xb8;
	[tilespmem:$0x1E400] =	vst v63  }
0x2b: {  	s23 =	simm.s32 $0x14400;
	s18 =	simm.s32 $0x0  }
0x2c: {  	[tilespmem:s23], [sflag:$0x5] =	stream.indirect.gather [hbm4b:s5+s17], $0x80, s21, s17, $0xb8;
	[tilespmem:$0x1E400] =	vst v63  }
.LBB2_8:
0x2d: {  	s18 =	sadd.s32 $0x1, s18  }
0x2e: {  	p0 =	sne.s32 s18, $0x14  }
.Ltmp3:
0x2f: {  	_ = 	snop;
	(pc) =	sbr.rel @!p0 .LBB2_9-.Ltmp3, $1  }
0x30: {  	_ =	sdelay $0x3  }
.LBB2_2:
0x31: {  	_ =	swait.ge [sflag:s24], $0x5000  }
0x32: {  	[sflag:s24] =	ssyncset.done $0x0  }
0x33: {  	[sflag:s24] =	ssyncadd.s32 $0xFFFFB000  }
0x34: {  	s19 =	sshll.u32 s18, $0x6;
	_ =	swait.ge [sflag:s25], $0x5000  }
0x35: {  	p0 =	seq.s32 s18, $0x0;
	s16 =	sadd.s32 s12, s19;
	[sflag:s25] =	ssyncset.done $0x0  }
0x36: {  	s20 =	simm.s32 @!p0 $0x3;
	p1 =	sgt.u32 s16, $0x4E1;
	[sflag:s25] =	ssyncadd.s32 $0xFFFFB000  }
0x37: {  	s16 =	smul.u32 @!p1 $0x14, s16;
	_ =	swait.ge @!p0 [sflag:s20], $0x5000  }
0x38: {  	[sflag:s20] =	ssyncset.done @!p0 $0x0  }
0x39: {  	s22 =	simm.s32 @!p1 $0x0;
	[sflag:s20] =	ssyncadd.s32 @!p0 $0xFFFFB000;
	s20 =	sadd.s32 @!p1 s6, s16  }
0x3a: {  	[tilespmem:s22], [sflag:$0x1] =	stream.linear.gather @!p1 [hbm4b:s20+s22], $0xA0, $0x38;
	[tilespmem:$0x1E400] =	vst v63  }
0x3b: {  	s23 =	simm.s32 $0x0;
	s16 =	sadd.s32 @!p1 s1, s16;
	s20 =	simm.s32 @!p1 $0x100  }
0x3c: {  	[tilespmem:s20], [sflag:$0x2] =	stream.linear.gather @!p1 [hbm4b:s16+s22], $0xA0, $0x38;
	[tilespmem:$0x1E400] =	vst v63  }
0x3d: {  	v0 =	vld [tilespmem:s23+$0x380]  }
0x3e: {  	v1 =	vld [tilespmem:s23+$0x5380]  }
0x3f: {  	v2 =	vld [tilespmem:s23+$0x390]  }
0x40: {  	v3 =	vld [tilespmem:s23+$0x5390]  }
0x41: {  	v4 =	vld [tilespmem:s23+$0x3A0]  }
0x42: {  	v5 =	vld [tilespmem:s23+$0x53A0]  }
0x43: {  	v6 =	vld [tilespmem:s23+$0x3B0]  }
0x44: {  	v7 =	vld [tilespmem:s23+$0x53B0]  }
0x45: {  	v8 =	vld [tilespmem:s23+$0x3C0]  }
0x46: {  	v9 =	vld [tilespmem:s23+$0x290]  }
0x47: {  	v10 =	vld [tilespmem:s23+$0x310]  }
0x48: {  	v11 =	vld [tilespmem:s23+$0x5310]  }
0x49: {  	v12 =	vld [tilespmem:s23+$0x220]  }
0x4a: {  	v13 =	vld [tilespmem:s23+$0x5220]  }
0x4b: {  	v14 =	vld [tilespmem:s23+$0x2A0]  }
0x4c: {  	v15 =	vld [tilespmem:s23+$0x52A0]  }
0x4d: {  	v16 =	vld [tilespmem:s23+$0x320]  }
0x4e: {  	v17 =	vld [tilespmem:s23+$0x5320]  }
0x4f: {  	v18 =	vld [tilespmem:s23+$0x230]  }
0x50: {  	v19 =	vld [tilespmem:s23+$0x5230]  }
0x51: {  	v20 =	vld [tilespmem:s23+$0x2B0]  }
0x52: {  	v21 =	vld [tilespmem:s23+$0x52B0]  }
0x53: {  	v22 =	vld [tilespmem:s23+$0x330]  }
0x54: {  	v23 =	vld [tilespmem:s23+$0x5330]  }
0x55: {  	v24 =	vld [tilespmem:s23+$0x240]  }
0x56: {  	v25 =	vld [tilespmem:s23+$0x5240]  }
0x57: {  	v26 =	vld [tilespmem:s23+$0x2C0]  }
0x58: {  	v27 =	vld [tilespmem:s23+$0x52C0]  }
0x59: {  	v28 =	vld [tilespmem:s23+$0x340]  }
0x5a: {  	v29 =	vld [tilespmem:s23+$0x5340]  }
0x5b: {  	v30 =	vld [tilespmem:s23+$0x250]  }
0x5c: {  	v31 =	vld [tilespmem:s23+$0x5250];
	v0 =	vmul.f32 v1, v0;
	v1 =	vmul.f32 v3, v2  }
0x5d: {  	v2 =	vld [tilespmem:s23+$0x53C0]  }
0x5e: {  	v3 =	vld [tilespmem:s23+$0x3D0];
	v0 =	vadd.f32 v1, v0;
	v1 =	vmul.f32 v5, v4  }
0x5f: {  	v4 =	vld [tilespmem:s23+$0x53D0]  }
0x60: {  	v5 =	vld [tilespmem:s23+$0x3E0];
	v0 =	vadd.f32 v1, v0;
	v1 =	vmul.f32 v7, v6  }
0x61: {  	v6 =	vld [tilespmem:s23+$0x53E0]  }
0x62: {  	v7 =	vld [tilespmem:s23+$0x3F0];
	v0 =	vadd.f32 v1, v0;
	v1 =	vmul.f32 v2, v8  }
0x63: {  	v2 =	vld [tilespmem:s23+$0x53F0]  }
0x64: {  	v8 =	vld [tilespmem:s23+$0x200];
	v0 =	vadd.f32 v1, v0;
	v1 =	vmul.f32 v4, v3  }
0x65: {  	v3 =	vld [tilespmem:s23+$0x5200]  }
0x66: {  	v4 =	vld [tilespmem:s23+$0x280];
	v0 =	vadd.f32 v1, v0;
	v1 =	vmul.f32 v6, v5  }
0x67: {  	v5 =	vld [tilespmem:s23+$0x5280]  }
0x68: {  	v6 =	vld [tilespmem:s23+$0x300];
	v0 =	vadd.f32 v1, v0;
	v1 =	vmul.f32 v2, v7  }
0x69: {  	v2 =	vld [tilespmem:s23+$0x5300]  }
0x6a: {  	v7 =	vld [tilespmem:s23+$0x210];
	v0 =	vadd.f32 v1, v0  }
0x6b: {  	v1 =	vld [tilespmem:s23+$0x5210]  }
0x6c: {  	[tilespmem:s23+$0xA380] =	vst v0;
	v0 =	vld [tilespmem:s23+$0x5290]  }
0x6d: {  	v32 =	vld [tilespmem:s23+$0x2D0]  }
0x6e: {  	v33 =	vld [tilespmem:s23+$0x52D0]  }
0x6f: {  	v58 =	vld [tilespmem:s23+$0x360];
	v3 =	vmul.f32 v3, v8  }
0x70: {  	v60 =	vld [tilespmem:s23+$0x270];
	v4 =	vmul.f32 v5, v4;
	v1 =	vmul.f32 v1, v7  }
0x71: {  	v61 =	vld [tilespmem:s23+$0x5270];
	v2 =	vmul.f32 v2, v6;
	v0 =	vmul.f32 v0, v9  }
0x72: {  	v8 =	vld [tilespmem:s23+$0x260];
	v7 =	vmul.f32 v11, v10;
	v1 =	vadd.f32 v1, v3;
	v3 =	vmul.f32 v13, v12  }
0x73: {  	v5 =	vld [tilespmem:s23+$0x350];
	v0 =	vadd.f32 v0, v4;
	v4 =	vmul.f32 v15, v14  }
0x74: {  	v6 =	vld [tilespmem:s23+$0x5350];
	v2 =	vadd.f32 v7, v2;
	v1 =	vadd.f32 v3, v1;
	v3 =	vmul.f32 v17, v16  }
0x75: {  	v10 =	vmul.f32 v19, v18;
	v11 =	vld [tilespmem:s23+$0x52E0];
	v0 =	vadd.f32 v4, v0;
	v4 =	vmul.f32 v21, v20  }
0x76: {  	v9 =	vld [tilespmem:s23+$0x5260];
	v2 =	vadd.f32 v3, v2;
	v3 =	vmul.f32 v23, v22  }
0x77: {  	v7 =	vld [tilespmem:s23+$0x2E0];
	v1 =	vadd.f32 v10, v1;
	v0 =	vadd.f32 v4, v0;
	v4 =	vmul.f32 v25, v24  }
0x78: {  	v59 =	vmul.f32 v27, v26;
	v10 =	vld [tilespmem:s23+$0x5360];
	v2 =	vadd.f32 v3, v2;
	v3 =	vmul.f32 v29, v28  }
0x79: {  	v62 =	vld [tilespmem:s23+$0x2F0];
	v5 =	vmul.f32 v6, v5;
	v1 =	vadd.f32 v4, v1;
	v4 =	vmul.f32 v31, v30  }
0x7a: {  	v63 =	vld [tilespmem:s23+$0x52F0];
	v0 =	vadd.f32 v59, v0;
	v2 =	vadd.f32 v3, v2;
	v3 =	vmul.f32 v33, v32  }
0x7b: {  	v8 =	vmul.f32 v9, v8;
	v6 =	vadd.f32 v4, v1;
	v1 =	vld [tilespmem:s23+$0x370]  }
0x7c: {  	s20 =	simm.s32 $0x200;
	v3 =	vadd.f32 v3, v0;
	v5 =	vadd.f32 v5, v2;
	v2 =	vmul.f32 v11, v7;
	v4 =	vld [tilespmem:s23+$0x5370]  }
0x7d: {  	v9 =	vmul.f32 v61, v60;
	v0 =	vld [tilespmem:s20+$0x380];
	v7 =	vadd.f32 v8, v6;
	v8 =	vmul.f32 v10, v58  }
0x7e: {  	v6 =	vadd.f32 v2, v3;
	v2 =	vld [tilespmem:s20+$0x5380]  }
0x7f: {  	s22 =	sor.u32 s4, s19;
	s16 =	simm.s32 $0x1000;
	v3 =	vld [tilespmem:s20+$0x390];
	v5 =	vadd.f32 v8, v5;
	v7 =	vadd.f32 v9, v7;
	v8 =	vmul.f32 v63, v62  }
.LBB2_3:
0x80: {  	p2 =	sne.s32 s16, $0x13800;
	v9 =	vld [tilespmem:s20+$0x5390]  }
0x81: {  	v10 =	vld [tilespmem:s20+$0x3A0];
	v6 =	vadd.f32 v8, v6;
	v1 =	vmul.f32 v4, v1;
	[tilespmem:s23+$0xA200] =	vst v7  }
0x82: {  	v4 =	vld [tilespmem:s20+$0x53A0]  }
0x83: {  	v7 =	vld [tilespmem:s20+$0x3B0];
	v1 =	vadd.f32 v1, v5;
	[tilespmem:s23+$0xA280] =	vst v6  }
0x84: {  	v5 =	vld [tilespmem:s20+$0x53B0]  }
0x85: {  	v0 =	vmul.f32 v2, v0;
	v2 =	vmul.f32 v9, v3;
	v3 =	vld [tilespmem:s20+$0x3C0];
	[tilespmem:s23+$0xA300] =	vst v1;
	s23 =	smov.u32 s20  }
0x86: {  	v1 =	vld [tilespmem:s23+$0x53C0]  }
0x87: {  	v0 =	vadd.f32 v2, v0;
	v2 =	vmul.f32 v4, v10;
	v4 =	vld [tilespmem:s23+$0x3D0]  }
0x88: {  	v6 =	vld [tilespmem:s23+$0x53D0]  }
0x89: {  	v0 =	vadd.f32 v2, v0;
	v2 =	vmul.f32 v5, v7;
	v5 =	vld [tilespmem:s23+$0x3E0]  }
0x8a: {  	v7 =	vld [tilespmem:s23+$0x53E0]  }
0x8b: {  	v0 =	vadd.f32 v2, v0;
	v1 =	vmul.f32 v1, v3;
	v2 =	vld [tilespmem:s23+$0x3F0]  }
0x8c: {  	v3 =	vld [tilespmem:s23+$0x53F0]  }
0x8d: {  	v8 =	vld [tilespmem:s23+$0x200];
	v0 =	vadd.f32 v1, v0;
	v1 =	vmul.f32 v6, v4  }
0x8e: {  	v4 =	vld [tilespmem:s23+$0x5200]  }
0x8f: {  	v6 =	vld [tilespmem:s23+$0x280];
	v0 =	vadd.f32 v1, v0;
	v1 =	vmul.f32 v7, v5  }
0x90: {  	v5 =	vld [tilespmem:s23+$0x5280]  }
0x91: {  	v7 =	vld [tilespmem:s23+$0x300];
	v0 =	vadd.f32 v1, v0;
	v1 =	vmul.f32 v3, v2  }
0x92: {  	v2 =	vld [tilespmem:s23+$0x5300]  }
0x93: {  	v3 =	vmul.f32 v4, v8;
	v4 =	vld [tilespmem:s23+$0x210];
	v0 =	vadd.f32 v1, v0  }
0x94: {  	v1 =	vld [tilespmem:s23+$0x5210]  }
0x95: {  	v5 =	vmul.f32 v5, v6;
	v6 =	vld [tilespmem:s23+$0x290];
	[tilespmem:s23+$0xA380] =	vst v0  }
0x96: {  	v0 =	vld [tilespmem:s23+$0x5290]  }
0x97: {  	v2 =	vmul.f32 v2, v7;
	v7 =	vld [tilespmem:s23+$0x310]  }
0x98: {  	v8 =	vld [tilespmem:s23+$0x5310]  }
0x99: {  	v1 =	vmul.f32 v1, v4;
	v4 =	vld [tilespmem:s23+$0x220]  }
0x9a: {  	v9 =	vld [tilespmem:s23+$0x5220]  }
0x9b: {  	v1 =	vadd.f32 v1, v3;
	v0 =	vmul.f32 v0, v6;
	v3 =	vld [tilespmem:s23+$0x2A0]  }
0x9c: {  	v6 =	vld [tilespmem:s23+$0x52A0]  }
0x9d: {  	v0 =	vadd.f32 v0, v5;
	v5 =	vmul.f32 v8, v7;
	v7 =	vld [tilespmem:s23+$0x320]  }
0x9e: {  	v8 =	vld [tilespmem:s23+$0x5320]  }
0x9f: {  	v2 =	vadd.f32 v5, v2;
	v4 =	vmul.f32 v9, v4;
	v5 =	vld [tilespmem:s23+$0x230]  }
0xa0: {  	v9 =	vld [tilespmem:s23+$0x5230]  }
0xa1: {  	v1 =	vadd.f32 v4, v1;
	v3 =	vmul.f32 v6, v3;
	v4 =	vld [tilespmem:s23+$0x2B0]  }
0xa2: {  	v6 =	vld [tilespmem:s23+$0x52B0]  }
0xa3: {  	v0 =	vadd.f32 v3, v0;
	v3 =	vmul.f32 v8, v7;
	v7 =	vld [tilespmem:s23+$0x330]  }
0xa4: {  	v8 =	vld [tilespmem:s23+$0x5330]  }
0xa5: {  	v2 =	vadd.f32 v3, v2;
	v3 =	vmul.f32 v9, v5;
	v5 =	vld [tilespmem:s23+$0x240]  }
0xa6: {  	v9 =	vld [tilespmem:s23+$0x5240]  }
0xa7: {  	v1 =	vadd.f32 v3, v1;
	v3 =	vmul.f32 v6, v4;
	v4 =	vld [tilespmem:s23+$0x2C0]  }
0xa8: {  	v6 =	vld [tilespmem:s23+$0x52C0]  }
0xa9: {  	v0 =	vadd.f32 v3, v0;
	v3 =	vmul.f32 v8, v7;
	v7 =	vld [tilespmem:s23+$0x340]  }
0xaa: {  	v8 =	vld [tilespmem:s23+$0x5340]  }
0xab: {  	v2 =	vadd.f32 v3, v2;
	v3 =	vmul.f32 v9, v5;
	v5 =	vld [tilespmem:s23+$0x250]  }
0xac: {  	v9 =	vld [tilespmem:s23+$0x5250]  }
0xad: {  	v1 =	vadd.f32 v3, v1;
	v3 =	vmul.f32 v6, v4;
	v4 =	vld [tilespmem:s23+$0x2D0]  }
0xae: {  	v6 =	vld [tilespmem:s23+$0x52D0]  }
0xaf: {  	v0 =	vadd.f32 v3, v0;
	v3 =	vmul.f32 v8, v7;
	v7 =	vld [tilespmem:s23+$0x350]  }
0xb0: {  	v8 =	vld [tilespmem:s23+$0x5350]  }
0xb1: {  	v2 =	vadd.f32 v3, v2;
	v3 =	vmul.f32 v9, v5;
	v5 =	vld [tilespmem:s23+$0x260]  }
0xb2: {  	v9 =	vld [tilespmem:s23+$0x5260]  }
0xb3: {  	v1 =	vadd.f32 v3, v1;
	v3 =	vmul.f32 v6, v4;
	v4 =	vld [tilespmem:s23+$0x2E0]  }
0xb4: {  	v6 =	vld [tilespmem:s23+$0x52E0]  }
0xb5: {  	v0 =	vadd.f32 v3, v0;
	v3 =	vmul.f32 v8, v7;
	v7 =	vld [tilespmem:s23+$0x360]  }
0xb6: {  	v8 =	vld [tilespmem:s23+$0x5360]  }
0xb7: {  	v2 =	vadd.f32 v3, v2;
	v3 =	vmul.f32 v9, v5;
	v9 =	vld [tilespmem:s23+$0x270]  }
0xb8: {  	v10 =	vld [tilespmem:s23+$0x5270]  }
0xb9: {  	v11 =	vadd.f32 v3, v1;
	v1 =	vmul.f32 v6, v4;
	v12 =	vld [tilespmem:s23+$0x2F0]  }
0xba: {  	v13 =	vld [tilespmem:s23+$0x52F0]  }
.Ltmp4:
0xbb: {  	v6 =	vadd.f32 v1, v0;
	v3 =	vmul.f32 v8, v7;
	v1 =	vld [tilespmem:s23+$0x370];
	(pc) =	sbr.rel @p2 .LBB2_3-.Ltmp4, $4  }
0xbc: {  	s20 =	sshra.s32 s16, $0x2;
	v4 =	vld [tilespmem:s23+$0x5370]  }
0xbd: {  	v0 =	vld [tilespmem:s20+$0x380];
	v5 =	vadd.f32 v3, v2;
	v7 =	vmul.f32 v10, v9  }
0xbe: {  	v2 =	vld [tilespmem:s20+$0x5380]  }
0xbf: {  	s16 =	sadd.s32 $0x800, s16;
	v3 =	vld [tilespmem:s20+$0x390];
	v7 =	vadd.f32 v7, v11;
	v8 =	vmul.f32 v13, v12  }
0xc0: {  	v9 =	vld [tilespmem:s20+$0x5390]  }
0xc1: {  	v10 =	vld [tilespmem:s20+$0x3A0];
	[tilespmem:s23+$0xA200] =	vst v7;
	v6 =	vadd.f32 v8, v6;
	v1 =	vmul.f32 v4, v1  }
0xc2: {  	v7 =	vld [tilespmem:s20+$0x53A0]  }
0xc3: {  	v33 =	vld [tilespmem:s20+$0x3B0];
	[tilespmem:s23+$0xA280] =	vst v6;
	v1 =	vadd.f32 v1, v5  }
0xc4: {  	v34 =	vld [tilespmem:s20+$0x53B0]  }
0xc5: {  	v6 =	vld [tilespmem:s20+$0x3C0];
	[tilespmem:s23+$0xA300] =	vst v1  }
0xc6: {  	v36 =	vld [tilespmem:s20+$0x53C0]  }
0xc7: {  	v37 =	vld [tilespmem:s20+$0x3D0]  }
0xc8: {  	v39 =	vld [tilespmem:s20+$0x53D0]  }
0xc9: {  	v40 =	vld [tilespmem:s20+$0x3E0]  }
0xca: {  	v42 =	vld [tilespmem:s20+$0x53E0]  }
0xcb: {  	v43 =	vld [tilespmem:s20+$0x3F0]  }
0xcc: {  	v45 =	vld [tilespmem:s20+$0x53F0]  }
0xcd: {  	v46 =	vld [tilespmem:s20+$0x200]  }
0xce: {  	v48 =	vld [tilespmem:s20+$0x5200]  }
0xcf: {  	v49 =	vld [tilespmem:s20+$0x280]  }
0xd0: {  	v51 =	vld [tilespmem:s20+$0x5280]  }
0xd1: {  	v52 =	vld [tilespmem:s20+$0x300]  }
0xd2: {  	v54 =	vld [tilespmem:s20+$0x5300]  }
0xd3: {  	v55 =	vld [tilespmem:s20+$0x210]  }
0xd4: {  	v56 =	vld [tilespmem:s20+$0x5210]  }
0xd5: {  	v57 =	vld [tilespmem:s20+$0x290]  }
0xd6: {  	v58 =	vld [tilespmem:s20+$0x5290]  }
0xd7: {  	v59 =	vld [tilespmem:s20+$0x310]  }
0xd8: {  	v11 =	vld [tilespmem:s20+$0x5310]  }
0xd9: {  	v12 =	vld [tilespmem:s20+$0x220]  }
0xda: {  	v13 =	vld [tilespmem:s20+$0x5220]  }
0xdb: {  	v14 =	vld [tilespmem:s20+$0x2A0]  }
0xdc: {  	v15 =	vld [tilespmem:s20+$0x52A0]  }
0xdd: {  	v16 =	vld [tilespmem:s20+$0x320]  }
0xde: {  	v17 =	vld [tilespmem:s20+$0x5320]  }
0xdf: {  	v18 =	vld [tilespmem:s20+$0x230]  }
0xe0: {  	v19 =	vld [tilespmem:s20+$0x5230]  }
0xe1: {  	v20 =	vld [tilespmem:s20+$0x2B0]  }
0xe2: {  	v21 =	vld [tilespmem:s20+$0x52B0]  }
0xe3: {  	v22 =	vld [tilespmem:s20+$0x330]  }
0xe4: {  	v23 =	vld [tilespmem:s20+$0x5330]  }
0xe5: {  	v0 =	vmul.f32 v2, v0;
	v35 =	vmul.f32 v9, v3;
	v24 =	vld [tilespmem:s20+$0x240]  }
0xe6: {  	v25 =	vld [tilespmem:s20+$0x5240]  }
0xe7: {  	v26 =	vld [tilespmem:s20+$0x2C0];
	v0 =	vadd.f32 v35, v0;
	v38 =	vmul.f32 v7, v10  }
0xe8: {  	v27 =	vld [tilespmem:s20+$0x52C0]  }
0xe9: {  	v28 =	vld [tilespmem:s20+$0x340];
	v0 =	vadd.f32 v38, v0;
	v41 =	vmul.f32 v34, v33  }
0xea: {  	v29 =	vld [tilespmem:s20+$0x5340]  }
0xeb: {  	v30 =	vld [tilespmem:s20+$0x250];
	v0 =	vadd.f32 v41, v0;
	v44 =	vmul.f32 v36, v6  }
0xec: {  	v31 =	vld [tilespmem:s20+$0x5250]  }
0xed: {  	v32 =	vld [tilespmem:s20+$0x2D0];
	v47 =	vmul.f32 v39, v37;
	v0 =	vadd.f32 v44, v0  }
0xee: {  	v60 =	vld [tilespmem:s20+$0x260]  }
0xef: {  	v61 =	vld [tilespmem:s20+$0x5260];
	v50 =	vmul.f32 v42, v40;
	v0 =	vadd.f32 v47, v0  }
0xf0: {  	v63 =	vld [tilespmem:s20+$0x2E0]  }
0xf1: {  	v35 =	vld [tilespmem:s20+$0x5350];
	v53 =	vmul.f32 v45, v43;
	v0 =	vadd.f32 v50, v0  }
0xf2: {  	v33 =	vld [tilespmem:s20+$0x52D0];
	v3 =	vmul.f32 v48, v46  }
0xf3: {  	v34 =	vld [tilespmem:s20+$0x350];
	v4 =	vmul.f32 v51, v49;
	v1 =	vmul.f32 v56, v55;
	v0 =	vadd.f32 v53, v0  }
0xf4: {  	v2 =	vmul.f32 v54, v52;
	v62 =	vmul.f32 v11, v59;
	v37 =	vld [tilespmem:s20+$0x52E0]  }
0xf5: {  	v36 =	vmul.f32 v13, v12;
	v39 =	vld [tilespmem:s20+$0x360];
	v1 =	vadd.f32 v1, v3;
	[tilespmem:s20+$0xA380] =	vst v0;
	v0 =	vmul.f32 v58, v57  }
0xf6: {  	v38 =	vmul.f32 v15, v14;
	v40 =	vmul.f32 v17, v16;
	v42 =	vld [tilespmem:s20+$0x5360];
	v2 =	vadd.f32 v62, v2  }
0xf7: {  	v41 =	vmul.f32 v19, v18;
	v46 =	vld [tilespmem:s20+$0x5270];
	v1 =	vadd.f32 v36, v1;
	v0 =	vadd.f32 v0, v4  }
0xf8: {  	v43 =	vmul.f32 v21, v20;
	v45 =	vmul.f32 v23, v22;
	v49 =	vld [tilespmem:s20+$0x2F0];
	v2 =	vadd.f32 v40, v2  }
0xf9: {  	v56 =	vld [tilespmem:s20+$0x5370];
	v47 =	vmul.f32 v25, v24;
	v1 =	vadd.f32 v41, v1;
	v0 =	vadd.f32 v38, v0  }
0xfa: {  	v48 =	vmul.f32 v27, v26;
	v44 =	vld [tilespmem:s20+$0x270];
	v2 =	vadd.f32 v45, v2;
	v50 =	vmul.f32 v29, v28  }
0xfb: {  	v52 =	vmul.f32 v31, v30;
	v1 =	vadd.f32 v47, v1;
	v53 =	vld [tilespmem:s20+$0x370];
	v0 =	vadd.f32 v43, v0  }
0xfc: {  	v51 =	vld [tilespmem:s20+$0x52F0];
	v54 =	vmul.f32 v33, v32;
	v55 =	vmul.f32 v35, v34;
	v2 =	vadd.f32 v50, v2  }
0xfd: {  	v1 =	vadd.f32 v52, v1;
	v57 =	vmul.f32 v61, v60;
	v0 =	vadd.f32 v48, v0  }
0xfe: {  	v59 =	vmul.f32 v42, v39;
	v2 =	vadd.f32 v55, v2;
	v58 =	vmul.f32 v37, v63  }
0xff: {  	v60 =	vmul.f32 v46, v44;
	v1 =	vadd.f32 v57, v1;
	v0 =	vadd.f32 v54, v0  }
0x100: {  	v2 =	vadd.f32 v59, v2;
	v62 =	vmul.f32 v56, v53  }
0x101: {  	v61 =	vmul.f32 v51, v49;
	v1 =	vadd.f32 v60, v1;
	v0 =	vadd.f32 v58, v0  }
0x102: {  	v63 =	vadd.f32 v62, v2  }
0x103: {  	s16 =	smul.u32 $0xA00, s22;
	[tilespmem:s20+$0xA200] =	vst v1;
	v0 =	vadd.f32 v61, v0  }
0x104: {  	[tilespmem:s20+$0xA300] =	vst v63  }
0x105: {  	s16 =	sadd.s32 s7, s16;
	[tilespmem:s20+$0xA280] =	vst v0  }
0x106: {  	[hbm4b:s16+s3] =	stream.linear.scatter [tilespmem:s26], [sflag:$0x3], $0x5000, $0x38;
	[tilespmem:$0x1E400] =	vst v63  }
0x107: {  	s16 =	simm.s32 @!p1 $0x1  }
0x108: {  	_ =	swait.ge @!p1 [sflag:s16], $0xA0  }
0x109: {  	[sflag:s16] =	ssyncset.done @!p1 $0x0  }
0x10a: {  	[sflag:s16] =	ssyncadd.s32 @!p1 $0xFFFFFF60;
	s16 =	simm.s32 @!p1 $0x2  }
0x10b: {  	_ =	swait.ge @!p1 [sflag:s16], $0xA0  }
0x10c: {  	s23 =	simm.s32 @!p1 $0x200;
	[sflag:s16] =	ssyncset.done @!p1 $0x0  }
0x10d: {  	s20 =	simm.s32 @!p1 $0x0;
	[sflag:s16] =	ssyncadd.s32 @!p1 $0xFFFFFF60;
	s16 =	simm.s32 @!p1 $0xA0  }
0x10e: {  	[tilespmem:s23], [sflag:$0x1] =	stream.indirect.gather @!p1 [hbm4b:s5+s16], $0x80, s20, s16, $0xb8;
	[tilespmem:$0x1E400] =	vst v63  }
0x10f: {  	s22 =	sor.u32 $0x20, s22;
	s20 =	simm.s32 @!p1 $0x100;
	s23 =	simm.s32 @!p1 $0x5200  }
0x110: {  	[tilespmem:s23], [sflag:$0x2] =	stream.indirect.gather @!p1 [hbm4b:s5+s16], $0x80, s20, s16, $0xb8;
	[tilespmem:$0x1E400] =	vst v63  }
0x111: {  	p1 =	sgt.u32 s22, $0x4E1  }
.Ltmp5:
0x112: {  	_ = 	snop;
	(pc) =	sbr.rel @p1 .LBB2_8-.Ltmp5, $1  }
0x113: {  	_ =	sdelay $0x3  }
0x114: {  	_ =	swait.ge [sflag:s28], $0x5000  }
0x115: {  	[sflag:s28] =	ssyncset.done $0x0  }
0x116: {  	[sflag:s28] =	ssyncadd.s32 $0xFFFFB000  }
0x117: {  	_ =	swait.ge [sflag:s29], $0x5000  }
0x118: {  	s16 =	sadd.s32 s13, s19;
	[sflag:s29] =	ssyncset.done $0x0  }
0x119: {  	s19 =	simm.s32 @!p0 $0x6;
	p1 =	sgt.u32 s16, $0x4E1;
	[sflag:s29] =	ssyncadd.s32 $0xFFFFB000  }
0x11a: {  	s16 =	smul.u32 @!p1 $0x14, s16;
	_ =	swait.ge @!p0 [sflag:s19], $0x5000  }
0x11b: {  	s20 =	simm.s32 @!p1 $0x0;
	[sflag:s19] =	ssyncset.done @!p0 $0x0  }
0x11c: {  	s23 =	simm.s32 @!p1 $0xF200;
	[sflag:s19] =	ssyncadd.s32 @!p0 $0xFFFFB000;
	s19 =	sadd.s32 @!p1 s6, s16  }
0x11d: {  	[tilespmem:s23], [sflag:$0x4] =	stream.linear.gather @!p1 [hbm4b:s19+s20], $0xA0, $0x38;
	[tilespmem:$0x1E400] =	vst v63  }
0x11e: {  	s16 =	sadd.s32 @!p1 s1, s16;
	s19 =	simm.s32 @!p1 $0xF300  }
0x11f: {  	[tilespmem:s19], [sflag:$0x5] =	stream.linear.gather @!p1 [hbm4b:s16+s20], $0xA0, $0x38;
	[tilespmem:$0x1E400] =	vst v63  }
0x120: {  	s19 =	simm.s32 $0x0  }
0x121: {  	v0 =	vld [tilespmem:s19+$0xF580]  }
0x122: {  	v1 =	vld [tilespmem:s19+$0x14580]  }
0x123: {  	v2 =	vld [tilespmem:s19+$0xF590]  }
0x124: {  	v3 =	vld [tilespmem:s19+$0x14590]  }
0x125: {  	v4 =	vld [tilespmem:s19+$0xF5A0]  }
0x126: {  	v5 =	vld [tilespmem:s19+$0x145A0]  }
0x127: {  	v6 =	vld [tilespmem:s19+$0xF5B0]  }
0x128: {  	v7 =	vld [tilespmem:s19+$0x145B0]  }
0x129: {  	v8 =	vld [tilespmem:s19+$0xF5C0]  }
0x12a: {  	v9 =	vld [tilespmem:s19+$0xF490]  }
0x12b: {  	v10 =	vld [tilespmem:s19+$0xF510]  }
0x12c: {  	v11 =	vld [tilespmem:s19+$0x14510]  }
0x12d: {  	v12 =	vld [tilespmem:s19+$0xF420]  }
0x12e: {  	v13 =	vld [tilespmem:s19+$0x14420]  }
0x12f: {  	v14 =	vld [tilespmem:s19+$0xF4A0]  }
0x130: {  	v15 =	vld [tilespmem:s19+$0x144A0]  }
0x131: {  	v16 =	vld [tilespmem:s19+$0xF520]  }
0x132: {  	v17 =	vld [tilespmem:s19+$0x14520]  }
0x133: {  	v18 =	vld [tilespmem:s19+$0xF430]  }
0x134: {  	v19 =	vld [tilespmem:s19+$0x14430]  }
0x135: {  	v20 =	vld [tilespmem:s19+$0xF4B0]  }
0x136: {  	v21 =	vld [tilespmem:s19+$0x144B0]  }
0x137: {  	v22 =	vld [tilespmem:s19+$0xF530]  }
0x138: {  	v23 =	vld [tilespmem:s19+$0x14530]  }
0x139: {  	v24 =	vld [tilespmem:s19+$0xF440]  }
0x13a: {  	v25 =	vld [tilespmem:s19+$0x14440]  }
0x13b: {  	v26 =	vld [tilespmem:s19+$0xF4C0]  }
0x13c: {  	v27 =	vld [tilespmem:s19+$0x144C0]  }
0x13d: {  	v28 =	vld [tilespmem:s19+$0xF540]  }
0x13e: {  	v29 =	vld [tilespmem:s19+$0x14540]  }
0x13f: {  	v30 =	vld [tilespmem:s19+$0xF450]  }
0x140: {  	v31 =	vld [tilespmem:s19+$0x14450];
	v0 =	vmul.f32 v1, v0;
	v1 =	vmul.f32 v3, v2  }
0x141: {  	v2 =	vld [tilespmem:s19+$0x145C0]  }
0x142: {  	v3 =	vld [tilespmem:s19+$0xF5D0];
	v0 =	vadd.f32 v1, v0;
	v1 =	vmul.f32 v5, v4  }
0x143: {  	v4 =	vld [tilespmem:s19+$0x145D0]  }
0x144: {  	v5 =	vld [tilespmem:s19+$0xF5E0];
	v0 =	vadd.f32 v1, v0;
	v1 =	vmul.f32 v7, v6  }
0x145: {  	v6 =	vld [tilespmem:s19+$0x145E0]  }
0x146: {  	v7 =	vld [tilespmem:s19+$0xF5F0];
	v0 =	vadd.f32 v1, v0;
	v1 =	vmul.f32 v2, v8  }
0x147: {  	v2 =	vld [tilespmem:s19+$0x145F0]  }
0x148: {  	v8 =	vld [tilespmem:s19+$0xF400];
	v0 =	vadd.f32 v1, v0;
	v1 =	vmul.f32 v4, v3  }
0x149: {  	v3 =	vld [tilespmem:s19+$0x14400]  }
0x14a: {  	v4 =	vld [tilespmem:s19+$0xF480];
	v0 =	vadd.f32 v1, v0;
	v1 =	vmul.f32 v6, v5  }
0x14b: {  	v5 =	vld [tilespmem:s19+$0x14480]  }
0x14c: {  	v6 =	vld [tilespmem:s19+$0xF500];
	v0 =	vadd.f32 v1, v0;
	v1 =	vmul.f32 v2, v7  }
0x14d: {  	v2 =	vld [tilespmem:s19+$0x14500]  }
0x14e: {  	v7 =	vld [tilespmem:s19+$0xF410];
	v0 =	vadd.f32 v1, v0  }
0x14f: {  	v1 =	vld [tilespmem:s19+$0x14410]  }
0x150: {  	[tilespmem:s19+$0x19580] =	vst v0;
	v0 =	vld [tilespmem:s19+$0x14490]  }
0x151: {  	v32 =	vld [tilespmem:s19+$0xF4D0]  }
0x152: {  	v33 =	vld [tilespmem:s19+$0x144D0]  }
0x153: {  	v58 =	vld [tilespmem:s19+$0xF560];
	v3 =	vmul.f32 v3, v8  }
0x154: {  	v60 =	vld [tilespmem:s19+$0xF470];
	v4 =	vmul.f32 v5, v4;
	v1 =	vmul.f32 v1, v7  }
0x155: {  	v61 =	vld [tilespmem:s19+$0x14470];
	v2 =	vmul.f32 v2, v6;
	v0 =	vmul.f32 v0, v9  }
0x156: {  	v8 =	vld [tilespmem:s19+$0xF460];
	v7 =	vmul.f32 v11, v10;
	v1 =	vadd.f32 v1, v3;
	v3 =	vmul.f32 v13, v12  }
0x157: {  	v5 =	vld [tilespmem:s19+$0xF550];
	v0 =	vadd.f32 v0, v4;
	v4 =	vmul.f32 v15, v14  }
0x158: {  	v6 =	vld [tilespmem:s19+$0x14550];
	v2 =	vadd.f32 v7, v2;
	v1 =	vadd.f32 v3, v1;
	v3 =	vmul.f32 v17, v16  }
0x159: {  	v10 =	vmul.f32 v19, v18;
	v11 =	vld [tilespmem:s19+$0x144E0];
	v0 =	vadd.f32 v4, v0;
	v4 =	vmul.f32 v21, v20  }
0x15a: {  	v9 =	vld [tilespmem:s19+$0x14460];
	v2 =	vadd.f32 v3, v2;
	v3 =	vmul.f32 v23, v22  }
0x15b: {  	v7 =	vld [tilespmem:s19+$0xF4E0];
	v1 =	vadd.f32 v10, v1;
	v0 =	vadd.f32 v4, v0;
	v4 =	vmul.f32 v25, v24  }
0x15c: {  	v59 =	vmul.f32 v27, v26;
	v10 =	vld [tilespmem:s19+$0x14560];
	v2 =	vadd.f32 v3, v2;
	v3 =	vmul.f32 v29, v28  }
0x15d: {  	v62 =	vld [tilespmem:s19+$0xF4F0];
	v5 =	vmul.f32 v6, v5;
	v1 =	vadd.f32 v4, v1;
	v4 =	vmul.f32 v31, v30  }
0x15e: {  	v63 =	vld [tilespmem:s19+$0x144F0];
	v0 =	vadd.f32 v59, v0;
	v2 =	vadd.f32 v3, v2;
	v3 =	vmul.f32 v33, v32  }
0x15f: {  	v8 =	vmul.f32 v9, v8;
	v6 =	vadd.f32 v4, v1;
	v1 =	vld [tilespmem:s19+$0xF570]  }
0x160: {  	s20 =	simm.s32 $0x200;
	v3 =	vadd.f32 v3, v0;
	v5 =	vadd.f32 v5, v2;
	v2 =	vmul.f32 v11, v7;
	v4 =	vld [tilespmem:s19+$0x14570]  }
0x161: {  	v9 =	vmul.f32 v61, v60;
	v0 =	vld [tilespmem:s20+$0xF580];
	v7 =	vadd.f32 v8, v6;
	v8 =	vmul.f32 v10, v58  }
0x162: {  	v6 =	vadd.f32 v2, v3;
	v2 =	vld [tilespmem:s20+$0x14580]  }
0x163: {  	s16 =	simm.s32 $0x1000;
	v3 =	vld [tilespmem:s20+$0xF590];
	v5 =	vadd.f32 v8, v5;
	v7 =	vadd.f32 v9, v7;
	v8 =	vmul.f32 v63, v62  }
.LBB2_6:
0x164: {  	p0 =	sne.s32 s16, $0x13800;
	v9 =	vld [tilespmem:s20+$0x14590]  }
0x165: {  	v10 =	vld [tilespmem:s20+$0xF5A0];
	v6 =	vadd.f32 v8, v6;
	v1 =	vmul.f32 v4, v1;
	[tilespmem:s19+$0x19400] =	vst v7  }
0x166: {  	v4 =	vld [tilespmem:s20+$0x145A0]  }
0x167: {  	v7 =	vld [tilespmem:s20+$0xF5B0];
	v1 =	vadd.f32 v1, v5;
	[tilespmem:s19+$0x19480] =	vst v6  }
0x168: {  	v5 =	vld [tilespmem:s20+$0x145B0]  }
0x169: {  	v0 =	vmul.f32 v2, v0;
	v2 =	vmul.f32 v9, v3;
	v3 =	vld [tilespmem:s20+$0xF5C0];
	[tilespmem:s19+$0x19500] =	vst v1;
	s19 =	smov.u32 s20  }
0x16a: {  	v1 =	vld [tilespmem:s19+$0x145C0]  }
0x16b: {  	v0 =	vadd.f32 v2, v0;
	v2 =	vmul.f32 v4, v10;
	v4 =	vld [tilespmem:s19+$0xF5D0]  }
0x16c: {  	v6 =	vld [tilespmem:s19+$0x145D0]  }
0x16d: {  	v0 =	vadd.f32 v2, v0;
	v2 =	vmul.f32 v5, v7;
	v5 =	vld [tilespmem:s19+$0xF5E0]  }
0x16e: {  	v7 =	vld [tilespmem:s19+$0x145E0]  }
0x16f: {  	v0 =	vadd.f32 v2, v0;
	v1 =	vmul.f32 v1, v3;
	v2 =	vld [tilespmem:s19+$0xF5F0]  }
0x170: {  	v3 =	vld [tilespmem:s19+$0x145F0]  }
0x171: {  	v8 =	vld [tilespmem:s19+$0xF400];
	v0 =	vadd.f32 v1, v0;
	v1 =	vmul.f32 v6, v4  }
0x172: {  	v4 =	vld [tilespmem:s19+$0x14400]  }
0x173: {  	v6 =	vld [tilespmem:s19+$0xF480];
	v0 =	vadd.f32 v1, v0;
	v1 =	vmul.f32 v7, v5  }
0x174: {  	v5 =	vld [tilespmem:s19+$0x14480]  }
0x175: {  	v7 =	vld [tilespmem:s19+$0xF500];
	v0 =	vadd.f32 v1, v0;
	v1 =	vmul.f32 v3, v2  }
0x176: {  	v2 =	vld [tilespmem:s19+$0x14500]  }
0x177: {  	v3 =	vmul.f32 v4, v8;
	v4 =	vld [tilespmem:s19+$0xF410];
	v0 =	vadd.f32 v1, v0  }
0x178: {  	v1 =	vld [tilespmem:s19+$0x14410]  }
0x179: {  	v5 =	vmul.f32 v5, v6;
	v6 =	vld [tilespmem:s19+$0xF490];
	[tilespmem:s19+$0x19580] =	vst v0  }
0x17a: {  	v0 =	vld [tilespmem:s19+$0x14490]  }
0x17b: {  	v2 =	vmul.f32 v2, v7;
	v7 =	vld [tilespmem:s19+$0xF510]  }
0x17c: {  	v8 =	vld [tilespmem:s19+$0x14510]  }
0x17d: {  	v1 =	vmul.f32 v1, v4;
	v4 =	vld [tilespmem:s19+$0xF420]  }
0x17e: {  	v9 =	vld [tilespmem:s19+$0x14420]  }
0x17f: {  	v1 =	vadd.f32 v1, v3;
	v0 =	vmul.f32 v0, v6;
	v3 =	vld [tilespmem:s19+$0xF4A0]  }
0x180: {  	v6 =	vld [tilespmem:s19+$0x144A0]  }
0x181: {  	v0 =	vadd.f32 v0, v5;
	v5 =	vmul.f32 v8, v7;
	v7 =	vld [tilespmem:s19+$0xF520]  }
0x182: {  	v8 =	vld [tilespmem:s19+$0x14520]  }
0x183: {  	v2 =	vadd.f32 v5, v2;
	v4 =	vmul.f32 v9, v4;
	v5 =	vld [tilespmem:s19+$0xF430]  }
0x184: {  	v9 =	vld [tilespmem:s19+$0x14430]  }
0x185: {  	v1 =	vadd.f32 v4, v1;
	v3 =	vmul.f32 v6, v3;
	v4 =	vld [tilespmem:s19+$0xF4B0]  }
0x186: {  	v6 =	vld [tilespmem:s19+$0x144B0]  }
0x187: {  	v0 =	vadd.f32 v3, v0;
	v3 =	vmul.f32 v8, v7;
	v7 =	vld [tilespmem:s19+$0xF530]  }
0x188: {  	v8 =	vld [tilespmem:s19+$0x14530]  }
0x189: {  	v2 =	vadd.f32 v3, v2;
	v3 =	vmul.f32 v9, v5;
	v5 =	vld [tilespmem:s19+$0xF440]  }
0x18a: {  	v9 =	vld [tilespmem:s19+$0x14440]  }
0x18b: {  	v1 =	vadd.f32 v3, v1;
	v3 =	vmul.f32 v6, v4;
	v4 =	vld [tilespmem:s19+$0xF4C0]  }
0x18c: {  	v6 =	vld [tilespmem:s19+$0x144C0]  }
0x18d: {  	v0 =	vadd.f32 v3, v0;
	v3 =	vmul.f32 v8, v7;
	v7 =	vld [tilespmem:s19+$0xF540]  }
0x18e: {  	v8 =	vld [tilespmem:s19+$0x14540]  }
0x18f: {  	v2 =	vadd.f32 v3, v2;
	v3 =	vmul.f32 v9, v5;
	v5 =	vld [tilespmem:s19+$0xF450]  }
0x190: {  	v9 =	vld [tilespmem:s19+$0x14450]  }
0x191: {  	v1 =	vadd.f32 v3, v1;
	v3 =	vmul.f32 v6, v4;
	v4 =	vld [tilespmem:s19+$0xF4D0]  }
0x192: {  	v6 =	vld [tilespmem:s19+$0x144D0]  }
0x193: {  	v0 =	vadd.f32 v3, v0;
	v3 =	vmul.f32 v8, v7;
	v7 =	vld [tilespmem:s19+$0xF550]  }
0x194: {  	v8 =	vld [tilespmem:s19+$0x14550]  }
0x195: {  	v2 =	vadd.f32 v3, v2;
	v3 =	vmul.f32 v9, v5;
	v5 =	vld [tilespmem:s19+$0xF460]  }
0x196: {  	v9 =	vld [tilespmem:s19+$0x14460]  }
0x197: {  	v1 =	vadd.f32 v3, v1;
	v3 =	vmul.f32 v6, v4;
	v4 =	vld [tilespmem:s19+$0xF4E0]  }
0x198: {  	v6 =	vld [tilespmem:s19+$0x144E0]  }
0x199: {  	v0 =	vadd.f32 v3, v0;
	v3 =	vmul.f32 v8, v7;
	v7 =	vld [tilespmem:s19+$0xF560]  }
0x19a: {  	v8 =	vld [tilespmem:s19+$0x14560]  }
0x19b: {  	v2 =	vadd.f32 v3, v2;
	v3 =	vmul.f32 v9, v5;
	v9 =	vld [tilespmem:s19+$0xF470]  }
0x19c: {  	v10 =	vld [tilespmem:s19+$0x14470]  }
0x19d: {  	v11 =	vadd.f32 v3, v1;
	v1 =	vmul.f32 v6, v4;
	v12 =	vld [tilespmem:s19+$0xF4F0]  }
0x19e: {  	v13 =	vld [tilespmem:s19+$0x144F0]  }
.Ltmp6:
0x19f: {  	v6 =	vadd.f32 v1, v0;
	v3 =	vmul.f32 v8, v7;
	v1 =	vld [tilespmem:s19+$0xF570];
	(pc) =	sbr.rel @p0 .LBB2_6-.Ltmp6, $4  }
0x1a0: {  	s20 =	sshra.s32 s16, $0x2;
	v4 =	vld [tilespmem:s19+$0x14570]  }
0x1a1: {  	v0 =	vld [tilespmem:s20+$0xF580];
	v5 =	vadd.f32 v3, v2;
	v7 =	vmul.f32 v10, v9  }
0x1a2: {  	v2 =	vld [tilespmem:s20+$0x14580]  }
0x1a3: {  	s16 =	sadd.s32 $0x800, s16;
	v3 =	vld [tilespmem:s20+$0xF590];
	v7 =	vadd.f32 v7, v11;
	v8 =	vmul.f32 v13, v12  }
0x1a4: {  	v9 =	vld [tilespmem:s20+$0x14590]  }
0x1a5: {  	v10 =	vld [tilespmem:s20+$0xF5A0];
	[tilespmem:s19+$0x19400] =	vst v7;
	v6 =	vadd.f32 v8, v6;
	v1 =	vmul.f32 v4, v1  }
0x1a6: {  	v7 =	vld [tilespmem:s20+$0x145A0]  }
0x1a7: {  	v33 =	vld [tilespmem:s20+$0xF5B0];
	[tilespmem:s19+$0x19480] =	vst v6;
	v1 =	vadd.f32 v1, v5  }
0x1a8: {  	v34 =	vld [tilespmem:s20+$0x145B0]  }
0x1a9: {  	v6 =	vld [tilespmem:s20+$0xF5C0];
	[tilespmem:s19+$0x19500] =	vst v1  }
0x1aa: {  	v36 =	vld [tilespmem:s20+$0x145C0]  }
0x1ab: {  	v37 =	vld [tilespmem:s20+$0xF5D0]  }
0x1ac: {  	v39 =	vld [tilespmem:s20+$0x145D0]  }
0x1ad: {  	v40 =	vld [tilespmem:s20+$0xF5E0]  }
0x1ae: {  	v42 =	vld [tilespmem:s20+$0x145E0]  }
0x1af: {  	v43 =	vld [tilespmem:s20+$0xF5F0]  }
0x1b0: {  	v45 =	vld [tilespmem:s20+$0x145F0]  }
0x1b1: {  	v46 =	vld [tilespmem:s20+$0xF400]  }
0x1b2: {  	v48 =	vld [tilespmem:s20+$0x14400]  }
0x1b3: {  	v49 =	vld [tilespmem:s20+$0xF480]  }
0x1b4: {  	v51 =	vld [tilespmem:s20+$0x14480]  }
0x1b5: {  	v52 =	vld [tilespmem:s20+$0xF500]  }
0x1b6: {  	v54 =	vld [tilespmem:s20+$0x14500]  }
0x1b7: {  	v55 =	vld [tilespmem:s20+$0xF410]  }
0x1b8: {  	v56 =	vld [tilespmem:s20+$0x14410]  }
0x1b9: {  	v57 =	vld [tilespmem:s20+$0xF490]  }
0x1ba: {  	v58 =	vld [tilespmem:s20+$0x14490]  }
0x1bb: {  	v59 =	vld [tilespmem:s20+$0xF510]  }
0x1bc: {  	v11 =	vld [tilespmem:s20+$0x14510]  }
0x1bd: {  	v12 =	vld [tilespmem:s20+$0xF420]  }
0x1be: {  	v13 =	vld [tilespmem:s20+$0x14420]  }
0x1bf: {  	v14 =	vld [tilespmem:s20+$0xF4A0]  }
0x1c0: {  	v15 =	vld [tilespmem:s20+$0x144A0]  }
0x1c1: {  	v16 =	vld [tilespmem:s20+$0xF520]  }
0x1c2: {  	v17 =	vld [tilespmem:s20+$0x14520]  }
0x1c3: {  	v18 =	vld [tilespmem:s20+$0xF430]  }
0x1c4: {  	v19 =	vld [tilespmem:s20+$0x14430]  }
0x1c5: {  	v20 =	vld [tilespmem:s20+$0xF4B0]  }
0x1c6: {  	v21 =	vld [tilespmem:s20+$0x144B0]  }
0x1c7: {  	v22 =	vld [tilespmem:s20+$0xF530]  }
0x1c8: {  	v23 =	vld [tilespmem:s20+$0x14530]  }
0x1c9: {  	v0 =	vmul.f32 v2, v0;
	v35 =	vmul.f32 v9, v3;
	v24 =	vld [tilespmem:s20+$0xF440]  }
0x1ca: {  	v25 =	vld [tilespmem:s20+$0x14440]  }
0x1cb: {  	v26 =	vld [tilespmem:s20+$0xF4C0];
	v0 =	vadd.f32 v35, v0;
	v38 =	vmul.f32 v7, v10  }
0x1cc: {  	v27 =	vld [tilespmem:s20+$0x144C0]  }
0x1cd: {  	v28 =	vld [tilespmem:s20+$0xF540];
	v0 =	vadd.f32 v38, v0;
	v41 =	vmul.f32 v34, v33  }
0x1ce: {  	v29 =	vld [tilespmem:s20+$0x14540]  }
0x1cf: {  	v30 =	vld [tilespmem:s20+$0xF450];
	v0 =	vadd.f32 v41, v0;
	v44 =	vmul.f32 v36, v6  }
0x1d0: {  	v31 =	vld [tilespmem:s20+$0x14450]  }
0x1d1: {  	v32 =	vld [tilespmem:s20+$0xF4D0];
	v47 =	vmul.f32 v39, v37;
	v0 =	vadd.f32 v44, v0  }
0x1d2: {  	v60 =	vld [tilespmem:s20+$0xF460]  }
0x1d3: {  	v61 =	vld [tilespmem:s20+$0x14460];
	v50 =	vmul.f32 v42, v40;
	v0 =	vadd.f32 v47, v0  }
0x1d4: {  	v63 =	vld [tilespmem:s20+$0xF4E0]  }
0x1d5: {  	v35 =	vld [tilespmem:s20+$0x14550];
	v53 =	vmul.f32 v45, v43;
	v0 =	vadd.f32 v50, v0  }
0x1d6: {  	v33 =	vld [tilespmem:s20+$0x144D0];
	v3 =	vmul.f32 v48, v46  }
0x1d7: {  	v34 =	vld [tilespmem:s20+$0xF550];
	v4 =	vmul.f32 v51, v49;
	v1 =	vmul.f32 v56, v55;
	v0 =	vadd.f32 v53, v0  }
0x1d8: {  	v2 =	vmul.f32 v54, v52;
	v62 =	vmul.f32 v11, v59;
	v37 =	vld [tilespmem:s20+$0x144E0]  }
0x1d9: {  	v36 =	vmul.f32 v13, v12;
	v39 =	vld [tilespmem:s20+$0xF560];
	v1 =	vadd.f32 v1, v3;
	[tilespmem:s20+$0x19580] =	vst v0;
	v0 =	vmul.f32 v58, v57  }
0x1da: {  	v38 =	vmul.f32 v15, v14;
	v40 =	vmul.f32 v17, v16;
	v42 =	vld [tilespmem:s20+$0x14560];
	v2 =	vadd.f32 v62, v2  }
0x1db: {  	v41 =	vmul.f32 v19, v18;
	v46 =	vld [tilespmem:s20+$0x14470];
	v1 =	vadd.f32 v36, v1;
	v0 =	vadd.f32 v0, v4  }
0x1dc: {  	v43 =	vmul.f32 v21, v20;
	v45 =	vmul.f32 v23, v22;
	v49 =	vld [tilespmem:s20+$0xF4F0];
	v2 =	vadd.f32 v40, v2  }
0x1dd: {  	v56 =	vld [tilespmem:s20+$0x14570];
	v47 =	vmul.f32 v25, v24;
	v1 =	vadd.f32 v41, v1;
	v0 =	vadd.f32 v38, v0  }
0x1de: {  	v48 =	vmul.f32 v27, v26;
	v44 =	vld [tilespmem:s20+$0xF470];
	v2 =	vadd.f32 v45, v2;
	v50 =	vmul.f32 v29, v28  }
0x1df: {  	v52 =	vmul.f32 v31, v30;
	v1 =	vadd.f32 v47, v1;
	v53 =	vld [tilespmem:s20+$0xF570];
	v0 =	vadd.f32 v43, v0  }
0x1e0: {  	v51 =	vld [tilespmem:s20+$0x144F0];
	v54 =	vmul.f32 v33, v32;
	v55 =	vmul.f32 v35, v34;
	v2 =	vadd.f32 v50, v2  }
0x1e1: {  	v1 =	vadd.f32 v52, v1;
	v57 =	vmul.f32 v61, v60;
	v0 =	vadd.f32 v48, v0  }
0x1e2: {  	v59 =	vmul.f32 v42, v39;
	v2 =	vadd.f32 v55, v2;
	v58 =	vmul.f32 v37, v63  }
0x1e3: {  	v60 =	vmul.f32 v46, v44;
	v1 =	vadd.f32 v57, v1;
	v0 =	vadd.f32 v54, v0  }
0x1e4: {  	v2 =	vadd.f32 v59, v2;
	v62 =	vmul.f32 v56, v53  }
0x1e5: {  	v61 =	vmul.f32 v51, v49;
	v1 =	vadd.f32 v60, v1;
	v0 =	vadd.f32 v58, v0  }
0x1e6: {  	v63 =	vadd.f32 v62, v2  }
0x1e7: {  	s16 =	smul.u32 $0xA00, s22;
	[tilespmem:s20+$0x19400] =	vst v1;
	v0 =	vadd.f32 v61, v0  }
0x1e8: {  	[tilespmem:s20+$0x19500] =	vst v63  }
0x1e9: {  	s16 =	sadd.s32 s7, s16;
	[tilespmem:s20+$0x19480] =	vst v0  }
0x1ea: {  	[hbm4b:s16+s3] =	stream.linear.scatter [tilespmem:s30], [sflag:$0x6], $0x5000, $0x38;
	[tilespmem:$0x1E400] =	vst v63  }
0x1eb: {  	s16 =	simm.s32 @!p1 $0x4  }
0x1ec: {  	_ =	swait.ge @!p1 [sflag:s16], $0xA0  }
0x1ed: {  	[sflag:s16] =	ssyncset.done @!p1 $0x0  }
0x1ee: {  	[sflag:s16] =	ssyncadd.s32 @!p1 $0xFFFFFF60;
	s16 =	simm.s32 @!p1 $0x5  }
0x1ef: {  	_ =	swait.ge @!p1 [sflag:s16], $0xA0  }
.Ltmp7:
0x1f0: {  	s19 =	simm.s32 @!p1 $0xF200;
	[sflag:s16] =	ssyncset.done @!p1 $0x0;
	(pc) =	sbr.rel .LBB2_8-.Ltmp7, $4  }
0x1f1: {  	s20 =	simm.s32 @!p1 $0xF400;
	[sflag:s16] =	ssyncadd.s32 @!p1 $0xFFFFFF60;
	s16 =	simm.s32 @!p1 $0xA0  }
0x1f2: {  	[tilespmem:s20], [sflag:$0x4] =	stream.indirect.gather @!p1 [hbm4b:s5+s16], $0x80, s19, s16, $0xb8;
	[tilespmem:$0x1E400] =	vst v63  }
0x1f3: {  	s19 =	simm.s32 @!p1 $0xF300;
	s20 =	simm.s32 @!p1 $0x14400  }
0x1f4: {  	[tilespmem:s20], [sflag:$0x5] =	stream.indirect.gather @!p1 [hbm4b:s5+s16], $0x80, s19, s16, $0xb8;
	[tilespmem:$0x1E400] =	vst v63  }
.LBB2_10:
0x1f5: {  	_ =	sfence.sel $0x180000  }
0x1f6: {  	[bflag:$0x0] =	sbarrier.arrive $0xFFFF  }
0x1f7: {  	_ =	strace $0x9000004D  }
0x1f8: {  	s0 =	stileid.u32;
	[bflag:$0x2] =	sbarrier.arrive $0xFFFF  }
0x1f9: {  	p0 =	sne.s32 s0, $0x0;
	s0 =	rddreg [dreg:$0x2]  }
0x1fa: {  	s0 =	sadd.s32 @!p0 $0x100000, s0  }
0x1fb: {  	[sflag:s0] =	ssyncadd.tile.s32 @!p0 $0x1;
	_ =	shalt  }
.Lfunc_end2:
_tile_overlayer_lowered:
.L_overlay_start_2:
0x1fc: {  	(tag) =	ssettag $0x2  }
0x1fd: {  	s0 =	rddreg [dreg:$0x0];
	s2 =	stileid.u32  }
0x1fe: {  	s1 =	rddreg [dreg:$0x1];
	p0 =	sne.s32 s2, $0x0  }
0x1ff: {  	s3 =	rddreg [dreg:$0x2];
	[bflag:$0x3] =	sbarrier.arrive $0xFFFF;
	s2 =	simm.s32 @!p0 $0x1C07  }
0x200: {  	[timem:s3], [sflag:s2] =	dma.local @!p0 [hbm:s0], s1  }
0x201: {  	s0 =	simm.s32 @!p0 $0x7  }
0x202: {  	_ =	swait.ge @!p0 [sflag:s0], s1  }
0x203: {  	s1 =	ssub.s32 @!p0 $0x0, s1;
	[sflag:s0] =	ssyncset.done @!p0 $0x0  }
0x204: {  	[sflag:s0] =	ssyncadd.s32 @!p0 s1  }
0x205: {  	[bflag:$0x3] =	sbarrier.arrive $0xFFFF  }
0x206: {  	_ =	shalt  }

// kernel: kernel.8.cloned.1.call-start
scs
__scs_entry_jumppad:
0x0: {  	(pc) =	sbr.rel $0x88, $3  }
0x1: {  	(tag) =	ssettag $0x0;
	lr =	simm.s32 $0x1  }
0x2: {  	[smem:$0x3F98] =	sst lr;
	_ =	strace $0xD0000000  }
0x3: {  	_ = 	snop  }
0x4: {  	_ = 	snop  }
0x5: {  	_ = 	snop  }
0x6: {  	_ = 	snop  }
0x7: {  	_ = 	snop  }
__scs_overlays_trampoline_lowered:
0x8: {  	[smem:$0x3FA7] =	sst s0  }
0x9: {  	[smem:$0x3FA8] =	sst s1  }
0xa: {  	[smem:$0x3FA9] =	sst s2  }
0xb: {  	[smem:$0x3FAA] =	sst s3  }
0xc: {  	[smem:$0x3FAB] =	sst s4  }
0xd: {  	[smem:$0x3FAC] =	sst s5  }
0xe: {  	[smem:$0x3FAD] =	sst s6  }
0xf: {  	[smem:$0x3FAE] =	sst s7  }
0x10: {  	[smem:$0x3FAF] =	sst s8  }
0x11: {  	[smem:$0x3FB0] =	sst s9;
	s0 =	simm.s32 @!p0 $0x0  }
0x12: {  	s1 =	sld [smem:$0x3F96];
	s0 =	simm.s32 @p0 $0x1  }
0x13: {  	[smem:$0x3FB1] =	sst s0;
	s0 =	simm.s32 @!p1 $0x0  }
0x14: {  	s2 =	sld [smem:$0x3F95];
	s0 =	simm.s32 @p1 $0x1  }
0x15: {  	[smem:$0x3FB2] =	sst s0;
	s0 =	simm.s32 @!p2 $0x0  }
0x16: {  	s3 =	sld [smem:$0x3FDB];
	s0 =	simm.s32 @p2 $0x1  }
0x17: {  	s4 =	simm.s32 $0x1BF5;
	[smem:$0x3FB4] =	sst s0  }
0x18: {  	s0 =	sld [smem:$0x3F97];
	_ =	swait.ge [sflag:s4], $0x0  }
0x19: {  	s7 =	sld [smem:$0x3F98]  }
0x1a: {  	s8 =	sadd.s32 $0xFFFFE003, lr  }
0x1b: {  	s9 =	sadd.s32 $0xFFFFFEF7, lr;
	s5 =	simm.s32 $0xFFFFFFFF;
	p2 =	slt.u32 s8, $0xFFFFF086  }
0x1c: {  	p1 =	slt.u32 s9, $0xF7A;
	s5 =	simm.s32 @!p2 $0x0  }
0x1d: {  	s5 =	simm.s32 @p1 $0x1;
	p0 =	seq.s32 s7, s2  }
0x1e: {  	s7 =	smul.u32 @!p0 $0xF7A, s2;
	p2 =	seq.s32 @!p0 s5, $0x0  }
0x1f: {  	s9 =	smul.u32 $0xF7A, s1;
	s8 =	simm.s32 @!p0 $0x1BF5;
	p2 =	por !p2, p0  }
0x20: {  	[sflag:s8] =	ssyncset.s32 @!p0 $0xFFFFF086;
	s6 =	sadd.s32 @!p0 s3, s7;
	s7 =	simm.s32 @!p0 $0x108  }
0x21: {  	s3 =	sadd.s32 s3, s9;
	s6 =	sadd.s32 @!p0 $0x88, s6;
	s7 =	simm.s32 @p2 $0x1082  }
0x22: {  	[simem:s7], [sflag:s8] =	dma.local @!p0 [hbm:s6], $0xF7A  }
0x23: {  	s9 =	sor.u32 $0xD0000000, s2;
	s6 =	simm.s32 $0x108;
	_ =	swait.ge @!p0 [sflag:s8], $0x0  }
0x24: {  	s3 =	sadd.s32 $0x88, s3;
	s6 =	simm.s32 @!p1 $0x1082;
	[sflag:s4] =	ssyncset.s32 $0xFFFFF086  }
0x25: {  	[simem:s6], [sflag:s4] =	dma.local [hbm:s3], $0xF7A  }
0x26: {  	[smem:$0x3F98] =	sst s1;
	(tag) =	ssettag s2;
	_ =	strace s9  }
0x27: {  	s1 =	sld [smem:$0x3FA8]  }
0x28: {  	s2 =	sld [smem:$0x3FA9]  }
0x29: {  	s4 =	sld [smem:$0x3FAB]  }
0x2a: {  	p0 =	seq.s32 s5, $0x0;
	s5 =	sld [smem:$0x3FAC]  }
0x2b: {  	s6 =	sld [smem:$0x3FAD]  }
0x2c: {  	s7 =	sld [smem:$0x3FAE]  }
0x2d: {  	s3 =	simm.s32 $0x108;
	s8 =	sld [smem:$0x3FAF]  }
0x2e: {  	s3 =	simm.s32 @!p0 $0x1082;
	s9 =	sld [smem:$0x3FB0]  }
0x2f: {  	lr =	sadd.s32 s0, s3;
	s0 =	sld [smem:$0x3FA7]  }
0x30: {  	s3 =	sld [smem:$0x3FAA]  }
0x31: {  	[smem:$0x3FB3] =	sst s10  }
0x32: {  	s10 =	sld [smem:$0x3FB1];
	_ =	sdelay $0x3  }
0x33: {  	p0 =	seq.s32 s10, $0x1;
	s10 =	sld [smem:$0x3FB3];
	_ =	sdelay $0x3  }
0x34: {  	[smem:$0x3FB3] =	sst s10  }
0x35: {  	s10 =	sld [smem:$0x3FB2];
	_ =	sdelay $0x3  }
0x36: {  	p1 =	seq.s32 s10, $0x1;
	s10 =	sld [smem:$0x3FB3];
	_ =	sdelay $0x3  }
0x37: {  	[smem:$0x3FB3] =	sst s10  }
0x38: {  	s10 =	sld [smem:$0x3FB4]  }
0x39: {  	_ = 	snop;
	(pc) =	sbr.ind lr, $3  }
0x3a: {  	_ = 	snop  }
0x3b: {  	_ = 	snop  }
0x3c: {  	p2 =	seq.s32 s10, $0x1;
	s10 =	sld [smem:$0x3FB3]  }
0x3d: {  	_ =	shalt  }
0x3e: {  	_ =	shalt  }
0x3f: {  	_ =	shalt  }
0x40: {  	_ =	shalt  }
0x41: {  	_ =	shalt  }
0x42: {  	_ =	shalt  }
0x43: {  	_ =	shalt  }
0x44: {  	_ =	shalt  }
0x45: {  	_ =	shalt  }
0x46: {  	_ =	shalt  }
0x47: {  	_ =	shalt  }
0x48: {  	_ =	shalt  }
0x49: {  	_ =	shalt  }
0x4a: {  	_ =	shalt  }
0x4b: {  	_ =	shalt  }
0x4c: {  	_ =	shalt  }
0x4d: {  	_ =	shalt  }
0x4e: {  	_ =	shalt  }
0x4f: {  	_ =	shalt  }
0x50: {  	_ =	shalt  }
0x51: {  	_ =	shalt  }
0x52: {  	_ =	shalt  }
0x53: {  	_ =	shalt  }
0x54: {  	_ =	shalt  }
0x55: {  	_ =	shalt  }
0x56: {  	_ =	shalt  }
0x57: {  	_ =	shalt  }
0x58: {  	_ =	shalt  }
0x59: {  	_ =	shalt  }
0x5a: {  	_ =	shalt  }
0x5b: {  	_ =	shalt  }
0x5c: {  	_ =	shalt  }
0x5d: {  	_ =	shalt  }
0x5e: {  	_ =	shalt  }
0x5f: {  	_ =	shalt  }
0x60: {  	_ =	shalt  }
0x61: {  	_ =	shalt  }
0x62: {  	_ =	shalt  }
0x63: {  	_ =	shalt  }
0x64: {  	_ =	shalt  }
0x65: {  	_ =	shalt  }
0x66: {  	_ =	shalt  }
0x67: {  	_ =	shalt  }
0x68: {  	_ =	shalt  }
0x69: {  	_ =	shalt  }
0x6a: {  	_ =	shalt  }
0x6b: {  	_ =	shalt  }
0x6c: {  	_ =	shalt  }
0x6d: {  	_ =	shalt  }
0x6e: {  	_ =	shalt  }
0x6f: {  	_ =	shalt  }
0x70: {  	_ =	shalt  }
0x71: {  	_ =	shalt  }
0x72: {  	_ =	shalt  }
0x73: {  	_ =	shalt  }
0x74: {  	_ =	shalt  }
0x75: {  	_ =	shalt  }
0x76: {  	_ =	shalt  }
0x77: {  	_ =	shalt  }
0x78: {  	_ =	shalt  }
0x79: {  	_ =	shalt  }
0x7a: {  	_ =	shalt  }
0x7b: {  	_ =	shalt  }
0x7c: {  	_ =	shalt  }
0x7d: {  	_ =	shalt  }
0x7e: {  	_ =	shalt  }
0x7f: {  	_ =	shalt  }
0x80: {  	_ =	shalt  }
0x81: {  	_ =	shalt  }
0x82: {  	_ =	shalt  }
0x83: {  	_ =	shalt  }
0x84: {  	_ =	shalt  }
0x85: {  	_ =	shalt  }
0x86: {  	_ =	shalt  }
0x87: {  	_ =	shalt  }
.Lfunc_end0:
.L_simem_size_0:
called_computation_lowered:
.L_overlay_start_0:
0x88: {  	s2 =	sld [smem:$0x3FD9]  }
0x89: {  	s3 =	sld [smem:$0x3FFE];
	_ =	sdelay $0x1  }
0x8a: {  	s1 =	srdreg.scid  }
0x8b: {  	s0 =	sand.u32 $0x1, s1  }
0x8c: {  	s17 =	sshll.u32 s0, $0xA;
	s2 =	sadd.s32 s3, s2  }
0x8d: {  	s2 =	sadd.s32 s2, s17  }
0x8e: {  	[smem:$0x3FBF] =	sst s2  }
0x8f: {  	_ = 	snop  }
0x90: {  	s2 =	sld [smem:$0x3FD0];
	(tm) =	ssettm $0x1  }
0x91: {  	s18 =	sld [smem:$0x3FFB];
	_ =	sdelay $0x3  }
0x92: {  	_ =	strace s18  }
0x93: {  	s3 =	sld [smem:$0x3FFC];
	_ =	sdelay $0x3  }
0x94: {  	_ =	strace s3  }
0x95: {  	s3 =	sld [smem:$0x3FFD];
	_ =	sdelay $0x3  }
0x96: {  	_ =	strace s3  }
0x97: {  	_ =	strace $0x8FFFFFFF  }
0x98: {  	s19 =	sld [smem:$0x3FDB];
	_ =	sdelay $0x1  }
0x99: {  	s4 =	simm.s32 $_scs_section_size  }
0x9a: {  	s5 =	simm.s32 $_size__tile_overlayer_lowered;
	s6 =	simm.s32 $_tile_overlayer_lowered  }
0x9b: {  	s22 =	simm.s32 $0x1BFF;
	s21 =	sshll.u32 s6, $0x1;
	s3 =	sadd.s32 s4, s19  }
0x9c: {  	s7 =	simm.s32 $0x0;
	s20 =	sshll.u32 s5, $0x1;
	s5 =	sadd.s32 s21, s3  }
0x9d: {  	[timem:s7], [sflag:s22] =	dma.local [hbm:s5], s20  }
0x9e: {  	_ =	swait.ge [sflag:s22], s20  }
0x9f: {  	s4 =	ssub.s32 $0x0, s20;
	[sflag:s22] =	ssyncset.done $0x0  }
0xa0: {  	[sflag:s22] =	ssyncadd.s32 s4;
	_ =	sdelay $0x1  }
0xa1: {  	s23 =	simm.s32 $0x1B8B  }
0xa2: {  	_ =	swait.ge [sflag:s23], $0x1  }
0xa3: {  	[sflag:s23] =	ssyncset.done $0x0  }
0xa4: {  	s25 =	simm.s32 $0x1B8E;
	s24 =	sld [smem:$0x3FFE];
	[sflag:s23] =	ssyncadd.s32 $0xFFFFFFFF  }
0xa5: {  	s26 =	simm.s32 $execute0_lowered;
	[smem:$0x3FD2] =	sst s25  }
0xa6: {  	s5 =	sshll.u32 s26, $0x1;
	_ =	strace $0x80000046;
	[dreg:$0x1] =	wrdreg $0xFFFFFFFF  }
0xa7: {  	s28 =	simm.s32 $_size_execute0_lowered;
	s3 =	sadd.s32 s3, s5;
	[dreg:$0x0] =	wrdreg $0x0  }
0xa8: {  	s5 =	sshll.u32 s28, $0x1;
	[dreg:$0x2] =	wrdreg s3  }
0xa9: {  	[dreg:$0x3] =	wrdreg s5  }
0xaa: {  	[dreg:$0x4] =	wrdreg $0xC0  }
0xab: {  	_ =	task [dreg:s7], $0x5FFFF  }
0xac: {  	[dreg:$0x1] =	wrdreg $0xFFFFFFFF  }
0xad: {  	[dreg:$0x0] =	wrdreg $0x60  }
0xae: {  	[dreg:$0x2] =	wrdreg s24  }
0xaf: {  	[dreg:$0x3] =	wrdreg s2  }
0xb0: {  	[dreg:$0x4] =	wrdreg $0x0  }
0xb1: {  	[dreg:$0x5] =	wrdreg $0x9  }
0xb2: {  	_ =	task.clear_ibuf [dreg:s7], $0x6FFFF;
	_ =	strace $0x90000046  }
0xb3: {  	s29 =	simm.s32 $0x9;
	_ =	strace $0x80000048  }
0xb4: {  	_ =	swait.ge [sflag:s29], $0x1  }
0xb5: {  	[sflag:s29] =	ssyncadd.s32 $0xFFFFFFFF  }
0xb6: {  	_ =	strace $0x90000048  }
0xb7: {  	_ =	sfence  }
0xb8: {  	s30 =	sld [smem:$0x0];
	_ =	sdelay $0x2  }
0xb9: {  	s31 =	sshll.u32 s1, $0xD;
	s1 =	sshrl.u32 s1, $0x2  }
0xba: {  	s3 =	sand.u32 $0x4000, s31;
	s1 =	sadd.s32 s1, s30  }
0xbb: {  	s0 =	sor.u32 s3, s0;
	s1 =	sshll.u32 s1, $0x11  }
0xbc: {  	s0 =	sor.u32 s1, s0  }
0xbd: {  	s0 =	sadd.s32 $0x8F2B, s0  }
0xbe: {  	[sflag:s0] =	ssyncadd.remote.s32 $0x1  }
0xbf: {  	_ =	sfence.sel $0xFFFF  }
0xc0: {  	[dreg:$0x0] =	wrdreg $0xFFFFFFFF;
	(pc) =	sbr.abs _section_cstart, $3  }
0xc1: {  	[dreg:$0x1] =	wrdreg $0xFFFFFFFF  }
0xc2: {  	_ =	task.clear_ibuf [dreg:s7], $0x2FFFF;
	_ =	strace $0x9FFFFFFF  }
0xc3: {  	(tm) =	ssettm $0x7FFFFFFF  }
tec
execute0_lowered:
.L_overlay_start_1:
0x0: {  	(tag) =	ssettag $0x1  }
0x1: {  	s0 =	rddreg [dreg:$0x0]  }
0x2: {  	s2 =	rddreg [dreg:$0x2];
	s1 =	srdreg.scid  }
0x3: {  	s4 =	simm.s32 $0x0;
	s6 =	stileid.u32;
	s28 =	simm.s32 $0x14000  }
0x4: {  	s29 =	simm.s32 $0x19900;
	s30 =	simm.s32 $0x19A00;
	s7 =	smul.u32 $0x14000, s6  }
0x5: {  	s31 =	simm.s32 $0x1;
	s1 =	sand.u32 $0x1, s1;
	s18 =	smul.u32 $0x50000, s6  }
0x6: {  	[smem:$0x7FF] =	sst s4;
	s5 =	sadd.s32 $0x14A00, s0;
	s11 =	smul.u32 $0x4E20, s6  }
0x7: {  	s8 =	sadd.s32 $0xAC00, s0;
	s10 =	sadd.s32 $0xE00, s0;
	s25 =	smul.u32 $0x9C4, s6  }
0x8: {  	s9 =	sadd.s32 $0x3CA00, s0;
	s21 =	sshll.u32 s6, $0x6;
	s3 =	smul.u32 $0x140000, s1  }
0x9: {  	_ =	strace $0x80000047;
	[dreg:$0x4] =	wrdreg s9;
	s17 =	ssub.s32 $0x2, s1  }
0xa: {  	p0 =	seq.s32 s1, $0x1;
	s19 =	sshrl.u32 s17, $0x1;
	s20 =	sshrl.u32 s18, $0x2  }
0xb: {  	s11 =	sshrl.u32 s11, $0x3;
	s16 =	sadd.s32 s25, s10;
	s3 =	sadd.s32 s7, s3  }
0xc: {  	s12 =	sadd.s32 s20, s2;
	s7 =	sor.u32 $0x1C05, s21;
	s22 =	sadd.s32 s8, s11  }
0xd: {  	s23 =	sadd.s32 $0x16, s11;
	s9 =	sadd.s32 s10, s11;
	s11 =	sadd.s32 $0x9B6, s11  }
0xe: {  	s20 =	simm.s32 $0x14100;
	s21 =	simm.s32 $0x1F200;
	s3 =	sshrl.u32 s3, $0x3  }
0xf: {  	[dreg:$0x5] =	wrdreg s22;
	s13 =	sadd.s32 s8, s23;
	s1 =	sadd.s32 s10, s23  }
0x10: {  	s24 =	sadd.s32 s8, s11;
	s26 =	sadd.s32 s10, s11;
	s18 =	sshrl.u32 s12, $0x3  }
0x11: {  	s22 =	simm.s32 $0x1F300;
	s23 =	simm.s32 $0xB0;
	[dreg:$0x6] =	wrdreg s13  }
0x12: {  	s11 =	simm.s32 $0x0;
	s0 =	sadd.s32 s3, s0;
	[dreg:$0x7] =	wrdreg s1  }
.Ltmp0:
0x13: {  	s3 =	ssub.s32 s17, s19;
	[dreg:$0x8] =	wrdreg s24;
	(pc) =	sbr.rel .LBB2_1-.Ltmp0, $4  }
0x14: {  	[dreg:$0x9] =	wrdreg s26;
	s17 =	sadd.s32 s25, s8;
	s19 =	simm.s32 $0x5  }
0x15: {  	s24 =	simm.s32 $0x2;
	s25 =	simm.s32 $0x1F680;
	s13 =	simm.s32 $0x70  }
0x16: {  	s1 =	simm.s32 $0x1F500;
	s8 =	simm.s32 $0x4;
	s14 =	sadd.s32 $0x3F200, s0  }
0x17: {  	s15 =	smax.u32 s3, $0x1;
	s0 =	simm.s32 $0x1F400;
	s3 =	simm.s32 $0x3  }
.LBB2_5:
0x18: {  	[spmem:s2] =	stream.indirect.scatter.add.f32 [tilespmem:s30], [sflag:$0x5], $0x80, s1, s23, $0xb8;
	[tilespmem:$0x1F700] =	vst v63  }
0x19: {  	_ =	swait.ge [sflag:s19], $0x5800  }
0x1a: {  	[sflag:s19] =	ssyncset.done $0x0  }
0x1b: {  	[sflag:s19] =	ssyncadd.s32 $0xFFFFA800  }
0x1c: {  	_ =	swait.ge [sflag:s31], $0x5800  }
0x1d: {  	[sflag:s31] =	ssyncset.done $0x0  }
0x1e: {  	[sflag:s31] =	ssyncadd.s32 $0xFFFFA800  }
0x1f: {  	[spmem:s2] =	stream.indirect.scatter.add.f32 [tilespmem:s20], [sflag:$0x5], $0x80, s21, s23, $0xb8;
	[tilespmem:$0x1F700] =	vst v63  }
0x20: {  	_ =	swait.ge [sflag:s19], $0x5800  }
0x21: {  	[sflag:s19] =	ssyncset.done $0x0  }
0x22: {  	s10 =	simm.s32 $0x1F600;
	s6 =	rddreg [dreg:$0x8];
	[sflag:s19] =	ssyncadd.s32 $0xFFFFA800  }
0x23: {  	[tilespmem:s10], [sflag:$0x5] =	stream.linear.gather [hbm4b:s6+s4], $0x70, $0x38;
	[tilespmem:$0x1F700] =	vst v63  }
0x24: {  	_ =	swait.ge [sflag:s19], $0x70  }
0x25: {  	[sflag:s19] =	ssyncset.done $0x0  }
0x26: {  	s26 =	rddreg [dreg:$0x9];
	[sflag:s19] =	ssyncadd.s32 $0xFFFFFF90  }
0x27: {  	[tilespmem:s25], [sflag:$0x5] =	stream.linear.gather [hbm4b:s26+s4], $0x70, $0x38;
	[tilespmem:$0x1F700] =	vst v63  }
0x28: {  	_ =	swait.ge [sflag:s19], $0x70  }
0x29: {  	[sflag:s19] =	ssyncset.done $0x0  }
0x2a: {  	[sflag:s19] =	ssyncadd.s32 $0xFFFFFF90  }
0x2b: {  	[tilespmem:s20], [sflag:$0x1] =	stream.indirect.gather [hbm4b:s5+s13], $0x80, s10, s13, $0xb8;
	[tilespmem:$0x1F700] =	vst v63  }
0x2c: {  	_ =	swait.ge [sflag:s31], $0x3800  }
0x2d: {  	[sflag:s31] =	ssyncset.done $0x0  }
0x2e: {  	[sflag:s31] =	ssyncadd.s32 $0xFFFFC800  }
.LBB2_9:
0x2f: {  	[spmem:s2] =	stream.indirect.scatter.add.f32 [tilespmem:s20], [sflag:$0x5], $0x80, s25, s13, $0xb8;
	[tilespmem:$0x1F700] =	vst v63  }
0x30: {  	_ =	swait.ge [sflag:s19], $0x3800  }
0x31: {  	s11 =	sadd.s32 $0x1, s11;
	[sflag:s19] =	ssyncset.done $0x0  }
0x32: {  	p1 =	sne.s32 s11, s15;
	[sflag:s19] =	ssyncadd.s32 $0xFFFFC800  }
.Ltmp1:
0x33: {  	[bflag:$0x0] =	sbarrier.arrive $0xFFFF;
	(pc) =	sbr.rel @!p1 .LBB2_10-.Ltmp1, $4  }
0x34: {  	[hbm:s14], [sflag:s7] =	dma.local [spmem:s18], $0x2800  }
0x35: {  	_ =	swait.ge [sflag:s19], $0x2800  }
0x36: {  	[sflag:s19] =	ssyncset.done $0x0  }
0x37: {  	[sflag:s19] =	ssyncadd.s32 $0xFFFFD800  }
.LBB2_1:
0x38: {  	s6 =	rddreg [dreg:$0x4]  }
0x39: {  	[spmem:s18], [sflag:s7] =	dma.local [hbm:s6], $0x2800  }
.Ltmp2:
0x3a: {  	_ =	swait.ge [sflag:s19], $0x2800;
	(pc) =	sbr.rel @!p0 .LBB2_2-.Ltmp2, $3  }
0x3b: {  	[sflag:s19] =	ssyncset.done $0x0  }
0x3c: {  	[sflag:s19] =	ssyncadd.s32 $0xFFFFD800  }
0x3d: {  	[bflag:$0x0] =	sbarrier.arrive $0xFFFF;
	_ =	sdelay $0x1  }
0x3e: {  	s6 =	rddreg [dreg:$0x1]  }
0x3f: {  	[tilespmem:s20], [sflag:$0x5] =	stream.linear.gather [hbm4b:s6+s4], $0x5800, $0x38;
	[tilespmem:$0x1F700] =	vst v63  }
0x40: {  	_ =	swait.ge [sflag:s19], $0x5800  }
0x41: {  	[sflag:s19] =	ssyncset.done $0x0  }
0x42: {  	[sflag:s19] =	ssyncadd.s32 $0xFFFFA800  }
0x43: {  	[tilespmem:s21], [sflag:$0x5] =	stream.linear.gather [hbm4b:s9+s4], $0xB0, $0x38;
	[tilespmem:$0x1F700] =	vst v63  }
0x44: {  	_ =	swait.ge [sflag:s19], $0xB0  }
0x45: {  	s26 =	sadd.s32 $0xFFFFF660, s16;
	[sflag:s19] =	ssyncset.done $0x0  }
0x46: {  	s10 =	sadd.s32 $0x9B6, s26;
	[sflag:s19] =	ssyncadd.s32 $0xFFFFFF50  }
0x47: {  	[tilespmem:s22], [sflag:$0x2] =	stream.linear.gather [hbm4b:s10+s4], $0xB0, $0x38;
	[tilespmem:$0x1F700] =	vst v63  }
0x48: {  	_ = 	snop  }
0x49: {  	[spmem:s2] =	stream.indirect.scatter.add.f32 [tilespmem:s20], [sflag:$0x5], $0x80, s21, s23, $0xb8;
	[tilespmem:$0x1F700] =	vst v63  }
0x4a: {  	_ =	swait.ge [sflag:s19], $0x5800  }
0x4b: {  	[sflag:s19] =	ssyncset.done $0x0  }
0x4c: {  	[sflag:s19] =	ssyncadd.s32 $0xFFFFA800  }
0x4d: {  	_ =	swait.ge [sflag:s24], $0xB0  }
0x4e: {  	[sflag:s24] =	ssyncset.done $0x0  }
0x4f: {  	s6 =	sadd.s32 $0x9CC, s26;
	[sflag:s24] =	ssyncadd.s32 $0xFFFFFF50  }
0x50: {  	[tilespmem:s21], [sflag:$0x2] =	stream.linear.gather [hbm4b:s6+s4], $0xB0, $0x38;
	[tilespmem:$0x1F700] =	vst v63  }
0x51: {  	_ = 	snop  }
0x52: {  	[spmem:s2] =	stream.indirect.scatter.add.f32 [tilespmem:s20], [sflag:$0x5], $0x80, s22, s23, $0xb8;
	[tilespmem:$0x1F700] =	vst v63  }
0x53: {  	_ =	swait.ge [sflag:s19], $0x5800  }
0x54: {  	[sflag:s19] =	ssyncset.done $0x0  }
0x55: {  	[sflag:s19] =	ssyncadd.s32 $0xFFFFA800  }
0x56: {  	s13 =	smov.u32 s9;
	_ =	swait.ge [sflag:s24], $0xB0  }
0x57: {  	s12 =	simm.s32 $0xFFFFF6B8;
	s10 =	sadd.s32 $0xFFFFF68C, s16;
	[sflag:s24] =	ssyncset.done $0x0  }
.LBB2_7:
0x58: {  	s6 =	sadd.s32 $0x9B6, s10  }
0x59: {  	[sflag:s24] =	ssyncadd.s32 $0xFFFFFF50;
	s26 =	smov.u32 s12;
	s9 =	sadd.s32 $0x2C, s12  }
0x5a: {  	[tilespmem:s22], [sflag:$0x2] =	stream.linear.gather [hbm4b:s6+s4], $0xB0, $0x38;
	[tilespmem:$0x1F700] =	vst v63  }
0x5b: {  	p1 =	sne.s32 s12, $0xFFFFFFD4  }
0x5c: {  	[spmem:s2] =	stream.indirect.scatter.add.f32 [tilespmem:s20], [sflag:$0x5], $0x80, s21, s23, $0xb8;
	[tilespmem:$0x1F700] =	vst v63  }
0x5d: {  	_ =	swait.ge [sflag:s19], $0x5800  }
0x5e: {  	[sflag:s19] =	ssyncset.done $0x0  }
0x5f: {  	[sflag:s19] =	ssyncadd.s32 $0xFFFFA800  }
0x60: {  	_ =	swait.ge [sflag:s24], $0xB0  }
0x61: {  	[sflag:s24] =	ssyncset.done $0x0  }
0x62: {  	s6 =	sadd.s32 $0x9CC, s10;
	[sflag:s24] =	ssyncadd.s32 $0xFFFFFF50  }
0x63: {  	[tilespmem:s21], [sflag:$0x2] =	stream.linear.gather [hbm4b:s6+s4], $0xB0, $0x38;
	[tilespmem:$0x1F700] =	vst v63  }
0x64: {  	_ = 	snop  }
0x65: {  	[spmem:s2] =	stream.indirect.scatter.add.f32 [tilespmem:s20], [sflag:$0x5], $0x80, s22, s23, $0xb8;
	[tilespmem:$0x1F700] =	vst v63  }
.Ltmp3:
0x66: {  	_ =	swait.ge [sflag:s19], $0x5800;
	(pc) =	sbr.rel @p1 .LBB2_7-.Ltmp3, $4  }
0x67: {  	[sflag:s19] =	ssyncset.done $0x0  }
0x68: {  	[sflag:s19] =	ssyncadd.s32 $0xFFFFA800  }
0x69: {  	_ =	swait.ge [sflag:s24], $0xB0  }
0x6a: {  	s10 =	sadd.s32 s26, s16;
	s12 =	smov.u32 s9;
	[sflag:s24] =	ssyncset.done $0x0  }
0x6b: {  	s6 =	sadd.s32 $0x9B6, s10;
	[sflag:s24] =	ssyncadd.s32 $0xFFFFFF50  }
0x6c: {  	[tilespmem:s22], [sflag:$0x2] =	stream.linear.gather [hbm4b:s6+s4], $0xB0, $0x38;
	[tilespmem:$0x1F700] =	vst v63  }
0x6d: {  	_ = 	snop  }
0x6e: {  	[spmem:s2] =	stream.indirect.scatter.add.f32 [tilespmem:s20], [sflag:$0x5], $0x80, s21, s23, $0xb8;
	[tilespmem:$0x1F700] =	vst v63  }
0x6f: {  	_ =	swait.ge [sflag:s19], $0x5800  }
0x70: {  	[sflag:s19] =	ssyncset.done $0x0  }
0x71: {  	[sflag:s19] =	ssyncadd.s32 $0xFFFFA800  }
0x72: {  	_ =	swait.ge [sflag:s24], $0xB0  }
0x73: {  	[sflag:s24] =	ssyncset.done $0x0  }
0x74: {  	s12 =	sadd.s32 $0x9CC, s10;
	[sflag:s24] =	ssyncadd.s32 $0xFFFFFF50  }
0x75: {  	[tilespmem:s21], [sflag:$0x2] =	stream.linear.gather [hbm4b:s12+s4], $0xB0, $0x38;
	[tilespmem:$0x1F700] =	vst v63  }
0x76: {  	_ = 	snop  }
0x77: {  	[spmem:s2] =	stream.indirect.scatter.add.f32 [tilespmem:s20], [sflag:$0x5], $0x80, s22, s23, $0xb8;
	[tilespmem:$0x1F700] =	vst v63  }
0x78: {  	_ =	swait.ge [sflag:s19], $0x5800  }
0x79: {  	[sflag:s19] =	ssyncset.done $0x0  }
0x7a: {  	[sflag:s19] =	ssyncadd.s32 $0xFFFFA800  }
0x7b: {  	_ =	swait.ge [sflag:s24], $0xB0  }
0x7c: {  	[sflag:s24] =	ssyncset.done $0x0  }
0x7d: {  	[sflag:s24] =	ssyncadd.s32 $0xFFFFFF50  }
0x7e: {  	[spmem:s2] =	stream.indirect.scatter.add.f32 [tilespmem:s20], [sflag:$0x5], $0x80, s21, s23, $0xb8;
	[tilespmem:$0x1F700] =	vst v63  }
0x7f: {  	_ =	swait.ge [sflag:s19], $0x5800  }
0x80: {  	[sflag:s19] =	ssyncset.done $0x0  }
.Ltmp4:
0x81: {  	s26 =	rddreg [dreg:$0x9];
	[sflag:s19] =	ssyncadd.s32 $0xFFFFA800;
	(pc) =	sbr.rel .LBB2_9-.Ltmp4, $4  }
0x82: {  	[tilespmem:s25], [sflag:$0x5] =	stream.linear.gather [hbm4b:s26+s4], $0x70, $0x38;
	[tilespmem:$0x1F700] =	vst v63  }
0x83: {  	_ =	swait.ge [sflag:s19], $0x70  }
0x84: {  	[sflag:s19] =	ssyncset.done $0x0  }
0x85: {  	s9 =	smov.u32 s13;
	s13 =	simm.s32 $0x70;
	[sflag:s19] =	ssyncadd.s32 $0xFFFFFF90  }
.LBB2_2:
0x86: {  	s12 =	simm.s32 $0x0;
	s6 =	rddreg [dreg:$0x5]  }
0x87: {  	[tilespmem:s28], [sflag:$0x5] =	stream.linear.gather [hbm4b:s6+s12], $0xB0, $0x38;
	[tilespmem:$0x1F700] =	vst v63  }
0x88: {  	_ =	swait.ge [sflag:s19], $0xB0  }
0x89: {  	[sflag:s19] =	ssyncset.done $0x0  }
0x8a: {  	[sflag:s19] =	ssyncadd.s32 $0xFFFFFF50  }
0x8b: {  	[tilespmem:s21], [sflag:$0x5] =	stream.linear.gather [hbm4b:s9+s12], $0xB0, $0x38;
	[tilespmem:$0x1F700] =	vst v63  }
0x8c: {  	_ =	swait.ge [sflag:s19], $0xB0  }
0x8d: {  	[sflag:s19] =	ssyncset.done $0x0  }
0x8e: {  	[sflag:s19] =	ssyncadd.s32 $0xFFFFFF50  }
0x8f: {  	[tilespmem:s20], [sflag:$0x1] =	stream.indirect.gather [hbm4b:s5+s23], $0x80, s28, s23, $0xb8;
	[tilespmem:$0x1F700] =	vst v63  }
0x90: {  	s10 =	rddreg [dreg:$0x6]  }
0x91: {  	[tilespmem:s29], [sflag:$0x5] =	stream.linear.gather [hbm4b:s10+s12], $0xB0, $0x38;
	[tilespmem:$0x1F700] =	vst v63  }
0x92: {  	_ =	swait.ge [sflag:s19], $0xB0  }
0x93: {  	[sflag:s19] =	ssyncset.done $0x0  }
0x94: {  	s26 =	rddreg [dreg:$0x7];
	[sflag:s19] =	ssyncadd.s32 $0xFFFFFF50  }
0x95: {  	[tilespmem:s22], [sflag:$0x5] =	stream.linear.gather [hbm4b:s26+s12], $0xB0, $0x38;
	[tilespmem:$0x1F700] =	vst v63  }
0x96: {  	_ =	swait.ge [sflag:s19], $0xB0  }
0x97: {  	[sflag:s19] =	ssyncset.done $0x0  }
0x98: {  	[sflag:s19] =	ssyncadd.s32 $0xFFFFFF50  }
0x99: {  	[tilespmem:s30], [sflag:$0x3] =	stream.indirect.gather [hbm4b:s5+s23], $0x80, s29, s23, $0xb8;
	[tilespmem:$0x1F700] =	vst v63  }
.LBB2_3:
0x9a: {  	_ =	swait.ge [sflag:s31], $0x5800  }
0x9b: {  	s10 =	sadd.s32 s12, s17;
	[sflag:s31] =	ssyncset.done $0x0  }
0x9c: {  	s26 =	sadd.s32 $0x2C, s10;
	[sflag:s31] =	ssyncadd.s32 $0xFFFFA800  }
0x9d: {  	[tilespmem:s28], [sflag:$0x2] =	stream.linear.gather [hbm4b:s26+s4], $0xB0, $0x38;
	[tilespmem:$0x1F700] =	vst v63  }
0x9e: {  	s26 =	sadd.s32 s12, s16  }
0x9f: {  	s6 =	sadd.s32 $0x2C, s26  }
0xa0: {  	[tilespmem:s0], [sflag:$0x2] =	stream.linear.gather [hbm4b:s6+s4], $0xB0, $0x38;
	[tilespmem:$0x1F700] =	vst v63  }
0xa1: {  	_ = 	snop  }
0xa2: {  	[spmem:s2] =	stream.indirect.scatter.add.f32 [tilespmem:s20], [sflag:$0x5], $0x80, s21, s23, $0xb8;
	[tilespmem:$0x1F700] =	vst v63  }
0xa3: {  	_ =	swait.ge [sflag:s19], $0x5800  }
0xa4: {  	[sflag:s19] =	ssyncset.done $0x0  }
0xa5: {  	[sflag:s19] =	ssyncadd.s32 $0xFFFFA800  }
0xa6: {  	_ =	swait.ge [sflag:s24], $0xB0  }
0xa7: {  	[sflag:s24] =	ssyncset.done $0x0  }
0xa8: {  	[sflag:s24] =	ssyncadd.s32 $0xFFFFFF50  }
0xa9: {  	_ =	swait.ge [sflag:s24], $0xB0  }
0xaa: {  	[sflag:s24] =	ssyncset.done $0x0  }
0xab: {  	[sflag:s24] =	ssyncadd.s32 $0xFFFFFF50  }
0xac: {  	[tilespmem:s20], [sflag:$0x1] =	stream.indirect.gather [hbm4b:s5+s23], $0x80, s28, s23, $0xb8;
	[tilespmem:$0x1F700] =	vst v63  }
0xad: {  	_ =	swait.ge [sflag:s3], $0x5800  }
0xae: {  	[sflag:s3] =	ssyncset.done $0x0  }
0xaf: {  	s6 =	sadd.s32 $0x42, s10;
	[sflag:s3] =	ssyncadd.s32 $0xFFFFA800  }
0xb0: {  	[tilespmem:s29], [sflag:$0x4] =	stream.linear.gather [hbm4b:s6+s4], $0xB0, $0x38;
	[tilespmem:$0x1F700] =	vst v63  }
0xb1: {  	s6 =	sadd.s32 $0x42, s26  }
0xb2: {  	[tilespmem:s1], [sflag:$0x4] =	stream.linear.gather [hbm4b:s6+s4], $0xB0, $0x38;
	[tilespmem:$0x1F700] =	vst v63  }
0xb3: {  	_ = 	snop  }
0xb4: {  	[spmem:s2] =	stream.indirect.scatter.add.f32 [tilespmem:s30], [sflag:$0x5], $0x80, s22, s23, $0xb8;
	[tilespmem:$0x1F700] =	vst v63  }
0xb5: {  	_ =	swait.ge [sflag:s19], $0x5800  }
0xb6: {  	[sflag:s19] =	ssyncset.done $0x0  }
0xb7: {  	[sflag:s19] =	ssyncadd.s32 $0xFFFFA800  }
0xb8: {  	_ =	swait.ge [sflag:s8], $0xB0  }
0xb9: {  	[sflag:s8] =	ssyncset.done $0x0  }
0xba: {  	[sflag:s8] =	ssyncadd.s32 $0xFFFFFF50  }
0xbb: {  	_ =	swait.ge [sflag:s8], $0xB0  }
0xbc: {  	[sflag:s8] =	ssyncset.done $0x0  }
0xbd: {  	[sflag:s8] =	ssyncadd.s32 $0xFFFFFF50  }
0xbe: {  	[tilespmem:s30], [sflag:$0x3] =	stream.indirect.gather [hbm4b:s5+s23], $0x80, s29, s23, $0xb8;
	[tilespmem:$0x1F700] =	vst v63  }
0xbf: {  	_ =	swait.ge [sflag:s31], $0x5800  }
0xc0: {  	[sflag:s31] =	ssyncset.done $0x0  }
0xc1: {  	s6 =	sadd.s32 $0x58, s10;
	[sflag:s31] =	ssyncadd.s32 $0xFFFFA800  }
0xc2: {  	[tilespmem:s28], [sflag:$0x2] =	stream.linear.gather [hbm4b:s6+s4], $0xB0, $0x38;
	[tilespmem:$0x1F700] =	vst v63  }
0xc3: {  	s6 =	sadd.s32 $0x58, s26  }
0xc4: {  	[tilespmem:s21], [sflag:$0x2] =	stream.linear.gather [hbm4b:s6+s4], $0xB0, $0x38;
	[tilespmem:$0x1F700] =	vst v63  }
0xc5: {  	_ = 	snop  }
0xc6: {  	[spmem:s2] =	stream.indirect.scatter.add.f32 [tilespmem:s20], [sflag:$0x5], $0x80, s0, s23, $0xb8;
	[tilespmem:$0x1F700] =	vst v63  }
0xc7: {  	_ =	swait.ge [sflag:s19], $0x5800  }
0xc8: {  	[sflag:s19] =	ssyncset.done $0x0  }
0xc9: {  	[sflag:s19] =	ssyncadd.s32 $0xFFFFA800  }
0xca: {  	_ =	swait.ge [sflag:s24], $0xB0  }
0xcb: {  	[sflag:s24] =	ssyncset.done $0x0  }
0xcc: {  	[sflag:s24] =	ssyncadd.s32 $0xFFFFFF50  }
0xcd: {  	_ =	swait.ge [sflag:s24], $0xB0  }
0xce: {  	p1 =	seq.s32 s12, $0x948;
	[sflag:s24] =	ssyncset.done $0x0  }
.Ltmp5:
0xcf: {  	[sflag:s24] =	ssyncadd.s32 $0xFFFFFF50;
	(pc) =	sbr.rel @p1 .LBB2_5-.Ltmp5, $4  }
0xd0: {  	[tilespmem:s20], [sflag:$0x1] =	stream.indirect.gather [hbm4b:s5+s23], $0x80, s28, s23, $0xb8;
	[tilespmem:$0x1F700] =	vst v63  }
0xd1: {  	_ =	swait.ge [sflag:s3], $0x5800  }
0xd2: {  	[sflag:s3] =	ssyncset.done $0x0  }
0xd3: {  	[sflag:s3] =	ssyncadd.s32 $0xFFFFA800  }
0xd4: {  	s6 =	sadd.s32 $0x6E, s10  }
0xd5: {  	[tilespmem:s29], [sflag:$0x4] =	stream.linear.gather [hbm4b:s6+s4], $0xB0, $0x38;
	[tilespmem:$0x1F700] =	vst v63  }
0xd6: {  	s26 =	sadd.s32 $0x6E, s26  }
0xd7: {  	[tilespmem:s22], [sflag:$0x4] =	stream.linear.gather [hbm4b:s26+s4], $0xB0, $0x38;
	[tilespmem:$0x1F700] =	vst v63  }
0xd8: {  	_ = 	snop  }
0xd9: {  	[spmem:s2] =	stream.indirect.scatter.add.f32 [tilespmem:s30], [sflag:$0x5], $0x80, s1, s23, $0xb8;
	[tilespmem:$0x1F700] =	vst v63  }
0xda: {  	_ =	swait.ge [sflag:s19], $0x5800  }
0xdb: {  	[sflag:s19] =	ssyncset.done $0x0  }
0xdc: {  	[sflag:s19] =	ssyncadd.s32 $0xFFFFA800  }
0xdd: {  	_ =	swait.ge [sflag:s8], $0xB0  }
0xde: {  	[sflag:s8] =	ssyncset.done $0x0  }
.Ltmp6:
0xdf: {  	[sflag:s8] =	ssyncadd.s32 $0xFFFFFF50;
	(pc) =	sbr.rel .LBB2_3-.Ltmp6, $4  }
0xe0: {  	_ =	swait.ge [sflag:s8], $0xB0  }
0xe1: {  	[sflag:s8] =	ssyncset.done $0x0  }
0xe2: {  	s12 =	sadd.s32 $0x58, s12;
	[sflag:s8] =	ssyncadd.s32 $0xFFFFFF50  }
0xe3: {  	[tilespmem:s30], [sflag:$0x3] =	stream.indirect.gather [hbm4b:s5+s23], $0x80, s29, s23, $0xb8;
	[tilespmem:$0x1F700] =	vst v63  }
.LBB2_10:
0xe4: {  	_ =	sfence.sel $0x180000  }
0xe5: {  	[bflag:$0x0] =	sbarrier.arrive $0xFFFF  }
0xe6: {  	_ =	strace $0x90000047  }
0xe7: {  	s0 =	stileid.u32;
	[bflag:$0x2] =	sbarrier.arrive $0xFFFF  }
0xe8: {  	p0 =	sne.s32 s0, $0x0;
	s0 =	rddreg [dreg:$0x3]  }
0xe9: {  	s0 =	sadd.s32 @!p0 $0x100000, s0  }
0xea: {  	[sflag:s0] =	ssyncadd.tile.s32 @!p0 $0x1;
	_ =	shalt  }
.Lfunc_end2:
_tile_overlayer_lowered:
.L_overlay_start_2:
0xeb: {  	(tag) =	ssettag $0x2  }
0xec: {  	s0 =	rddreg [dreg:$0x0];
	s2 =	stileid.u32  }
0xed: {  	s1 =	rddreg [dreg:$0x1];
	p0 =	sne.s32 s2, $0x0  }
0xee: {  	s3 =	rddreg [dreg:$0x2];
	[bflag:$0x3] =	sbarrier.arrive $0xFFFF;
	s2 =	simm.s32 @!p0 $0x1C05  }
0xef: {  	[timem:s3], [sflag:s2] =	dma.local @!p0 [hbm:s0], s1  }
0xf0: {  	s0 =	simm.s32 @!p0 $0x5  }
0xf1: {  	_ =	swait.ge @!p0 [sflag:s0], s1  }
0xf2: {  	s1 =	ssub.s32 @!p0 $0x0, s1;
	[sflag:s0] =	ssyncset.done @!p0 $0x0  }
0xf3: {  	[sflag:s0] =	ssyncadd.s32 @!p0 s1  }
0xf4: {  	[bflag:$0x3] =	sbarrier.arrive $0xFFFF  }
0xf5: {  	_ =	shalt  }

</sc_bundles>
